<compile_context>
chip_gen: v7x
topology: tpu7x:2x2x1
jax: 0.10.2.dev20260603
libtpu: 0.0.44.dev20260713+nightly
codegen_flags: <defaults>
</compile_context>

<pallas_src>
import functools

import jax
import jax.numpy as jnp
from jax import lax
from jax.experimental import pallas as pl
from jax.experimental.pallas import tpu as pltpu
from jax.experimental.pallas import tpu_sc as plsc

F32 = jnp.float32

NC = 2
NS = 16
C = 80


def _sc_mesh():
    return plsc.VectorSubcoreMesh(core_axis_name="c", subcore_axis_name="s")


def _row_copy(src, dst, sid, n):
    per = (-(-n // NS) + 7) // 8 * 8
    last = n - (NS - 1) * per
    assert last > 0 and last % 8 == 0

    @pl.when(sid < NS - 1)
    def _():
        st = pl.multiple_of(sid * per, 8)
        pltpu.sync_copy(src.at[pl.ds(st, per), :], dst.at[pl.ds(st, per), :])

    @pl.when(sid == NS - 1)
    def _():
        st = (NS - 1) * per
        pltpu.sync_copy(src.at[pl.ds(st, last), :], dst.at[pl.ds(st, last), :])


def _zero_acc(zb, acc, sid, n):
    zh = 40

    def zrow(i, c):
        for t in range(8):
            zb[i, pl.ds(16 * t, 16)] = jnp.zeros((16,), F32)
        return c

    lax.fori_loop(0, zh, zrow, 0)
    per = (-(-n // NS) + zh - 1) // zh * zh
    last = n - (NS - 1) * per
    assert last > 0 and last % zh == 0

    @pl.when(sid < NS - 1)
    def _():
        st = pl.multiple_of(sid * per, 8)
        for q in range(per // zh):
            pltpu.sync_copy(zb, acc.at[pl.ds(st + q * zh, zh), :])

    @pl.when(sid == NS - 1)
    def _():
        st = (NS - 1) * per
        for q in range(last // zh):
            pltpu.sync_copy(zb, acc.at[pl.ds(st + q * zh, zh), :])


NB = 4


def _acc_rows(n):
    return -(-n // (NS * 64)) * (NS * 64)


def _make_k1(n, e):
    ept = e // NS
    ngrp = ept // C
    nblk = ngrp // NB
    rem = ngrp % NB
    na = _acc_rows(n)

    @functools.partial(
        pl.kernel,
        out_type=[
            jax.ShapeDtypeStruct((n, 128), F32),
            jax.ShapeDtypeStruct((n, 128), F32),
            jax.ShapeDtypeStruct((n,), F32),
        ],
        mesh=_sc_mesh(),
        scratch_types=[
            pltpu.VMEM_SHARED((na, 128), F32),
            pltpu.VMEM_SHARED((n,), F32),
            pltpu.VMEM((NB, C), jnp.int32),
            pltpu.VMEM((NB, C, 128), F32),
            pltpu.VMEM((C,), F32),
            pltpu.VMEM((40, 128), F32),
            pltpu.VMEM((640,), F32),
            pltpu.SemaphoreType.DMA,
            pltpu.SemaphoreType.DMA,
            pltpu.SemaphoreType.DMA,
            pltpu.SemaphoreType.DMA,
        ],
    )
    def k1(dst_r, eh_r, sh_r, out_se, out_ss, out_dg,
           acc, dacc, idxb, rows, ones_v, zb, zv, isem, rsem, ssem, dsem):
        cid = lax.axis_index("c")
        sid = lax.axis_index("s")
        for t in range(C // 16):
            ones_v[pl.ds(16 * t, 16)] = jnp.full((16,), 1.0, F32)
        _zero_acc(zb, acc, sid, n)

        def zvrow(i, c):
            zv[pl.ds(16 * i, 16)] = jnp.zeros((16,), F32)
            return c

        lax.fori_loop(0, 40, zvrow, 0)
        dper = 640
        dlast = n - (NS - 1) * dper
        assert 0 < dlast <= dper and dlast % 8 == 0

        @pl.when(sid < NS - 1)
        def _():
            st = pl.multiple_of(sid * dper, 8)
            pltpu.sync_copy(zv, dacc.at[pl.ds(st, dper)])

        @pl.when(sid == NS - 1)
        def _():
            pltpu.sync_copy(zv.at[pl.ds(0, dlast)],
                            dacc.at[pl.ds((NS - 1) * dper, dlast)])

        plsc.subcore_barrier()

        base = sid * ept

        def start_loads(arr_r, g, b):
            off = pl.multiple_of(base + g * C, 8)
            pltpu.async_copy(dst_r.at[pl.ds(off, C)], idxb.at[b], isem)
            pltpu.async_copy(arr_r.at[pl.ds(off, C), :], rows.at[b], rsem)

        def wait_loads(arr_r, b):
            pltpu.make_async_copy(dst_r.at[pl.ds(0, C)], idxb.at[b],
                                  isem).wait()
            pltpu.make_async_copy(arr_r.at[pl.ds(0, C), :], rows.at[b],
                                  rsem).wait()

        def fire_scatters(b, do_deg):
            pltpu.async_copy(rows.at[b], acc.at[idxb.at[b]], ssem, add=True)
            if do_deg:
                pltpu.async_copy(ones_v, dacc.at[idxb.at[b]], dsem, add=True)

        def drain_scatters(b, do_deg):
            pltpu.make_async_copy(rows.at[b], acc.at[idxb.at[b]], ssem).wait()
            if do_deg:
                pltpu.make_async_copy(ones_v, dacc.at[idxb.at[b]],
                                      dsem).wait()

        def run(arr_r, do_deg):
            for g in range(NB - 2):
                start_loads(arr_r, g, g)

            def turn(g, b):
                wait_loads(arr_r, b)

                @pl.when(g >= 2)
                def _():
                    drain_scatters((b + 2) % NB, do_deg)

                @pl.when(g + 2 < ngrp)
                def _():
                    start_loads(arr_r, g + 2, (b + 2) % NB)

                fire_scatters(b, do_deg)

            def blk(j, c):
                for b in range(NB):
                    turn(j * NB + b, b)
                return c

            lax.fori_loop(0, nblk, blk, 0)
            for r in range(rem):
                g = ngrp - rem + r
                b = g % NB
                wait_loads(arr_r, b)
                drain_scatters((b + 2) % NB, do_deg)
                fire_scatters(b, do_deg)
            drain_scatters((ngrp - 2) % NB, do_deg)
            drain_scatters((ngrp - 1) % NB, do_deg)

        @pl.when(cid == 0)
        def _():
            run(eh_r, True)

        @pl.when(cid == 1)
        def _():
            run(sh_r, False)

        plsc.subcore_barrier()

        @pl.when(cid == 0)
        def _():
            _row_copy(acc, out_se, sid, n)

            @pl.when(sid == 0)
            def _():
                pltpu.sync_copy(dacc, out_dg)

        @pl.when(cid == 1)
        def _():
            _row_copy(acc, out_ss, sid, n)

    return k1


def _make_k2(n, e):
    epc = e // NC
    ept = epc // NS
    ngrp = ept // C
    nblk = ngrp // NB
    rem = ngrp % NB
    na = _acc_rows(n)

    @functools.partial(
        pl.kernel,
        out_type=[
            jax.ShapeDtypeStruct((2, n, 128), F32),
        ],
        mesh=_sc_mesh(),
        scratch_types=[
            pltpu.VMEM_SHARED((na, 128), F32),
            pltpu.VMEM((NB, C), jnp.int32),
            pltpu.VMEM((NB, C), jnp.int32),
            pltpu.VMEM((NB, C, 128), F32),
            pltpu.VMEM((40, 128), F32),
            pltpu.SemaphoreType.DMA,
            pltpu.SemaphoreType.DMA,
            pltpu.SemaphoreType.DMA,
        ],
    )
    def k2(src_r, dst_r, tab_r, outp,
           acc, idxs, idxd, rows, zb, isem, gsem, ssem):
        cid = lax.axis_index("c")
        sid = lax.axis_index("s")
        _zero_acc(zb, acc, sid, n)
        plsc.subcore_barrier()

        base = cid * epc + sid * ept

        def start_loads(g, b):
            off = pl.multiple_of(base + g * C, 8)
            pltpu.async_copy(src_r.at[pl.ds(off, C)], idxs.at[b], isem)
            pltpu.async_copy(dst_r.at[pl.ds(off, C)], idxd.at[b], isem)

        def wait_loads(b):
            pltpu.make_async_copy(src_r.at[pl.ds(0, C)], idxs.at[b],
                                  isem).wait()
            pltpu.make_async_copy(dst_r.at[pl.ds(0, C)], idxd.at[b],
                                  isem).wait()

        def fire_gather(b):
            pltpu.async_copy(tab_r.at[idxs.at[b]], rows.at[b], gsem)

        def drain_gather(b):
            pltpu.make_async_copy(tab_r.at[idxs.at[b]], rows.at[b],
                                  gsem).wait()

        def fire_scatter(b):
            pltpu.async_copy(rows.at[b], acc.at[idxd.at[b]], ssem, add=True)

        def drain_scatter(b):
            pltpu.make_async_copy(rows.at[b], acc.at[idxd.at[b]],
                                  ssem).wait()

        for g in range(NB - 2):
            start_loads(g, g)

        def turn(g, b):
            wait_loads(b)
            fire_gather(b)

            @pl.when(g >= 1)
            def _():
                drain_gather((b + 3) % NB)
                fire_scatter((b + 3) % NB)

            @pl.when(g >= 2)
            def _():
                drain_scatter((b + 2) % NB)

            @pl.when(g + 2 < ngrp)
            def _():
                start_loads(g + 2, (b + 2) % NB)

        def blk(j, c):
            for b in range(NB):
                turn(j * NB + b, b)
            return c

        lax.fori_loop(0, nblk, blk, 0)
        for r in range(rem):
            g = ngrp - rem + r
            b = g % NB
            wait_loads(b)
            fire_gather(b)
            drain_gather((b + 3) % NB)
            fire_scatter((b + 3) % NB)
            drain_scatter((b + 2) % NB)
        bl = (ngrp - 1) % NB
        drain_gather(bl)
        fire_scatter(bl)
        drain_scatter((bl + 3) % NB)
        drain_scatter(bl)
        plsc.subcore_barrier()
        _row_copy(acc, outp.at[cid], sid, n)

    return k2


def _dotT(a, b):
    return lax.dot_general(a, b, (((1,), (1,)), ((), ())),
                           preferred_element_type=F32)


def _k3_body(se_ref, ss_ref, dg_ref, h_ref, tw_ref, iw_ref, tb_ref, ib_ref,
             out_ref):
    deg = dg_ref[...]
    degc = jnp.maximum(deg, 1.0)
    h_o_r = h_ref[...] * se_ref[...] / degc
    num = _dotT(ss_ref[...], tw_ref[...]) + deg * tb_ref[...]
    h_o_s = num / degc
    out_ref[...] = (_dotT(h_o_s, iw_ref[:, :128])
                    + _dotT(h_o_r, iw_ref[:, 128:])
                    + ib_ref[...])


def _make_k3(n):
    bn = 5000
    grid = (n // bn,)
    return pl.pallas_call(
        _k3_body,
        grid=grid,
        in_specs=[
            pl.BlockSpec((bn, 128), lambda i: (i, 0)),
            pl.BlockSpec((bn, 128), lambda i: (i, 0)),
            pl.BlockSpec((bn, 1), lambda i: (i, 0)),
            pl.BlockSpec((bn, 128), lambda i: (i, 0)),
            pl.BlockSpec((128, 128), lambda i: (0, 0)),
            pl.BlockSpec((128, 256), lambda i: (0, 0)),
            pl.BlockSpec((1, 128), lambda i: (0, 0)),
            pl.BlockSpec((1, 128), lambda i: (0, 0)),
        ],
        out_specs=pl.BlockSpec((bn, 128), lambda i: (i, 0)),
        out_shape=jax.ShapeDtypeStruct((n, 128), F32),
    )


def _k4_body(eh_ref, sh_ref, rw_ref, tw_ref, rb_ref, tb_ref, out_ref,
             wc_ref, bc_ref):
    @pl.when(pl.program_id(0) == 0)
    def _():
        rw2 = rw_ref[:, 128:]
        wc_ref[:128, :] = jnp.transpose(rw_ref[:, :128])
        wc_ref[128:, :] = lax.dot_general(tw_ref[...], rw2,
                                          (((0,), (1,)), ((), ())),
                                          preferred_element_type=F32)
        bc_ref[...] = rb_ref[...] + _dotT(tb_ref[...], rw2)

    x = jnp.concatenate([eh_ref[...], sh_ref[...]], axis=1)
    out_ref[...] = (jnp.dot(x, wc_ref[...], preferred_element_type=F32)
                    + bc_ref[...])


def _make_k4(e):
    be = 10000
    grid = (e // be,)
    return pl.pallas_call(
        _k4_body,
        grid=grid,
        in_specs=[
            pl.BlockSpec((be, 128), lambda i: (i, 0)),
            pl.BlockSpec((be, 128), lambda i: (i, 0)),
            pl.BlockSpec((128, 256), lambda i: (0, 0)),
            pl.BlockSpec((128, 128), lambda i: (0, 0)),
            pl.BlockSpec((1, 128), lambda i: (0, 0)),
            pl.BlockSpec((1, 128), lambda i: (0, 0)),
        ],
        out_specs=pl.BlockSpec((be, 128), lambda i: (i, 0)),
        out_shape=jax.ShapeDtypeStruct((e, 128), F32),
        scratch_shapes=[
            pltpu.VMEM((256, 128), F32),
            pltpu.VMEM((1, 128), F32),
        ],
    )


def _k5_body(pp_ref, nm_ref, bv_ref, out_ref):
    out_ref[...] = (pp_ref[0] + pp_ref[1]) * nm_ref[...] + bv_ref[...]


def _make_k5(n):
    bn = 5000
    grid = (n // bn,)
    return pl.pallas_call(
        _k5_body,
        grid=grid,
        in_specs=[
            pl.BlockSpec((2, bn, 128), lambda i: (0, i, 0)),
            pl.BlockSpec((bn, 1), lambda i: (i, 0)),
            pl.BlockSpec((1, 128), lambda i: (0, 0)),
        ],
        out_specs=pl.BlockSpec((bn, 128), lambda i: (i, 0)),
        out_shape=jax.ShapeDtypeStruct((n, 128), F32),
    )


def kernel(h, norm, e_h, s_h, edge_index, text_W, text_b, inv_W, inv_b,
           rel_W, rel_b, bias_v):
    n = h.shape[0]
    e = e_h.shape[0]
    src = edge_index[0]
    dst = edge_index[1]
    tb = text_b.reshape(1, 128)
    ib = inv_b.reshape(1, 128)
    rb = rel_b.reshape(1, 128)
    bv = bias_v.reshape(1, 128)

    e_h_new = _make_k4(e)(e_h, s_h, rel_W, text_W, rb, tb)
    sum_e, sum_s, deg = _make_k1(n, e)(dst, e_h, s_h)
    h_s_r_o = _make_k3(n)(sum_e, sum_s, deg.reshape(n, 1), h, text_W,
                          inv_W, tb, ib)
    (presum,) = _make_k2(n, e)(src, dst, h_s_r_o)
    h_new = _make_k5(n)(presum, norm, bv)
    return h_new, e_h_new

# --- scband reference (transcript-rebuilt; emitter-appended) ---
"""Pipeline reference for scband-comp-gcn-dg-mtg-60988535603571 (READ-ONLY COPY).

The authoritative reference and input builder live on the scoring server;
editing this copy changes nothing except your own understanding.
"""

import jax, jax.numpy as jnp
import numpy as np

N = 10000
E = 320000
D = 128
S = 128


def setup_inputs(seed: int = 0) -> dict:
    key = jax.random.key(seed)
    ks = jax.random.split(key, 12)
    h = jax.random.normal(ks[0], (N, D), dtype=jnp.float32)
    norm = jax.random.uniform(ks[1], (N, 1), dtype=jnp.float32)
    e_h = jax.random.normal(ks[2], (E, D), dtype=jnp.float32)
    s_h = jax.random.normal(ks[3], (E, S), dtype=jnp.float32)
    edge_index = jax.random.randint(ks[4], (2, E), 0, N)
    # learned params (nn.Linear stores weight as [out, in])
    text_W = jax.random.normal(ks[5], (D, S), dtype=jnp.float32) * (1.0 / np.sqrt(S))
    text_b = jnp.zeros((D,), dtype=jnp.float32)
    inv_W = jax.random.normal(ks[6], (D, 2 * D), dtype=jnp.float32) * (1.0 / np.sqrt(2 * D))
    inv_b = jnp.zeros((D,), dtype=jnp.float32)
    rel_W = jax.random.normal(ks[7], (D, 2 * D), dtype=jnp.float32) * (1.0 / np.sqrt(2 * D))
    rel_b = jnp.zeros((D,), dtype=jnp.float32)
    bias_v = jnp.zeros((D,), dtype=jnp.float32)
    return {"h": h, "norm": norm, "e_h": e_h, "s_h": s_h, "edge_index": edge_index,
            "text_W": text_W, "text_b": text_b, "inv_W": inv_W, "inv_b": inv_b,
            "rel_W": rel_W, "rel_b": rel_b, "bias_v": bias_v}


def reference(h, norm, e_h, s_h, edge_index, text_W, text_b, inv_W, inv_b, rel_W, rel_b, bias_v):
    n_nodes = h.shape[0]
    n_edges = edge_index.shape[1]
    src = edge_index[0]
    dst = edge_index[1]
    # g.edata['s_h_'] = text_linear(g.edata['s_h'])
    s_h_ = s_h @ text_W.T + text_b
    # in-degree for mean reductions (DGL mean over incoming edges; 0-deg nodes -> 0)
    deg = jax.ops.segment_sum(jnp.ones((n_edges,), jnp.float32), dst, num_segments=n_nodes)
    deg = jnp.clip(deg, 1.0)[:, None]
    # update_all(v_mul_e('h','e_h','m'), mean('m','h_o_r')): msg = h[dst] * e_h, mean at dst
    m1 = h[dst] * e_h
    h_o_r = jax.ops.segment_sum(m1, dst, num_segments=n_nodes) / deg
    # update_all(copy_e('s_h_','m'), mean('m','h_o_s'))
    h_o_s = jax.ops.segment_sum(s_h_, dst, num_segments=n_nodes) / deg
    # h_o_cat = cat([h_o_s, h_o_r]); msg_inv_linear
    h_o_cat = jnp.concatenate([h_o_s, h_o_r], axis=1)
    h_s_r_o = h_o_cat @ inv_W.T + inv_b
    # update_all(copy_u('h_s_r_o','m'), sum('m','h'), apply_func)
    h_new = jax.ops.segment_sum(h_s_r_o[src], dst, num_segments=n_nodes)
    # apply_func: h = h * norm + bias_v (self_loop=False, activation=None)
    h_new = h_new * norm + bias_v
    # apply_edges: e_h = rel_linear(cat([e_h, s_h_]))
    e_h_new = jnp.concatenate([e_h, s_h_], axis=1) @ rel_W.T + rel_b
    return h_new, e_h_new

if __name__ == "__main__":
    import jax
    _d = setup_inputs()
    print(jax.jit(kernel)(*tuple(_d.values())))

</pallas_src>

<mosaic_0001>
#map = affine_map<(d0, d1) -> (0)>
#map1 = affine_map<(d0, d1) -> (0, 0)>
module attributes {stable_mosaic.version = 14 : i64} {
  func.func @k1(%arg0: i32, %arg1: i32, %arg2: memref<320000xi32, #tpu.memory_space<hbm>>, %arg3: memref<320000x128xf32, #tpu.memory_space<hbm>>, %arg4: memref<320000x128xf32, #tpu.memory_space<hbm>>, %arg5: memref<10000x128xf32, #tpu.memory_space<hbm>>, %arg6: memref<10000x128xf32, #tpu.memory_space<hbm>>, %arg7: memref<10000xf32, #tpu.memory_space<hbm>>, %arg8: memref<10240x128xf32, #tpu.memory_space<vmem_shared>>, %arg9: memref<10000xf32, #tpu.memory_space<vmem_shared>>, %arg10: memref<4x80xi32, #tpu.memory_space<vmem>>, %arg11: memref<4x80x128xf32, #tpu.memory_space<vmem>>, %arg12: memref<80xf32, #tpu.memory_space<vmem>>, %arg13: memref<40x128xf32, #tpu.memory_space<vmem>>, %arg14: memref<640xf32, #tpu.memory_space<vmem>>, %arg15: memref<!tpu.dma_semaphore, #tpu.memory_space<semaphore_mem>>, %arg16: memref<!tpu.dma_semaphore, #tpu.memory_space<semaphore_mem>>, %arg17: memref<!tpu.dma_semaphore, #tpu.memory_space<semaphore_mem>>, %arg18: memref<!tpu.dma_semaphore, #tpu.memory_space<semaphore_mem>>) attributes {dimension_semantics = [#tpu.dimension_semantics<core_parallel>, #tpu.dimension_semantics<subcore_parallel>], iteration_bounds = array<i64: 2, 16>, scalar_prefetch = 0 : i64, scratch_operands = 11 : i64, tpu.core_type = #tpu.core_type<sc_vector_subcore>, window_params = [{transform_indices = #map}, {transform_indices = #map1}, {transform_indices = #map1}, {transform_indices = #map1}, {transform_indices = #map1}, {transform_indices = #map}]} {
    %broadcast_in_dim3A = arith.constant 1.000000e+00 : f32
    %broadcast_in_dim3A_0 = vector.broadcast %broadcast_in_dim3A : f32 to vector<16xf32>
    %swap3A = arith.constant 0 : index
    %swap3A_1 = tpu.vector_load %arg12[%swap3A] {strides = array<i32>} : memref<80xf32, #tpu.memory_space<vmem>>, vector<16xf32>,
    %swap3A_2 = vector.shape_cast %swap3A_1 : vector<16xf32> to vector<16xf32>
    %swap3A_3 = vector.shape_cast %broadcast_in_dim3A_0 : vector<16xf32> to vector<16xf32>
    tpu.vector_store %arg12[%swap3A], %swap3A_3 {strides = array<i32>} : memref<80xf32, #tpu.memory_space<vmem>>, vector<16xf32>,
    %broadcast_in_dim3A_4 = arith.constant 1.000000e+00 : f32
    %broadcast_in_dim3A_5 = vector.broadcast %broadcast_in_dim3A_4 : f32 to vector<16xf32>
    %swap3A_6 = arith.constant 16 : index
    %swap3A_7 = tpu.vector_load %arg12[%swap3A_6] {strides = array<i32>} : memref<80xf32, #tpu.memory_space<vmem>>, vector<16xf32>,
    %swap3A_8 = vector.shape_cast %swap3A_7 : vector<16xf32> to vector<16xf32>
    %swap3A_9 = vector.shape_cast %broadcast_in_dim3A_5 : vector<16xf32> to vector<16xf32>
    tpu.vector_store %arg12[%swap3A_6], %swap3A_9 {strides = array<i32>} : memref<80xf32, #tpu.memory_space<vmem>>, vector<16xf32>,
    %broadcast_in_dim3A_10 = arith.constant 1.000000e+00 : f32
    %broadcast_in_dim3A_11 = vector.broadcast %broadcast_in_dim3A_10 : f32 to vector<16xf32>
    %swap3A_12 = arith.constant 32 : index
    %swap3A_13 = tpu.vector_load %arg12[%swap3A_12] {strides = array<i32>} : memref<80xf32, #tpu.memory_space<vmem>>, vector<16xf32>,
    %swap3A_14 = vector.shape_cast %swap3A_13 : vector<16xf32> to vector<16xf32>
    %swap3A_15 = vector.shape_cast %broadcast_in_dim3A_11 : vector<16xf32> to vector<16xf32>
    tpu.vector_store %arg12[%swap3A_12], %swap3A_15 {strides = array<i32>} : memref<80xf32, #tpu.memory_space<vmem>>, vector<16xf32>,
    %broadcast_in_dim3A_16 = arith.constant 1.000000e+00 : f32
    %broadcast_in_dim3A_17 = vector.broadcast %broadcast_in_dim3A_16 : f32 to vector<16xf32>
    %swap3A_18 = arith.constant 48 : index
    %swap3A_19 = tpu.vector_load %arg12[%swap3A_18] {strides = array<i32>} : memref<80xf32, #tpu.memory_space<vmem>>, vector<16xf32>,
    %swap3A_20 = vector.shape_cast %swap3A_19 : vector<16xf32> to vector<16xf32>
    %swap3A_21 = vector.shape_cast %broadcast_in_dim3A_17 : vector<16xf32> to vector<16xf32>
    tpu.vector_store %arg12[%swap3A_18], %swap3A_21 {strides = array<i32>} : memref<80xf32, #tpu.memory_space<vmem>>, vector<16xf32>,
    %broadcast_in_dim3A_22 = arith.constant 1.000000e+00 : f32
    %broadcast_in_dim3A_23 = vector.broadcast %broadcast_in_dim3A_22 : f32 to vector<16xf32>
    %swap3A_24 = arith.constant 64 : index
    %swap3A_25 = tpu.vector_load %arg12[%swap3A_24] {strides = array<i32>} : memref<80xf32, #tpu.memory_space<vmem>>, vector<16xf32>,
    %swap3A_26 = vector.shape_cast %swap3A_25 : vector<16xf32> to vector<16xf32>
    %swap3A_27 = vector.shape_cast %broadcast_in_dim3A_23 : vector<16xf32> to vector<16xf32>
    tpu.vector_store %arg12[%swap3A_24], %swap3A_27 {strides = array<i32>} : memref<80xf32, #tpu.memory_space<vmem>>, vector<16xf32>,
    %scan3A = arith.constant 0 : i32
    %scan3A_28 = arith.constant 0 : i32
    %scan3A_29 = arith.constant 40 : i32
    %scan3A_30 = arith.addi %scan3A_28, %scan3A_29 : i32
    %scan3A_31 = arith.constant 1 : i32
    scf.for %scan3A_77 = %scan3A_28 to %scan3A_30 step %scan3A_31  : i32 {
      %broadcast_in_dim3A_78 = arith.constant 0.000000e+00 : f32
      %broadcast_in_dim3A_79 = vector.broadcast %broadcast_in_dim3A_78 : f32 to vector<16xf32>
      %swap3A_80 = arith.index_cast %scan3A_77 : i32 to index
      %swap3A_81 = arith.constant 0 : index
      %swap3A_82 = tpu.vector_load %arg13[%swap3A_80, %swap3A_81] {strides = array<i32>} : memref<40x128xf32, #tpu.memory_space<vmem>>, vector<1x16xf32>,
      %swap3A_83 = vector.shape_cast %swap3A_82 : vector<1x16xf32> to vector<16xf32>
      %swap3A_84 = vector.shape_cast %broadcast_in_dim3A_79 : vector<16xf32> to vector<1x16xf32>
      tpu.vector_store %arg13[%swap3A_80, %swap3A_81], %swap3A_84 {strides = array<i32>} : memref<40x128xf32, #tpu.memory_space<vmem>>, vector<1x16xf32>,
      %broadcast_in_dim3A_85 = arith.constant 0.000000e+00 : f32
      %broadcast_in_dim3A_86 = vector.broadcast %broadcast_in_dim3A_85 : f32 to vector<16xf32>
      %swap3A_87 = arith.index_cast %scan3A_77 : i32 to index
      %swap3A_88 = arith.constant 16 : index
      %swap3A_89 = tpu.vector_load %arg13[%swap3A_87, %swap3A_88] {strides = array<i32>} : memref<40x128xf32, #tpu.memory_space<vmem>>, vector<1x16xf32>,
      %swap3A_90 = vector.shape_cast %swap3A_89 : vector<1x16xf32> to vector<16xf32>
      %swap3A_91 = vector.shape_cast %broadcast_in_dim3A_86 : vector<16xf32> to vector<1x16xf32>
      tpu.vector_store %arg13[%swap3A_87, %swap3A_88], %swap3A_91 {strides = array<i32>} : memref<40x128xf32, #tpu.memory_space<vmem>>, vector<1x16xf32>,
      %broadcast_in_dim3A_92 = arith.constant 0.000000e+00 : f32
      %broadcast_in_dim3A_93 = vector.broadcast %broadcast_in_dim3A_92 : f32 to vector<16xf32>
      %swap3A_94 = arith.index_cast %scan3A_77 : i32 to index
      %swap3A_95 = arith.constant 32 : index
      %swap3A_96 = tpu.vector_load %arg13[%swap3A_94, %swap3A_95] {strides = array<i32>} : memref<40x128xf32, #tpu.memory_space<vmem>>, vector<1x16xf32>,
      %swap3A_97 = vector.shape_cast %swap3A_96 : vector<1x16xf32> to vector<16xf32>
      %swap3A_98 = vector.shape_cast %broadcast_in_dim3A_93 : vector<16xf32> to vector<1x16xf32>
      tpu.vector_store %arg13[%swap3A_94, %swap3A_95], %swap3A_98 {strides = array<i32>} : memref<40x128xf32, #tpu.memory_space<vmem>>, vector<1x16xf32>,
      %broadcast_in_dim3A_99 = arith.constant 0.000000e+00 : f32
      %broadcast_in_dim3A_100 = vector.broadcast %broadcast_in_dim3A_99 : f32 to vector<16xf32>
      %swap3A_101 = arith.index_cast %scan3A_77 : i32 to index
      %swap3A_102 = arith.constant 48 : index
      %swap3A_103 = tpu.vector_load %arg13[%swap3A_101, %swap3A_102] {strides = array<i32>} : memref<40x128xf32, #tpu.memory_space<vmem>>, vector<1x16xf32>,
      %swap3A_104 = vector.shape_cast %swap3A_103 : vector<1x16xf32> to vector<16xf32>
      %swap3A_105 = vector.shape_cast %broadcast_in_dim3A_100 : vector<16xf32> to vector<1x16xf32>
      tpu.vector_store %arg13[%swap3A_101, %swap3A_102], %swap3A_105 {strides = array<i32>} : memref<40x128xf32, #tpu.memory_space<vmem>>, vector<1x16xf32>,
      %broadcast_in_dim3A_106 = arith.constant 0.000000e+00 : f32
      %broadcast_in_dim3A_107 = vector.broadcast %broadcast_in_dim3A_106 : f32 to vector<16xf32>
      %swap3A_108 = arith.index_cast %scan3A_77 : i32 to index
      %swap3A_109 = arith.constant 64 : index
      %swap3A_110 = tpu.vector_load %arg13[%swap3A_108, %swap3A_109] {strides = array<i32>} : memref<40x128xf32, #tpu.memory_space<vmem>>, vector<1x16xf32>,
      %swap3A_111 = vector.shape_cast %swap3A_110 : vector<1x16xf32> to vector<16xf32>
      %swap3A_112 = vector.shape_cast %broadcast_in_dim3A_107 : vector<16xf32> to vector<1x16xf32>
      tpu.vector_store %arg13[%swap3A_108, %swap3A_109], %swap3A_112 {strides = array<i32>} : memref<40x128xf32, #tpu.memory_space<vmem>>, vector<1x16xf32>,
      %broadcast_in_dim3A_113 = arith.constant 0.000000e+00 : f32
      %broadcast_in_dim3A_114 = vector.broadcast %broadcast_in_dim3A_113 : f32 to vector<16xf32>
      %swap3A_115 = arith.index_cast %scan3A_77 : i32 to index
      %swap3A_116 = arith.constant 80 : index
      %swap3A_117 = tpu.vector_load %arg13[%swap3A_115, %swap3A_116] {strides = array<i32>} : memref<40x128xf32, #tpu.memory_space<vmem>>, vector<1x16xf32>,
      %swap3A_118 = vector.shape_cast %swap3A_117 : vector<1x16xf32> to vector<16xf32>
      %swap3A_119 = vector.shape_cast %broadcast_in_dim3A_114 : vector<16xf32> to vector<1x16xf32>
      tpu.vector_store %arg13[%swap3A_115, %swap3A_116], %swap3A_119 {strides = array<i32>} : memref<40x128xf32, #tpu.memory_space<vmem>>, vector<1x16xf32>,
      %broadcast_in_dim3A_120 = arith.constant 0.000000e+00 : f32
      %broadcast_in_dim3A_121 = vector.broadcast %broadcast_in_dim3A_120 : f32 to vector<16xf32>
      %swap3A_122 = arith.index_cast %scan3A_77 : i32 to index
      %swap3A_123 = arith.constant 96 : index
      %swap3A_124 = tpu.vector_load %arg13[%swap3A_122, %swap3A_123] {strides = array<i32>} : memref<40x128xf32, #tpu.memory_space<vmem>>, vector<1x16xf32>,
      %swap3A_125 = vector.shape_cast %swap3A_124 : vector<1x16xf32> to vector<16xf32>
      %swap3A_126 = vector.shape_cast %broadcast_in_dim3A_121 : vector<16xf32> to vector<1x16xf32>
      tpu.vector_store %arg13[%swap3A_122, %swap3A_123], %swap3A_126 {strides = array<i32>} : memref<40x128xf32, #tpu.memory_space<vmem>>, vector<1x16xf32>,
      %broadcast_in_dim3A_127 = arith.constant 0.000000e+00 : f32
      %broadcast_in_dim3A_128 = vector.broadcast %broadcast_in_dim3A_127 : f32 to vector<16xf32>
      %swap3A_129 = arith.index_cast %scan3A_77 : i32 to index
      %swap3A_130 = arith.constant 112 : index
      %swap3A_131 = tpu.vector_load %arg13[%swap3A_129, %swap3A_130] {strides = array<i32>} : memref<40x128xf32, #tpu.memory_space<vmem>>, vector<1x16xf32>,
      %swap3A_132 = vector.shape_cast %swap3A_131 : vector<1x16xf32> to vector<16xf32>
      %swap3A_133 = vector.shape_cast %broadcast_in_dim3A_128 : vector<16xf32> to vector<1x16xf32>
      tpu.vector_store %arg13[%swap3A_129, %swap3A_130], %swap3A_133 {strides = array<i32>} : memref<40x128xf32, #tpu.memory_space<vmem>>, vector<1x16xf32>,
    }
    %scan3A_32 = arith.constant 40 : i32
    %lt3A = arith.constant 15 : i32
    %lt3A_33 = arith.cmpi slt, %arg1, %lt3A : i32
    %convert_element_type3A = arith.extui %lt3A_33 : i1 to i32
    %cond3A = arith.constant 0 : i32
    %cond3A_34 = arith.cmpi ne, %convert_element_type3A, %cond3A : i32
    scf.if %cond3A_34 {
      %mul3A_77 = arith.constant 640 : i32
      %mul3A_78 = arith.muli %arg1, %mul3A_77 : i32
      %multiple_of3A = tpu.assume_multiple %mul3A_78, 8 : i32
      %add3A = arith.constant 0 : i32
      %add3A_79 = arith.addi %multiple_of3A, %add3A : i32
      "tpu.region"() ({
        %run_scoped3A = tpu.sem_alloc : memref<!tpu.dma_semaphore, #tpu.memory_space<semaphore_mem>>
        %dma_start3A = arith.constant 0 : i32
        %dma_start3A_110 = tpu.memref_slice %arg8[%add3A_79, %dma_start3A] : memref<10240x128xf32, #tpu.memory_space<vmem_shared>> -> memref<40x128xf32, #tpu.memory_space<vmem_shared>>
        %dma_start3A_111 = arith.constant 0 : i32
        %dma_start3A_112 = tpu.memref_slice %arg8[%add3A_79, %dma_start3A_111] : memref<10240x128xf32, #tpu.memory_space<vmem_shared>> -> memref<40x128xf32, #tpu.memory_space<vmem_shared>>
        tpu.enqueue_dma source(%arg13 : memref<40x128xf32, #tpu.memory_space<vmem>>) target(%dma_start3A_112 : memref<40x128xf32, #tpu.memory_space<vmem_shared>>) target_semaphore(%run_scoped3A : memref<!tpu.dma_semaphore, #tpu.memory_space<semaphore_mem>>)
        %dma_wait3A = arith.constant 0 : i32
        %dma_wait3A_113 = tpu.memref_slice %arg8[%add3A_79, %dma_wait3A] : memref<10240x128xf32, #tpu.memory_space<vmem_shared>> -> memref<40x128xf32, #tpu.memory_space<vmem_shared>>
        %dma_wait3A_114 = arith.constant 0 : i32
        %dma_wait3A_115 = tpu.memref_slice %arg8[%add3A_79, %dma_wait3A_114] : memref<10240x128xf32, #tpu.memory_space<vmem_shared>> -> memref<40x128xf32, #tpu.memory_space<vmem_shared>>
        tpu.wait_dma2 semaphore(%run_scoped3A : memref<!tpu.dma_semaphore, #tpu.memory_space<semaphore_mem>>) src(%arg13 : memref<40x128xf32, #tpu.memory_space<vmem>>) dst(%dma_wait3A_115 : memref<40x128xf32, #tpu.memory_space<vmem_shared>>)
        tpu.yield
      }) : () -> ()
      %add3A_80 = arith.constant 40 : i32
      %add3A_81 = arith.addi %multiple_of3A, %add3A_80 : i32
      "tpu.region"() ({
        %run_scoped3A = tpu.sem_alloc : memref<!tpu.dma_semaphore, #tpu.memory_space<semaphore_mem>>
        %dma_start3A = arith.constant 0 : i32
        %dma_start3A_110 = tpu.memref_slice %arg8[%add3A_81, %dma_start3A] : memref<10240x128xf32, #tpu.memory_space<vmem_shared>> -> memref<40x128xf32, #tpu.memory_space<vmem_shared>>
        %dma_start3A_111 = arith.constant 0 : i32
        %dma_start3A_112 = tpu.memref_slice %arg8[%add3A_81, %dma_start3A_111] : memref<10240x128xf32, #tpu.memory_space<vmem_shared>> -> memref<40x128xf32, #tpu.memory_space<vmem_shared>>
        tpu.enqueue_dma source(%arg13 : memref<40x128xf32, #tpu.memory_space<vmem>>) target(%dma_start3A_112 : memref<40x128xf32, #tpu.memory_space<vmem_shared>>) target_semaphore(%run_scoped3A : memref<!tpu.dma_semaphore, #tpu.memory_space<semaphore_mem>>)
        %dma_wait3A = arith.constant 0 : i32
        %dma_wait3A_113 = tpu.memref_slice %arg8[%add3A_81, %dma_wait3A] : memref<10240x128xf32, #tpu.memory_space<vmem_shared>> -> memref<40x128xf32, #tpu.memory_space<vmem_shared>>
        %dma_wait3A_114 = arith.constant 0 : i32
        %dma_wait3A_115 = tpu.memref_slice %arg8[%add3A_81, %dma_wait3A_114] : memref<10240x128xf32, #tpu.memory_space<vmem_shared>> -> memref<40x128xf32, #tpu.memory_space<vmem_shared>>
        tpu.wait_dma2 semaphore(%run_scoped3A : memref<!tpu.dma_semaphore, #tpu.memory_space<semaphore_mem>>) src(%arg13 : memref<40x128xf32, #tpu.memory_space<vmem>>) dst(%dma_wait3A_115 : memref<40x128xf32, #tpu.memory_space<vmem_shared>>)
        tpu.yield
      }) : () -> ()
      %add3A_82 = arith.constant 80 : i32
      %add3A_83 = arith.addi %multiple_of3A, %add3A_82 : i32
      "tpu.region"() ({
        %run_scoped3A = tpu.sem_alloc : memref<!tpu.dma_semaphore, #tpu.memory_space<semaphore_mem>>
        %dma_start3A = arith.constant 0 : i32
        %dma_start3A_110 = tpu.memref_slice %arg8[%add3A_83, %dma_start3A] : memref<10240x128xf32, #tpu.memory_space<vmem_shared>> -> memref<40x128xf32, #tpu.memory_space<vmem_shared>>
        %dma_start3A_111 = arith.constant 0 : i32
        %dma_start3A_112 = tpu.memref_slice %arg8[%add3A_83, %dma_start3A_111] : memref<10240x128xf32, #tpu.memory_space<vmem_shared>> -> memref<40x128xf32, #tpu.memory_space<vmem_shared>>
        tpu.enqueue_dma source(%arg13 : memref<40x128xf32, #tpu.memory_space<vmem>>) target(%dma_start3A_112 : memref<40x128xf32, #tpu.memory_space<vmem_shared>>) target_semaphore(%run_scoped3A : memref<!tpu.dma_semaphore, #tpu.memory_space<semaphore_mem>>)
        %dma_wait3A = arith.constant 0 : i32
        %dma_wait3A_113 = tpu.memref_slice %arg8[%add3A_83, %dma_wait3A] : memref<10240x128xf32, #tpu.memory_space<vmem_shared>> -> memref<40x128xf32, #tpu.memory_space<vmem_shared>>
        %dma_wait3A_114 = arith.constant 0 : i32
        %dma_wait3A_115 = tpu.memref_slice %arg8[%add3A_83, %dma_wait3A_114] : memref<10240x128xf32, #tpu.memory_space<vmem_shared>> -> memref<40x128xf32, #tpu.memory_space<vmem_shared>>
        tpu.wait_dma2 semaphore(%run_scoped3A : memref<!tpu.dma_semaphore, #tpu.memory_space<semaphore_mem>>) src(%arg13 : memref<40x128xf32, #tpu.memory_space<vmem>>) dst(%dma_wait3A_115 : memref<40x128xf32, #tpu.memory_space<vmem_shared>>)
        tpu.yield
      }) : () -> ()
      %add3A_84 = arith.constant 120 : i32
      %add3A_85 = arith.addi %multiple_of3A, %add3A_84 : i32
      "tpu.region"() ({
        %run_scoped3A = tpu.sem_alloc : memref<!tpu.dma_semaphore, #tpu.memory_space<semaphore_mem>>
        %dma_start3A = arith.constant 0 : i32
        %dma_start3A_110 = tpu.memref_slice %arg8[%add3A_85, %dma_start3A] : memref<10240x128xf32, #tpu.memory_space<vmem_shared>> -> memref<40x128xf32, #tpu.memory_space<vmem_shared>>
        %dma_start3A_111 = arith.constant 0 : i32
        %dma_start3A_112 = tpu.memref_slice %arg8[%add3A_85, %dma_start3A_111] : memref<10240x128xf32, #tpu.memory_space<vmem_shared>> -> memref<40x128xf32, #tpu.memory_space<vmem_shared>>
        tpu.enqueue_dma source(%arg13 : memref<40x128xf32, #tpu.memory_space<vmem>>) target(%dma_start3A_112 : memref<40x128xf32, #tpu.memory_space<vmem_shared>>) target_semaphore(%run_scoped3A : memref<!tpu.dma_semaphore, #tpu.memory_space<semaphore_mem>>)
        %dma_wait3A = arith.constant 0 : i32
        %dma_wait3A_113 = tpu.memref_slice %arg8[%add3A_85, %dma_wait3A] : memref<10240x128xf32, #tpu.memory_space<vmem_shared>> -> memref<40x128xf32, #tpu.memory_space<vmem_shared>>
        %dma_wait3A_114 = arith.constant 0 : i32
        %dma_wait3A_115 = tpu.memref_slice %arg8[%add3A_85, %dma_wait3A_114] : memref<10240x128xf32, #tpu.memory_space<vmem_shared>> -> memref<40x128xf32, #tpu.memory_space<vmem_shared>>
        tpu.wait_dma2 semaphore(%run_scoped3A : memref<!tpu.dma_semaphore, #tpu.memory_space<semaphore_mem>>) src(%arg13 : memref<40x128xf32, #tpu.memory_space<vmem>>) dst(%dma_wait3A_115 : memref<40x128xf32, #tpu.memory_space<vmem_shared>>)
        tpu.yield
      }) : () -> ()
      %add3A_86 = arith.constant 160 : i32
      %add3A_87 = arith.addi %multiple_of3A, %add3A_86 : i32
      "tpu.region"() ({
        %run_scoped3A = tpu.sem_alloc : memref<!tpu.dma_semaphore, #tpu.memory_space<semaphore_mem>>
        %dma_start3A = arith.constant 0 : i32
        %dma_start3A_110 = tpu.memref_slice %arg8[%add3A_87, %dma_start3A] : memref<10240x128xf32, #tpu.memory_space<vmem_shared>> -> memref<40x128xf32, #tpu.memory_space<vmem_shared>>
        %dma_start3A_111 = arith.constant 0 : i32
        %dma_start3A_112 = tpu.memref_slice %arg8[%add3A_87, %dma_start3A_111] : memref<10240x128xf32, #tpu.memory_space<vmem_shared>> -> memref<40x128xf32, #tpu.memory_space<vmem_shared>>
        tpu.enqueue_dma source(%arg13 : memref<40x128xf32, #tpu.memory_space<vmem>>) target(%dma_start3A_112 : memref<40x128xf32, #tpu.memory_space<vmem_shared>>) target_semaphore(%run_scoped3A : memref<!tpu.dma_semaphore, #tpu.memory_space<semaphore_mem>>)
        %dma_wait3A = arith.constant 0 : i32
        %dma_wait3A_113 = tpu.memref_slice %arg8[%add3A_87, %dma_wait3A] : memref<10240x128xf32, #tpu.memory_space<vmem_shared>> -> memref<40x128xf32, #tpu.memory_space<vmem_shared>>
        %dma_wait3A_114 = arith.constant 0 : i32
        %dma_wait3A_115 = tpu.memref_slice %arg8[%add3A_87, %dma_wait3A_114] : memref<10240x128xf32, #tpu.memory_space<vmem_shared>> -> memref<40x128xf32, #tpu.memory_space<vmem_shared>>
        tpu.wait_dma2 semaphore(%run_scoped3A : memref<!tpu.dma_semaphore, #tpu.memory_space<semaphore_mem>>) src(%arg13 : memref<40x128xf32, #tpu.memory_space<vmem>>) dst(%dma_wait3A_115 : memref<40x128xf32, #tpu.memory_space<vmem_shared>>)
        tpu.yield
      }) : () -> ()
      %add3A_88 = arith.constant 200 : i32
      %add3A_89 = arith.addi %multiple_of3A, %add3A_88 : i32
      "tpu.region"() ({
        %run_scoped3A = tpu.sem_alloc : memref<!tpu.dma_semaphore, #tpu.memory_space<semaphore_mem>>
        %dma_start3A = arith.constant 0 : i32
        %dma_start3A_110 = tpu.memref_slice %arg8[%add3A_89, %dma_start3A] : memref<10240x128xf32, #tpu.memory_space<vmem_shared>> -> memref<40x128xf32, #tpu.memory_space<vmem_shared>>
        %dma_start3A_111 = arith.constant 0 : i32
        %dma_start3A_112 = tpu.memref_slice %arg8[%add3A_89, %dma_start3A_111] : memref<10240x128xf32, #tpu.memory_space<vmem_shared>> -> memref<40x128xf32, #tpu.memory_space<vmem_shared>>
        tpu.enqueue_dma source(%arg13 : memref<40x128xf32, #tpu.memory_space<vmem>>) target(%dma_start3A_112 : memref<40x128xf32, #tpu.memory_space<vmem_shared>>) target_semaphore(%run_scoped3A : memref<!tpu.dma_semaphore, #tpu.memory_space<semaphore_mem>>)
        %dma_wait3A = arith.constant 0 : i32
        %dma_wait3A_113 = tpu.memref_slice %arg8[%add3A_89, %dma_wait3A] : memref<10240x128xf32, #tpu.memory_space<vmem_shared>> -> memref<40x128xf32, #tpu.memory_space<vmem_shared>>
        %dma_wait3A_114 = arith.constant 0 : i32
        %dma_wait3A_115 = tpu.memref_slice %arg8[%add3A_89, %dma_wait3A_114] : memref<10240x128xf32, #tpu.memory_space<vmem_shared>> -> memref<40x128xf32, #tpu.memory_space<vmem_shared>>
        tpu.wait_dma2 semaphore(%run_scoped3A : memref<!tpu.dma_semaphore, #tpu.memory_space<semaphore_mem>>) src(%arg13 : memref<40x128xf32, #tpu.memory_space<vmem>>) dst(%dma_wait3A_115 : memref<40x128xf32, #tpu.memory_space<vmem_shared>>)
        tpu.yield
      }) : () -> ()
      %add3A_90 = arith.constant 240 : i32
      %add3A_91 = arith.addi %multiple_of3A, %add3A_90 : i32
      "tpu.region"() ({
        %run_scoped3A = tpu.sem_alloc : memref<!tpu.dma_semaphore, #tpu.memory_space<semaphore_mem>>
        %dma_start3A = arith.constant 0 : i32
        %dma_start3A_110 = tpu.memref_slice %arg8[%add3A_91, %dma_start3A] : memref<10240x128xf32, #tpu.memory_space<vmem_shared>> -> memref<40x128xf32, #tpu.memory_space<vmem_shared>>
        %dma_start3A_111 = arith.constant 0 : i32
        %dma_start3A_112 = tpu.memref_slice %arg8[%add3A_91, %dma_start3A_111] : memref<10240x128xf32, #tpu.memory_space<vmem_shared>> -> memref<40x128xf32, #tpu.memory_space<vmem_shared>>
        tpu.enqueue_dma source(%arg13 : memref<40x128xf32, #tpu.memory_space<vmem>>) target(%dma_start3A_112 : memref<40x128xf32, #tpu.memory_space<vmem_shared>>) target_semaphore(%run_scoped3A : memref<!tpu.dma_semaphore, #tpu.memory_space<semaphore_mem>>)
        %dma_wait3A = arith.constant 0 : i32
        %dma_wait3A_113 = tpu.memref_slice %arg8[%add3A_91, %dma_wait3A] : memref<10240x128xf32, #tpu.memory_space<vmem_shared>> -> memref<40x128xf32, #tpu.memory_space<vmem_shared>>
        %dma_wait3A_114 = arith.constant 0 : i32
        %dma_wait3A_115 = tpu.memref_slice %arg8[%add3A_91, %dma_wait3A_114] : memref<10240x128xf32, #tpu.memory_space<vmem_shared>> -> memref<40x128xf32, #tpu.memory_space<vmem_shared>>
        tpu.wait_dma2 semaphore(%run_scoped3A : memref<!tpu.dma_semaphore, #tpu.memory_space<semaphore_mem>>) src(%arg13 : memref<40x128xf32, #tpu.memory_space<vmem>>) dst(%dma_wait3A_115 : memref<40x128xf32, #tpu.memory_space<vmem_shared>>)
        tpu.yield
      }) : () -> ()
      %add3A_92 = arith.constant 280 : i32
      %add3A_93 = arith.addi %multiple_of3A, %add3A_92 : i32
      "tpu.region"() ({
        %run_scoped3A = tpu.sem_alloc : memref<!tpu.dma_semaphore, #tpu.memory_space<semaphore_mem>>
        %dma_start3A = arith.constant 0 : i32
        %dma_start3A_110 = tpu.memref_slice %arg8[%add3A_93, %dma_start3A] : memref<10240x128xf32, #tpu.memory_space<vmem_shared>> -> memref<40x128xf32, #tpu.memory_space<vmem_shared>>
        %dma_start3A_111 = arith.constant 0 : i32
        %dma_start3A_112 = tpu.memref_slice %arg8[%add3A_93, %dma_start3A_111] : memref<10240x128xf32, #tpu.memory_space<vmem_shared>> -> memref<40x128xf32, #tpu.memory_space<vmem_shared>>
        tpu.enqueue_dma source(%arg13 : memref<40x128xf32, #tpu.memory_space<vmem>>) target(%dma_start3A_112 : memref<40x128xf32, #tpu.memory_space<vmem_shared>>) target_semaphore(%run_scoped3A : memref<!tpu.dma_semaphore, #tpu.memory_space<semaphore_mem>>)
        %dma_wait3A = arith.constant 0 : i32
        %dma_wait3A_113 = tpu.memref_slice %arg8[%add3A_93, %dma_wait3A] : memref<10240x128xf32, #tpu.memory_space<vmem_shared>> -> memref<40x128xf32, #tpu.memory_space<vmem_shared>>
        %dma_wait3A_114 = arith.constant 0 : i32
        %dma_wait3A_115 = tpu.memref_slice %arg8[%add3A_93, %dma_wait3A_114] : memref<10240x128xf32, #tpu.memory_space<vmem_shared>> -> memref<40x128xf32, #tpu.memory_space<vmem_shared>>
        tpu.wait_dma2 semaphore(%run_scoped3A : memref<!tpu.dma_semaphore, #tpu.memory_space<semaphore_mem>>) src(%arg13 : memref<40x128xf32, #tpu.memory_space<vmem>>) dst(%dma_wait3A_115 : memref<40x128xf32, #tpu.memory_space<vmem_shared>>)
        tpu.yield
      }) : () -> ()
      %add3A_94 = arith.constant 320 : i32
      %add3A_95 = arith.addi %multiple_of3A, %add3A_94 : i32
      "tpu.region"() ({
        %run_scoped3A = tpu.sem_alloc : memref<!tpu.dma_semaphore, #tpu.memory_space<semaphore_mem>>
        %dma_start3A = arith.constant 0 : i32
        %dma_start3A_110 = tpu.memref_slice %arg8[%add3A_95, %dma_start3A] : memref<10240x128xf32, #tpu.memory_space<vmem_shared>> -> memref<40x128xf32, #tpu.memory_space<vmem_shared>>
        %dma_start3A_111 = arith.constant 0 : i32
        %dma_start3A_112 = tpu.memref_slice %arg8[%add3A_95, %dma_start3A_111] : memref<10240x128xf32, #tpu.memory_space<vmem_shared>> -> memref<40x128xf32, #tpu.memory_space<vmem_shared>>
        tpu.enqueue_dma source(%arg13 : memref<40x128xf32, #tpu.memory_space<vmem>>) target(%dma_start3A_112 : memref<40x128xf32, #tpu.memory_space<vmem_shared>>) target_semaphore(%run_scoped3A : memref<!tpu.dma_semaphore, #tpu.memory_space<semaphore_mem>>)
        %dma_wait3A = arith.constant 0 : i32
        %dma_wait3A_113 = tpu.memref_slice %arg8[%add3A_95, %dma_wait3A] : memref<10240x128xf32, #tpu.memory_space<vmem_shared>> -> memref<40x128xf32, #tpu.memory_space<vmem_shared>>
        %dma_wait3A_114 = arith.constant 0 : i32
        %dma_wait3A_115 = tpu.memref_slice %arg8[%add3A_95, %dma_wait3A_114] : memref<10240x128xf32, #tpu.memory_space<vmem_shared>> -> memref<40x128xf32, #tpu.memory_space<vmem_shared>>
        tpu.wait_dma2 semaphore(%run_scoped3A : memref<!tpu.dma_semaphore, #tpu.memory_space<semaphore_mem>>) src(%arg13 : memref<40x128xf32, #tpu.memory_space<vmem>>) dst(%dma_wait3A_115 : memref<40x128xf32, #tpu.memory_space<vmem_shared>>)
        tpu.yield
      }) : () -> ()
      %add3A_96 = arith.constant 360 : i32
      %add3A_97 = arith.addi %multiple_of3A, %add3A_96 : i32
      "tpu.region"() ({
        %run_scoped3A = tpu.sem_alloc : memref<!tpu.dma_semaphore, #tpu.memory_space<semaphore_mem>>
        %dma_start3A = arith.constant 0 : i32
        %dma_start3A_110 = tpu.memref_slice %arg8[%add3A_97, %dma_start3A] : memref<10240x128xf32, #tpu.memory_space<vmem_shared>> -> memref<40x128xf32, #tpu.memory_space<vmem_shared>>
        %dma_start3A_111 = arith.constant 0 : i32
        %dma_start3A_112 = tpu.memref_slice %arg8[%add3A_97, %dma_start3A_111] : memref<10240x128xf32, #tpu.memory_space<vmem_shared>> -> memref<40x128xf32, #tpu.memory_space<vmem_shared>>
        tpu.enqueue_dma source(%arg13 : memref<40x128xf32, #tpu.memory_space<vmem>>) target(%dma_start3A_112 : memref<40x128xf32, #tpu.memory_space<vmem_shared>>) target_semaphore(%run_scoped3A : memref<!tpu.dma_semaphore, #tpu.memory_space<semaphore_mem>>)
        %dma_wait3A = arith.constant 0 : i32
        %dma_wait3A_113 = tpu.memref_slice %arg8[%add3A_97, %dma_wait3A] : memref<10240x128xf32, #tpu.memory_space<vmem_shared>> -> memref<40x128xf32, #tpu.memory_space<vmem_shared>>
        %dma_wait3A_114 = arith.constant 0 : i32
        %dma_wait3A_115 = tpu.memref_slice %arg8[%add3A_97, %dma_wait3A_114] : memref<10240x128xf32, #tpu.memory_space<vmem_shared>> -> memref<40x128xf32, #tpu.memory_space<vmem_shared>>
        tpu.wait_dma2 semaphore(%run_scoped3A : memref<!tpu.dma_semaphore, #tpu.memory_space<semaphore_mem>>) src(%arg13 : memref<40x128xf32, #tpu.memory_space<vmem>>) dst(%dma_wait3A_115 : memref<40x128xf32, #tpu.memory_space<vmem_shared>>)
        tpu.yield
      }) : () -> ()
      %add3A_98 = arith.constant 400 : i32
      %add3A_99 = arith.addi %multiple_of3A, %add3A_98 : i32
      "tpu.region"() ({
        %run_scoped3A = tpu.sem_alloc : memref<!tpu.dma_semaphore, #tpu.memory_space<semaphore_mem>>
        %dma_start3A = arith.constant 0 : i32
        %dma_start3A_110 = tpu.memref_slice %arg8[%add3A_99, %dma_start3A] : memref<10240x128xf32, #tpu.memory_space<vmem_shared>> -> memref<40x128xf32, #tpu.memory_space<vmem_shared>>
        %dma_start3A_111 = arith.constant 0 : i32
        %dma_start3A_112 = tpu.memref_slice %arg8[%add3A_99, %dma_start3A_111] : memref<10240x128xf32, #tpu.memory_space<vmem_shared>> -> memref<40x128xf32, #tpu.memory_space<vmem_shared>>
        tpu.enqueue_dma source(%arg13 : memref<40x128xf32, #tpu.memory_space<vmem>>) target(%dma_start3A_112 : memref<40x128xf32, #tpu.memory_space<vmem_shared>>) target_semaphore(%run_scoped3A : memref<!tpu.dma_semaphore, #tpu.memory_space<semaphore_mem>>)
        %dma_wait3A = arith.constant 0 : i32
        %dma_wait3A_113 = tpu.memref_slice %arg8[%add3A_99, %dma_wait3A] : memref<10240x128xf32, #tpu.memory_space<vmem_shared>> -> memref<40x128xf32, #tpu.memory_space<vmem_shared>>
        %dma_wait3A_114 = arith.constant 0 : i32
        %dma_wait3A_115 = tpu.memref_slice %arg8[%add3A_99, %dma_wait3A_114] : memref<10240x128xf32, #tpu.memory_space<vmem_shared>> -> memref<40x128xf32, #tpu.memory_space<vmem_shared>>
        tpu.wait_dma2 semaphore(%run_scoped3A : memref<!tpu.dma_semaphore, #tpu.memory_space<semaphore_mem>>) src(%arg13 : memref<40x128xf32, #tpu.memory_space<vmem>>) dst(%dma_wait3A_115 : memref<40x128xf32, #tpu.memory_space<vmem_shared>>)
        tpu.yield
      }) : () -> ()
      %add3A_100 = arith.constant 440 : i32
      %add3A_101 = arith.addi %multiple_of3A, %add3A_100 : i32
      "tpu.region"() ({
        %run_scoped3A = tpu.sem_alloc : memref<!tpu.dma_semaphore, #tpu.memory_space<semaphore_mem>>
        %dma_start3A = arith.constant 0 : i32
        %dma_start3A_110 = tpu.memref_slice %arg8[%add3A_101, %dma_start3A] : memref<10240x128xf32, #tpu.memory_space<vmem_shared>> -> memref<40x128xf32, #tpu.memory_space<vmem_shared>>
        %dma_start3A_111 = arith.constant 0 : i32
        %dma_start3A_112 = tpu.memref_slice %arg8[%add3A_101, %dma_start3A_111] : memref<10240x128xf32, #tpu.memory_space<vmem_shared>> -> memref<40x128xf32, #tpu.memory_space<vmem_shared>>
        tpu.enqueue_dma source(%arg13 : memref<40x128xf32, #tpu.memory_space<vmem>>) target(%dma_start3A_112 : memref<40x128xf32, #tpu.memory_space<vmem_shared>>) target_semaphore(%run_scoped3A : memref<!tpu.dma_semaphore, #tpu.memory_space<semaphore_mem>>)
        %dma_wait3A = arith.constant 0 : i32
        %dma_wait3A_113 = tpu.memref_slice %arg8[%add3A_101, %dma_wait3A] : memref<10240x128xf32, #tpu.memory_space<vmem_shared>> -> memref<40x128xf32, #tpu.memory_space<vmem_shared>>
        %dma_wait3A_114 = arith.constant 0 : i32
        %dma_wait3A_115 = tpu.memref_slice %arg8[%add3A_101, %dma_wait3A_114] : memref<10240x128xf32, #tpu.memory_space<vmem_shared>> -> memref<40x128xf32, #tpu.memory_space<vmem_shared>>
        tpu.wait_dma2 semaphore(%run_scoped3A : memref<!tpu.dma_semaphore, #tpu.memory_space<semaphore_mem>>) src(%arg13 : memref<40x128xf32, #tpu.memory_space<vmem>>) dst(%dma_wait3A_115 : memref<40x128xf32, #tpu.memory_space<vmem_shared>>)
        tpu.yield
      }) : () -> ()
      %add3A_102 = arith.constant 480 : i32
      %add3A_103 = arith.addi %multiple_of3A, %add3A_102 : i32
      "tpu.region"() ({
        %run_scoped3A = tpu.sem_alloc : memref<!tpu.dma_semaphore, #tpu.memory_space<semaphore_mem>>
        %dma_start3A = arith.constant 0 : i32
        %dma_start3A_110 = tpu.memref_slice %arg8[%add3A_103, %dma_start3A] : memref<10240x128xf32, #tpu.memory_space<vmem_shared>> -> memref<40x128xf32, #tpu.memory_space<vmem_shared>>
        %dma_start3A_111 = arith.constant 0 : i32
        %dma_start3A_112 = tpu.memref_slice %arg8[%add3A_103, %dma_start3A_111] : memref<10240x128xf32, #tpu.memory_space<vmem_shared>> -> memref<40x128xf32, #tpu.memory_space<vmem_shared>>
        tpu.enqueue_dma source(%arg13 : memref<40x128xf32, #tpu.memory_space<vmem>>) target(%dma_start3A_112 : memref<40x128xf32, #tpu.memory_space<vmem_shared>>) target_semaphore(%run_scoped3A : memref<!tpu.dma_semaphore, #tpu.memory_space<semaphore_mem>>)
        %dma_wait3A = arith.constant 0 : i32
        %dma_wait3A_113 = tpu.memref_slice %arg8[%add3A_103, %dma_wait3A] : memref<10240x128xf32, #tpu.memory_space<vmem_shared>> -> memref<40x128xf32, #tpu.memory_space<vmem_shared>>
        %dma_wait3A_114 = arith.constant 0 : i32
        %dma_wait3A_115 = tpu.memref_slice %arg8[%add3A_103, %dma_wait3A_114] : memref<10240x128xf32, #tpu.memory_space<vmem_shared>> -> memref<40x128xf32, #tpu.memory_space<vmem_shared>>
        tpu.wait_dma2 semaphore(%run_scoped3A : memref<!tpu.dma_semaphore, #tpu.memory_space<semaphore_mem>>) src(%arg13 : memref<40x128xf32, #tpu.memory_space<vmem>>) dst(%dma_wait3A_115 : memref<40x128xf32, #tpu.memory_space<vmem_shared>>)
        tpu.yield
      }) : () -> ()
      %add3A_104 = arith.constant 520 : i32
      %add3A_105 = arith.addi %multiple_of3A, %add3A_104 : i32
      "tpu.region"() ({
        %run_scoped3A = tpu.sem_alloc : memref<!tpu.dma_semaphore, #tpu.memory_space<semaphore_mem>>
        %dma_start3A = arith.constant 0 : i32
        %dma_start3A_110 = tpu.memref_slice %arg8[%add3A_105, %dma_start3A] : memref<10240x128xf32, #tpu.memory_space<vmem_shared>> -> memref<40x128xf32, #tpu.memory_space<vmem_shared>>
        %dma_start3A_111 = arith.constant 0 : i32
        %dma_start3A_112 = tpu.memref_slice %arg8[%add3A_105, %dma_start3A_111] : memref<10240x128xf32, #tpu.memory_space<vmem_shared>> -> memref<40x128xf32, #tpu.memory_space<vmem_shared>>
        tpu.enqueue_dma source(%arg13 : memref<40x128xf32, #tpu.memory_space<vmem>>) target(%dma_start3A_112 : memref<40x128xf32, #tpu.memory_space<vmem_shared>>) target_semaphore(%run_scoped3A : memref<!tpu.dma_semaphore, #tpu.memory_space<semaphore_mem>>)
        %dma_wait3A = arith.constant 0 : i32
        %dma_wait3A_113 = tpu.memref_slice %arg8[%add3A_105, %dma_wait3A] : memref<10240x128xf32, #tpu.memory_space<vmem_shared>> -> memref<40x128xf32, #tpu.memory_space<vmem_shared>>
        %dma_wait3A_114 = arith.constant 0 : i32
        %dma_wait3A_115 = tpu.memref_slice %arg8[%add3A_105, %dma_wait3A_114] : memref<10240x128xf32, #tpu.memory_space<vmem_shared>> -> memref<40x128xf32, #tpu.memory_space<vmem_shared>>
        tpu.wait_dma2 semaphore(%run_scoped3A : memref<!tpu.dma_semaphore, #tpu.memory_space<semaphore_mem>>) src(%arg13 : memref<40x128xf32, #tpu.memory_space<vmem>>) dst(%dma_wait3A_115 : memref<40x128xf32, #tpu.memory_space<vmem_shared>>)
        tpu.yield
      }) : () -> ()
      %add3A_106 = arith.constant 560 : i32
      %add3A_107 = arith.addi %multiple_of3A, %add3A_106 : i32
      "tpu.region"() ({
        %run_scoped3A = tpu.sem_alloc : memref<!tpu.dma_semaphore, #tpu.memory_space<semaphore_mem>>
        %dma_start3A = arith.constant 0 : i32
        %dma_start3A_110 = tpu.memref_slice %arg8[%add3A_107, %dma_start3A] : memref<10240x128xf32, #tpu.memory_space<vmem_shared>> -> memref<40x128xf32, #tpu.memory_space<vmem_shared>>
        %dma_start3A_111 = arith.constant 0 : i32
        %dma_start3A_112 = tpu.memref_slice %arg8[%add3A_107, %dma_start3A_111] : memref<10240x128xf32, #tpu.memory_space<vmem_shared>> -> memref<40x128xf32, #tpu.memory_space<vmem_shared>>
        tpu.enqueue_dma source(%arg13 : memref<40x128xf32, #tpu.memory_space<vmem>>) target(%dma_start3A_112 : memref<40x128xf32, #tpu.memory_space<vmem_shared>>) target_semaphore(%run_scoped3A : memref<!tpu.dma_semaphore, #tpu.memory_space<semaphore_mem>>)
        %dma_wait3A = arith.constant 0 : i32
        %dma_wait3A_113 = tpu.memref_slice %arg8[%add3A_107, %dma_wait3A] : memref<10240x128xf32, #tpu.memory_space<vmem_shared>> -> memref<40x128xf32, #tpu.memory_space<vmem_shared>>
        %dma_wait3A_114 = arith.constant 0 : i32
        %dma_wait3A_115 = tpu.memref_slice %arg8[%add3A_107, %dma_wait3A_114] : memref<10240x128xf32, #tpu.memory_space<vmem_shared>> -> memref<40x128xf32, #tpu.memory_space<vmem_shared>>
        tpu.wait_dma2 semaphore(%run_scoped3A : memref<!tpu.dma_semaphore, #tpu.memory_space<semaphore_mem>>) src(%arg13 : memref<40x128xf32, #tpu.memory_space<vmem>>) dst(%dma_wait3A_115 : memref<40x128xf32, #tpu.memory_space<vmem_shared>>)
        tpu.yield
      }) : () -> ()
      %add3A_108 = arith.constant 600 : i32
      %add3A_109 = arith.addi %multiple_of3A, %add3A_108 : i32
      "tpu.region"() ({
        %run_scoped3A = tpu.sem_alloc : memref<!tpu.dma_semaphore, #tpu.memory_space<semaphore_mem>>
        %dma_start3A = arith.constant 0 : i32
        %dma_start3A_110 = tpu.memref_slice %arg8[%add3A_109, %dma_start3A] : memref<10240x128xf32, #tpu.memory_space<vmem_shared>> -> memref<40x128xf32, #tpu.memory_space<vmem_shared>>
        %dma_start3A_111 = arith.constant 0 : i32
        %dma_start3A_112 = tpu.memref_slice %arg8[%add3A_109, %dma_start3A_111] : memref<10240x128xf32, #tpu.memory_space<vmem_shared>> -> memref<40x128xf32, #tpu.memory_space<vmem_shared>>
        tpu.enqueue_dma source(%arg13 : memref<40x128xf32, #tpu.memory_space<vmem>>) target(%dma_start3A_112 : memref<40x128xf32, #tpu.memory_space<vmem_shared>>) target_semaphore(%run_scoped3A : memref<!tpu.dma_semaphore, #tpu.memory_space<semaphore_mem>>)
        %dma_wait3A = arith.constant 0 : i32
        %dma_wait3A_113 = tpu.memref_slice %arg8[%add3A_109, %dma_wait3A] : memref<10240x128xf32, #tpu.memory_space<vmem_shared>> -> memref<40x128xf32, #tpu.memory_space<vmem_shared>>
        %dma_wait3A_114 = arith.constant 0 : i32
        %dma_wait3A_115 = tpu.memref_slice %arg8[%add3A_109, %dma_wait3A_114] : memref<10240x128xf32, #tpu.memory_space<vmem_shared>> -> memref<40x128xf32, #tpu.memory_space<vmem_shared>>
        tpu.wait_dma2 semaphore(%run_scoped3A : memref<!tpu.dma_semaphore, #tpu.memory_space<semaphore_mem>>) src(%arg13 : memref<40x128xf32, #tpu.memory_space<vmem>>) dst(%dma_wait3A_115 : memref<40x128xf32, #tpu.memory_space<vmem_shared>>)
        tpu.yield
      }) : () -> ()
    } else {
    }
    %eq3A = arith.constant 15 : i32
    %eq3A_35 = arith.cmpi eq, %arg1, %eq3A : i32
    %convert_element_type3A_36 = arith.extui %eq3A_35 : i1 to i32
    %cond3A_37 = arith.constant 0 : i32
    %cond3A_38 = arith.cmpi ne, %convert_element_type3A_36, %cond3A_37 : i32
    scf.if %cond3A_38 {
      "tpu.region"() ({
        %run_scoped3A = tpu.sem_alloc : memref<!tpu.dma_semaphore, #tpu.memory_space<semaphore_mem>>
        %dma_start3A = arith.constant 9600 : i32
        %dma_start3A_77 = arith.constant 0 : i32
        %dma_start3A_78 = tpu.memref_slice %arg8[%dma_start3A, %dma_start3A_77] : memref<10240x128xf32, #tpu.memory_space<vmem_shared>> -> memref<40x128xf32, #tpu.memory_space<vmem_shared>>
        %dma_start3A_79 = arith.constant 9600 : i32
        %dma_start3A_80 = arith.constant 0 : i32
        %dma_start3A_81 = tpu.memref_slice %arg8[%dma_start3A_79, %dma_start3A_80] : memref<10240x128xf32, #tpu.memory_space<vmem_shared>> -> memref<40x128xf32, #tpu.memory_space<vmem_shared>>
        tpu.enqueue_dma source(%arg13 : memref<40x128xf32, #tpu.memory_space<vmem>>) target(%dma_start3A_81 : memref<40x128xf32, #tpu.memory_space<vmem_shared>>) target_semaphore(%run_scoped3A : memref<!tpu.dma_semaphore, #tpu.memory_space<semaphore_mem>>)
        %dma_wait3A = arith.constant 9600 : i32
        %dma_wait3A_82 = arith.constant 0 : i32
        %dma_wait3A_83 = tpu.memref_slice %arg8[%dma_wait3A, %dma_wait3A_82] : memref<10240x128xf32, #tpu.memory_space<vmem_shared>> -> memref<40x128xf32, #tpu.memory_space<vmem_shared>>
        %dma_wait3A_84 = arith.constant 9600 : i32
        %dma_wait3A_85 = arith.constant 0 : i32
        %dma_wait3A_86 = tpu.memref_slice %arg8[%dma_wait3A_84, %dma_wait3A_85] : memref<10240x128xf32, #tpu.memory_space<vmem_shared>> -> memref<40x128xf32, #tpu.memory_space<vmem_shared>>
        tpu.wait_dma2 semaphore(%run_scoped3A : memref<!tpu.dma_semaphore, #tpu.memory_space<semaphore_mem>>) src(%arg13 : memref<40x128xf32, #tpu.memory_space<vmem>>) dst(%dma_wait3A_86 : memref<40x128xf32, #tpu.memory_space<vmem_shared>>)
        tpu.yield
      }) : () -> ()
      "tpu.region"() ({
        %run_scoped3A = tpu.sem_alloc : memref<!tpu.dma_semaphore, #tpu.memory_space<semaphore_mem>>
        %dma_start3A = arith.constant 9640 : i32
        %dma_start3A_77 = arith.constant 0 : i32
        %dma_start3A_78 = tpu.memref_slice %arg8[%dma_start3A, %dma_start3A_77] : memref<10240x128xf32, #tpu.memory_space<vmem_shared>> -> memref<40x128xf32, #tpu.memory_space<vmem_shared>>
        %dma_start3A_79 = arith.constant 9640 : i32
        %dma_start3A_80 = arith.constant 0 : i32
        %dma_start3A_81 = tpu.memref_slice %arg8[%dma_start3A_79, %dma_start3A_80] : memref<10240x128xf32, #tpu.memory_space<vmem_shared>> -> memref<40x128xf32, #tpu.memory_space<vmem_shared>>
        tpu.enqueue_dma source(%arg13 : memref<40x128xf32, #tpu.memory_space<vmem>>) target(%dma_start3A_81 : memref<40x128xf32, #tpu.memory_space<vmem_shared>>) target_semaphore(%run_scoped3A : memref<!tpu.dma_semaphore, #tpu.memory_space<semaphore_mem>>)
        %dma_wait3A = arith.constant 9640 : i32
        %dma_wait3A_82 = arith.constant 0 : i32
        %dma_wait3A_83 = tpu.memref_slice %arg8[%dma_wait3A, %dma_wait3A_82] : memref<10240x128xf32, #tpu.memory_space<vmem_shared>> -> memref<40x128xf32, #tpu.memory_space<vmem_shared>>
        %dma_wait3A_84 = arith.constant 9640 : i32
        %dma_wait3A_85 = arith.constant 0 : i32
        %dma_wait3A_86 = tpu.memref_slice %arg8[%dma_wait3A_84, %dma_wait3A_85] : memref<10240x128xf32, #tpu.memory_space<vmem_shared>> -> memref<40x128xf32, #tpu.memory_space<vmem_shared>>
        tpu.wait_dma2 semaphore(%run_scoped3A : memref<!tpu.dma_semaphore, #tpu.memory_space<semaphore_mem>>) src(%arg13 : memref<40x128xf32, #tpu.memory_space<vmem>>) dst(%dma_wait3A_86 : memref<40x128xf32, #tpu.memory_space<vmem_shared>>)
        tpu.yield
      }) : () -> ()
      "tpu.region"() ({
        %run_scoped3A = tpu.sem_alloc : memref<!tpu.dma_semaphore, #tpu.memory_space<semaphore_mem>>
        %dma_start3A = arith.constant 9680 : i32
        %dma_start3A_77 = arith.constant 0 : i32
        %dma_start3A_78 = tpu.memref_slice %arg8[%dma_start3A, %dma_start3A_77] : memref<10240x128xf32, #tpu.memory_space<vmem_shared>> -> memref<40x128xf32, #tpu.memory_space<vmem_shared>>
        %dma_start3A_79 = arith.constant 9680 : i32
        %dma_start3A_80 = arith.constant 0 : i32
        %dma_start3A_81 = tpu.memref_slice %arg8[%dma_start3A_79, %dma_start3A_80] : memref<10240x128xf32, #tpu.memory_space<vmem_shared>> -> memref<40x128xf32, #tpu.memory_space<vmem_shared>>
        tpu.enqueue_dma source(%arg13 : memref<40x128xf32, #tpu.memory_space<vmem>>) target(%dma_start3A_81 : memref<40x128xf32, #tpu.memory_space<vmem_shared>>) target_semaphore(%run_scoped3A : memref<!tpu.dma_semaphore, #tpu.memory_space<semaphore_mem>>)
        %dma_wait3A = arith.constant 9680 : i32
        %dma_wait3A_82 = arith.constant 0 : i32
        %dma_wait3A_83 = tpu.memref_slice %arg8[%dma_wait3A, %dma_wait3A_82] : memref<10240x128xf32, #tpu.memory_space<vmem_shared>> -> memref<40x128xf32, #tpu.memory_space<vmem_shared>>
        %dma_wait3A_84 = arith.constant 9680 : i32
        %dma_wait3A_85 = arith.constant 0 : i32
        %dma_wait3A_86 = tpu.memref_slice %arg8[%dma_wait3A_84, %dma_wait3A_85] : memref<10240x128xf32, #tpu.memory_space<vmem_shared>> -> memref<40x128xf32, #tpu.memory_space<vmem_shared>>
        tpu.wait_dma2 semaphore(%run_scoped3A : memref<!tpu.dma_semaphore, #tpu.memory_space<semaphore_mem>>) src(%arg13 : memref<40x128xf32, #tpu.memory_space<vmem>>) dst(%dma_wait3A_86 : memref<40x128xf32, #tpu.memory_space<vmem_shared>>)
        tpu.yield
      }) : () -> ()
      "tpu.region"() ({
        %run_scoped3A = tpu.sem_alloc : memref<!tpu.dma_semaphore, #tpu.memory_space<semaphore_mem>>
        %dma_start3A = arith.constant 9720 : i32
        %dma_start3A_77 = arith.constant 0 : i32
        %dma_start3A_78 = tpu.memref_slice %arg8[%dma_start3A, %dma_start3A_77] : memref<10240x128xf32, #tpu.memory_space<vmem_shared>> -> memref<40x128xf32, #tpu.memory_space<vmem_shared>>
        %dma_start3A_79 = arith.constant 9720 : i32
        %dma_start3A_80 = arith.constant 0 : i32
        %dma_start3A_81 = tpu.memref_slice %arg8[%dma_start3A_79, %dma_start3A_80] : memref<10240x128xf32, #tpu.memory_space<vmem_shared>> -> memref<40x128xf32, #tpu.memory_space<vmem_shared>>
        tpu.enqueue_dma source(%arg13 : memref<40x128xf32, #tpu.memory_space<vmem>>) target(%dma_start3A_81 : memref<40x128xf32, #tpu.memory_space<vmem_shared>>) target_semaphore(%run_scoped3A : memref<!tpu.dma_semaphore, #tpu.memory_space<semaphore_mem>>)
        %dma_wait3A = arith.constant 9720 : i32
        %dma_wait3A_82 = arith.constant 0 : i32
        %dma_wait3A_83 = tpu.memref_slice %arg8[%dma_wait3A, %dma_wait3A_82] : memref<10240x128xf32, #tpu.memory_space<vmem_shared>> -> memref<40x128xf32, #tpu.memory_space<vmem_shared>>
        %dma_wait3A_84 = arith.constant 9720 : i32
        %dma_wait3A_85 = arith.constant 0 : i32
        %dma_wait3A_86 = tpu.memref_slice %arg8[%dma_wait3A_84, %dma_wait3A_85] : memref<10240x128xf32, #tpu.memory_space<vmem_shared>> -> memref<40x128xf32, #tpu.memory_space<vmem_shared>>
        tpu.wait_dma2 semaphore(%run_scoped3A : memref<!tpu.dma_semaphore, #tpu.memory_space<semaphore_mem>>) src(%arg13 : memref<40x128xf32, #tpu.memory_space<vmem>>) dst(%dma_wait3A_86 : memref<40x128xf32, #tpu.memory_space<vmem_shared>>)
        tpu.yield
      }) : () -> ()
      "tpu.region"() ({
        %run_scoped3A = tpu.sem_alloc : memref<!tpu.dma_semaphore, #tpu.memory_space<semaphore_mem>>
        %dma_start3A = arith.constant 9760 : i32
        %dma_start3A_77 = arith.constant 0 : i32
        %dma_start3A_78 = tpu.memref_slice %arg8[%dma_start3A, %dma_start3A_77] : memref<10240x128xf32, #tpu.memory_space<vmem_shared>> -> memref<40x128xf32, #tpu.memory_space<vmem_shared>>
        %dma_start3A_79 = arith.constant 9760 : i32
        %dma_start3A_80 = arith.constant 0 : i32
        %dma_start3A_81 = tpu.memref_slice %arg8[%dma_start3A_79, %dma_start3A_80] : memref<10240x128xf32, #tpu.memory_space<vmem_shared>> -> memref<40x128xf32, #tpu.memory_space<vmem_shared>>
        tpu.enqueue_dma source(%arg13 : memref<40x128xf32, #tpu.memory_space<vmem>>) target(%dma_start3A_81 : memref<40x128xf32, #tpu.memory_space<vmem_shared>>) target_semaphore(%run_scoped3A : memref<!tpu.dma_semaphore, #tpu.memory_space<semaphore_mem>>)
        %dma_wait3A = arith.constant 9760 : i32
        %dma_wait3A_82 = arith.constant 0 : i32
        %dma_wait3A_83 = tpu.memref_slice %arg8[%dma_wait3A, %dma_wait3A_82] : memref<10240x128xf32, #tpu.memory_space<vmem_shared>> -> memref<40x128xf32, #tpu.memory_space<vmem_shared>>
        %dma_wait3A_84 = arith.constant 9760 : i32
        %dma_wait3A_85 = arith.constant 0 : i32
        %dma_wait3A_86 = tpu.memref_slice %arg8[%dma_wait3A_84, %dma_wait3A_85] : memref<10240x128xf32, #tpu.memory_space<vmem_shared>> -> memref<40x128xf32, #tpu.memory_space<vmem_shared>>
        tpu.wait_dma2 semaphore(%run_scoped3A : memref<!tpu.dma_semaphore, #tpu.memory_space<semaphore_mem>>) src(%arg13 : memref<40x128xf32, #tpu.memory_space<vmem>>) dst(%dma_wait3A_86 : memref<40x128xf32, #tpu.memory_space<vmem_shared>>)
        tpu.yield
      }) : () -> ()
      "tpu.region"() ({
        %run_scoped3A = tpu.sem_alloc : memref<!tpu.dma_semaphore, #tpu.memory_space<semaphore_mem>>
        %dma_start3A = arith.constant 9800 : i32
        %dma_start3A_77 = arith.constant 0 : i32
        %dma_start3A_78 = tpu.memref_slice %arg8[%dma_start3A, %dma_start3A_77] : memref<10240x128xf32, #tpu.memory_space<vmem_shared>> -> memref<40x128xf32, #tpu.memory_space<vmem_shared>>
        %dma_start3A_79 = arith.constant 9800 : i32
        %dma_start3A_80 = arith.constant 0 : i32
        %dma_start3A_81 = tpu.memref_slice %arg8[%dma_start3A_79, %dma_start3A_80] : memref<10240x128xf32, #tpu.memory_space<vmem_shared>> -> memref<40x128xf32, #tpu.memory_space<vmem_shared>>
        tpu.enqueue_dma source(%arg13 : memref<40x128xf32, #tpu.memory_space<vmem>>) target(%dma_start3A_81 : memref<40x128xf32, #tpu.memory_space<vmem_shared>>) target_semaphore(%run_scoped3A : memref<!tpu.dma_semaphore, #tpu.memory_space<semaphore_mem>>)
        %dma_wait3A = arith.constant 9800 : i32
        %dma_wait3A_82 = arith.constant 0 : i32
        %dma_wait3A_83 = tpu.memref_slice %arg8[%dma_wait3A, %dma_wait3A_82] : memref<10240x128xf32, #tpu.memory_space<vmem_shared>> -> memref<40x128xf32, #tpu.memory_space<vmem_shared>>
        %dma_wait3A_84 = arith.constant 9800 : i32
        %dma_wait3A_85 = arith.constant 0 : i32
        %dma_wait3A_86 = tpu.memref_slice %arg8[%dma_wait3A_84, %dma_wait3A_85] : memref<10240x128xf32, #tpu.memory_space<vmem_shared>> -> memref<40x128xf32, #tpu.memory_space<vmem_shared>>
        tpu.wait_dma2 semaphore(%run_scoped3A : memref<!tpu.dma_semaphore, #tpu.memory_space<semaphore_mem>>) src(%arg13 : memref<40x128xf32, #tpu.memory_space<vmem>>) dst(%dma_wait3A_86 : memref<40x128xf32, #tpu.memory_space<vmem_shared>>)
        tpu.yield
      }) : () -> ()
      "tpu.region"() ({
        %run_scoped3A = tpu.sem_alloc : memref<!tpu.dma_semaphore, #tpu.memory_space<semaphore_mem>>
        %dma_start3A = arith.constant 9840 : i32
        %dma_start3A_77 = arith.constant 0 : i32
        %dma_start3A_78 = tpu.memref_slice %arg8[%dma_start3A, %dma_start3A_77] : memref<10240x128xf32, #tpu.memory_space<vmem_shared>> -> memref<40x128xf32, #tpu.memory_space<vmem_shared>>
        %dma_start3A_79 = arith.constant 9840 : i32
        %dma_start3A_80 = arith.constant 0 : i32
        %dma_start3A_81 = tpu.memref_slice %arg8[%dma_start3A_79, %dma_start3A_80] : memref<10240x128xf32, #tpu.memory_space<vmem_shared>> -> memref<40x128xf32, #tpu.memory_space<vmem_shared>>
        tpu.enqueue_dma source(%arg13 : memref<40x128xf32, #tpu.memory_space<vmem>>) target(%dma_start3A_81 : memref<40x128xf32, #tpu.memory_space<vmem_shared>>) target_semaphore(%run_scoped3A : memref<!tpu.dma_semaphore, #tpu.memory_space<semaphore_mem>>)
        %dma_wait3A = arith.constant 9840 : i32
        %dma_wait3A_82 = arith.constant 0 : i32
        %dma_wait3A_83 = tpu.memref_slice %arg8[%dma_wait3A, %dma_wait3A_82] : memref<10240x128xf32, #tpu.memory_space<vmem_shared>> -> memref<40x128xf32, #tpu.memory_space<vmem_shared>>
        %dma_wait3A_84 = arith.constant 9840 : i32
        %dma_wait3A_85 = arith.constant 0 : i32
        %dma_wait3A_86 = tpu.memref_slice %arg8[%dma_wait3A_84, %dma_wait3A_85] : memref<10240x128xf32, #tpu.memory_space<vmem_shared>> -> memref<40x128xf32, #tpu.memory_space<vmem_shared>>
        tpu.wait_dma2 semaphore(%run_scoped3A : memref<!tpu.dma_semaphore, #tpu.memory_space<semaphore_mem>>) src(%arg13 : memref<40x128xf32, #tpu.memory_space<vmem>>) dst(%dma_wait3A_86 : memref<40x128xf32, #tpu.memory_space<vmem_shared>>)
        tpu.yield
      }) : () -> ()
      "tpu.region"() ({
        %run_scoped3A = tpu.sem_alloc : memref<!tpu.dma_semaphore, #tpu.memory_space<semaphore_mem>>
        %dma_start3A = arith.constant 9880 : i32
        %dma_start3A_77 = arith.constant 0 : i32
        %dma_start3A_78 = tpu.memref_slice %arg8[%dma_start3A, %dma_start3A_77] : memref<10240x128xf32, #tpu.memory_space<vmem_shared>> -> memref<40x128xf32, #tpu.memory_space<vmem_shared>>
        %dma_start3A_79 = arith.constant 9880 : i32
        %dma_start3A_80 = arith.constant 0 : i32
        %dma_start3A_81 = tpu.memref_slice %arg8[%dma_start3A_79, %dma_start3A_80] : memref<10240x128xf32, #tpu.memory_space<vmem_shared>> -> memref<40x128xf32, #tpu.memory_space<vmem_shared>>
        tpu.enqueue_dma source(%arg13 : memref<40x128xf32, #tpu.memory_space<vmem>>) target(%dma_start3A_81 : memref<40x128xf32, #tpu.memory_space<vmem_shared>>) target_semaphore(%run_scoped3A : memref<!tpu.dma_semaphore, #tpu.memory_space<semaphore_mem>>)
        %dma_wait3A = arith.constant 9880 : i32
        %dma_wait3A_82 = arith.constant 0 : i32
        %dma_wait3A_83 = tpu.memref_slice %arg8[%dma_wait3A, %dma_wait3A_82] : memref<10240x128xf32, #tpu.memory_space<vmem_shared>> -> memref<40x128xf32, #tpu.memory_space<vmem_shared>>
        %dma_wait3A_84 = arith.constant 9880 : i32
        %dma_wait3A_85 = arith.constant 0 : i32
        %dma_wait3A_86 = tpu.memref_slice %arg8[%dma_wait3A_84, %dma_wait3A_85] : memref<10240x128xf32, #tpu.memory_space<vmem_shared>> -> memref<40x128xf32, #tpu.memory_space<vmem_shared>>
        tpu.wait_dma2 semaphore(%run_scoped3A : memref<!tpu.dma_semaphore, #tpu.memory_space<semaphore_mem>>) src(%arg13 : memref<40x128xf32, #tpu.memory_space<vmem>>) dst(%dma_wait3A_86 : memref<40x128xf32, #tpu.memory_space<vmem_shared>>)
        tpu.yield
      }) : () -> ()
      "tpu.region"() ({
        %run_scoped3A = tpu.sem_alloc : memref<!tpu.dma_semaphore, #tpu.memory_space<semaphore_mem>>
        %dma_start3A = arith.constant 9920 : i32
        %dma_start3A_77 = arith.constant 0 : i32
        %dma_start3A_78 = tpu.memref_slice %arg8[%dma_start3A, %dma_start3A_77] : memref<10240x128xf32, #tpu.memory_space<vmem_shared>> -> memref<40x128xf32, #tpu.memory_space<vmem_shared>>
        %dma_start3A_79 = arith.constant 9920 : i32
        %dma_start3A_80 = arith.constant 0 : i32
        %dma_start3A_81 = tpu.memref_slice %arg8[%dma_start3A_79, %dma_start3A_80] : memref<10240x128xf32, #tpu.memory_space<vmem_shared>> -> memref<40x128xf32, #tpu.memory_space<vmem_shared>>
        tpu.enqueue_dma source(%arg13 : memref<40x128xf32, #tpu.memory_space<vmem>>) target(%dma_start3A_81 : memref<40x128xf32, #tpu.memory_space<vmem_shared>>) target_semaphore(%run_scoped3A : memref<!tpu.dma_semaphore, #tpu.memory_space<semaphore_mem>>)
        %dma_wait3A = arith.constant 9920 : i32
        %dma_wait3A_82 = arith.constant 0 : i32
        %dma_wait3A_83 = tpu.memref_slice %arg8[%dma_wait3A, %dma_wait3A_82] : memref<10240x128xf32, #tpu.memory_space<vmem_shared>> -> memref<40x128xf32, #tpu.memory_space<vmem_shared>>
        %dma_wait3A_84 = arith.constant 9920 : i32
        %dma_wait3A_85 = arith.constant 0 : i32
        %dma_wait3A_86 = tpu.memref_slice %arg8[%dma_wait3A_84, %dma_wait3A_85] : memref<10240x128xf32, #tpu.memory_space<vmem_shared>> -> memref<40x128xf32, #tpu.memory_space<vmem_shared>>
        tpu.wait_dma2 semaphore(%run_scoped3A : memref<!tpu.dma_semaphore, #tpu.memory_space<semaphore_mem>>) src(%arg13 : memref<40x128xf32, #tpu.memory_space<vmem>>) dst(%dma_wait3A_86 : memref<40x128xf32, #tpu.memory_space<vmem_shared>>)
        tpu.yield
      }) : () -> ()
      "tpu.region"() ({
        %run_scoped3A = tpu.sem_alloc : memref<!tpu.dma_semaphore, #tpu.memory_space<semaphore_mem>>
        %dma_start3A = arith.constant 9960 : i32
        %dma_start3A_77 = arith.constant 0 : i32
        %dma_start3A_78 = tpu.memref_slice %arg8[%dma_start3A, %dma_start3A_77] : memref<10240x128xf32, #tpu.memory_space<vmem_shared>> -> memref<40x128xf32, #tpu.memory_space<vmem_shared>>
        %dma_start3A_79 = arith.constant 9960 : i32
        %dma_start3A_80 = arith.constant 0 : i32
        %dma_start3A_81 = tpu.memref_slice %arg8[%dma_start3A_79, %dma_start3A_80] : memref<10240x128xf32, #tpu.memory_space<vmem_shared>> -> memref<40x128xf32, #tpu.memory_space<vmem_shared>>
        tpu.enqueue_dma source(%arg13 : memref<40x128xf32, #tpu.memory_space<vmem>>) target(%dma_start3A_81 : memref<40x128xf32, #tpu.memory_space<vmem_shared>>) target_semaphore(%run_scoped3A : memref<!tpu.dma_semaphore, #tpu.memory_space<semaphore_mem>>)
        %dma_wait3A = arith.constant 9960 : i32
        %dma_wait3A_82 = arith.constant 0 : i32
        %dma_wait3A_83 = tpu.memref_slice %arg8[%dma_wait3A, %dma_wait3A_82] : memref<10240x128xf32, #tpu.memory_space<vmem_shared>> -> memref<40x128xf32, #tpu.memory_space<vmem_shared>>
        %dma_wait3A_84 = arith.constant 9960 : i32
        %dma_wait3A_85 = arith.constant 0 : i32
        %dma_wait3A_86 = tpu.memref_slice %arg8[%dma_wait3A_84, %dma_wait3A_85] : memref<10240x128xf32, #tpu.memory_space<vmem_shared>> -> memref<40x128xf32, #tpu.memory_space<vmem_shared>>
        tpu.wait_dma2 semaphore(%run_scoped3A : memref<!tpu.dma_semaphore, #tpu.memory_space<semaphore_mem>>) src(%arg13 : memref<40x128xf32, #tpu.memory_space<vmem>>) dst(%dma_wait3A_86 : memref<40x128xf32, #tpu.memory_space<vmem_shared>>)
        tpu.yield
      }) : () -> ()
    } else {
    }
    %scan3A_39 = arith.constant 0 : i32
    %scan3A_40 = arith.constant 0 : i32
    %scan3A_41 = arith.constant 40 : i32
    %scan3A_42 = arith.addi %scan3A_40, %scan3A_41 : i32
    %scan3A_43 = arith.constant 1 : i32
    scf.for %scan3A_77 = %scan3A_40 to %scan3A_42 step %scan3A_43  : i32 {
      %broadcast_in_dim3A_78 = arith.constant 0.000000e+00 : f32
      %broadcast_in_dim3A_79 = vector.broadcast %broadcast_in_dim3A_78 : f32 to vector<16xf32>
      %mul3A_80 = arith.constant 16 : i32
      %mul3A_81 = arith.muli %mul3A_80, %scan3A_77 : i32
      %swap3A_82 = arith.index_cast %mul3A_81 : i32 to index
      %swap3A_83 = tpu.vector_load %arg14[%swap3A_82] {strides = array<i32>} : memref<640xf32, #tpu.memory_space<vmem>>, vector<16xf32>,
      %swap3A_84 = vector.shape_cast %swap3A_83 : vector<16xf32> to vector<16xf32>
      %swap3A_85 = vector.shape_cast %broadcast_in_dim3A_79 : vector<16xf32> to vector<16xf32>
      tpu.vector_store %arg14[%swap3A_82], %swap3A_85 {strides = array<i32>} : memref<640xf32, #tpu.memory_space<vmem>>, vector<16xf32>,
    }
    %scan3A_44 = arith.constant 40 : i32
    %lt3A_45 = arith.constant 15 : i32
    %lt3A_46 = arith.cmpi slt, %arg1, %lt3A_45 : i32
    %convert_element_type3A_47 = arith.extui %lt3A_46 : i1 to i32
    %cond3A_48 = arith.constant 0 : i32
    %cond3A_49 = arith.cmpi ne, %convert_element_type3A_47, %cond3A_48 : i32
    scf.if %cond3A_49 {
      %mul3A_77 = arith.constant 640 : i32
      %mul3A_78 = arith.muli %arg1, %mul3A_77 : i32
      %multiple_of3A = tpu.assume_multiple %mul3A_78, 8 : i32
      "tpu.region"() ({
        %run_scoped3A = tpu.sem_alloc : memref<!tpu.dma_semaphore, #tpu.memory_space<semaphore_mem>>
        %dma_start3A = tpu.memref_slice %arg9[%multiple_of3A] : memref<10000xf32, #tpu.memory_space<vmem_shared>> -> memref<640xf32, #tpu.memory_space<vmem_shared>>
        %dma_start3A_79 = tpu.memref_slice %arg9[%multiple_of3A] : memref<10000xf32, #tpu.memory_space<vmem_shared>> -> memref<640xf32, #tpu.memory_space<vmem_shared>>
        tpu.enqueue_dma source(%arg14 : memref<640xf32, #tpu.memory_space<vmem>>) target(%dma_start3A_79 : memref<640xf32, #tpu.memory_space<vmem_shared>>) target_semaphore(%run_scoped3A : memref<!tpu.dma_semaphore, #tpu.memory_space<semaphore_mem>>)
        %dma_wait3A = tpu.memref_slice %arg9[%multiple_of3A] : memref<10000xf32, #tpu.memory_space<vmem_shared>> -> memref<640xf32, #tpu.memory_space<vmem_shared>>
        %dma_wait3A_80 = tpu.memref_slice %arg9[%multiple_of3A] : memref<10000xf32, #tpu.memory_space<vmem_shared>> -> memref<640xf32, #tpu.memory_space<vmem_shared>>
        tpu.wait_dma2 semaphore(%run_scoped3A : memref<!tpu.dma_semaphore, #tpu.memory_space<semaphore_mem>>) src(%arg14 : memref<640xf32, #tpu.memory_space<vmem>>) dst(%dma_wait3A_80 : memref<640xf32, #tpu.memory_space<vmem_shared>>)
        tpu.yield
      }) : () -> ()
    } else {
    }
    %eq3A_50 = arith.constant 15 : i32
    %eq3A_51 = arith.cmpi eq, %arg1, %eq3A_50 : i32
    %convert_element_type3A_52 = arith.extui %eq3A_51 : i1 to i32
    %cond3A_53 = arith.constant 0 : i32
    %cond3A_54 = arith.cmpi ne, %convert_element_type3A_52, %cond3A_53 : i32
    scf.if %cond3A_54 {
      "tpu.region"() ({
        %run_scoped3A = tpu.sem_alloc : memref<!tpu.dma_semaphore, #tpu.memory_space<semaphore_mem>>
        %dma_start3A = arith.constant 0 : i32
        %dma_start3A_77 = tpu.memref_slice %arg14[%dma_start3A] : memref<640xf32, #tpu.memory_space<vmem>> -> memref<400xf32, #tpu.memory_space<vmem>>
        %dma_start3A_78 = arith.constant 9600 : i32
        %dma_start3A_79 = tpu.memref_slice %arg9[%dma_start3A_78] : memref<10000xf32, #tpu.memory_space<vmem_shared>> -> memref<400xf32, #tpu.memory_space<vmem_shared>>
        %dma_start3A_80 = arith.constant 9600 : i32
        %dma_start3A_81 = tpu.memref_slice %arg9[%dma_start3A_80] : memref<10000xf32, #tpu.memory_space<vmem_shared>> -> memref<400xf32, #tpu.memory_space<vmem_shared>>
        %dma_start3A_82 = arith.constant 0 : i32
        %dma_start3A_83 = tpu.memref_slice %arg14[%dma_start3A_82] : memref<640xf32, #tpu.memory_space<vmem>> -> memref<400xf32, #tpu.memory_space<vmem>>
        tpu.enqueue_dma source(%dma_start3A_83 : memref<400xf32, #tpu.memory_space<vmem>>) target(%dma_start3A_81 : memref<400xf32, #tpu.memory_space<vmem_shared>>) target_semaphore(%run_scoped3A : memref<!tpu.dma_semaphore, #tpu.memory_space<semaphore_mem>>)
        %dma_wait3A = arith.constant 0 : i32
        %dma_wait3A_84 = tpu.memref_slice %arg14[%dma_wait3A] : memref<640xf32, #tpu.memory_space<vmem>> -> memref<400xf32, #tpu.memory_space<vmem>>
        %dma_wait3A_85 = arith.constant 9600 : i32
        %dma_wait3A_86 = tpu.memref_slice %arg9[%dma_wait3A_85] : memref<10000xf32, #tpu.memory_space<vmem_shared>> -> memref<400xf32, #tpu.memory_space<vmem_shared>>
        %dma_wait3A_87 = arith.constant 9600 : i32
        %dma_wait3A_88 = tpu.memref_slice %arg9[%dma_wait3A_87] : memref<10000xf32, #tpu.memory_space<vmem_shared>> -> memref<400xf32, #tpu.memory_space<vmem_shared>>
        %dma_wait3A_89 = arith.constant 0 : i32
        %dma_wait3A_90 = tpu.memref_slice %arg14[%dma_wait3A_89] : memref<640xf32, #tpu.memory_space<vmem>> -> memref<400xf32, #tpu.memory_space<vmem>>
        tpu.wait_dma2 semaphore(%run_scoped3A : memref<!tpu.dma_semaphore, #tpu.memory_space<semaphore_mem>>) src(%dma_wait3A_90 : memref<400xf32, #tpu.memory_space<vmem>>) dst(%dma_wait3A_88 : memref<400xf32, #tpu.memory_space<vmem_shared>>)
        tpu.yield
      }) : () -> ()
    } else {
    }
    %barrier3A = arith.constant 0 : index
    tpu.barrier barrier_id(%barrier3A)
    %mul3A = arith.constant 20000 : i32
    %mul3A_55 = arith.muli %arg1, %mul3A : i32
    %eq3A_56 = arith.constant 0 : i32
    %eq3A_57 = arith.cmpi eq, %arg0, %eq3A_56 : i32
    %convert_element_type3A_58 = arith.extui %eq3A_57 : i1 to i32
    %cond3A_59 = arith.constant 0 : i32
    %cond3A_60 = arith.cmpi ne, %convert_element_type3A_58, %cond3A_59 : i32
    scf.if %cond3A_60 {
      %add3A = arith.constant 0 : i32
      %add3A_77 = arith.addi %mul3A_55, %add3A : i32
      %multiple_of3A = tpu.assume_multiple %add3A_77, 8 : i32
      %dma_start3A = arith.constant 0 : i32
      %dma_start3A_78 = arith.constant 0 : i32
      %dma_start3A_79 = tpu.memref_slice %arg10[%dma_start3A, %dma_start3A_78] : memref<4x80xi32, #tpu.memory_space<vmem>> -> memref<1x80xi32, #tpu.memory_space<vmem>>
      %dma_start3A_80 = tpu.memref_squeeze %dma_start3A_79 : memref<1x80xi32, #tpu.memory_space<vmem>> -> memref<80xi32, #tpu.memory_space<vmem>>
      %dma_start3A_81 = tpu.memref_slice %arg2[%multiple_of3A] : memref<320000xi32, #tpu.memory_space<hbm>> -> memref<80xi32, #tpu.memory_space<hbm>>
      %dma_start3A_82 = arith.constant 0 : i32
      %dma_start3A_83 = tpu.memref_slice %arg10[%dma_start3A, %dma_start3A_82] : memref<4x80xi32, #tpu.memory_space<vmem>> -> memref<1x80xi32, #tpu.memory_space<vmem>>
      %dma_start3A_84 = tpu.memref_squeeze %dma_start3A_83 : memref<1x80xi32, #tpu.memory_space<vmem>> -> memref<80xi32, #tpu.memory_space<vmem>>
      %dma_start3A_85 = tpu.memref_slice %arg2[%multiple_of3A] : memref<320000xi32, #tpu.memory_space<hbm>> -> memref<80xi32, #tpu.memory_space<hbm>>
      tpu.enqueue_dma source(%dma_start3A_85 : memref<80xi32, #tpu.memory_space<hbm>>) target(%dma_start3A_84 : memref<80xi32, #tpu.memory_space<vmem>>) target_semaphore(%arg15 : memref<!tpu.dma_semaphore, #tpu.memory_space<semaphore_mem>>)
      %dma_start3A_86 = arith.constant 0 : i32
      %dma_start3A_87 = arith.constant 0 : i32
      %dma_start3A_88 = arith.constant 0 : i32
      %dma_start3A_89 = tpu.memref_slice %arg11[%dma_start3A_86, %dma_start3A_87, %dma_start3A_88] : memref<4x80x128xf32, #tpu.memory_space<vmem>> -> memref<1x80x128xf32, #tpu.memory_space<vmem>>
      %dma_start3A_90 = tpu.memref_squeeze %dma_start3A_89 : memref<1x80x128xf32, #tpu.memory_space<vmem>> -> memref<80x128xf32, #tpu.memory_space<vmem>>
      %dma_start3A_91 = arith.constant 0 : i32
      %dma_start3A_92 = tpu.memref_slice %arg3[%multiple_of3A, %dma_start3A_91] : memref<320000x128xf32, #tpu.memory_space<hbm>> -> memref<80x128xf32, #tpu.memory_space<hbm>>
      %dma_start3A_93 = arith.constant 0 : i32
      %dma_start3A_94 = arith.constant 0 : i32
      %dma_start3A_95 = tpu.memref_slice %arg11[%dma_start3A_86, %dma_start3A_93, %dma_start3A_94] : memref<4x80x128xf32, #tpu.memory_space<vmem>> -> memref<1x80x128xf32, #tpu.memory_space<vmem>>
      %dma_start3A_96 = tpu.memref_squeeze %dma_start3A_95 : memref<1x80x128xf32, #tpu.memory_space<vmem>> -> memref<80x128xf32, #tpu.memory_space<vmem>>
      %dma_start3A_97 = arith.constant 0 : i32
      %dma_start3A_98 = tpu.memref_slice %arg3[%multiple_of3A, %dma_start3A_97] : memref<320000x128xf32, #tpu.memory_space<hbm>> -> memref<80x128xf32, #tpu.memory_space<hbm>>
      tpu.enqueue_dma source(%dma_start3A_98 : memref<80x128xf32, #tpu.memory_space<hbm>>) target(%dma_start3A_96 : memref<80x128xf32, #tpu.memory_space<vmem>>) target_semaphore(%arg16 : memref<!tpu.dma_semaphore, #tpu.memory_space<semaphore_mem>>)
      %add3A_99 = arith.constant 80 : i32
      %add3A_100 = arith.addi %mul3A_55, %add3A_99 : i32
      %multiple_of3A_101 = tpu.assume_multiple %add3A_100, 8 : i32
      %dma_start3A_102 = arith.constant 1 : i32
      %dma_start3A_103 = arith.constant 0 : i32
      %dma_start3A_104 = tpu.memref_slice %arg10[%dma_start3A_102, %dma_start3A_103] : memref<4x80xi32, #tpu.memory_space<vmem>> -> memref<1x80xi32, #tpu.memory_space<vmem>>
      %dma_start3A_105 = tpu.memref_squeeze %dma_start3A_104 : memref<1x80xi32, #tpu.memory_space<vmem>> -> memref<80xi32, #tpu.memory_space<vmem>>
      %dma_start3A_106 = tpu.memref_slice %arg2[%multiple_of3A_101] : memref<320000xi32, #tpu.memory_space<hbm>> -> memref<80xi32, #tpu.memory_space<hbm>>
      %dma_start3A_107 = arith.constant 0 : i32
      %dma_start3A_108 = tpu.memref_slice %arg10[%dma_start3A_102, %dma_start3A_107] : memref<4x80xi32, #tpu.memory_space<vmem>> -> memref<1x80xi32, #tpu.memory_space<vmem>>
      %dma_start3A_109 = tpu.memref_squeeze %dma_start3A_108 : memref<1x80xi32, #tpu.memory_space<vmem>> -> memref<80xi32, #tpu.memory_space<vmem>>
      %dma_start3A_110 = tpu.memref_slice %arg2[%multiple_of3A_101] : memref<320000xi32, #tpu.memory_space<hbm>> -> memref<80xi32, #tpu.memory_space<hbm>>
      tpu.enqueue_dma source(%dma_start3A_110 : memref<80xi32, #tpu.memory_space<hbm>>) target(%dma_start3A_109 : memref<80xi32, #tpu.memory_space<vmem>>) target_semaphore(%arg15 : memref<!tpu.dma_semaphore, #tpu.memory_space<semaphore_mem>>)
      %dma_start3A_111 = arith.constant 1 : i32
      %dma_start3A_112 = arith.constant 0 : i32
      %dma_start3A_113 = arith.constant 0 : i32
      %dma_start3A_114 = tpu.memref_slice %arg11[%dma_start3A_111, %dma_start3A_112, %dma_start3A_113] : memref<4x80x128xf32, #tpu.memory_space<vmem>> -> memref<1x80x128xf32, #tpu.memory_space<vmem>>
      %dma_start3A_115 = tpu.memref_squeeze %dma_start3A_114 : memref<1x80x128xf32, #tpu.memory_space<vmem>> -> memref<80x128xf32, #tpu.memory_space<vmem>>
      %dma_start3A_116 = arith.constant 0 : i32
      %dma_start3A_117 = tpu.memref_slice %arg3[%multiple_of3A_101, %dma_start3A_116] : memref<320000x128xf32, #tpu.memory_space<hbm>> -> memref<80x128xf32, #tpu.memory_space<hbm>>
      %dma_start3A_118 = arith.constant 0 : i32
      %dma_start3A_119 = arith.constant 0 : i32
      %dma_start3A_120 = tpu.memref_slice %arg11[%dma_start3A_111, %dma_start3A_118, %dma_start3A_119] : memref<4x80x128xf32, #tpu.memory_space<vmem>> -> memref<1x80x128xf32, #tpu.memory_space<vmem>>
      %dma_start3A_121 = tpu.memref_squeeze %dma_start3A_120 : memref<1x80x128xf32, #tpu.memory_space<vmem>> -> memref<80x128xf32, #tpu.memory_space<vmem>>
      %dma_start3A_122 = arith.constant 0 : i32
      %dma_start3A_123 = tpu.memref_slice %arg3[%multiple_of3A_101, %dma_start3A_122] : memref<320000x128xf32, #tpu.memory_space<hbm>> -> memref<80x128xf32, #tpu.memory_space<hbm>>
      tpu.enqueue_dma source(%dma_start3A_123 : memref<80x128xf32, #tpu.memory_space<hbm>>) target(%dma_start3A_121 : memref<80x128xf32, #tpu.memory_space<vmem>>) target_semaphore(%arg16 : memref<!tpu.dma_semaphore, #tpu.memory_space<semaphore_mem>>)
      %scan3A_124 = arith.constant 0 : i32
      %scan3A_125 = arith.constant 0 : i32
      %scan3A_126 = arith.constant 62 : i32
      %scan3A_127 = arith.addi %scan3A_125, %scan3A_126 : i32
      %scan3A_128 = arith.constant 1 : i32
      scf.for %scan3A_289 = %scan3A_125 to %scan3A_127 step %scan3A_128  : i32 {
        %mul3A_290 = arith.constant 4 : i32
        %mul3A_291 = arith.muli %scan3A_289, %mul3A_290 : i32
        %add3A_292 = arith.constant 0 : i32
        %add3A_293 = arith.addi %mul3A_291, %add3A_292 : i32
        %dma_wait3A_294 = arith.constant 0 : i32
        %dma_wait3A_295 = arith.constant 0 : i32
        %dma_wait3A_296 = tpu.memref_slice %arg10[%dma_wait3A_294, %dma_wait3A_295] : memref<4x80xi32, #tpu.memory_space<vmem>> -> memref<1x80xi32, #tpu.memory_space<vmem>>
        %dma_wait3A_297 = tpu.memref_squeeze %dma_wait3A_296 : memref<1x80xi32, #tpu.memory_space<vmem>> -> memref<80xi32, #tpu.memory_space<vmem>>
        %dma_wait3A_298 = arith.constant 0 : i32
        %dma_wait3A_299 = tpu.memref_slice %arg2[%dma_wait3A_298] : memref<320000xi32, #tpu.memory_space<hbm>> -> memref<80xi32, #tpu.memory_space<hbm>>
        %dma_wait3A_300 = arith.constant 0 : i32
        %dma_wait3A_301 = tpu.memref_slice %arg10[%dma_wait3A_294, %dma_wait3A_300] : memref<4x80xi32, #tpu.memory_space<vmem>> -> memref<1x80xi32, #tpu.memory_space<vmem>>
        %dma_wait3A_302 = tpu.memref_squeeze %dma_wait3A_301 : memref<1x80xi32, #tpu.memory_space<vmem>> -> memref<80xi32, #tpu.memory_space<vmem>>
        %dma_wait3A_303 = arith.constant 0 : i32
        %dma_wait3A_304 = tpu.memref_slice %arg2[%dma_wait3A_303] : memref<320000xi32, #tpu.memory_space<hbm>> -> memref<80xi32, #tpu.memory_space<hbm>>
        tpu.wait_dma2 semaphore(%arg15 : memref<!tpu.dma_semaphore, #tpu.memory_space<semaphore_mem>>) src(%dma_wait3A_304 : memref<80xi32, #tpu.memory_space<hbm>>) dst(%dma_wait3A_302 : memref<80xi32, #tpu.memory_space<vmem>>)
        %dma_wait3A_305 = arith.constant 0 : i32
        %dma_wait3A_306 = arith.constant 0 : i32
        %dma_wait3A_307 = arith.constant 0 : i32
        %dma_wait3A_308 = tpu.memref_slice %arg11[%dma_wait3A_305, %dma_wait3A_306, %dma_wait3A_307] : memref<4x80x128xf32, #tpu.memory_space<vmem>> -> memref<1x80x128xf32, #tpu.memory_space<vmem>>
        %dma_wait3A_309 = tpu.memref_squeeze %dma_wait3A_308 : memref<1x80x128xf32, #tpu.memory_space<vmem>> -> memref<80x128xf32, #tpu.memory_space<vmem>>
        %dma_wait3A_310 = arith.constant 0 : i32
        %dma_wait3A_311 = arith.constant 0 : i32
        %dma_wait3A_312 = tpu.memref_slice %arg3[%dma_wait3A_310, %dma_wait3A_311] : memref<320000x128xf32, #tpu.memory_space<hbm>> -> memref<80x128xf32, #tpu.memory_space<hbm>>
        %dma_wait3A_313 = arith.constant 0 : i32
        %dma_wait3A_314 = arith.constant 0 : i32
        %dma_wait3A_315 = tpu.memref_slice %arg11[%dma_wait3A_305, %dma_wait3A_313, %dma_wait3A_314] : memref<4x80x128xf32, #tpu.memory_space<vmem>> -> memref<1x80x128xf32, #tpu.memory_space<vmem>>
        %dma_wait3A_316 = tpu.memref_squeeze %dma_wait3A_315 : memref<1x80x128xf32, #tpu.memory_space<vmem>> -> memref<80x128xf32, #tpu.memory_space<vmem>>
        %dma_wait3A_317 = arith.constant 0 : i32
        %dma_wait3A_318 = arith.constant 0 : i32
        %dma_wait3A_319 = tpu.memref_slice %arg3[%dma_wait3A_317, %dma_wait3A_318] : memref<320000x128xf32, #tpu.memory_space<hbm>> -> memref<80x128xf32, #tpu.memory_space<hbm>>
        tpu.wait_dma2 semaphore(%arg16 : memref<!tpu.dma_semaphore, #tpu.memory_space<semaphore_mem>>) src(%dma_wait3A_319 : memref<80x128xf32, #tpu.memory_space<hbm>>) dst(%dma_wait3A_316 : memref<80x128xf32, #tpu.memory_space<vmem>>)
        %ge3A = arith.constant 2 : i32
        %ge3A_320 = arith.cmpi sge, %add3A_293, %ge3A : i32
        %convert_element_type3A_321 = arith.extui %ge3A_320 : i1 to i32
        %cond3A_322 = arith.constant 0 : i32
        %cond3A_323 = arith.cmpi ne, %convert_element_type3A_321, %cond3A_322 : i32
        scf.if %cond3A_323 {
          %dma_wait3A_529 = arith.constant 2 : i32
          %dma_wait3A_530 = arith.constant 2 : i32
          %dma_wait3A_531 = arith.constant 0 : i32
          %dma_wait3A_532 = arith.constant 0 : i32
          %dma_wait3A_533 = tpu.memref_slice %arg11[%dma_wait3A_529, %dma_wait3A_531, %dma_wait3A_532] : memref<4x80x128xf32, #tpu.memory_space<vmem>> -> memref<1x80x128xf32, #tpu.memory_space<vmem>>
          %dma_wait3A_534 = tpu.memref_squeeze %dma_wait3A_533 : memref<1x80x128xf32, #tpu.memory_space<vmem>> -> memref<80x128xf32, #tpu.memory_space<vmem>>
          %dma_wait3A_535 = arith.constant 0 : i32
          %dma_wait3A_536 = tpu.memref_slice %arg10[%dma_wait3A_530, %dma_wait3A_535] : memref<4x80xi32, #tpu.memory_space<vmem>> -> memref<1x80xi32, #tpu.memory_space<vmem>>
          %dma_wait3A_537 = tpu.memref_squeeze %dma_wait3A_536 : memref<1x80xi32, #tpu.memory_space<vmem>> -> memref<80xi32, #tpu.memory_space<vmem>>
          %dma_wait3A_538 = arith.constant 0 : i32
          %dma_wait3A_539 = arith.constant 0 : i32
          %dma_wait3A_540 = tpu.memref_slice %arg8[%dma_wait3A_538, %dma_wait3A_539] : memref<10240x128xf32, #tpu.memory_space<vmem_shared>> -> memref<10240x128xf32, #tpu.memory_space<vmem_shared>>
          tpu.wait_indirect_dma semaphore(%arg17 : memref<!tpu.dma_semaphore, #tpu.memory_space<semaphore_mem>>) src(%dma_wait3A_534 : memref<80x128xf32, #tpu.memory_space<vmem>>) dst(%dma_wait3A_540 : memref<10240x128xf32, #tpu.memory_space<vmem_shared>>)
          %dma_wait3A_541 = arith.constant 2 : i32
          %dma_wait3A_542 = arith.constant 0 : i32
          %dma_wait3A_543 = tpu.memref_slice %arg10[%dma_wait3A_541, %dma_wait3A_542] : memref<4x80xi32, #tpu.memory_space<vmem>> -> memref<1x80xi32, #tpu.memory_space<vmem>>
          %dma_wait3A_544 = tpu.memref_squeeze %dma_wait3A_543 : memref<1x80xi32, #tpu.memory_space<vmem>> -> memref<80xi32, #tpu.memory_space<vmem>>
          %dma_wait3A_545 = arith.constant 0 : i32
          %dma_wait3A_546 = tpu.memref_slice %arg9[%dma_wait3A_545] : memref<10000xf32, #tpu.memory_space<vmem_shared>> -> memref<10000xf32, #tpu.memory_space<vmem_shared>>
          tpu.wait_indirect_dma semaphore(%arg18 : memref<!tpu.dma_semaphore, #tpu.memory_space<semaphore_mem>>) src(%arg12 : memref<80xf32, #tpu.memory_space<vmem>>) dst(%dma_wait3A_546 : memref<10000xf32, #tpu.memory_space<vmem_shared>>)
        } else {
        }
        %add3A_324 = arith.constant 2 : i32
        %add3A_325 = arith.addi %add3A_293, %add3A_324 : i32
        %lt3A_326 = arith.constant 250 : i32
        %lt3A_327 = arith.cmpi slt, %add3A_325, %lt3A_326 : i32
        %convert_element_type3A_328 = arith.extui %lt3A_327 : i1 to i32
        %cond3A_329 = arith.constant 0 : i32
        %cond3A_330 = arith.cmpi ne, %convert_element_type3A_328, %cond3A_329 : i32
        scf.if %cond3A_330 {
          %add3A_529 = arith.constant 2 : i32
          %add3A_530 = arith.addi %add3A_293, %add3A_529 : i32
          %mul3A_531 = arith.constant 80 : i32
          %mul3A_532 = arith.muli %add3A_530, %mul3A_531 : i32
          %add3A_533 = arith.addi %mul3A_55, %mul3A_532 : i32
          %multiple_of3A_534 = tpu.assume_multiple %add3A_533, 8 : i32
          %dma_start3A_535 = arith.constant 2 : i32
          %dma_start3A_536 = arith.constant 0 : i32
          %dma_start3A_537 = tpu.memref_slice %arg10[%dma_start3A_535, %dma_start3A_536] : memref<4x80xi32, #tpu.memory_space<vmem>> -> memref<1x80xi32, #tpu.memory_space<vmem>>
          %dma_start3A_538 = tpu.memref_squeeze %dma_start3A_537 : memref<1x80xi32, #tpu.memory_space<vmem>> -> memref<80xi32, #tpu.memory_space<vmem>>
          %dma_start3A_539 = tpu.memref_slice %arg2[%multiple_of3A_534] : memref<320000xi32, #tpu.memory_space<hbm>> -> memref<80xi32, #tpu.memory_space<hbm>>
          %dma_start3A_540 = arith.constant 0 : i32
          %dma_start3A_541 = tpu.memref_slice %arg10[%dma_start3A_535, %dma_start3A_540] : memref<4x80xi32, #tpu.memory_space<vmem>> -> memref<1x80xi32, #tpu.memory_space<vmem>>
          %dma_start3A_542 = tpu.memref_squeeze %dma_start3A_541 : memref<1x80xi32, #tpu.memory_space<vmem>> -> memref<80xi32, #tpu.memory_space<vmem>>
          %dma_start3A_543 = tpu.memref_slice %arg2[%multiple_of3A_534] : memref<320000xi32, #tpu.memory_space<hbm>> -> memref<80xi32, #tpu.memory_space<hbm>>
          tpu.enqueue_dma source(%dma_start3A_543 : memref<80xi32, #tpu.memory_space<hbm>>) target(%dma_start3A_542 : memref<80xi32, #tpu.memory_space<vmem>>) target_semaphore(%arg15 : memref<!tpu.dma_semaphore, #tpu.memory_space<semaphore_mem>>)
          %dma_start3A_544 = arith.constant 2 : i32
          %dma_start3A_545 = arith.constant 0 : i32
          %dma_start3A_546 = arith.constant 0 : i32
          %dma_start3A_547 = tpu.memref_slice %arg11[%dma_start3A_544, %dma_start3A_545, %dma_start3A_546] : memref<4x80x128xf32, #tpu.memory_space<vmem>> -> memref<1x80x128xf32, #tpu.memory_space<vmem>>
          %dma_start3A_548 = tpu.memref_squeeze %dma_start3A_547 : memref<1x80x128xf32, #tpu.memory_space<vmem>> -> memref<80x128xf32, #tpu.memory_space<vmem>>
          %dma_start3A_549 = arith.constant 0 : i32
          %dma_start3A_550 = tpu.memref_slice %arg3[%multiple_of3A_534, %dma_start3A_549] : memref<320000x128xf32, #tpu.memory_space<hbm>> -> memref<80x128xf32, #tpu.memory_space<hbm>>
          %dma_start3A_551 = arith.constant 0 : i32
          %dma_start3A_552 = arith.constant 0 : i32
          %dma_start3A_553 = tpu.memref_slice %arg11[%dma_start3A_544, %dma_start3A_551, %dma_start3A_552] : memref<4x80x128xf32, #tpu.memory_space<vmem>> -> memref<1x80x128xf32, #tpu.memory_space<vmem>>
          %dma_start3A_554 = tpu.memref_squeeze %dma_start3A_553 : memref<1x80x128xf32, #tpu.memory_space<vmem>> -> memref<80x128xf32, #tpu.memory_space<vmem>>
          %dma_start3A_555 = arith.constant 0 : i32
          %dma_start3A_556 = tpu.memref_slice %arg3[%multiple_of3A_534, %dma_start3A_555] : memref<320000x128xf32, #tpu.memory_space<hbm>> -> memref<80x128xf32, #tpu.memory_space<hbm>>
          tpu.enqueue_dma source(%dma_start3A_556 : memref<80x128xf32, #tpu.memory_space<hbm>>) target(%dma_start3A_554 : memref<80x128xf32, #tpu.memory_space<vmem>>) target_semaphore(%arg16 : memref<!tpu.dma_semaphore, #tpu.memory_space<semaphore_mem>>)
        } else {
        }
        %dma_start3A_331 = arith.constant 0 : i32
        %dma_start3A_332 = arith.constant 0 : i32
        %dma_start3A_333 = arith.constant 0 : i32
        %dma_start3A_334 = arith.constant 0 : i32
        %dma_start3A_335 = tpu.memref_slice %arg11[%dma_start3A_331, %dma_start3A_333, %dma_start3A_334] : memref<4x80x128xf32, #tpu.memory_space<vmem>> -> memref<1x80x128xf32, #tpu.memory_space<vmem>>
        %dma_start3A_336 = tpu.memref_squeeze %dma_start3A_335 : memref<1x80x128xf32, #tpu.memory_space<vmem>> -> memref<80x128xf32, #tpu.memory_space<vmem>>
        %dma_start3A_337 = arith.constant 0 : i32
        %dma_start3A_338 = tpu.memref_slice %arg10[%dma_start3A_332, %dma_start3A_337] : memref<4x80xi32, #tpu.memory_space<vmem>> -> memref<1x80xi32, #tpu.memory_space<vmem>>
        %dma_start3A_339 = tpu.memref_squeeze %dma_start3A_338 : memref<1x80xi32, #tpu.memory_space<vmem>> -> memref<80xi32, #tpu.memory_space<vmem>>
        %dma_start3A_340 = arith.constant 0 : i32
        %dma_start3A_341 = arith.constant 0 : i32
        %dma_start3A_342 = tpu.memref_slice %arg8[%dma_start3A_340, %dma_start3A_341] : memref<10240x128xf32, #tpu.memory_space<vmem_shared>> -> memref<10240x128xf32, #tpu.memory_space<vmem_shared>>
        tpu.enqueue_indirect_dma source(%dma_start3A_336 : memref<80x128xf32, #tpu.memory_space<vmem>>) target(%dma_start3A_342 : memref<10240x128xf32, #tpu.memory_space<vmem_shared>>) offsets(%dma_start3A_339 : memref<80xi32, #tpu.memory_space<vmem>>) semaphore(%arg17 : memref<!tpu.dma_semaphore, #tpu.memory_space<semaphore_mem>>) {add = true}
        %dma_start3A_343 = arith.constant 0 : i32
        %dma_start3A_344 = arith.constant 0 : i32
        %dma_start3A_345 = tpu.memref_slice %arg10[%dma_start3A_343, %dma_start3A_344] : memref<4x80xi32, #tpu.memory_space<vmem>> -> memref<1x80xi32, #tpu.memory_space<vmem>>
        %dma_start3A_346 = tpu.memref_squeeze %dma_start3A_345 : memref<1x80xi32, #tpu.memory_space<vmem>> -> memref<80xi32, #tpu.memory_space<vmem>>
        %dma_start3A_347 = arith.constant 0 : i32
        %dma_start3A_348 = tpu.memref_slice %arg9[%dma_start3A_347] : memref<10000xf32, #tpu.memory_space<vmem_shared>> -> memref<10000xf32, #tpu.memory_space<vmem_shared>>
        tpu.enqueue_indirect_dma source(%arg12 : memref<80xf32, #tpu.memory_space<vmem>>) target(%dma_start3A_348 : memref<10000xf32, #tpu.memory_space<vmem_shared>>) offsets(%dma_start3A_346 : memref<80xi32, #tpu.memory_space<vmem>>) semaphore(%arg18 : memref<!tpu.dma_semaphore, #tpu.memory_space<semaphore_mem>>) {add = true}
        %mul3A_349 = arith.constant 4 : i32
        %mul3A_350 = arith.muli %scan3A_289, %mul3A_349 : i32
        %add3A_351 = arith.constant 1 : i32
        %add3A_352 = arith.addi %mul3A_350, %add3A_351 : i32
        %dma_wait3A_353 = arith.constant 1 : i32
        %dma_wait3A_354 = arith.constant 0 : i32
        %dma_wait3A_355 = tpu.memref_slice %arg10[%dma_wait3A_353, %dma_wait3A_354] : memref<4x80xi32, #tpu.memory_space<vmem>> -> memref<1x80xi32, #tpu.memory_space<vmem>>
        %dma_wait3A_356 = tpu.memref_squeeze %dma_wait3A_355 : memref<1x80xi32, #tpu.memory_space<vmem>> -> memref<80xi32, #tpu.memory_space<vmem>>
        %dma_wait3A_357 = arith.constant 0 : i32
        %dma_wait3A_358 = tpu.memref_slice %arg2[%dma_wait3A_357] : memref<320000xi32, #tpu.memory_space<hbm>> -> memref<80xi32, #tpu.memory_space<hbm>>
        %dma_wait3A_359 = arith.constant 0 : i32
        %dma_wait3A_360 = tpu.memref_slice %arg10[%dma_wait3A_353, %dma_wait3A_359] : memref<4x80xi32, #tpu.memory_space<vmem>> -> memref<1x80xi32, #tpu.memory_space<vmem>>
        %dma_wait3A_361 = tpu.memref_squeeze %dma_wait3A_360 : memref<1x80xi32, #tpu.memory_space<vmem>> -> memref<80xi32, #tpu.memory_space<vmem>>
        %dma_wait3A_362 = arith.constant 0 : i32
        %dma_wait3A_363 = tpu.memref_slice %arg2[%dma_wait3A_362] : memref<320000xi32, #tpu.memory_space<hbm>> -> memref<80xi32, #tpu.memory_space<hbm>>
        tpu.wait_dma2 semaphore(%arg15 : memref<!tpu.dma_semaphore, #tpu.memory_space<semaphore_mem>>) src(%dma_wait3A_363 : memref<80xi32, #tpu.memory_space<hbm>>) dst(%dma_wait3A_361 : memref<80xi32, #tpu.memory_space<vmem>>)
        %dma_wait3A_364 = arith.constant 1 : i32
        %dma_wait3A_365 = arith.constant 0 : i32
        %dma_wait3A_366 = arith.constant 0 : i32
        %dma_wait3A_367 = tpu.memref_slice %arg11[%dma_wait3A_364, %dma_wait3A_365, %dma_wait3A_366] : memref<4x80x128xf32, #tpu.memory_space<vmem>> -> memref<1x80x128xf32, #tpu.memory_space<vmem>>
        %dma_wait3A_368 = tpu.memref_squeeze %dma_wait3A_367 : memref<1x80x128xf32, #tpu.memory_space<vmem>> -> memref<80x128xf32, #tpu.memory_space<vmem>>
        %dma_wait3A_369 = arith.constant 0 : i32
        %dma_wait3A_370 = arith.constant 0 : i32
        %dma_wait3A_371 = tpu.memref_slice %arg3[%dma_wait3A_369, %dma_wait3A_370] : memref<320000x128xf32, #tpu.memory_space<hbm>> -> memref<80x128xf32, #tpu.memory_space<hbm>>
        %dma_wait3A_372 = arith.constant 0 : i32
        %dma_wait3A_373 = arith.constant 0 : i32
        %dma_wait3A_374 = tpu.memref_slice %arg11[%dma_wait3A_364, %dma_wait3A_372, %dma_wait3A_373] : memref<4x80x128xf32, #tpu.memory_space<vmem>> -> memref<1x80x128xf32, #tpu.memory_space<vmem>>
        %dma_wait3A_375 = tpu.memref_squeeze %dma_wait3A_374 : memref<1x80x128xf32, #tpu.memory_space<vmem>> -> memref<80x128xf32, #tpu.memory_space<vmem>>
        %dma_wait3A_376 = arith.constant 0 : i32
        %dma_wait3A_377 = arith.constant 0 : i32
        %dma_wait3A_378 = tpu.memref_slice %arg3[%dma_wait3A_376, %dma_wait3A_377] : memref<320000x128xf32, #tpu.memory_space<hbm>> -> memref<80x128xf32, #tpu.memory_space<hbm>>
        tpu.wait_dma2 semaphore(%arg16 : memref<!tpu.dma_semaphore, #tpu.memory_space<semaphore_mem>>) src(%dma_wait3A_378 : memref<80x128xf32, #tpu.memory_space<hbm>>) dst(%dma_wait3A_375 : memref<80x128xf32, #tpu.memory_space<vmem>>)
        %ge3A_379 = arith.constant 2 : i32
        %ge3A_380 = arith.cmpi sge, %add3A_352, %ge3A_379 : i32
        %convert_element_type3A_381 = arith.extui %ge3A_380 : i1 to i32
        %cond3A_382 = arith.constant 0 : i32
        %cond3A_383 = arith.cmpi ne, %convert_element_type3A_381, %cond3A_382 : i32
        scf.if %cond3A_383 {
          %dma_wait3A_529 = arith.constant 3 : i32
          %dma_wait3A_530 = arith.constant 3 : i32
          %dma_wait3A_531 = arith.constant 0 : i32
          %dma_wait3A_532 = arith.constant 0 : i32
          %dma_wait3A_533 = tpu.memref_slice %arg11[%dma_wait3A_529, %dma_wait3A_531, %dma_wait3A_532] : memref<4x80x128xf32, #tpu.memory_space<vmem>> -> memref<1x80x128xf32, #tpu.memory_space<vmem>>
          %dma_wait3A_534 = tpu.memref_squeeze %dma_wait3A_533 : memref<1x80x128xf32, #tpu.memory_space<vmem>> -> memref<80x128xf32, #tpu.memory_space<vmem>>
          %dma_wait3A_535 = arith.constant 0 : i32
          %dma_wait3A_536 = tpu.memref_slice %arg10[%dma_wait3A_530, %dma_wait3A_535] : memref<4x80xi32, #tpu.memory_space<vmem>> -> memref<1x80xi32, #tpu.memory_space<vmem>>
          %dma_wait3A_537 = tpu.memref_squeeze %dma_wait3A_536 : memref<1x80xi32, #tpu.memory_space<vmem>> -> memref<80xi32, #tpu.memory_space<vmem>>
          %dma_wait3A_538 = arith.constant 0 : i32
          %dma_wait3A_539 = arith.constant 0 : i32
          %dma_wait3A_540 = tpu.memref_slice %arg8[%dma_wait3A_538, %dma_wait3A_539] : memref<10240x128xf32, #tpu.memory_space<vmem_shared>> -> memref<10240x128xf32, #tpu.memory_space<vmem_shared>>
          tpu.wait_indirect_dma semaphore(%arg17 : memref<!tpu.dma_semaphore, #tpu.memory_space<semaphore_mem>>) src(%dma_wait3A_534 : memref<80x128xf32, #tpu.memory_space<vmem>>) dst(%dma_wait3A_540 : memref<10240x128xf32, #tpu.memory_space<vmem_shared>>)
          %dma_wait3A_541 = arith.constant 3 : i32
          %dma_wait3A_542 = arith.constant 0 : i32
          %dma_wait3A_543 = tpu.memref_slice %arg10[%dma_wait3A_541, %dma_wait3A_542] : memref<4x80xi32, #tpu.memory_space<vmem>> -> memref<1x80xi32, #tpu.memory_space<vmem>>
          %dma_wait3A_544 = tpu.memref_squeeze %dma_wait3A_543 : memref<1x80xi32, #tpu.memory_space<vmem>> -> memref<80xi32, #tpu.memory_space<vmem>>
          %dma_wait3A_545 = arith.constant 0 : i32
          %dma_wait3A_546 = tpu.memref_slice %arg9[%dma_wait3A_545] : memref<10000xf32, #tpu.memory_space<vmem_shared>> -> memref<10000xf32, #tpu.memory_space<vmem_shared>>
          tpu.wait_indirect_dma semaphore(%arg18 : memref<!tpu.dma_semaphore, #tpu.memory_space<semaphore_mem>>) src(%arg12 : memref<80xf32, #tpu.memory_space<vmem>>) dst(%dma_wait3A_546 : memref<10000xf32, #tpu.memory_space<vmem_shared>>)
        } else {
        }
        %add3A_384 = arith.constant 2 : i32
        %add3A_385 = arith.addi %add3A_352, %add3A_384 : i32
        %lt3A_386 = arith.constant 250 : i32
        %lt3A_387 = arith.cmpi slt, %add3A_385, %lt3A_386 : i32
        %convert_element_type3A_388 = arith.extui %lt3A_387 : i1 to i32
        %cond3A_389 = arith.constant 0 : i32
        %cond3A_390 = arith.cmpi ne, %convert_element_type3A_388, %cond3A_389 : i32
        scf.if %cond3A_390 {
          %add3A_529 = arith.constant 2 : i32
          %add3A_530 = arith.addi %add3A_352, %add3A_529 : i32
          %mul3A_531 = arith.constant 80 : i32
          %mul3A_532 = arith.muli %add3A_530, %mul3A_531 : i32
          %add3A_533 = arith.addi %mul3A_55, %mul3A_532 : i32
          %multiple_of3A_534 = tpu.assume_multiple %add3A_533, 8 : i32
          %dma_start3A_535 = arith.constant 3 : i32
          %dma_start3A_536 = arith.constant 0 : i32
          %dma_start3A_537 = tpu.memref_slice %arg10[%dma_start3A_535, %dma_start3A_536] : memref<4x80xi32, #tpu.memory_space<vmem>> -> memref<1x80xi32, #tpu.memory_space<vmem>>
          %dma_start3A_538 = tpu.memref_squeeze %dma_start3A_537 : memref<1x80xi32, #tpu.memory_space<vmem>> -> memref<80xi32, #tpu.memory_space<vmem>>
          %dma_start3A_539 = tpu.memref_slice %arg2[%multiple_of3A_534] : memref<320000xi32, #tpu.memory_space<hbm>> -> memref<80xi32, #tpu.memory_space<hbm>>
          %dma_start3A_540 = arith.constant 0 : i32
          %dma_start3A_541 = tpu.memref_slice %arg10[%dma_start3A_535, %dma_start3A_540] : memref<4x80xi32, #tpu.memory_space<vmem>> -> memref<1x80xi32, #tpu.memory_space<vmem>>
          %dma_start3A_542 = tpu.memref_squeeze %dma_start3A_541 : memref<1x80xi32, #tpu.memory_space<vmem>> -> memref<80xi32, #tpu.memory_space<vmem>>
          %dma_start3A_543 = tpu.memref_slice %arg2[%multiple_of3A_534] : memref<320000xi32, #tpu.memory_space<hbm>> -> memref<80xi32, #tpu.memory_space<hbm>>
          tpu.enqueue_dma source(%dma_start3A_543 : memref<80xi32, #tpu.memory_space<hbm>>) target(%dma_start3A_542 : memref<80xi32, #tpu.memory_space<vmem>>) target_semaphore(%arg15 : memref<!tpu.dma_semaphore, #tpu.memory_space<semaphore_mem>>)
          %dma_start3A_544 = arith.constant 3 : i32
          %dma_start3A_545 = arith.constant 0 : i32
          %dma_start3A_546 = arith.constant 0 : i32
          %dma_start3A_547 = tpu.memref_slice %arg11[%dma_start3A_544, %dma_start3A_545, %dma_start3A_546] : memref<4x80x128xf32, #tpu.memory_space<vmem>> -> memref<1x80x128xf32, #tpu.memory_space<vmem>>
          %dma_start3A_548 = tpu.memref_squeeze %dma_start3A_547 : memref<1x80x128xf32, #tpu.memory_space<vmem>> -> memref<80x128xf32, #tpu.memory_space<vmem>>
          %dma_start3A_549 = arith.constant 0 : i32
          %dma_start3A_550 = tpu.memref_slice %arg3[%multiple_of3A_534, %dma_start3A_549] : memref<320000x128xf32, #tpu.memory_space<hbm>> -> memref<80x128xf32, #tpu.memory_space<hbm>>
          %dma_start3A_551 = arith.constant 0 : i32
          %dma_start3A_552 = arith.constant 0 : i32
          %dma_start3A_553 = tpu.memref_slice %arg11[%dma_start3A_544, %dma_start3A_551, %dma_start3A_552] : memref<4x80x128xf32, #tpu.memory_space<vmem>> -> memref<1x80x128xf32, #tpu.memory_space<vmem>>
          %dma_start3A_554 = tpu.memref_squeeze %dma_start3A_553 : memref<1x80x128xf32, #tpu.memory_space<vmem>> -> memref<80x128xf32, #tpu.memory_space<vmem>>
          %dma_start3A_555 = arith.constant 0 : i32
          %dma_start3A_556 = tpu.memref_slice %arg3[%multiple_of3A_534, %dma_start3A_555] : memref<320000x128xf32, #tpu.memory_space<hbm>> -> memref<80x128xf32, #tpu.memory_space<hbm>>
          tpu.enqueue_dma source(%dma_start3A_556 : memref<80x128xf32, #tpu.memory_space<hbm>>) target(%dma_start3A_554 : memref<80x128xf32, #tpu.memory_space<vmem>>) target_semaphore(%arg16 : memref<!tpu.dma_semaphore, #tpu.memory_space<semaphore_mem>>)
        } else {
        }
        %dma_start3A_391 = arith.constant 1 : i32
        %dma_start3A_392 = arith.constant 1 : i32
        %dma_start3A_393 = arith.constant 0 : i32
        %dma_start3A_394 = arith.constant 0 : i32
        %dma_start3A_395 = tpu.memref_slice %arg11[%dma_start3A_391, %dma_start3A_393, %dma_start3A_394] : memref<4x80x128xf32, #tpu.memory_space<vmem>> -> memref<1x80x128xf32, #tpu.memory_space<vmem>>
        %dma_start3A_396 = tpu.memref_squeeze %dma_start3A_395 : memref<1x80x128xf32, #tpu.memory_space<vmem>> -> memref<80x128xf32, #tpu.memory_space<vmem>>
        %dma_start3A_397 = arith.constant 0 : i32
        %dma_start3A_398 = tpu.memref_slice %arg10[%dma_start3A_392, %dma_start3A_397] : memref<4x80xi32, #tpu.memory_space<vmem>> -> memref<1x80xi32, #tpu.memory_space<vmem>>
        %dma_start3A_399 = tpu.memref_squeeze %dma_start3A_398 : memref<1x80xi32, #tpu.memory_space<vmem>> -> memref<80xi32, #tpu.memory_space<vmem>>
        %dma_start3A_400 = arith.constant 0 : i32
        %dma_start3A_401 = arith.constant 0 : i32
        %dma_start3A_402 = tpu.memref_slice %arg8[%dma_start3A_400, %dma_start3A_401] : memref<10240x128xf32, #tpu.memory_space<vmem_shared>> -> memref<10240x128xf32, #tpu.memory_space<vmem_shared>>
        tpu.enqueue_indirect_dma source(%dma_start3A_396 : memref<80x128xf32, #tpu.memory_space<vmem>>) target(%dma_start3A_402 : memref<10240x128xf32, #tpu.memory_space<vmem_shared>>) offsets(%dma_start3A_399 : memref<80xi32, #tpu.memory_space<vmem>>) semaphore(%arg17 : memref<!tpu.dma_semaphore, #tpu.memory_space<semaphore_mem>>) {add = true}
        %dma_start3A_403 = arith.constant 1 : i32
        %dma_start3A_404 = arith.constant 0 : i32
        %dma_start3A_405 = tpu.memref_slice %arg10[%dma_start3A_403, %dma_start3A_404] : memref<4x80xi32, #tpu.memory_space<vmem>> -> memref<1x80xi32, #tpu.memory_space<vmem>>
        %dma_start3A_406 = tpu.memref_squeeze %dma_start3A_405 : memref<1x80xi32, #tpu.memory_space<vmem>> -> memref<80xi32, #tpu.memory_space<vmem>>
        %dma_start3A_407 = arith.constant 0 : i32
        %dma_start3A_408 = tpu.memref_slice %arg9[%dma_start3A_407] : memref<10000xf32, #tpu.memory_space<vmem_shared>> -> memref<10000xf32, #tpu.memory_space<vmem_shared>>
        tpu.enqueue_indirect_dma source(%arg12 : memref<80xf32, #tpu.memory_space<vmem>>) target(%dma_start3A_408 : memref<10000xf32, #tpu.memory_space<vmem_shared>>) offsets(%dma_start3A_406 : memref<80xi32, #tpu.memory_space<vmem>>) semaphore(%arg18 : memref<!tpu.dma_semaphore, #tpu.memory_space<semaphore_mem>>) {add = true}
        %mul3A_409 = arith.constant 4 : i32
        %mul3A_410 = arith.muli %scan3A_289, %mul3A_409 : i32
        %add3A_411 = arith.constant 2 : i32
        %add3A_412 = arith.addi %mul3A_410, %add3A_411 : i32
        %dma_wait3A_413 = arith.constant 2 : i32
        %dma_wait3A_414 = arith.constant 0 : i32
        %dma_wait3A_415 = tpu.memref_slice %arg10[%dma_wait3A_413, %dma_wait3A_414] : memref<4x80xi32, #tpu.memory_space<vmem>> -> memref<1x80xi32, #tpu.memory_space<vmem>>
        %dma_wait3A_416 = tpu.memref_squeeze %dma_wait3A_415 : memref<1x80xi32, #tpu.memory_space<vmem>> -> memref<80xi32, #tpu.memory_space<vmem>>
        %dma_wait3A_417 = arith.constant 0 : i32
        %dma_wait3A_418 = tpu.memref_slice %arg2[%dma_wait3A_417] : memref<320000xi32, #tpu.memory_space<hbm>> -> memref<80xi32, #tpu.memory_space<hbm>>
        %dma_wait3A_419 = arith.constant 0 : i32
        %dma_wait3A_420 = tpu.memref_slice %arg10[%dma_wait3A_413, %dma_wait3A_419] : memref<4x80xi32, #tpu.memory_space<vmem>> -> memref<1x80xi32, #tpu.memory_space<vmem>>
        %dma_wait3A_421 = tpu.memref_squeeze %dma_wait3A_420 : memref<1x80xi32, #tpu.memory_space<vmem>> -> memref<80xi32, #tpu.memory_space<vmem>>
        %dma_wait3A_422 = arith.constant 0 : i32
        %dma_wait3A_423 = tpu.memref_slice %arg2[%dma_wait3A_422] : memref<320000xi32, #tpu.memory_space<hbm>> -> memref<80xi32, #tpu.memory_space<hbm>>
        tpu.wait_dma2 semaphore(%arg15 : memref<!tpu.dma_semaphore, #tpu.memory_space<semaphore_mem>>) src(%dma_wait3A_423 : memref<80xi32, #tpu.memory_space<hbm>>) dst(%dma_wait3A_421 : memref<80xi32, #tpu.memory_space<vmem>>)
        %dma_wait3A_424 = arith.constant 2 : i32
        %dma_wait3A_425 = arith.constant 0 : i32
        %dma_wait3A_426 = arith.constant 0 : i32
        %dma_wait3A_427 = tpu.memref_slice %arg11[%dma_wait3A_424, %dma_wait3A_425, %dma_wait3A_426] : memref<4x80x128xf32, #tpu.memory_space<vmem>> -> memref<1x80x128xf32, #tpu.memory_space<vmem>>
        %dma_wait3A_428 = tpu.memref_squeeze %dma_wait3A_427 : memref<1x80x128xf32, #tpu.memory_space<vmem>> -> memref<80x128xf32, #tpu.memory_space<vmem>>
        %dma_wait3A_429 = arith.constant 0 : i32
        %dma_wait3A_430 = arith.constant 0 : i32
        %dma_wait3A_431 = tpu.memref_slice %arg3[%dma_wait3A_429, %dma_wait3A_430] : memref<320000x128xf32, #tpu.memory_space<hbm>> -> memref<80x128xf32, #tpu.memory_space<hbm>>
        %dma_wait3A_432 = arith.constant 0 : i32
        %dma_wait3A_433 = arith.constant 0 : i32
        %dma_wait3A_434 = tpu.memref_slice %arg11[%dma_wait3A_424, %dma_wait3A_432, %dma_wait3A_433] : memref<4x80x128xf32, #tpu.memory_space<vmem>> -> memref<1x80x128xf32, #tpu.memory_space<vmem>>
        %dma_wait3A_435 = tpu.memref_squeeze %dma_wait3A_434 : memref<1x80x128xf32, #tpu.memory_space<vmem>> -> memref<80x128xf32, #tpu.memory_space<vmem>>
        %dma_wait3A_436 = arith.constant 0 : i32
        %dma_wait3A_437 = arith.constant 0 : i32
        %dma_wait3A_438 = tpu.memref_slice %arg3[%dma_wait3A_436, %dma_wait3A_437] : memref<320000x128xf32, #tpu.memory_space<hbm>> -> memref<80x128xf32, #tpu.memory_space<hbm>>
        tpu.wait_dma2 semaphore(%arg16 : memref<!tpu.dma_semaphore, #tpu.memory_space<semaphore_mem>>) src(%dma_wait3A_438 : memref<80x128xf32, #tpu.memory_space<hbm>>) dst(%dma_wait3A_435 : memref<80x128xf32, #tpu.memory_space<vmem>>)
        %ge3A_439 = arith.constant 2 : i32
        %ge3A_440 = arith.cmpi sge, %add3A_412, %ge3A_439 : i32
        %convert_element_type3A_441 = arith.extui %ge3A_440 : i1 to i32
        %cond3A_442 = arith.constant 0 : i32
        %cond3A_443 = arith.cmpi ne, %convert_element_type3A_441, %cond3A_442 : i32
        scf.if %cond3A_443 {
          %dma_wait3A_529 = arith.constant 0 : i32
          %dma_wait3A_530 = arith.constant 0 : i32
          %dma_wait3A_531 = arith.constant 0 : i32
          %dma_wait3A_532 = arith.constant 0 : i32
          %dma_wait3A_533 = tpu.memref_slice %arg11[%dma_wait3A_529, %dma_wait3A_531, %dma_wait3A_532] : memref<4x80x128xf32, #tpu.memory_space<vmem>> -> memref<1x80x128xf32, #tpu.memory_space<vmem>>
          %dma_wait3A_534 = tpu.memref_squeeze %dma_wait3A_533 : memref<1x80x128xf32, #tpu.memory_space<vmem>> -> memref<80x128xf32, #tpu.memory_space<vmem>>
          %dma_wait3A_535 = arith.constant 0 : i32
          %dma_wait3A_536 = tpu.memref_slice %arg10[%dma_wait3A_530, %dma_wait3A_535] : memref<4x80xi32, #tpu.memory_space<vmem>> -> memref<1x80xi32, #tpu.memory_space<vmem>>
          %dma_wait3A_537 = tpu.memref_squeeze %dma_wait3A_536 : memref<1x80xi32, #tpu.memory_space<vmem>> -> memref<80xi32, #tpu.memory_space<vmem>>
          %dma_wait3A_538 = arith.constant 0 : i32
          %dma_wait3A_539 = arith.constant 0 : i32
          %dma_wait3A_540 = tpu.memref_slice %arg8[%dma_wait3A_538, %dma_wait3A_539] : memref<10240x128xf32, #tpu.memory_space<vmem_shared>> -> memref<10240x128xf32, #tpu.memory_space<vmem_shared>>
          tpu.wait_indirect_dma semaphore(%arg17 : memref<!tpu.dma_semaphore, #tpu.memory_space<semaphore_mem>>) src(%dma_wait3A_534 : memref<80x128xf32, #tpu.memory_space<vmem>>) dst(%dma_wait3A_540 : memref<10240x128xf32, #tpu.memory_space<vmem_shared>>)
          %dma_wait3A_541 = arith.constant 0 : i32
          %dma_wait3A_542 = arith.constant 0 : i32
          %dma_wait3A_543 = tpu.memref_slice %arg10[%dma_wait3A_541, %dma_wait3A_542] : memref<4x80xi32, #tpu.memory_space<vmem>> -> memref<1x80xi32, #tpu.memory_space<vmem>>
          %dma_wait3A_544 = tpu.memref_squeeze %dma_wait3A_543 : memref<1x80xi32, #tpu.memory_space<vmem>> -> memref<80xi32, #tpu.memory_space<vmem>>
          %dma_wait3A_545 = arith.constant 0 : i32
          %dma_wait3A_546 = tpu.memref_slice %arg9[%dma_wait3A_545] : memref<10000xf32, #tpu.memory_space<vmem_shared>> -> memref<10000xf32, #tpu.memory_space<vmem_shared>>
          tpu.wait_indirect_dma semaphore(%arg18 : memref<!tpu.dma_semaphore, #tpu.memory_space<semaphore_mem>>) src(%arg12 : memref<80xf32, #tpu.memory_space<vmem>>) dst(%dma_wait3A_546 : memref<10000xf32, #tpu.memory_space<vmem_shared>>)
        } else {
        }
        %add3A_444 = arith.constant 2 : i32
        %add3A_445 = arith.addi %add3A_412, %add3A_444 : i32
        %lt3A_446 = arith.constant 250 : i32
        %lt3A_447 = arith.cmpi slt, %add3A_445, %lt3A_446 : i32
        %convert_element_type3A_448 = arith.extui %lt3A_447 : i1 to i32
        %cond3A_449 = arith.constant 0 : i32
        %cond3A_450 = arith.cmpi ne, %convert_element_type3A_448, %cond3A_449 : i32
        scf.if %cond3A_450 {
          %add3A_529 = arith.constant 2 : i32
          %add3A_530 = arith.addi %add3A_412, %add3A_529 : i32
          %mul3A_531 = arith.constant 80 : i32
          %mul3A_532 = arith.muli %add3A_530, %mul3A_531 : i32
          %add3A_533 = arith.addi %mul3A_55, %mul3A_532 : i32
          %multiple_of3A_534 = tpu.assume_multiple %add3A_533, 8 : i32
          %dma_start3A_535 = arith.constant 0 : i32
          %dma_start3A_536 = arith.constant 0 : i32
          %dma_start3A_537 = tpu.memref_slice %arg10[%dma_start3A_535, %dma_start3A_536] : memref<4x80xi32, #tpu.memory_space<vmem>> -> memref<1x80xi32, #tpu.memory_space<vmem>>
          %dma_start3A_538 = tpu.memref_squeeze %dma_start3A_537 : memref<1x80xi32, #tpu.memory_space<vmem>> -> memref<80xi32, #tpu.memory_space<vmem>>
          %dma_start3A_539 = tpu.memref_slice %arg2[%multiple_of3A_534] : memref<320000xi32, #tpu.memory_space<hbm>> -> memref<80xi32, #tpu.memory_space<hbm>>
          %dma_start3A_540 = arith.constant 0 : i32
          %dma_start3A_541 = tpu.memref_slice %arg10[%dma_start3A_535, %dma_start3A_540] : memref<4x80xi32, #tpu.memory_space<vmem>> -> memref<1x80xi32, #tpu.memory_space<vmem>>
          %dma_start3A_542 = tpu.memref_squeeze %dma_start3A_541 : memref<1x80xi32, #tpu.memory_space<vmem>> -> memref<80xi32, #tpu.memory_space<vmem>>
          %dma_start3A_543 = tpu.memref_slice %arg2[%multiple_of3A_534] : memref<320000xi32, #tpu.memory_space<hbm>> -> memref<80xi32, #tpu.memory_space<hbm>>
          tpu.enqueue_dma source(%dma_start3A_543 : memref<80xi32, #tpu.memory_space<hbm>>) target(%dma_start3A_542 : memref<80xi32, #tpu.memory_space<vmem>>) target_semaphore(%arg15 : memref<!tpu.dma_semaphore, #tpu.memory_space<semaphore_mem>>)
          %dma_start3A_544 = arith.constant 0 : i32
          %dma_start3A_545 = arith.constant 0 : i32
          %dma_start3A_546 = arith.constant 0 : i32
          %dma_start3A_547 = tpu.memref_slice %arg11[%dma_start3A_544, %dma_start3A_545, %dma_start3A_546] : memref<4x80x128xf32, #tpu.memory_space<vmem>> -> memref<1x80x128xf32, #tpu.memory_space<vmem>>
          %dma_start3A_548 = tpu.memref_squeeze %dma_start3A_547 : memref<1x80x128xf32, #tpu.memory_space<vmem>> -> memref<80x128xf32, #tpu.memory_space<vmem>>
          %dma_start3A_549 = arith.constant 0 : i32
          %dma_start3A_550 = tpu.memref_slice %arg3[%multiple_of3A_534, %dma_start3A_549] : memref<320000x128xf32, #tpu.memory_space<hbm>> -> memref<80x128xf32, #tpu.memory_space<hbm>>
          %dma_start3A_551 = arith.constant 0 : i32
          %dma_start3A_552 = arith.constant 0 : i32
          %dma_start3A_553 = tpu.memref_slice %arg11[%dma_start3A_544, %dma_start3A_551, %dma_start3A_552] : memref<4x80x128xf32, #tpu.memory_space<vmem>> -> memref<1x80x128xf32, #tpu.memory_space<vmem>>
          %dma_start3A_554 = tpu.memref_squeeze %dma_start3A_553 : memref<1x80x128xf32, #tpu.memory_space<vmem>> -> memref<80x128xf32, #tpu.memory_space<vmem>>
          %dma_start3A_555 = arith.constant 0 : i32
          %dma_start3A_556 = tpu.memref_slice %arg3[%multiple_of3A_534, %dma_start3A_555] : memref<320000x128xf32, #tpu.memory_space<hbm>> -> memref<80x128xf32, #tpu.memory_space<hbm>>
          tpu.enqueue_dma source(%dma_start3A_556 : memref<80x128xf32, #tpu.memory_space<hbm>>) target(%dma_start3A_554 : memref<80x128xf32, #tpu.memory_space<vmem>>) target_semaphore(%arg16 : memref<!tpu.dma_semaphore, #tpu.memory_space<semaphore_mem>>)
        } else {
        }
        %dma_start3A_451 = arith.constant 2 : i32
        %dma_start3A_452 = arith.constant 2 : i32
        %dma_start3A_453 = arith.constant 0 : i32
        %dma_start3A_454 = arith.constant 0 : i32
        %dma_start3A_455 = tpu.memref_slice %arg11[%dma_start3A_451, %dma_start3A_453, %dma_start3A_454] : memref<4x80x128xf32, #tpu.memory_space<vmem>> -> memref<1x80x128xf32, #tpu.memory_space<vmem>>
        %dma_start3A_456 = tpu.memref_squeeze %dma_start3A_455 : memref<1x80x128xf32, #tpu.memory_space<vmem>> -> memref<80x128xf32, #tpu.memory_space<vmem>>
        %dma_start3A_457 = arith.constant 0 : i32
        %dma_start3A_458 = tpu.memref_slice %arg10[%dma_start3A_452, %dma_start3A_457] : memref<4x80xi32, #tpu.memory_space<vmem>> -> memref<1x80xi32, #tpu.memory_space<vmem>>
        %dma_start3A_459 = tpu.memref_squeeze %dma_start3A_458 : memref<1x80xi32, #tpu.memory_space<vmem>> -> memref<80xi32, #tpu.memory_space<vmem>>
        %dma_start3A_460 = arith.constant 0 : i32
        %dma_start3A_461 = arith.constant 0 : i32
        %dma_start3A_462 = tpu.memref_slice %arg8[%dma_start3A_460, %dma_start3A_461] : memref<10240x128xf32, #tpu.memory_space<vmem_shared>> -> memref<10240x128xf32, #tpu.memory_space<vmem_shared>>
        tpu.enqueue_indirect_dma source(%dma_start3A_456 : memref<80x128xf32, #tpu.memory_space<vmem>>) target(%dma_start3A_462 : memref<10240x128xf32, #tpu.memory_space<vmem_shared>>) offsets(%dma_start3A_459 : memref<80xi32, #tpu.memory_space<vmem>>) semaphore(%arg17 : memref<!tpu.dma_semaphore, #tpu.memory_space<semaphore_mem>>) {add = true}
        %dma_start3A_463 = arith.constant 2 : i32
        %dma_start3A_464 = arith.constant 0 : i32
        %dma_start3A_465 = tpu.memref_slice %arg10[%dma_start3A_463, %dma_start3A_464] : memref<4x80xi32, #tpu.memory_space<vmem>> -> memref<1x80xi32, #tpu.memory_space<vmem>>
        %dma_start3A_466 = tpu.memref_squeeze %dma_start3A_465 : memref<1x80xi32, #tpu.memory_space<vmem>> -> memref<80xi32, #tpu.memory_space<vmem>>
        %dma_start3A_467 = arith.constant 0 : i32
        %dma_start3A_468 = tpu.memref_slice %arg9[%dma_start3A_467] : memref<10000xf32, #tpu.memory_space<vmem_shared>> -> memref<10000xf32, #tpu.memory_space<vmem_shared>>
        tpu.enqueue_indirect_dma source(%arg12 : memref<80xf32, #tpu.memory_space<vmem>>) target(%dma_start3A_468 : memref<10000xf32, #tpu.memory_space<vmem_shared>>) offsets(%dma_start3A_466 : memref<80xi32, #tpu.memory_space<vmem>>) semaphore(%arg18 : memref<!tpu.dma_semaphore, #tpu.memory_space<semaphore_mem>>) {add = true}
        %mul3A_469 = arith.constant 4 : i32
        %mul3A_470 = arith.muli %scan3A_289, %mul3A_469 : i32
        %add3A_471 = arith.constant 3 : i32
        %add3A_472 = arith.addi %mul3A_470, %add3A_471 : i32
        %dma_wait3A_473 = arith.constant 3 : i32
        %dma_wait3A_474 = arith.constant 0 : i32
        %dma_wait3A_475 = tpu.memref_slice %arg10[%dma_wait3A_473, %dma_wait3A_474] : memref<4x80xi32, #tpu.memory_space<vmem>> -> memref<1x80xi32, #tpu.memory_space<vmem>>
        %dma_wait3A_476 = tpu.memref_squeeze %dma_wait3A_475 : memref<1x80xi32, #tpu.memory_space<vmem>> -> memref<80xi32, #tpu.memory_space<vmem>>
        %dma_wait3A_477 = arith.constant 0 : i32
        %dma_wait3A_478 = tpu.memref_slice %arg2[%dma_wait3A_477] : memref<320000xi32, #tpu.memory_space<hbm>> -> memref<80xi32, #tpu.memory_space<hbm>>
        %dma_wait3A_479 = arith.constant 0 : i32
        %dma_wait3A_480 = tpu.memref_slice %arg10[%dma_wait3A_473, %dma_wait3A_479] : memref<4x80xi32, #tpu.memory_space<vmem>> -> memref<1x80xi32, #tpu.memory_space<vmem>>
        %dma_wait3A_481 = tpu.memref_squeeze %dma_wait3A_480 : memref<1x80xi32, #tpu.memory_space<vmem>> -> memref<80xi32, #tpu.memory_space<vmem>>
        %dma_wait3A_482 = arith.constant 0 : i32
        %dma_wait3A_483 = tpu.memref_slice %arg2[%dma_wait3A_482] : memref<320000xi32, #tpu.memory_space<hbm>> -> memref<80xi32, #tpu.memory_space<hbm>>
        tpu.wait_dma2 semaphore(%arg15 : memref<!tpu.dma_semaphore, #tpu.memory_space<semaphore_mem>>) src(%dma_wait3A_483 : memref<80xi32, #tpu.memory_space<hbm>>) dst(%dma_wait3A_481 : memref<80xi32, #tpu.memory_space<vmem>>)
        %dma_wait3A_484 = arith.constant 3 : i32
        %dma_wait3A_485 = arith.constant 0 : i32
        %dma_wait3A_486 = arith.constant 0 : i32
        %dma_wait3A_487 = tpu.memref_slice %arg11[%dma_wait3A_484, %dma_wait3A_485, %dma_wait3A_486] : memref<4x80x128xf32, #tpu.memory_space<vmem>> -> memref<1x80x128xf32, #tpu.memory_space<vmem>>
        %dma_wait3A_488 = tpu.memref_squeeze %dma_wait3A_487 : memref<1x80x128xf32, #tpu.memory_space<vmem>> -> memref<80x128xf32, #tpu.memory_space<vmem>>
        %dma_wait3A_489 = arith.constant 0 : i32
        %dma_wait3A_490 = arith.constant 0 : i32
        %dma_wait3A_491 = tpu.memref_slice %arg3[%dma_wait3A_489, %dma_wait3A_490] : memref<320000x128xf32, #tpu.memory_space<hbm>> -> memref<80x128xf32, #tpu.memory_space<hbm>>
        %dma_wait3A_492 = arith.constant 0 : i32
        %dma_wait3A_493 = arith.constant 0 : i32
        %dma_wait3A_494 = tpu.memref_slice %arg11[%dma_wait3A_484, %dma_wait3A_492, %dma_wait3A_493] : memref<4x80x128xf32, #tpu.memory_space<vmem>> -> memref<1x80x128xf32, #tpu.memory_space<vmem>>
        %dma_wait3A_495 = tpu.memref_squeeze %dma_wait3A_494 : memref<1x80x128xf32, #tpu.memory_space<vmem>> -> memref<80x128xf32, #tpu.memory_space<vmem>>
        %dma_wait3A_496 = arith.constant 0 : i32
        %dma_wait3A_497 = arith.constant 0 : i32
        %dma_wait3A_498 = tpu.memref_slice %arg3[%dma_wait3A_496, %dma_wait3A_497] : memref<320000x128xf32, #tpu.memory_space<hbm>> -> memref<80x128xf32, #tpu.memory_space<hbm>>
        tpu.wait_dma2 semaphore(%arg16 : memref<!tpu.dma_semaphore, #tpu.memory_space<semaphore_mem>>) src(%dma_wait3A_498 : memref<80x128xf32, #tpu.memory_space<hbm>>) dst(%dma_wait3A_495 : memref<80x128xf32, #tpu.memory_space<vmem>>)
        %ge3A_499 = arith.constant 2 : i32
        %ge3A_500 = arith.cmpi sge, %add3A_472, %ge3A_499 : i32
        %convert_element_type3A_501 = arith.extui %ge3A_500 : i1 to i32
        %cond3A_502 = arith.constant 0 : i32
        %cond3A_503 = arith.cmpi ne, %convert_element_type3A_501, %cond3A_502 : i32
        scf.if %cond3A_503 {
          %dma_wait3A_529 = arith.constant 1 : i32
          %dma_wait3A_530 = arith.constant 1 : i32
          %dma_wait3A_531 = arith.constant 0 : i32
          %dma_wait3A_532 = arith.constant 0 : i32
          %dma_wait3A_533 = tpu.memref_slice %arg11[%dma_wait3A_529, %dma_wait3A_531, %dma_wait3A_532] : memref<4x80x128xf32, #tpu.memory_space<vmem>> -> memref<1x80x128xf32, #tpu.memory_space<vmem>>
          %dma_wait3A_534 = tpu.memref_squeeze %dma_wait3A_533 : memref<1x80x128xf32, #tpu.memory_space<vmem>> -> memref<80x128xf32, #tpu.memory_space<vmem>>
          %dma_wait3A_535 = arith.constant 0 : i32
          %dma_wait3A_536 = tpu.memref_slice %arg10[%dma_wait3A_530, %dma_wait3A_535] : memref<4x80xi32, #tpu.memory_space<vmem>> -> memref<1x80xi32, #tpu.memory_space<vmem>>
          %dma_wait3A_537 = tpu.memref_squeeze %dma_wait3A_536 : memref<1x80xi32, #tpu.memory_space<vmem>> -> memref<80xi32, #tpu.memory_space<vmem>>
          %dma_wait3A_538 = arith.constant 0 : i32
          %dma_wait3A_539 = arith.constant 0 : i32
          %dma_wait3A_540 = tpu.memref_slice %arg8[%dma_wait3A_538, %dma_wait3A_539] : memref<10240x128xf32, #tpu.memory_space<vmem_shared>> -> memref<10240x128xf32, #tpu.memory_space<vmem_shared>>
          tpu.wait_indirect_dma semaphore(%arg17 : memref<!tpu.dma_semaphore, #tpu.memory_space<semaphore_mem>>) src(%dma_wait3A_534 : memref<80x128xf32, #tpu.memory_space<vmem>>) dst(%dma_wait3A_540 : memref<10240x128xf32, #tpu.memory_space<vmem_shared>>)
          %dma_wait3A_541 = arith.constant 1 : i32
          %dma_wait3A_542 = arith.constant 0 : i32
          %dma_wait3A_543 = tpu.memref_slice %arg10[%dma_wait3A_541, %dma_wait3A_542] : memref<4x80xi32, #tpu.memory_space<vmem>> -> memref<1x80xi32, #tpu.memory_space<vmem>>
          %dma_wait3A_544 = tpu.memref_squeeze %dma_wait3A_543 : memref<1x80xi32, #tpu.memory_space<vmem>> -> memref<80xi32, #tpu.memory_space<vmem>>
          %dma_wait3A_545 = arith.constant 0 : i32
          %dma_wait3A_546 = tpu.memref_slice %arg9[%dma_wait3A_545] : memref<10000xf32, #tpu.memory_space<vmem_shared>> -> memref<10000xf32, #tpu.memory_space<vmem_shared>>
          tpu.wait_indirect_dma semaphore(%arg18 : memref<!tpu.dma_semaphore, #tpu.memory_space<semaphore_mem>>) src(%arg12 : memref<80xf32, #tpu.memory_space<vmem>>) dst(%dma_wait3A_546 : memref<10000xf32, #tpu.memory_space<vmem_shared>>)
        } else {
        }
        %add3A_504 = arith.constant 2 : i32
        %add3A_505 = arith.addi %add3A_472, %add3A_504 : i32
        %lt3A_506 = arith.constant 250 : i32
        %lt3A_507 = arith.cmpi slt, %add3A_505, %lt3A_506 : i32
        %convert_element_type3A_508 = arith.extui %lt3A_507 : i1 to i32
        %cond3A_509 = arith.constant 0 : i32
        %cond3A_510 = arith.cmpi ne, %convert_element_type3A_508, %cond3A_509 : i32
        scf.if %cond3A_510 {
          %add3A_529 = arith.constant 2 : i32
          %add3A_530 = arith.addi %add3A_472, %add3A_529 : i32
          %mul3A_531 = arith.constant 80 : i32
          %mul3A_532 = arith.muli %add3A_530, %mul3A_531 : i32
          %add3A_533 = arith.addi %mul3A_55, %mul3A_532 : i32
          %multiple_of3A_534 = tpu.assume_multiple %add3A_533, 8 : i32
          %dma_start3A_535 = arith.constant 1 : i32
          %dma_start3A_536 = arith.constant 0 : i32
          %dma_start3A_537 = tpu.memref_slice %arg10[%dma_start3A_535, %dma_start3A_536] : memref<4x80xi32, #tpu.memory_space<vmem>> -> memref<1x80xi32, #tpu.memory_space<vmem>>
          %dma_start3A_538 = tpu.memref_squeeze %dma_start3A_537 : memref<1x80xi32, #tpu.memory_space<vmem>> -> memref<80xi32, #tpu.memory_space<vmem>>
          %dma_start3A_539 = tpu.memref_slice %arg2[%multiple_of3A_534] : memref<320000xi32, #tpu.memory_space<hbm>> -> memref<80xi32, #tpu.memory_space<hbm>>
          %dma_start3A_540 = arith.constant 0 : i32
          %dma_start3A_541 = tpu.memref_slice %arg10[%dma_start3A_535, %dma_start3A_540] : memref<4x80xi32, #tpu.memory_space<vmem>> -> memref<1x80xi32, #tpu.memory_space<vmem>>
          %dma_start3A_542 = tpu.memref_squeeze %dma_start3A_541 : memref<1x80xi32, #tpu.memory_space<vmem>> -> memref<80xi32, #tpu.memory_space<vmem>>
          %dma_start3A_543 = tpu.memref_slice %arg2[%multiple_of3A_534] : memref<320000xi32, #tpu.memory_space<hbm>> -> memref<80xi32, #tpu.memory_space<hbm>>
          tpu.enqueue_dma source(%dma_start3A_543 : memref<80xi32, #tpu.memory_space<hbm>>) target(%dma_start3A_542 : memref<80xi32, #tpu.memory_space<vmem>>) target_semaphore(%arg15 : memref<!tpu.dma_semaphore, #tpu.memory_space<semaphore_mem>>)
          %dma_start3A_544 = arith.constant 1 : i32
          %dma_start3A_545 = arith.constant 0 : i32
          %dma_start3A_546 = arith.constant 0 : i32
          %dma_start3A_547 = tpu.memref_slice %arg11[%dma_start3A_544, %dma_start3A_545, %dma_start3A_546] : memref<4x80x128xf32, #tpu.memory_space<vmem>> -> memref<1x80x128xf32, #tpu.memory_space<vmem>>
          %dma_start3A_548 = tpu.memref_squeeze %dma_start3A_547 : memref<1x80x128xf32, #tpu.memory_space<vmem>> -> memref<80x128xf32, #tpu.memory_space<vmem>>
          %dma_start3A_549 = arith.constant 0 : i32
          %dma_start3A_550 = tpu.memref_slice %arg3[%multiple_of3A_534, %dma_start3A_549] : memref<320000x128xf32, #tpu.memory_space<hbm>> -> memref<80x128xf32, #tpu.memory_space<hbm>>
          %dma_start3A_551 = arith.constant 0 : i32
          %dma_start3A_552 = arith.constant 0 : i32
          %dma_start3A_553 = tpu.memref_slice %arg11[%dma_start3A_544, %dma_start3A_551, %dma_start3A_552] : memref<4x80x128xf32, #tpu.memory_space<vmem>> -> memref<1x80x128xf32, #tpu.memory_space<vmem>>
          %dma_start3A_554 = tpu.memref_squeeze %dma_start3A_553 : memref<1x80x128xf32, #tpu.memory_space<vmem>> -> memref<80x128xf32, #tpu.memory_space<vmem>>
          %dma_start3A_555 = arith.constant 0 : i32
          %dma_start3A_556 = tpu.memref_slice %arg3[%multiple_of3A_534, %dma_start3A_555] : memref<320000x128xf32, #tpu.memory_space<hbm>> -> memref<80x128xf32, #tpu.memory_space<hbm>>
          tpu.enqueue_dma source(%dma_start3A_556 : memref<80x128xf32, #tpu.memory_space<hbm>>) target(%dma_start3A_554 : memref<80x128xf32, #tpu.memory_space<vmem>>) target_semaphore(%arg16 : memref<!tpu.dma_semaphore, #tpu.memory_space<semaphore_mem>>)
        } else {
        }
        %dma_start3A_511 = arith.constant 3 : i32
        %dma_start3A_512 = arith.constant 3 : i32
        %dma_start3A_513 = arith.constant 0 : i32
        %dma_start3A_514 = arith.constant 0 : i32
        %dma_start3A_515 = tpu.memref_slice %arg11[%dma_start3A_511, %dma_start3A_513, %dma_start3A_514] : memref<4x80x128xf32, #tpu.memory_space<vmem>> -> memref<1x80x128xf32, #tpu.memory_space<vmem>>
        %dma_start3A_516 = tpu.memref_squeeze %dma_start3A_515 : memref<1x80x128xf32, #tpu.memory_space<vmem>> -> memref<80x128xf32, #tpu.memory_space<vmem>>
        %dma_start3A_517 = arith.constant 0 : i32
        %dma_start3A_518 = tpu.memref_slice %arg10[%dma_start3A_512, %dma_start3A_517] : memref<4x80xi32, #tpu.memory_space<vmem>> -> memref<1x80xi32, #tpu.memory_space<vmem>>
        %dma_start3A_519 = tpu.memref_squeeze %dma_start3A_518 : memref<1x80xi32, #tpu.memory_space<vmem>> -> memref<80xi32, #tpu.memory_space<vmem>>
        %dma_start3A_520 = arith.constant 0 : i32
        %dma_start3A_521 = arith.constant 0 : i32
        %dma_start3A_522 = tpu.memref_slice %arg8[%dma_start3A_520, %dma_start3A_521] : memref<10240x128xf32, #tpu.memory_space<vmem_shared>> -> memref<10240x128xf32, #tpu.memory_space<vmem_shared>>
        tpu.enqueue_indirect_dma source(%dma_start3A_516 : memref<80x128xf32, #tpu.memory_space<vmem>>) target(%dma_start3A_522 : memref<10240x128xf32, #tpu.memory_space<vmem_shared>>) offsets(%dma_start3A_519 : memref<80xi32, #tpu.memory_space<vmem>>) semaphore(%arg17 : memref<!tpu.dma_semaphore, #tpu.memory_space<semaphore_mem>>) {add = true}
        %dma_start3A_523 = arith.constant 3 : i32
        %dma_start3A_524 = arith.constant 0 : i32
        %dma_start3A_525 = tpu.memref_slice %arg10[%dma_start3A_523, %dma_start3A_524] : memref<4x80xi32, #tpu.memory_space<vmem>> -> memref<1x80xi32, #tpu.memory_space<vmem>>
        %dma_start3A_526 = tpu.memref_squeeze %dma_start3A_525 : memref<1x80xi32, #tpu.memory_space<vmem>> -> memref<80xi32, #tpu.memory_space<vmem>>
        %dma_start3A_527 = arith.constant 0 : i32
        %dma_start3A_528 = tpu.memref_slice %arg9[%dma_start3A_527] : memref<10000xf32, #tpu.memory_space<vmem_shared>> -> memref<10000xf32, #tpu.memory_space<vmem_shared>>
        tpu.enqueue_indirect_dma source(%arg12 : memref<80xf32, #tpu.memory_space<vmem>>) target(%dma_start3A_528 : memref<10000xf32, #tpu.memory_space<vmem_shared>>) offsets(%dma_start3A_526 : memref<80xi32, #tpu.memory_space<vmem>>) semaphore(%arg18 : memref<!tpu.dma_semaphore, #tpu.memory_space<semaphore_mem>>) {add = true}
      }
      %scan3A_129 = arith.constant 62 : i32
      %dma_wait3A = arith.constant 0 : i32
      %dma_wait3A_130 = arith.constant 0 : i32
      %dma_wait3A_131 = tpu.memref_slice %arg10[%dma_wait3A, %dma_wait3A_130] : memref<4x80xi32, #tpu.memory_space<vmem>> -> memref<1x80xi32, #tpu.memory_space<vmem>>
      %dma_wait3A_132 = tpu.memref_squeeze %dma_wait3A_131 : memref<1x80xi32, #tpu.memory_space<vmem>> -> memref<80xi32, #tpu.memory_space<vmem>>
      %dma_wait3A_133 = arith.constant 0 : i32
      %dma_wait3A_134 = tpu.memref_slice %arg2[%dma_wait3A_133] : memref<320000xi32, #tpu.memory_space<hbm>> -> memref<80xi32, #tpu.memory_space<hbm>>
      %dma_wait3A_135 = arith.constant 0 : i32
      %dma_wait3A_136 = tpu.memref_slice %arg10[%dma_wait3A, %dma_wait3A_135] : memref<4x80xi32, #tpu.memory_space<vmem>> -> memref<1x80xi32, #tpu.memory_space<vmem>>
      %dma_wait3A_137 = tpu.memref_squeeze %dma_wait3A_136 : memref<1x80xi32, #tpu.memory_space<vmem>> -> memref<80xi32, #tpu.memory_space<vmem>>
      %dma_wait3A_138 = arith.constant 0 : i32
      %dma_wait3A_139 = tpu.memref_slice %arg2[%dma_wait3A_138] : memref<320000xi32, #tpu.memory_space<hbm>> -> memref<80xi32, #tpu.memory_space<hbm>>
      tpu.wait_dma2 semaphore(%arg15 : memref<!tpu.dma_semaphore, #tpu.memory_space<semaphore_mem>>) src(%dma_wait3A_139 : memref<80xi32, #tpu.memory_space<hbm>>) dst(%dma_wait3A_137 : memref<80xi32, #tpu.memory_space<vmem>>)
      %dma_wait3A_140 = arith.constant 0 : i32
      %dma_wait3A_141 = arith.constant 0 : i32
      %dma_wait3A_142 = arith.constant 0 : i32
      %dma_wait3A_143 = tpu.memref_slice %arg11[%dma_wait3A_140, %dma_wait3A_141, %dma_wait3A_142] : memref<4x80x128xf32, #tpu.memory_space<vmem>> -> memref<1x80x128xf32, #tpu.memory_space<vmem>>
      %dma_wait3A_144 = tpu.memref_squeeze %dma_wait3A_143 : memref<1x80x128xf32, #tpu.memory_space<vmem>> -> memref<80x128xf32, #tpu.memory_space<vmem>>
      %dma_wait3A_145 = arith.constant 0 : i32
      %dma_wait3A_146 = arith.constant 0 : i32
      %dma_wait3A_147 = tpu.memref_slice %arg3[%dma_wait3A_145, %dma_wait3A_146] : memref<320000x128xf32, #tpu.memory_space<hbm>> -> memref<80x128xf32, #tpu.memory_space<hbm>>
      %dma_wait3A_148 = arith.constant 0 : i32
      %dma_wait3A_149 = arith.constant 0 : i32
      %dma_wait3A_150 = tpu.memref_slice %arg11[%dma_wait3A_140, %dma_wait3A_148, %dma_wait3A_149] : memref<4x80x128xf32, #tpu.memory_space<vmem>> -> memref<1x80x128xf32, #tpu.memory_space<vmem>>
      %dma_wait3A_151 = tpu.memref_squeeze %dma_wait3A_150 : memref<1x80x128xf32, #tpu.memory_space<vmem>> -> memref<80x128xf32, #tpu.memory_space<vmem>>
      %dma_wait3A_152 = arith.constant 0 : i32
      %dma_wait3A_153 = arith.constant 0 : i32
      %dma_wait3A_154 = tpu.memref_slice %arg3[%dma_wait3A_152, %dma_wait3A_153] : memref<320000x128xf32, #tpu.memory_space<hbm>> -> memref<80x128xf32, #tpu.memory_space<hbm>>
      tpu.wait_dma2 semaphore(%arg16 : memref<!tpu.dma_semaphore, #tpu.memory_space<semaphore_mem>>) src(%dma_wait3A_154 : memref<80x128xf32, #tpu.memory_space<hbm>>) dst(%dma_wait3A_151 : memref<80x128xf32, #tpu.memory_space<vmem>>)
      %dma_wait3A_155 = arith.constant 2 : i32
      %dma_wait3A_156 = arith.constant 2 : i32
      %dma_wait3A_157 = arith.constant 0 : i32
      %dma_wait3A_158 = arith.constant 0 : i32
      %dma_wait3A_159 = tpu.memref_slice %arg11[%dma_wait3A_155, %dma_wait3A_157, %dma_wait3A_158] : memref<4x80x128xf32, #tpu.memory_space<vmem>> -> memref<1x80x128xf32, #tpu.memory_space<vmem>>
      %dma_wait3A_160 = tpu.memref_squeeze %dma_wait3A_159 : memref<1x80x128xf32, #tpu.memory_space<vmem>> -> memref<80x128xf32, #tpu.memory_space<vmem>>
      %dma_wait3A_161 = arith.constant 0 : i32
      %dma_wait3A_162 = tpu.memref_slice %arg10[%dma_wait3A_156, %dma_wait3A_161] : memref<4x80xi32, #tpu.memory_space<vmem>> -> memref<1x80xi32, #tpu.memory_space<vmem>>
      %dma_wait3A_163 = tpu.memref_squeeze %dma_wait3A_162 : memref<1x80xi32, #tpu.memory_space<vmem>> -> memref<80xi32, #tpu.memory_space<vmem>>
      %dma_wait3A_164 = arith.constant 0 : i32
      %dma_wait3A_165 = arith.constant 0 : i32
      %dma_wait3A_166 = tpu.memref_slice %arg8[%dma_wait3A_164, %dma_wait3A_165] : memref<10240x128xf32, #tpu.memory_space<vmem_shared>> -> memref<10240x128xf32, #tpu.memory_space<vmem_shared>>
      tpu.wait_indirect_dma semaphore(%arg17 : memref<!tpu.dma_semaphore, #tpu.memory_space<semaphore_mem>>) src(%dma_wait3A_160 : memref<80x128xf32, #tpu.memory_space<vmem>>) dst(%dma_wait3A_166 : memref<10240x128xf32, #tpu.memory_space<vmem_shared>>)
      %dma_wait3A_167 = arith.constant 2 : i32
      %dma_wait3A_168 = arith.constant 0 : i32
      %dma_wait3A_169 = tpu.memref_slice %arg10[%dma_wait3A_167, %dma_wait3A_168] : memref<4x80xi32, #tpu.memory_space<vmem>> -> memref<1x80xi32, #tpu.memory_space<vmem>>
      %dma_wait3A_170 = tpu.memref_squeeze %dma_wait3A_169 : memref<1x80xi32, #tpu.memory_space<vmem>> -> memref<80xi32, #tpu.memory_space<vmem>>
      %dma_wait3A_171 = arith.constant 0 : i32
      %dma_wait3A_172 = tpu.memref_slice %arg9[%dma_wait3A_171] : memref<10000xf32, #tpu.memory_space<vmem_shared>> -> memref<10000xf32, #tpu.memory_space<vmem_shared>>
      tpu.wait_indirect_dma semaphore(%arg18 : memref<!tpu.dma_semaphore, #tpu.memory_space<semaphore_mem>>) src(%arg12 : memref<80xf32, #tpu.memory_space<vmem>>) dst(%dma_wait3A_172 : memref<10000xf32, #tpu.memory_space<vmem_shared>>)
      %dma_start3A_173 = arith.constant 0 : i32
      %dma_start3A_174 = arith.constant 0 : i32
      %dma_start3A_175 = arith.constant 0 : i32
      %dma_start3A_176 = arith.constant 0 : i32
      %dma_start3A_177 = tpu.memref_slice %arg11[%dma_start3A_173, %dma_start3A_175, %dma_start3A_176] : memref<4x80x128xf32, #tpu.memory_space<vmem>> -> memref<1x80x128xf32, #tpu.memory_space<vmem>>
      %dma_start3A_178 = tpu.memref_squeeze %dma_start3A_177 : memref<1x80x128xf32, #tpu.memory_space<vmem>> -> memref<80x128xf32, #tpu.memory_space<vmem>>
      %dma_start3A_179 = arith.constant 0 : i32
      %dma_start3A_180 = tpu.memref_slice %arg10[%dma_start3A_174, %dma_start3A_179] : memref<4x80xi32, #tpu.memory_space<vmem>> -> memref<1x80xi32, #tpu.memory_space<vmem>>
      %dma_start3A_181 = tpu.memref_squeeze %dma_start3A_180 : memref<1x80xi32, #tpu.memory_space<vmem>> -> memref<80xi32, #tpu.memory_space<vmem>>
      %dma_start3A_182 = arith.constant 0 : i32
      %dma_start3A_183 = arith.constant 0 : i32
      %dma_start3A_184 = tpu.memref_slice %arg8[%dma_start3A_182, %dma_start3A_183] : memref<10240x128xf32, #tpu.memory_space<vmem_shared>> -> memref<10240x128xf32, #tpu.memory_space<vmem_shared>>
      tpu.enqueue_indirect_dma source(%dma_start3A_178 : memref<80x128xf32, #tpu.memory_space<vmem>>) target(%dma_start3A_184 : memref<10240x128xf32, #tpu.memory_space<vmem_shared>>) offsets(%dma_start3A_181 : memref<80xi32, #tpu.memory_space<vmem>>) semaphore(%arg17 : memref<!tpu.dma_semaphore, #tpu.memory_space<semaphore_mem>>) {add = true}
      %dma_start3A_185 = arith.constant 0 : i32
      %dma_start3A_186 = arith.constant 0 : i32
      %dma_start3A_187 = tpu.memref_slice %arg10[%dma_start3A_185, %dma_start3A_186] : memref<4x80xi32, #tpu.memory_space<vmem>> -> memref<1x80xi32, #tpu.memory_space<vmem>>
      %dma_start3A_188 = tpu.memref_squeeze %dma_start3A_187 : memref<1x80xi32, #tpu.memory_space<vmem>> -> memref<80xi32, #tpu.memory_space<vmem>>
      %dma_start3A_189 = arith.constant 0 : i32
      %dma_start3A_190 = tpu.memref_slice %arg9[%dma_start3A_189] : memref<10000xf32, #tpu.memory_space<vmem_shared>> -> memref<10000xf32, #tpu.memory_space<vmem_shared>>
      tpu.enqueue_indirect_dma source(%arg12 : memref<80xf32, #tpu.memory_space<vmem>>) target(%dma_start3A_190 : memref<10000xf32, #tpu.memory_space<vmem_shared>>) offsets(%dma_start3A_188 : memref<80xi32, #tpu.memory_space<vmem>>) semaphore(%arg18 : memref<!tpu.dma_semaphore, #tpu.memory_space<semaphore_mem>>) {add = true}
      %dma_wait3A_191 = arith.constant 1 : i32
      %dma_wait3A_192 = arith.constant 0 : i32
      %dma_wait3A_193 = tpu.memref_slice %arg10[%dma_wait3A_191, %dma_wait3A_192] : memref<4x80xi32, #tpu.memory_space<vmem>> -> memref<1x80xi32, #tpu.memory_space<vmem>>
      %dma_wait3A_194 = tpu.memref_squeeze %dma_wait3A_193 : memref<1x80xi32, #tpu.memory_space<vmem>> -> memref<80xi32, #tpu.memory_space<vmem>>
      %dma_wait3A_195 = arith.constant 0 : i32
      %dma_wait3A_196 = tpu.memref_slice %arg2[%dma_wait3A_195] : memref<320000xi32, #tpu.memory_space<hbm>> -> memref<80xi32, #tpu.memory_space<hbm>>
      %dma_wait3A_197 = arith.constant 0 : i32
      %dma_wait3A_198 = tpu.memref_slice %arg10[%dma_wait3A_191, %dma_wait3A_197] : memref<4x80xi32, #tpu.memory_space<vmem>> -> memref<1x80xi32, #tpu.memory_space<vmem>>
      %dma_wait3A_199 = tpu.memref_squeeze %dma_wait3A_198 : memref<1x80xi32, #tpu.memory_space<vmem>> -> memref<80xi32, #tpu.memory_space<vmem>>
      %dma_wait3A_200 = arith.constant 0 : i32
      %dma_wait3A_201 = tpu.memref_slice %arg2[%dma_wait3A_200] : memref<320000xi32, #tpu.memory_space<hbm>> -> memref<80xi32, #tpu.memory_space<hbm>>
      tpu.wait_dma2 semaphore(%arg15 : memref<!tpu.dma_semaphore, #tpu.memory_space<semaphore_mem>>) src(%dma_wait3A_201 : memref<80xi32, #tpu.memory_space<hbm>>) dst(%dma_wait3A_199 : memref<80xi32, #tpu.memory_space<vmem>>)
      %dma_wait3A_202 = arith.constant 1 : i32
      %dma_wait3A_203 = arith.constant 0 : i32
      %dma_wait3A_204 = arith.constant 0 : i32
      %dma_wait3A_205 = tpu.memref_slice %arg11[%dma_wait3A_202, %dma_wait3A_203, %dma_wait3A_204] : memref<4x80x128xf32, #tpu.memory_space<vmem>> -> memref<1x80x128xf32, #tpu.memory_space<vmem>>
      %dma_wait3A_206 = tpu.memref_squeeze %dma_wait3A_205 : memref<1x80x128xf32, #tpu.memory_space<vmem>> -> memref<80x128xf32, #tpu.memory_space<vmem>>
      %dma_wait3A_207 = arith.constant 0 : i32
      %dma_wait3A_208 = arith.constant 0 : i32
      %dma_wait3A_209 = tpu.memref_slice %arg3[%dma_wait3A_207, %dma_wait3A_208] : memref<320000x128xf32, #tpu.memory_space<hbm>> -> memref<80x128xf32, #tpu.memory_space<hbm>>
      %dma_wait3A_210 = arith.constant 0 : i32
      %dma_wait3A_211 = arith.constant 0 : i32
      %dma_wait3A_212 = tpu.memref_slice %arg11[%dma_wait3A_202, %dma_wait3A_210, %dma_wait3A_211] : memref<4x80x128xf32, #tpu.memory_space<vmem>> -> memref<1x80x128xf32, #tpu.memory_space<vmem>>
      %dma_wait3A_213 = tpu.memref_squeeze %dma_wait3A_212 : memref<1x80x128xf32, #tpu.memory_space<vmem>> -> memref<80x128xf32, #tpu.memory_space<vmem>>
      %dma_wait3A_214 = arith.constant 0 : i32
      %dma_wait3A_215 = arith.constant 0 : i32
      %dma_wait3A_216 = tpu.memref_slice %arg3[%dma_wait3A_214, %dma_wait3A_215] : memref<320000x128xf32, #tpu.memory_space<hbm>> -> memref<80x128xf32, #tpu.memory_space<hbm>>
      tpu.wait_dma2 semaphore(%arg16 : memref<!tpu.dma_semaphore, #tpu.memory_space<semaphore_mem>>) src(%dma_wait3A_216 : memref<80x128xf32, #tpu.memory_space<hbm>>) dst(%dma_wait3A_213 : memref<80x128xf32, #tpu.memory_space<vmem>>)
      %dma_wait3A_217 = arith.constant 3 : i32
      %dma_wait3A_218 = arith.constant 3 : i32
      %dma_wait3A_219 = arith.constant 0 : i32
      %dma_wait3A_220 = arith.constant 0 : i32
      %dma_wait3A_221 = tpu.memref_slice %arg11[%dma_wait3A_217, %dma_wait3A_219, %dma_wait3A_220] : memref<4x80x128xf32, #tpu.memory_space<vmem>> -> memref<1x80x128xf32, #tpu.memory_space<vmem>>
      %dma_wait3A_222 = tpu.memref_squeeze %dma_wait3A_221 : memref<1x80x128xf32, #tpu.memory_space<vmem>> -> memref<80x128xf32, #tpu.memory_space<vmem>>
      %dma_wait3A_223 = arith.constant 0 : i32
      %dma_wait3A_224 = tpu.memref_slice %arg10[%dma_wait3A_218, %dma_wait3A_223] : memref<4x80xi32, #tpu.memory_space<vmem>> -> memref<1x80xi32, #tpu.memory_space<vmem>>
      %dma_wait3A_225 = tpu.memref_squeeze %dma_wait3A_224 : memref<1x80xi32, #tpu.memory_space<vmem>> -> memref<80xi32, #tpu.memory_space<vmem>>
      %dma_wait3A_226 = arith.constant 0 : i32
      %dma_wait3A_227 = arith.constant 0 : i32
      %dma_wait3A_228 = tpu.memref_slice %arg8[%dma_wait3A_226, %dma_wait3A_227] : memref<10240x128xf32, #tpu.memory_space<vmem_shared>> -> memref<10240x128xf32, #tpu.memory_space<vmem_shared>>
      tpu.wait_indirect_dma semaphore(%arg17 : memref<!tpu.dma_semaphore, #tpu.memory_space<semaphore_mem>>) src(%dma_wait3A_222 : memref<80x128xf32, #tpu.memory_space<vmem>>) dst(%dma_wait3A_228 : memref<10240x128xf32, #tpu.memory_space<vmem_shared>>)
      %dma_wait3A_229 = arith.constant 3 : i32
      %dma_wait3A_230 = arith.constant 0 : i32
      %dma_wait3A_231 = tpu.memref_slice %arg10[%dma_wait3A_229, %dma_wait3A_230] : memref<4x80xi32, #tpu.memory_space<vmem>> -> memref<1x80xi32, #tpu.memory_space<vmem>>
      %dma_wait3A_232 = tpu.memref_squeeze %dma_wait3A_231 : memref<1x80xi32, #tpu.memory_space<vmem>> -> memref<80xi32, #tpu.memory_space<vmem>>
      %dma_wait3A_233 = arith.constant 0 : i32
      %dma_wait3A_234 = tpu.memref_slice %arg9[%dma_wait3A_233] : memref<10000xf32, #tpu.memory_space<vmem_shared>> -> memref<10000xf32, #tpu.memory_space<vmem_shared>>
      tpu.wait_indirect_dma semaphore(%arg18 : memref<!tpu.dma_semaphore, #tpu.memory_space<semaphore_mem>>) src(%arg12 : memref<80xf32, #tpu.memory_space<vmem>>) dst(%dma_wait3A_234 : memref<10000xf32, #tpu.memory_space<vmem_shared>>)
      %dma_start3A_235 = arith.constant 1 : i32
      %dma_start3A_236 = arith.constant 1 : i32
      %dma_start3A_237 = arith.constant 0 : i32
      %dma_start3A_238 = arith.constant 0 : i32
      %dma_start3A_239 = tpu.memref_slice %arg11[%dma_start3A_235, %dma_start3A_237, %dma_start3A_238] : memref<4x80x128xf32, #tpu.memory_space<vmem>> -> memref<1x80x128xf32, #tpu.memory_space<vmem>>
      %dma_start3A_240 = tpu.memref_squeeze %dma_start3A_239 : memref<1x80x128xf32, #tpu.memory_space<vmem>> -> memref<80x128xf32, #tpu.memory_space<vmem>>
      %dma_start3A_241 = arith.constant 0 : i32
      %dma_start3A_242 = tpu.memref_slice %arg10[%dma_start3A_236, %dma_start3A_241] : memref<4x80xi32, #tpu.memory_space<vmem>> -> memref<1x80xi32, #tpu.memory_space<vmem>>
      %dma_start3A_243 = tpu.memref_squeeze %dma_start3A_242 : memref<1x80xi32, #tpu.memory_space<vmem>> -> memref<80xi32, #tpu.memory_space<vmem>>
      %dma_start3A_244 = arith.constant 0 : i32
      %dma_start3A_245 = arith.constant 0 : i32
      %dma_start3A_246 = tpu.memref_slice %arg8[%dma_start3A_244, %dma_start3A_245] : memref<10240x128xf32, #tpu.memory_space<vmem_shared>> -> memref<10240x128xf32, #tpu.memory_space<vmem_shared>>
      tpu.enqueue_indirect_dma source(%dma_start3A_240 : memref<80x128xf32, #tpu.memory_space<vmem>>) target(%dma_start3A_246 : memref<10240x128xf32, #tpu.memory_space<vmem_shared>>) offsets(%dma_start3A_243 : memref<80xi32, #tpu.memory_space<vmem>>) semaphore(%arg17 : memref<!tpu.dma_semaphore, #tpu.memory_space<semaphore_mem>>) {add = true}
      %dma_start3A_247 = arith.constant 1 : i32
      %dma_start3A_248 = arith.constant 0 : i32
      %dma_start3A_249 = tpu.memref_slice %arg10[%dma_start3A_247, %dma_start3A_248] : memref<4x80xi32, #tpu.memory_space<vmem>> -> memref<1x80xi32, #tpu.memory_space<vmem>>
      %dma_start3A_250 = tpu.memref_squeeze %dma_start3A_249 : memref<1x80xi32, #tpu.memory_space<vmem>> -> memref<80xi32, #tpu.memory_space<vmem>>
      %dma_start3A_251 = arith.constant 0 : i32
      %dma_start3A_252 = tpu.memref_slice %arg9[%dma_start3A_251] : memref<10000xf32, #tpu.memory_space<vmem_shared>> -> memref<10000xf32, #tpu.memory_space<vmem_shared>>
      tpu.enqueue_indirect_dma source(%arg12 : memref<80xf32, #tpu.memory_space<vmem>>) target(%dma_start3A_252 : memref<10000xf32, #tpu.memory_space<vmem_shared>>) offsets(%dma_start3A_250 : memref<80xi32, #tpu.memory_space<vmem>>) semaphore(%arg18 : memref<!tpu.dma_semaphore, #tpu.memory_space<semaphore_mem>>) {add = true}
      %dma_wait3A_253 = arith.constant 0 : i32
      %dma_wait3A_254 = arith.constant 0 : i32
      %dma_wait3A_255 = arith.constant 0 : i32
      %dma_wait3A_256 = arith.constant 0 : i32
      %dma_wait3A_257 = tpu.memref_slice %arg11[%dma_wait3A_253, %dma_wait3A_255, %dma_wait3A_256] : memref<4x80x128xf32, #tpu.memory_space<vmem>> -> memref<1x80x128xf32, #tpu.memory_space<vmem>>
      %dma_wait3A_258 = tpu.memref_squeeze %dma_wait3A_257 : memref<1x80x128xf32, #tpu.memory_space<vmem>> -> memref<80x128xf32, #tpu.memory_space<vmem>>
      %dma_wait3A_259 = arith.constant 0 : i32
      %dma_wait3A_260 = tpu.memref_slice %arg10[%dma_wait3A_254, %dma_wait3A_259] : memref<4x80xi32, #tpu.memory_space<vmem>> -> memref<1x80xi32, #tpu.memory_space<vmem>>
      %dma_wait3A_261 = tpu.memref_squeeze %dma_wait3A_260 : memref<1x80xi32, #tpu.memory_space<vmem>> -> memref<80xi32, #tpu.memory_space<vmem>>
      %dma_wait3A_262 = arith.constant 0 : i32
      %dma_wait3A_263 = arith.constant 0 : i32
      %dma_wait3A_264 = tpu.memref_slice %arg8[%dma_wait3A_262, %dma_wait3A_263] : memref<10240x128xf32, #tpu.memory_space<vmem_shared>> -> memref<10240x128xf32, #tpu.memory_space<vmem_shared>>
      tpu.wait_indirect_dma semaphore(%arg17 : memref<!tpu.dma_semaphore, #tpu.memory_space<semaphore_mem>>) src(%dma_wait3A_258 : memref<80x128xf32, #tpu.memory_space<vmem>>) dst(%dma_wait3A_264 : memref<10240x128xf32, #tpu.memory_space<vmem_shared>>)
      %dma_wait3A_265 = arith.constant 0 : i32
      %dma_wait3A_266 = arith.constant 0 : i32
      %dma_wait3A_267 = tpu.memref_slice %arg10[%dma_wait3A_265, %dma_wait3A_266] : memref<4x80xi32, #tpu.memory_space<vmem>> -> memref<1x80xi32, #tpu.memory_space<vmem>>
      %dma_wait3A_268 = tpu.memref_squeeze %dma_wait3A_267 : memref<1x80xi32, #tpu.memory_space<vmem>> -> memref<80xi32, #tpu.memory_space<vmem>>
      %dma_wait3A_269 = arith.constant 0 : i32
      %dma_wait3A_270 = tpu.memref_slice %arg9[%dma_wait3A_269] : memref<10000xf32, #tpu.memory_space<vmem_shared>> -> memref<10000xf32, #tpu.memory_space<vmem_shared>>
      tpu.wait_indirect_dma semaphore(%arg18 : memref<!tpu.dma_semaphore, #tpu.memory_space<semaphore_mem>>) src(%arg12 : memref<80xf32, #tpu.memory_space<vmem>>) dst(%dma_wait3A_270 : memref<10000xf32, #tpu.memory_space<vmem_shared>>)
      %dma_wait3A_271 = arith.constant 1 : i32
      %dma_wait3A_272 = arith.constant 1 : i32
      %dma_wait3A_273 = arith.constant 0 : i32
      %dma_wait3A_274 = arith.constant 0 : i32
      %dma_wait3A_275 = tpu.memref_slice %arg11[%dma_wait3A_271, %dma_wait3A_273, %dma_wait3A_274] : memref<4x80x128xf32, #tpu.memory_space<vmem>> -> memref<1x80x128xf32, #tpu.memory_space<vmem>>
      %dma_wait3A_276 = tpu.memref_squeeze %dma_wait3A_275 : memref<1x80x128xf32, #tpu.memory_space<vmem>> -> memref<80x128xf32, #tpu.memory_space<vmem>>
      %dma_wait3A_277 = arith.constant 0 : i32
      %dma_wait3A_278 = tpu.memref_slice %arg10[%dma_wait3A_272, %dma_wait3A_277] : memref<4x80xi32, #tpu.memory_space<vmem>> -> memref<1x80xi32, #tpu.memory_space<vmem>>
      %dma_wait3A_279 = tpu.memref_squeeze %dma_wait3A_278 : memref<1x80xi32, #tpu.memory_space<vmem>> -> memref<80xi32, #tpu.memory_space<vmem>>
      %dma_wait3A_280 = arith.constant 0 : i32
      %dma_wait3A_281 = arith.constant 0 : i32
      %dma_wait3A_282 = tpu.memref_slice %arg8[%dma_wait3A_280, %dma_wait3A_281] : memref<10240x128xf32, #tpu.memory_space<vmem_shared>> -> memref<10240x128xf32, #tpu.memory_space<vmem_shared>>
      tpu.wait_indirect_dma semaphore(%arg17 : memref<!tpu.dma_semaphore, #tpu.memory_space<semaphore_mem>>) src(%dma_wait3A_276 : memref<80x128xf32, #tpu.memory_space<vmem>>) dst(%dma_wait3A_282 : memref<10240x128xf32, #tpu.memory_space<vmem_shared>>)
      %dma_wait3A_283 = arith.constant 1 : i32
      %dma_wait3A_284 = arith.constant 0 : i32
      %dma_wait3A_285 = tpu.memref_slice %arg10[%dma_wait3A_283, %dma_wait3A_284] : memref<4x80xi32, #tpu.memory_space<vmem>> -> memref<1x80xi32, #tpu.memory_space<vmem>>
      %dma_wait3A_286 = tpu.memref_squeeze %dma_wait3A_285 : memref<1x80xi32, #tpu.memory_space<vmem>> -> memref<80xi32, #tpu.memory_space<vmem>>
      %dma_wait3A_287 = arith.constant 0 : i32
      %dma_wait3A_288 = tpu.memref_slice %arg9[%dma_wait3A_287] : memref<10000xf32, #tpu.memory_space<vmem_shared>> -> memref<10000xf32, #tpu.memory_space<vmem_shared>>
      tpu.wait_indirect_dma semaphore(%arg18 : memref<!tpu.dma_semaphore, #tpu.memory_space<semaphore_mem>>) src(%arg12 : memref<80xf32, #tpu.memory_space<vmem>>) dst(%dma_wait3A_288 : memref<10000xf32, #tpu.memory_space<vmem_shared>>)
    } else {
    }
    %eq3A_61 = arith.constant 1 : i32
    %eq3A_62 = arith.cmpi eq, %arg0, %eq3A_61 : i32
    %convert_element_type3A_63 = arith.extui %eq3A_62 : i1 to i32
    %cond3A_64 = arith.constant 0 : i32
    %cond3A_65 = arith.cmpi ne, %convert_element_type3A_63, %cond3A_64 : i32
    scf.if %cond3A_65 {
      %add3A = arith.constant 0 : i32
      %add3A_77 = arith.addi %mul3A_55, %add3A : i32
      %multiple_of3A = tpu.assume_multiple %add3A_77, 8 : i32
      %dma_start3A = arith.constant 0 : i32
      %dma_start3A_78 = arith.constant 0 : i32
      %dma_start3A_79 = tpu.memref_slice %arg10[%dma_start3A, %dma_start3A_78] : memref<4x80xi32, #tpu.memory_space<vmem>> -> memref<1x80xi32, #tpu.memory_space<vmem>>
      %dma_start3A_80 = tpu.memref_squeeze %dma_start3A_79 : memref<1x80xi32, #tpu.memory_space<vmem>> -> memref<80xi32, #tpu.memory_space<vmem>>
      %dma_start3A_81 = tpu.memref_slice %arg2[%multiple_of3A] : memref<320000xi32, #tpu.memory_space<hbm>> -> memref<80xi32, #tpu.memory_space<hbm>>
      %dma_start3A_82 = arith.constant 0 : i32
      %dma_start3A_83 = tpu.memref_slice %arg10[%dma_start3A, %dma_start3A_82] : memref<4x80xi32, #tpu.memory_space<vmem>> -> memref<1x80xi32, #tpu.memory_space<vmem>>
      %dma_start3A_84 = tpu.memref_squeeze %dma_start3A_83 : memref<1x80xi32, #tpu.memory_space<vmem>> -> memref<80xi32, #tpu.memory_space<vmem>>
      %dma_start3A_85 = tpu.memref_slice %arg2[%multiple_of3A] : memref<320000xi32, #tpu.memory_space<hbm>> -> memref<80xi32, #tpu.memory_space<hbm>>
      tpu.enqueue_dma source(%dma_start3A_85 : memref<80xi32, #tpu.memory_space<hbm>>) target(%dma_start3A_84 : memref<80xi32, #tpu.memory_space<vmem>>) target_semaphore(%arg15 : memref<!tpu.dma_semaphore, #tpu.memory_space<semaphore_mem>>)
      %dma_start3A_86 = arith.constant 0 : i32
      %dma_start3A_87 = arith.constant 0 : i32
      %dma_start3A_88 = arith.constant 0 : i32
      %dma_start3A_89 = tpu.memref_slice %arg11[%dma_start3A_86, %dma_start3A_87, %dma_start3A_88] : memref<4x80x128xf32, #tpu.memory_space<vmem>> -> memref<1x80x128xf32, #tpu.memory_space<vmem>>
      %dma_start3A_90 = tpu.memref_squeeze %dma_start3A_89 : memref<1x80x128xf32, #tpu.memory_space<vmem>> -> memref<80x128xf32, #tpu.memory_space<vmem>>
      %dma_start3A_91 = arith.constant 0 : i32
      %dma_start3A_92 = tpu.memref_slice %arg4[%multiple_of3A, %dma_start3A_91] : memref<320000x128xf32, #tpu.memory_space<hbm>> -> memref<80x128xf32, #tpu.memory_space<hbm>>
      %dma_start3A_93 = arith.constant 0 : i32
      %dma_start3A_94 = arith.constant 0 : i32
      %dma_start3A_95 = tpu.memref_slice %arg11[%dma_start3A_86, %dma_start3A_93, %dma_start3A_94] : memref<4x80x128xf32, #tpu.memory_space<vmem>> -> memref<1x80x128xf32, #tpu.memory_space<vmem>>
      %dma_start3A_96 = tpu.memref_squeeze %dma_start3A_95 : memref<1x80x128xf32, #tpu.memory_space<vmem>> -> memref<80x128xf32, #tpu.memory_space<vmem>>
      %dma_start3A_97 = arith.constant 0 : i32
      %dma_start3A_98 = tpu.memref_slice %arg4[%multiple_of3A, %dma_start3A_97] : memref<320000x128xf32, #tpu.memory_space<hbm>> -> memref<80x128xf32, #tpu.memory_space<hbm>>
      tpu.enqueue_dma source(%dma_start3A_98 : memref<80x128xf32, #tpu.memory_space<hbm>>) target(%dma_start3A_96 : memref<80x128xf32, #tpu.memory_space<vmem>>) target_semaphore(%arg16 : memref<!tpu.dma_semaphore, #tpu.memory_space<semaphore_mem>>)
      %add3A_99 = arith.constant 80 : i32
      %add3A_100 = arith.addi %mul3A_55, %add3A_99 : i32
      %multiple_of3A_101 = tpu.assume_multiple %add3A_100, 8 : i32
      %dma_start3A_102 = arith.constant 1 : i32
      %dma_start3A_103 = arith.constant 0 : i32
      %dma_start3A_104 = tpu.memref_slice %arg10[%dma_start3A_102, %dma_start3A_103] : memref<4x80xi32, #tpu.memory_space<vmem>> -> memref<1x80xi32, #tpu.memory_space<vmem>>
      %dma_start3A_105 = tpu.memref_squeeze %dma_start3A_104 : memref<1x80xi32, #tpu.memory_space<vmem>> -> memref<80xi32, #tpu.memory_space<vmem>>
      %dma_start3A_106 = tpu.memref_slice %arg2[%multiple_of3A_101] : memref<320000xi32, #tpu.memory_space<hbm>> -> memref<80xi32, #tpu.memory_space<hbm>>
      %dma_start3A_107 = arith.constant 0 : i32
      %dma_start3A_108 = tpu.memref_slice %arg10[%dma_start3A_102, %dma_start3A_107] : memref<4x80xi32, #tpu.memory_space<vmem>> -> memref<1x80xi32, #tpu.memory_space<vmem>>
      %dma_start3A_109 = tpu.memref_squeeze %dma_start3A_108 : memref<1x80xi32, #tpu.memory_space<vmem>> -> memref<80xi32, #tpu.memory_space<vmem>>
      %dma_start3A_110 = tpu.memref_slice %arg2[%multiple_of3A_101] : memref<320000xi32, #tpu.memory_space<hbm>> -> memref<80xi32, #tpu.memory_space<hbm>>
      tpu.enqueue_dma source(%dma_start3A_110 : memref<80xi32, #tpu.memory_space<hbm>>) target(%dma_start3A_109 : memref<80xi32, #tpu.memory_space<vmem>>) target_semaphore(%arg15 : memref<!tpu.dma_semaphore, #tpu.memory_space<semaphore_mem>>)
      %dma_start3A_111 = arith.constant 1 : i32
      %dma_start3A_112 = arith.constant 0 : i32
      %dma_start3A_113 = arith.constant 0 : i32
      %dma_start3A_114 = tpu.memref_slice %arg11[%dma_start3A_111, %dma_start3A_112, %dma_start3A_113] : memref<4x80x128xf32, #tpu.memory_space<vmem>> -> memref<1x80x128xf32, #tpu.memory_space<vmem>>
      %dma_start3A_115 = tpu.memref_squeeze %dma_start3A_114 : memref<1x80x128xf32, #tpu.memory_space<vmem>> -> memref<80x128xf32, #tpu.memory_space<vmem>>
      %dma_start3A_116 = arith.constant 0 : i32
      %dma_start3A_117 = tpu.memref_slice %arg4[%multiple_of3A_101, %dma_start3A_116] : memref<320000x128xf32, #tpu.memory_space<hbm>> -> memref<80x128xf32, #tpu.memory_space<hbm>>
      %dma_start3A_118 = arith.constant 0 : i32
      %dma_start3A_119 = arith.constant 0 : i32
      %dma_start3A_120 = tpu.memref_slice %arg11[%dma_start3A_111, %dma_start3A_118, %dma_start3A_119] : memref<4x80x128xf32, #tpu.memory_space<vmem>> -> memref<1x80x128xf32, #tpu.memory_space<vmem>>
      %dma_start3A_121 = tpu.memref_squeeze %dma_start3A_120 : memref<1x80x128xf32, #tpu.memory_space<vmem>> -> memref<80x128xf32, #tpu.memory_space<vmem>>
      %dma_start3A_122 = arith.constant 0 : i32
      %dma_start3A_123 = tpu.memref_slice %arg4[%multiple_of3A_101, %dma_start3A_122] : memref<320000x128xf32, #tpu.memory_space<hbm>> -> memref<80x128xf32, #tpu.memory_space<hbm>>
      tpu.enqueue_dma source(%dma_start3A_123 : memref<80x128xf32, #tpu.memory_space<hbm>>) target(%dma_start3A_121 : memref<80x128xf32, #tpu.memory_space<vmem>>) target_semaphore(%arg16 : memref<!tpu.dma_semaphore, #tpu.memory_space<semaphore_mem>>)
      %scan3A_124 = arith.constant 0 : i32
      %scan3A_125 = arith.constant 0 : i32
      %scan3A_126 = arith.constant 62 : i32
      %scan3A_127 = arith.addi %scan3A_125, %scan3A_126 : i32
      %scan3A_128 = arith.constant 1 : i32
      scf.for %scan3A_253 = %scan3A_125 to %scan3A_127 step %scan3A_128  : i32 {
        %mul3A_254 = arith.constant 4 : i32
        %mul3A_255 = arith.muli %scan3A_253, %mul3A_254 : i32
        %add3A_256 = arith.constant 0 : i32
        %add3A_257 = arith.addi %mul3A_255, %add3A_256 : i32
        %dma_wait3A_258 = arith.constant 0 : i32
        %dma_wait3A_259 = arith.constant 0 : i32
        %dma_wait3A_260 = tpu.memref_slice %arg10[%dma_wait3A_258, %dma_wait3A_259] : memref<4x80xi32, #tpu.memory_space<vmem>> -> memref<1x80xi32, #tpu.memory_space<vmem>>
        %dma_wait3A_261 = tpu.memref_squeeze %dma_wait3A_260 : memref<1x80xi32, #tpu.memory_space<vmem>> -> memref<80xi32, #tpu.memory_space<vmem>>
        %dma_wait3A_262 = arith.constant 0 : i32
        %dma_wait3A_263 = tpu.memref_slice %arg2[%dma_wait3A_262] : memref<320000xi32, #tpu.memory_space<hbm>> -> memref<80xi32, #tpu.memory_space<hbm>>
        %dma_wait3A_264 = arith.constant 0 : i32
        %dma_wait3A_265 = tpu.memref_slice %arg10[%dma_wait3A_258, %dma_wait3A_264] : memref<4x80xi32, #tpu.memory_space<vmem>> -> memref<1x80xi32, #tpu.memory_space<vmem>>
        %dma_wait3A_266 = tpu.memref_squeeze %dma_wait3A_265 : memref<1x80xi32, #tpu.memory_space<vmem>> -> memref<80xi32, #tpu.memory_space<vmem>>
        %dma_wait3A_267 = arith.constant 0 : i32
        %dma_wait3A_268 = tpu.memref_slice %arg2[%dma_wait3A_267] : memref<320000xi32, #tpu.memory_space<hbm>> -> memref<80xi32, #tpu.memory_space<hbm>>
        tpu.wait_dma2 semaphore(%arg15 : memref<!tpu.dma_semaphore, #tpu.memory_space<semaphore_mem>>) src(%dma_wait3A_268 : memref<80xi32, #tpu.memory_space<hbm>>) dst(%dma_wait3A_266 : memref<80xi32, #tpu.memory_space<vmem>>)
        %dma_wait3A_269 = arith.constant 0 : i32
        %dma_wait3A_270 = arith.constant 0 : i32
        %dma_wait3A_271 = arith.constant 0 : i32
        %dma_wait3A_272 = tpu.memref_slice %arg11[%dma_wait3A_269, %dma_wait3A_270, %dma_wait3A_271] : memref<4x80x128xf32, #tpu.memory_space<vmem>> -> memref<1x80x128xf32, #tpu.memory_space<vmem>>
        %dma_wait3A_273 = tpu.memref_squeeze %dma_wait3A_272 : memref<1x80x128xf32, #tpu.memory_space<vmem>> -> memref<80x128xf32, #tpu.memory_space<vmem>>
        %dma_wait3A_274 = arith.constant 0 : i32
        %dma_wait3A_275 = arith.constant 0 : i32
        %dma_wait3A_276 = tpu.memref_slice %arg4[%dma_wait3A_274, %dma_wait3A_275] : memref<320000x128xf32, #tpu.memory_space<hbm>> -> memref<80x128xf32, #tpu.memory_space<hbm>>
        %dma_wait3A_277 = arith.constant 0 : i32
        %dma_wait3A_278 = arith.constant 0 : i32
        %dma_wait3A_279 = tpu.memref_slice %arg11[%dma_wait3A_269, %dma_wait3A_277, %dma_wait3A_278] : memref<4x80x128xf32, #tpu.memory_space<vmem>> -> memref<1x80x128xf32, #tpu.memory_space<vmem>>
        %dma_wait3A_280 = tpu.memref_squeeze %dma_wait3A_279 : memref<1x80x128xf32, #tpu.memory_space<vmem>> -> memref<80x128xf32, #tpu.memory_space<vmem>>
        %dma_wait3A_281 = arith.constant 0 : i32
        %dma_wait3A_282 = arith.constant 0 : i32
        %dma_wait3A_283 = tpu.memref_slice %arg4[%dma_wait3A_281, %dma_wait3A_282] : memref<320000x128xf32, #tpu.memory_space<hbm>> -> memref<80x128xf32, #tpu.memory_space<hbm>>
        tpu.wait_dma2 semaphore(%arg16 : memref<!tpu.dma_semaphore, #tpu.memory_space<semaphore_mem>>) src(%dma_wait3A_283 : memref<80x128xf32, #tpu.memory_space<hbm>>) dst(%dma_wait3A_280 : memref<80x128xf32, #tpu.memory_space<vmem>>)
        %ge3A = arith.constant 2 : i32
        %ge3A_284 = arith.cmpi sge, %add3A_257, %ge3A : i32
        %convert_element_type3A_285 = arith.extui %ge3A_284 : i1 to i32
        %cond3A_286 = arith.constant 0 : i32
        %cond3A_287 = arith.cmpi ne, %convert_element_type3A_285, %cond3A_286 : i32
        scf.if %cond3A_287 {
          %dma_wait3A_469 = arith.constant 2 : i32
          %dma_wait3A_470 = arith.constant 2 : i32
          %dma_wait3A_471 = arith.constant 0 : i32
          %dma_wait3A_472 = arith.constant 0 : i32
          %dma_wait3A_473 = tpu.memref_slice %arg11[%dma_wait3A_469, %dma_wait3A_471, %dma_wait3A_472] : memref<4x80x128xf32, #tpu.memory_space<vmem>> -> memref<1x80x128xf32, #tpu.memory_space<vmem>>
          %dma_wait3A_474 = tpu.memref_squeeze %dma_wait3A_473 : memref<1x80x128xf32, #tpu.memory_space<vmem>> -> memref<80x128xf32, #tpu.memory_space<vmem>>
          %dma_wait3A_475 = arith.constant 0 : i32
          %dma_wait3A_476 = tpu.memref_slice %arg10[%dma_wait3A_470, %dma_wait3A_475] : memref<4x80xi32, #tpu.memory_space<vmem>> -> memref<1x80xi32, #tpu.memory_space<vmem>>
          %dma_wait3A_477 = tpu.memref_squeeze %dma_wait3A_476 : memref<1x80xi32, #tpu.memory_space<vmem>> -> memref<80xi32, #tpu.memory_space<vmem>>
          %dma_wait3A_478 = arith.constant 0 : i32
          %dma_wait3A_479 = arith.constant 0 : i32
          %dma_wait3A_480 = tpu.memref_slice %arg8[%dma_wait3A_478, %dma_wait3A_479] : memref<10240x128xf32, #tpu.memory_space<vmem_shared>> -> memref<10240x128xf32, #tpu.memory_space<vmem_shared>>
          tpu.wait_indirect_dma semaphore(%arg17 : memref<!tpu.dma_semaphore, #tpu.memory_space<semaphore_mem>>) src(%dma_wait3A_474 : memref<80x128xf32, #tpu.memory_space<vmem>>) dst(%dma_wait3A_480 : memref<10240x128xf32, #tpu.memory_space<vmem_shared>>)
        } else {
        }
        %add3A_288 = arith.constant 2 : i32
        %add3A_289 = arith.addi %add3A_257, %add3A_288 : i32
        %lt3A_290 = arith.constant 250 : i32
        %lt3A_291 = arith.cmpi slt, %add3A_289, %lt3A_290 : i32
        %convert_element_type3A_292 = arith.extui %lt3A_291 : i1 to i32
        %cond3A_293 = arith.constant 0 : i32
        %cond3A_294 = arith.cmpi ne, %convert_element_type3A_292, %cond3A_293 : i32
        scf.if %cond3A_294 {
          %add3A_469 = arith.constant 2 : i32
          %add3A_470 = arith.addi %add3A_257, %add3A_469 : i32
          %mul3A_471 = arith.constant 80 : i32
          %mul3A_472 = arith.muli %add3A_470, %mul3A_471 : i32
          %add3A_473 = arith.addi %mul3A_55, %mul3A_472 : i32
          %multiple_of3A_474 = tpu.assume_multiple %add3A_473, 8 : i32
          %dma_start3A_475 = arith.constant 2 : i32
          %dma_start3A_476 = arith.constant 0 : i32
          %dma_start3A_477 = tpu.memref_slice %arg10[%dma_start3A_475, %dma_start3A_476] : memref<4x80xi32, #tpu.memory_space<vmem>> -> memref<1x80xi32, #tpu.memory_space<vmem>>
          %dma_start3A_478 = tpu.memref_squeeze %dma_start3A_477 : memref<1x80xi32, #tpu.memory_space<vmem>> -> memref<80xi32, #tpu.memory_space<vmem>>
          %dma_start3A_479 = tpu.memref_slice %arg2[%multiple_of3A_474] : memref<320000xi32, #tpu.memory_space<hbm>> -> memref<80xi32, #tpu.memory_space<hbm>>
          %dma_start3A_480 = arith.constant 0 : i32
          %dma_start3A_481 = tpu.memref_slice %arg10[%dma_start3A_475, %dma_start3A_480] : memref<4x80xi32, #tpu.memory_space<vmem>> -> memref<1x80xi32, #tpu.memory_space<vmem>>
          %dma_start3A_482 = tpu.memref_squeeze %dma_start3A_481 : memref<1x80xi32, #tpu.memory_space<vmem>> -> memref<80xi32, #tpu.memory_space<vmem>>
          %dma_start3A_483 = tpu.memref_slice %arg2[%multiple_of3A_474] : memref<320000xi32, #tpu.memory_space<hbm>> -> memref<80xi32, #tpu.memory_space<hbm>>
          tpu.enqueue_dma source(%dma_start3A_483 : memref<80xi32, #tpu.memory_space<hbm>>) target(%dma_start3A_482 : memref<80xi32, #tpu.memory_space<vmem>>) target_semaphore(%arg15 : memref<!tpu.dma_semaphore, #tpu.memory_space<semaphore_mem>>)
          %dma_start3A_484 = arith.constant 2 : i32
          %dma_start3A_485 = arith.constant 0 : i32
          %dma_start3A_486 = arith.constant 0 : i32
          %dma_start3A_487 = tpu.memref_slice %arg11[%dma_start3A_484, %dma_start3A_485, %dma_start3A_486] : memref<4x80x128xf32, #tpu.memory_space<vmem>> -> memref<1x80x128xf32, #tpu.memory_space<vmem>>
          %dma_start3A_488 = tpu.memref_squeeze %dma_start3A_487 : memref<1x80x128xf32, #tpu.memory_space<vmem>> -> memref<80x128xf32, #tpu.memory_space<vmem>>
          %dma_start3A_489 = arith.constant 0 : i32
          %dma_start3A_490 = tpu.memref_slice %arg4[%multiple_of3A_474, %dma_start3A_489] : memref<320000x128xf32, #tpu.memory_space<hbm>> -> memref<80x128xf32, #tpu.memory_space<hbm>>
          %dma_start3A_491 = arith.constant 0 : i32
          %dma_start3A_492 = arith.constant 0 : i32
          %dma_start3A_493 = tpu.memref_slice %arg11[%dma_start3A_484, %dma_start3A_491, %dma_start3A_492] : memref<4x80x128xf32, #tpu.memory_space<vmem>> -> memref<1x80x128xf32, #tpu.memory_space<vmem>>
          %dma_start3A_494 = tpu.memref_squeeze %dma_start3A_493 : memref<1x80x128xf32, #tpu.memory_space<vmem>> -> memref<80x128xf32, #tpu.memory_space<vmem>>
          %dma_start3A_495 = arith.constant 0 : i32
          %dma_start3A_496 = tpu.memref_slice %arg4[%multiple_of3A_474, %dma_start3A_495] : memref<320000x128xf32, #tpu.memory_space<hbm>> -> memref<80x128xf32, #tpu.memory_space<hbm>>
          tpu.enqueue_dma source(%dma_start3A_496 : memref<80x128xf32, #tpu.memory_space<hbm>>) target(%dma_start3A_494 : memref<80x128xf32, #tpu.memory_space<vmem>>) target_semaphore(%arg16 : memref<!tpu.dma_semaphore, #tpu.memory_space<semaphore_mem>>)
        } else {
        }
        %dma_start3A_295 = arith.constant 0 : i32
        %dma_start3A_296 = arith.constant 0 : i32
        %dma_start3A_297 = arith.constant 0 : i32
        %dma_start3A_298 = arith.constant 0 : i32
        %dma_start3A_299 = tpu.memref_slice %arg11[%dma_start3A_295, %dma_start3A_297, %dma_start3A_298] : memref<4x80x128xf32, #tpu.memory_space<vmem>> -> memref<1x80x128xf32, #tpu.memory_space<vmem>>
        %dma_start3A_300 = tpu.memref_squeeze %dma_start3A_299 : memref<1x80x128xf32, #tpu.memory_space<vmem>> -> memref<80x128xf32, #tpu.memory_space<vmem>>
        %dma_start3A_301 = arith.constant 0 : i32
        %dma_start3A_302 = tpu.memref_slice %arg10[%dma_start3A_296, %dma_start3A_301] : memref<4x80xi32, #tpu.memory_space<vmem>> -> memref<1x80xi32, #tpu.memory_space<vmem>>
        %dma_start3A_303 = tpu.memref_squeeze %dma_start3A_302 : memref<1x80xi32, #tpu.memory_space<vmem>> -> memref<80xi32, #tpu.memory_space<vmem>>
        %dma_start3A_304 = arith.constant 0 : i32
        %dma_start3A_305 = arith.constant 0 : i32
        %dma_start3A_306 = tpu.memref_slice %arg8[%dma_start3A_304, %dma_start3A_305] : memref<10240x128xf32, #tpu.memory_space<vmem_shared>> -> memref<10240x128xf32, #tpu.memory_space<vmem_shared>>
        tpu.enqueue_indirect_dma source(%dma_start3A_300 : memref<80x128xf32, #tpu.memory_space<vmem>>) target(%dma_start3A_306 : memref<10240x128xf32, #tpu.memory_space<vmem_shared>>) offsets(%dma_start3A_303 : memref<80xi32, #tpu.memory_space<vmem>>) semaphore(%arg17 : memref<!tpu.dma_semaphore, #tpu.memory_space<semaphore_mem>>) {add = true}
        %mul3A_307 = arith.constant 4 : i32
        %mul3A_308 = arith.muli %scan3A_253, %mul3A_307 : i32
        %add3A_309 = arith.constant 1 : i32
        %add3A_310 = arith.addi %mul3A_308, %add3A_309 : i32
        %dma_wait3A_311 = arith.constant 1 : i32
        %dma_wait3A_312 = arith.constant 0 : i32
        %dma_wait3A_313 = tpu.memref_slice %arg10[%dma_wait3A_311, %dma_wait3A_312] : memref<4x80xi32, #tpu.memory_space<vmem>> -> memref<1x80xi32, #tpu.memory_space<vmem>>
        %dma_wait3A_314 = tpu.memref_squeeze %dma_wait3A_313 : memref<1x80xi32, #tpu.memory_space<vmem>> -> memref<80xi32, #tpu.memory_space<vmem>>
        %dma_wait3A_315 = arith.constant 0 : i32
        %dma_wait3A_316 = tpu.memref_slice %arg2[%dma_wait3A_315] : memref<320000xi32, #tpu.memory_space<hbm>> -> memref<80xi32, #tpu.memory_space<hbm>>
        %dma_wait3A_317 = arith.constant 0 : i32
        %dma_wait3A_318 = tpu.memref_slice %arg10[%dma_wait3A_311, %dma_wait3A_317] : memref<4x80xi32, #tpu.memory_space<vmem>> -> memref<1x80xi32, #tpu.memory_space<vmem>>
        %dma_wait3A_319 = tpu.memref_squeeze %dma_wait3A_318 : memref<1x80xi32, #tpu.memory_space<vmem>> -> memref<80xi32, #tpu.memory_space<vmem>>
        %dma_wait3A_320 = arith.constant 0 : i32
        %dma_wait3A_321 = tpu.memref_slice %arg2[%dma_wait3A_320] : memref<320000xi32, #tpu.memory_space<hbm>> -> memref<80xi32, #tpu.memory_space<hbm>>
        tpu.wait_dma2 semaphore(%arg15 : memref<!tpu.dma_semaphore, #tpu.memory_space<semaphore_mem>>) src(%dma_wait3A_321 : memref<80xi32, #tpu.memory_space<hbm>>) dst(%dma_wait3A_319 : memref<80xi32, #tpu.memory_space<vmem>>)
        %dma_wait3A_322 = arith.constant 1 : i32
        %dma_wait3A_323 = arith.constant 0 : i32
        %dma_wait3A_324 = arith.constant 0 : i32
        %dma_wait3A_325 = tpu.memref_slice %arg11[%dma_wait3A_322, %dma_wait3A_323, %dma_wait3A_324] : memref<4x80x128xf32, #tpu.memory_space<vmem>> -> memref<1x80x128xf32, #tpu.memory_space<vmem>>
        %dma_wait3A_326 = tpu.memref_squeeze %dma_wait3A_325 : memref<1x80x128xf32, #tpu.memory_space<vmem>> -> memref<80x128xf32, #tpu.memory_space<vmem>>
        %dma_wait3A_327 = arith.constant 0 : i32
        %dma_wait3A_328 = arith.constant 0 : i32
        %dma_wait3A_329 = tpu.memref_slice %arg4[%dma_wait3A_327, %dma_wait3A_328] : memref<320000x128xf32, #tpu.memory_space<hbm>> -> memref<80x128xf32, #tpu.memory_space<hbm>>
        %dma_wait3A_330 = arith.constant 0 : i32
        %dma_wait3A_331 = arith.constant 0 : i32
        %dma_wait3A_332 = tpu.memref_slice %arg11[%dma_wait3A_322, %dma_wait3A_330, %dma_wait3A_331] : memref<4x80x128xf32, #tpu.memory_space<vmem>> -> memref<1x80x128xf32, #tpu.memory_space<vmem>>
        %dma_wait3A_333 = tpu.memref_squeeze %dma_wait3A_332 : memref<1x80x128xf32, #tpu.memory_space<vmem>> -> memref<80x128xf32, #tpu.memory_space<vmem>>
        %dma_wait3A_334 = arith.constant 0 : i32
        %dma_wait3A_335 = arith.constant 0 : i32
        %dma_wait3A_336 = tpu.memref_slice %arg4[%dma_wait3A_334, %dma_wait3A_335] : memref<320000x128xf32, #tpu.memory_space<hbm>> -> memref<80x128xf32, #tpu.memory_space<hbm>>
        tpu.wait_dma2 semaphore(%arg16 : memref<!tpu.dma_semaphore, #tpu.memory_space<semaphore_mem>>) src(%dma_wait3A_336 : memref<80x128xf32, #tpu.memory_space<hbm>>) dst(%dma_wait3A_333 : memref<80x128xf32, #tpu.memory_space<vmem>>)
        %ge3A_337 = arith.constant 2 : i32
        %ge3A_338 = arith.cmpi sge, %add3A_310, %ge3A_337 : i32
        %convert_element_type3A_339 = arith.extui %ge3A_338 : i1 to i32
        %cond3A_340 = arith.constant 0 : i32
        %cond3A_341 = arith.cmpi ne, %convert_element_type3A_339, %cond3A_340 : i32
        scf.if %cond3A_341 {
          %dma_wait3A_469 = arith.constant 3 : i32
          %dma_wait3A_470 = arith.constant 3 : i32
          %dma_wait3A_471 = arith.constant 0 : i32
          %dma_wait3A_472 = arith.constant 0 : i32
          %dma_wait3A_473 = tpu.memref_slice %arg11[%dma_wait3A_469, %dma_wait3A_471, %dma_wait3A_472] : memref<4x80x128xf32, #tpu.memory_space<vmem>> -> memref<1x80x128xf32, #tpu.memory_space<vmem>>
          %dma_wait3A_474 = tpu.memref_squeeze %dma_wait3A_473 : memref<1x80x128xf32, #tpu.memory_space<vmem>> -> memref<80x128xf32, #tpu.memory_space<vmem>>
          %dma_wait3A_475 = arith.constant 0 : i32
          %dma_wait3A_476 = tpu.memref_slice %arg10[%dma_wait3A_470, %dma_wait3A_475] : memref<4x80xi32, #tpu.memory_space<vmem>> -> memref<1x80xi32, #tpu.memory_space<vmem>>
          %dma_wait3A_477 = tpu.memref_squeeze %dma_wait3A_476 : memref<1x80xi32, #tpu.memory_space<vmem>> -> memref<80xi32, #tpu.memory_space<vmem>>
          %dma_wait3A_478 = arith.constant 0 : i32
          %dma_wait3A_479 = arith.constant 0 : i32
          %dma_wait3A_480 = tpu.memref_slice %arg8[%dma_wait3A_478, %dma_wait3A_479] : memref<10240x128xf32, #tpu.memory_space<vmem_shared>> -> memref<10240x128xf32, #tpu.memory_space<vmem_shared>>
          tpu.wait_indirect_dma semaphore(%arg17 : memref<!tpu.dma_semaphore, #tpu.memory_space<semaphore_mem>>) src(%dma_wait3A_474 : memref<80x128xf32, #tpu.memory_space<vmem>>) dst(%dma_wait3A_480 : memref<10240x128xf32, #tpu.memory_space<vmem_shared>>)
        } else {
        }
        %add3A_342 = arith.constant 2 : i32
        %add3A_343 = arith.addi %add3A_310, %add3A_342 : i32
        %lt3A_344 = arith.constant 250 : i32
        %lt3A_345 = arith.cmpi slt, %add3A_343, %lt3A_344 : i32
        %convert_element_type3A_346 = arith.extui %lt3A_345 : i1 to i32
        %cond3A_347 = arith.constant 0 : i32
        %cond3A_348 = arith.cmpi ne, %convert_element_type3A_346, %cond3A_347 : i32
        scf.if %cond3A_348 {
          %add3A_469 = arith.constant 2 : i32
          %add3A_470 = arith.addi %add3A_310, %add3A_469 : i32
          %mul3A_471 = arith.constant 80 : i32
          %mul3A_472 = arith.muli %add3A_470, %mul3A_471 : i32
          %add3A_473 = arith.addi %mul3A_55, %mul3A_472 : i32
          %multiple_of3A_474 = tpu.assume_multiple %add3A_473, 8 : i32
          %dma_start3A_475 = arith.constant 3 : i32
          %dma_start3A_476 = arith.constant 0 : i32
          %dma_start3A_477 = tpu.memref_slice %arg10[%dma_start3A_475, %dma_start3A_476] : memref<4x80xi32, #tpu.memory_space<vmem>> -> memref<1x80xi32, #tpu.memory_space<vmem>>
          %dma_start3A_478 = tpu.memref_squeeze %dma_start3A_477 : memref<1x80xi32, #tpu.memory_space<vmem>> -> memref<80xi32, #tpu.memory_space<vmem>>
          %dma_start3A_479 = tpu.memref_slice %arg2[%multiple_of3A_474] : memref<320000xi32, #tpu.memory_space<hbm>> -> memref<80xi32, #tpu.memory_space<hbm>>
          %dma_start3A_480 = arith.constant 0 : i32
          %dma_start3A_481 = tpu.memref_slice %arg10[%dma_start3A_475, %dma_start3A_480] : memref<4x80xi32, #tpu.memory_space<vmem>> -> memref<1x80xi32, #tpu.memory_space<vmem>>
          %dma_start3A_482 = tpu.memref_squeeze %dma_start3A_481 : memref<1x80xi32, #tpu.memory_space<vmem>> -> memref<80xi32, #tpu.memory_space<vmem>>
          %dma_start3A_483 = tpu.memref_slice %arg2[%multiple_of3A_474] : memref<320000xi32, #tpu.memory_space<hbm>> -> memref<80xi32, #tpu.memory_space<hbm>>
          tpu.enqueue_dma source(%dma_start3A_483 : memref<80xi32, #tpu.memory_space<hbm>>) target(%dma_start3A_482 : memref<80xi32, #tpu.memory_space<vmem>>) target_semaphore(%arg15 : memref<!tpu.dma_semaphore, #tpu.memory_space<semaphore_mem>>)
          %dma_start3A_484 = arith.constant 3 : i32
          %dma_start3A_485 = arith.constant 0 : i32
          %dma_start3A_486 = arith.constant 0 : i32
          %dma_start3A_487 = tpu.memref_slice %arg11[%dma_start3A_484, %dma_start3A_485, %dma_start3A_486] : memref<4x80x128xf32, #tpu.memory_space<vmem>> -> memref<1x80x128xf32, #tpu.memory_space<vmem>>
          %dma_start3A_488 = tpu.memref_squeeze %dma_start3A_487 : memref<1x80x128xf32, #tpu.memory_space<vmem>> -> memref<80x128xf32, #tpu.memory_space<vmem>>
          %dma_start3A_489 = arith.constant 0 : i32
          %dma_start3A_490 = tpu.memref_slice %arg4[%multiple_of3A_474, %dma_start3A_489] : memref<320000x128xf32, #tpu.memory_space<hbm>> -> memref<80x128xf32, #tpu.memory_space<hbm>>
          %dma_start3A_491 = arith.constant 0 : i32
          %dma_start3A_492 = arith.constant 0 : i32
          %dma_start3A_493 = tpu.memref_slice %arg11[%dma_start3A_484, %dma_start3A_491, %dma_start3A_492] : memref<4x80x128xf32, #tpu.memory_space<vmem>> -> memref<1x80x128xf32, #tpu.memory_space<vmem>>
          %dma_start3A_494 = tpu.memref_squeeze %dma_start3A_493 : memref<1x80x128xf32, #tpu.memory_space<vmem>> -> memref<80x128xf32, #tpu.memory_space<vmem>>
          %dma_start3A_495 = arith.constant 0 : i32
          %dma_start3A_496 = tpu.memref_slice %arg4[%multiple_of3A_474, %dma_start3A_495] : memref<320000x128xf32, #tpu.memory_space<hbm>> -> memref<80x128xf32, #tpu.memory_space<hbm>>
          tpu.enqueue_dma source(%dma_start3A_496 : memref<80x128xf32, #tpu.memory_space<hbm>>) target(%dma_start3A_494 : memref<80x128xf32, #tpu.memory_space<vmem>>) target_semaphore(%arg16 : memref<!tpu.dma_semaphore, #tpu.memory_space<semaphore_mem>>)
        } else {
        }
        %dma_start3A_349 = arith.constant 1 : i32
        %dma_start3A_350 = arith.constant 1 : i32
        %dma_start3A_351 = arith.constant 0 : i32
        %dma_start3A_352 = arith.constant 0 : i32
        %dma_start3A_353 = tpu.memref_slice %arg11[%dma_start3A_349, %dma_start3A_351, %dma_start3A_352] : memref<4x80x128xf32, #tpu.memory_space<vmem>> -> memref<1x80x128xf32, #tpu.memory_space<vmem>>
        %dma_start3A_354 = tpu.memref_squeeze %dma_start3A_353 : memref<1x80x128xf32, #tpu.memory_space<vmem>> -> memref<80x128xf32, #tpu.memory_space<vmem>>
        %dma_start3A_355 = arith.constant 0 : i32
        %dma_start3A_356 = tpu.memref_slice %arg10[%dma_start3A_350, %dma_start3A_355] : memref<4x80xi32, #tpu.memory_space<vmem>> -> memref<1x80xi32, #tpu.memory_space<vmem>>
        %dma_start3A_357 = tpu.memref_squeeze %dma_start3A_356 : memref<1x80xi32, #tpu.memory_space<vmem>> -> memref<80xi32, #tpu.memory_space<vmem>>
        %dma_start3A_358 = arith.constant 0 : i32
        %dma_start3A_359 = arith.constant 0 : i32
        %dma_start3A_360 = tpu.memref_slice %arg8[%dma_start3A_358, %dma_start3A_359] : memref<10240x128xf32, #tpu.memory_space<vmem_shared>> -> memref<10240x128xf32, #tpu.memory_space<vmem_shared>>
        tpu.enqueue_indirect_dma source(%dma_start3A_354 : memref<80x128xf32, #tpu.memory_space<vmem>>) target(%dma_start3A_360 : memref<10240x128xf32, #tpu.memory_space<vmem_shared>>) offsets(%dma_start3A_357 : memref<80xi32, #tpu.memory_space<vmem>>) semaphore(%arg17 : memref<!tpu.dma_semaphore, #tpu.memory_space<semaphore_mem>>) {add = true}
        %mul3A_361 = arith.constant 4 : i32
        %mul3A_362 = arith.muli %scan3A_253, %mul3A_361 : i32
        %add3A_363 = arith.constant 2 : i32
        %add3A_364 = arith.addi %mul3A_362, %add3A_363 : i32
        %dma_wait3A_365 = arith.constant 2 : i32
        %dma_wait3A_366 = arith.constant 0 : i32
        %dma_wait3A_367 = tpu.memref_slice %arg10[%dma_wait3A_365, %dma_wait3A_366] : memref<4x80xi32, #tpu.memory_space<vmem>> -> memref<1x80xi32, #tpu.memory_space<vmem>>
        %dma_wait3A_368 = tpu.memref_squeeze %dma_wait3A_367 : memref<1x80xi32, #tpu.memory_space<vmem>> -> memref<80xi32, #tpu.memory_space<vmem>>
        %dma_wait3A_369 = arith.constant 0 : i32
        %dma_wait3A_370 = tpu.memref_slice %arg2[%dma_wait3A_369] : memref<320000xi32, #tpu.memory_space<hbm>> -> memref<80xi32, #tpu.memory_space<hbm>>
        %dma_wait3A_371 = arith.constant 0 : i32
        %dma_wait3A_372 = tpu.memref_slice %arg10[%dma_wait3A_365, %dma_wait3A_371] : memref<4x80xi32, #tpu.memory_space<vmem>> -> memref<1x80xi32, #tpu.memory_space<vmem>>
        %dma_wait3A_373 = tpu.memref_squeeze %dma_wait3A_372 : memref<1x80xi32, #tpu.memory_space<vmem>> -> memref<80xi32, #tpu.memory_space<vmem>>
        %dma_wait3A_374 = arith.constant 0 : i32
        %dma_wait3A_375 = tpu.memref_slice %arg2[%dma_wait3A_374] : memref<320000xi32, #tpu.memory_space<hbm>> -> memref<80xi32, #tpu.memory_space<hbm>>
        tpu.wait_dma2 semaphore(%arg15 : memref<!tpu.dma_semaphore, #tpu.memory_space<semaphore_mem>>) src(%dma_wait3A_375 : memref<80xi32, #tpu.memory_space<hbm>>) dst(%dma_wait3A_373 : memref<80xi32, #tpu.memory_space<vmem>>)
        %dma_wait3A_376 = arith.constant 2 : i32
        %dma_wait3A_377 = arith.constant 0 : i32
        %dma_wait3A_378 = arith.constant 0 : i32
        %dma_wait3A_379 = tpu.memref_slice %arg11[%dma_wait3A_376, %dma_wait3A_377, %dma_wait3A_378] : memref<4x80x128xf32, #tpu.memory_space<vmem>> -> memref<1x80x128xf32, #tpu.memory_space<vmem>>
        %dma_wait3A_380 = tpu.memref_squeeze %dma_wait3A_379 : memref<1x80x128xf32, #tpu.memory_space<vmem>> -> memref<80x128xf32, #tpu.memory_space<vmem>>
        %dma_wait3A_381 = arith.constant 0 : i32
        %dma_wait3A_382 = arith.constant 0 : i32
        %dma_wait3A_383 = tpu.memref_slice %arg4[%dma_wait3A_381, %dma_wait3A_382] : memref<320000x128xf32, #tpu.memory_space<hbm>> -> memref<80x128xf32, #tpu.memory_space<hbm>>
        %dma_wait3A_384 = arith.constant 0 : i32
        %dma_wait3A_385 = arith.constant 0 : i32
        %dma_wait3A_386 = tpu.memref_slice %arg11[%dma_wait3A_376, %dma_wait3A_384, %dma_wait3A_385] : memref<4x80x128xf32, #tpu.memory_space<vmem>> -> memref<1x80x128xf32, #tpu.memory_space<vmem>>
        %dma_wait3A_387 = tpu.memref_squeeze %dma_wait3A_386 : memref<1x80x128xf32, #tpu.memory_space<vmem>> -> memref<80x128xf32, #tpu.memory_space<vmem>>
        %dma_wait3A_388 = arith.constant 0 : i32
        %dma_wait3A_389 = arith.constant 0 : i32
        %dma_wait3A_390 = tpu.memref_slice %arg4[%dma_wait3A_388, %dma_wait3A_389] : memref<320000x128xf32, #tpu.memory_space<hbm>> -> memref<80x128xf32, #tpu.memory_space<hbm>>
        tpu.wait_dma2 semaphore(%arg16 : memref<!tpu.dma_semaphore, #tpu.memory_space<semaphore_mem>>) src(%dma_wait3A_390 : memref<80x128xf32, #tpu.memory_space<hbm>>) dst(%dma_wait3A_387 : memref<80x128xf32, #tpu.memory_space<vmem>>)
        %ge3A_391 = arith.constant 2 : i32
        %ge3A_392 = arith.cmpi sge, %add3A_364, %ge3A_391 : i32
        %convert_element_type3A_393 = arith.extui %ge3A_392 : i1 to i32
        %cond3A_394 = arith.constant 0 : i32
        %cond3A_395 = arith.cmpi ne, %convert_element_type3A_393, %cond3A_394 : i32
        scf.if %cond3A_395 {
          %dma_wait3A_469 = arith.constant 0 : i32
          %dma_wait3A_470 = arith.constant 0 : i32
          %dma_wait3A_471 = arith.constant 0 : i32
          %dma_wait3A_472 = arith.constant 0 : i32
          %dma_wait3A_473 = tpu.memref_slice %arg11[%dma_wait3A_469, %dma_wait3A_471, %dma_wait3A_472] : memref<4x80x128xf32, #tpu.memory_space<vmem>> -> memref<1x80x128xf32, #tpu.memory_space<vmem>>
          %dma_wait3A_474 = tpu.memref_squeeze %dma_wait3A_473 : memref<1x80x128xf32, #tpu.memory_space<vmem>> -> memref<80x128xf32, #tpu.memory_space<vmem>>
          %dma_wait3A_475 = arith.constant 0 : i32
          %dma_wait3A_476 = tpu.memref_slice %arg10[%dma_wait3A_470, %dma_wait3A_475] : memref<4x80xi32, #tpu.memory_space<vmem>> -> memref<1x80xi32, #tpu.memory_space<vmem>>
          %dma_wait3A_477 = tpu.memref_squeeze %dma_wait3A_476 : memref<1x80xi32, #tpu.memory_space<vmem>> -> memref<80xi32, #tpu.memory_space<vmem>>
          %dma_wait3A_478 = arith.constant 0 : i32
          %dma_wait3A_479 = arith.constant 0 : i32
          %dma_wait3A_480 = tpu.memref_slice %arg8[%dma_wait3A_478, %dma_wait3A_479] : memref<10240x128xf32, #tpu.memory_space<vmem_shared>> -> memref<10240x128xf32, #tpu.memory_space<vmem_shared>>
          tpu.wait_indirect_dma semaphore(%arg17 : memref<!tpu.dma_semaphore, #tpu.memory_space<semaphore_mem>>) src(%dma_wait3A_474 : memref<80x128xf32, #tpu.memory_space<vmem>>) dst(%dma_wait3A_480 : memref<10240x128xf32, #tpu.memory_space<vmem_shared>>)
        } else {
        }
        %add3A_396 = arith.constant 2 : i32
        %add3A_397 = arith.addi %add3A_364, %add3A_396 : i32
        %lt3A_398 = arith.constant 250 : i32
        %lt3A_399 = arith.cmpi slt, %add3A_397, %lt3A_398 : i32
        %convert_element_type3A_400 = arith.extui %lt3A_399 : i1 to i32
        %cond3A_401 = arith.constant 0 : i32
        %cond3A_402 = arith.cmpi ne, %convert_element_type3A_400, %cond3A_401 : i32
        scf.if %cond3A_402 {
          %add3A_469 = arith.constant 2 : i32
          %add3A_470 = arith.addi %add3A_364, %add3A_469 : i32
          %mul3A_471 = arith.constant 80 : i32
          %mul3A_472 = arith.muli %add3A_470, %mul3A_471 : i32
          %add3A_473 = arith.addi %mul3A_55, %mul3A_472 : i32
          %multiple_of3A_474 = tpu.assume_multiple %add3A_473, 8 : i32
          %dma_start3A_475 = arith.constant 0 : i32
          %dma_start3A_476 = arith.constant 0 : i32
          %dma_start3A_477 = tpu.memref_slice %arg10[%dma_start3A_475, %dma_start3A_476] : memref<4x80xi32, #tpu.memory_space<vmem>> -> memref<1x80xi32, #tpu.memory_space<vmem>>
          %dma_start3A_478 = tpu.memref_squeeze %dma_start3A_477 : memref<1x80xi32, #tpu.memory_space<vmem>> -> memref<80xi32, #tpu.memory_space<vmem>>
          %dma_start3A_479 = tpu.memref_slice %arg2[%multiple_of3A_474] : memref<320000xi32, #tpu.memory_space<hbm>> -> memref<80xi32, #tpu.memory_space<hbm>>
          %dma_start3A_480 = arith.constant 0 : i32
          %dma_start3A_481 = tpu.memref_slice %arg10[%dma_start3A_475, %dma_start3A_480] : memref<4x80xi32, #tpu.memory_space<vmem>> -> memref<1x80xi32, #tpu.memory_space<vmem>>
          %dma_start3A_482 = tpu.memref_squeeze %dma_start3A_481 : memref<1x80xi32, #tpu.memory_space<vmem>> -> memref<80xi32, #tpu.memory_space<vmem>>
          %dma_start3A_483 = tpu.memref_slice %arg2[%multiple_of3A_474] : memref<320000xi32, #tpu.memory_space<hbm>> -> memref<80xi32, #tpu.memory_space<hbm>>
          tpu.enqueue_dma source(%dma_start3A_483 : memref<80xi32, #tpu.memory_space<hbm>>) target(%dma_start3A_482 : memref<80xi32, #tpu.memory_space<vmem>>) target_semaphore(%arg15 : memref<!tpu.dma_semaphore, #tpu.memory_space<semaphore_mem>>)
          %dma_start3A_484 = arith.constant 0 : i32
          %dma_start3A_485 = arith.constant 0 : i32
          %dma_start3A_486 = arith.constant 0 : i32
          %dma_start3A_487 = tpu.memref_slice %arg11[%dma_start3A_484, %dma_start3A_485, %dma_start3A_486] : memref<4x80x128xf32, #tpu.memory_space<vmem>> -> memref<1x80x128xf32, #tpu.memory_space<vmem>>
          %dma_start3A_488 = tpu.memref_squeeze %dma_start3A_487 : memref<1x80x128xf32, #tpu.memory_space<vmem>> -> memref<80x128xf32, #tpu.memory_space<vmem>>
          %dma_start3A_489 = arith.constant 0 : i32
          %dma_start3A_490 = tpu.memref_slice %arg4[%multiple_of3A_474, %dma_start3A_489] : memref<320000x128xf32, #tpu.memory_space<hbm>> -> memref<80x128xf32, #tpu.memory_space<hbm>>
          %dma_start3A_491 = arith.constant 0 : i32
          %dma_start3A_492 = arith.constant 0 : i32
          %dma_start3A_493 = tpu.memref_slice %arg11[%dma_start3A_484, %dma_start3A_491, %dma_start3A_492] : memref<4x80x128xf32, #tpu.memory_space<vmem>> -> memref<1x80x128xf32, #tpu.memory_space<vmem>>
          %dma_start3A_494 = tpu.memref_squeeze %dma_start3A_493 : memref<1x80x128xf32, #tpu.memory_space<vmem>> -> memref<80x128xf32, #tpu.memory_space<vmem>>
          %dma_start3A_495 = arith.constant 0 : i32
          %dma_start3A_496 = tpu.memref_slice %arg4[%multiple_of3A_474, %dma_start3A_495] : memref<320000x128xf32, #tpu.memory_space<hbm>> -> memref<80x128xf32, #tpu.memory_space<hbm>>
          tpu.enqueue_dma source(%dma_start3A_496 : memref<80x128xf32, #tpu.memory_space<hbm>>) target(%dma_start3A_494 : memref<80x128xf32, #tpu.memory_space<vmem>>) target_semaphore(%arg16 : memref<!tpu.dma_semaphore, #tpu.memory_space<semaphore_mem>>)
        } else {
        }
        %dma_start3A_403 = arith.constant 2 : i32
        %dma_start3A_404 = arith.constant 2 : i32
        %dma_start3A_405 = arith.constant 0 : i32
        %dma_start3A_406 = arith.constant 0 : i32
        %dma_start3A_407 = tpu.memref_slice %arg11[%dma_start3A_403, %dma_start3A_405, %dma_start3A_406] : memref<4x80x128xf32, #tpu.memory_space<vmem>> -> memref<1x80x128xf32, #tpu.memory_space<vmem>>
        %dma_start3A_408 = tpu.memref_squeeze %dma_start3A_407 : memref<1x80x128xf32, #tpu.memory_space<vmem>> -> memref<80x128xf32, #tpu.memory_space<vmem>>
        %dma_start3A_409 = arith.constant 0 : i32
        %dma_start3A_410 = tpu.memref_slice %arg10[%dma_start3A_404, %dma_start3A_409] : memref<4x80xi32, #tpu.memory_space<vmem>> -> memref<1x80xi32, #tpu.memory_space<vmem>>
        %dma_start3A_411 = tpu.memref_squeeze %dma_start3A_410 : memref<1x80xi32, #tpu.memory_space<vmem>> -> memref<80xi32, #tpu.memory_space<vmem>>
        %dma_start3A_412 = arith.constant 0 : i32
        %dma_start3A_413 = arith.constant 0 : i32
        %dma_start3A_414 = tpu.memref_slice %arg8[%dma_start3A_412, %dma_start3A_413] : memref<10240x128xf32, #tpu.memory_space<vmem_shared>> -> memref<10240x128xf32, #tpu.memory_space<vmem_shared>>
        tpu.enqueue_indirect_dma source(%dma_start3A_408 : memref<80x128xf32, #tpu.memory_space<vmem>>) target(%dma_start3A_414 : memref<10240x128xf32, #tpu.memory_space<vmem_shared>>) offsets(%dma_start3A_411 : memref<80xi32, #tpu.memory_space<vmem>>) semaphore(%arg17 : memref<!tpu.dma_semaphore, #tpu.memory_space<semaphore_mem>>) {add = true}
        %mul3A_415 = arith.constant 4 : i32
        %mul3A_416 = arith.muli %scan3A_253, %mul3A_415 : i32
        %add3A_417 = arith.constant 3 : i32
        %add3A_418 = arith.addi %mul3A_416, %add3A_417 : i32
        %dma_wait3A_419 = arith.constant 3 : i32
        %dma_wait3A_420 = arith.constant 0 : i32
        %dma_wait3A_421 = tpu.memref_slice %arg10[%dma_wait3A_419, %dma_wait3A_420] : memref<4x80xi32, #tpu.memory_space<vmem>> -> memref<1x80xi32, #tpu.memory_space<vmem>>
        %dma_wait3A_422 = tpu.memref_squeeze %dma_wait3A_421 : memref<1x80xi32, #tpu.memory_space<vmem>> -> memref<80xi32, #tpu.memory_space<vmem>>
        %dma_wait3A_423 = arith.constant 0 : i32
        %dma_wait3A_424 = tpu.memref_slice %arg2[%dma_wait3A_423] : memref<320000xi32, #tpu.memory_space<hbm>> -> memref<80xi32, #tpu.memory_space<hbm>>
        %dma_wait3A_425 = arith.constant 0 : i32
        %dma_wait3A_426 = tpu.memref_slice %arg10[%dma_wait3A_419, %dma_wait3A_425] : memref<4x80xi32, #tpu.memory_space<vmem>> -> memref<1x80xi32, #tpu.memory_space<vmem>>
        %dma_wait3A_427 = tpu.memref_squeeze %dma_wait3A_426 : memref<1x80xi32, #tpu.memory_space<vmem>> -> memref<80xi32, #tpu.memory_space<vmem>>
        %dma_wait3A_428 = arith.constant 0 : i32
        %dma_wait3A_429 = tpu.memref_slice %arg2[%dma_wait3A_428] : memref<320000xi32, #tpu.memory_space<hbm>> -> memref<80xi32, #tpu.memory_space<hbm>>
        tpu.wait_dma2 semaphore(%arg15 : memref<!tpu.dma_semaphore, #tpu.memory_space<semaphore_mem>>) src(%dma_wait3A_429 : memref<80xi32, #tpu.memory_space<hbm>>) dst(%dma_wait3A_427 : memref<80xi32, #tpu.memory_space<vmem>>)
        %dma_wait3A_430 = arith.constant 3 : i32
        %dma_wait3A_431 = arith.constant 0 : i32
        %dma_wait3A_432 = arith.constant 0 : i32
        %dma_wait3A_433 = tpu.memref_slice %arg11[%dma_wait3A_430, %dma_wait3A_431, %dma_wait3A_432] : memref<4x80x128xf32, #tpu.memory_space<vmem>> -> memref<1x80x128xf32, #tpu.memory_space<vmem>>
        %dma_wait3A_434 = tpu.memref_squeeze %dma_wait3A_433 : memref<1x80x128xf32, #tpu.memory_space<vmem>> -> memref<80x128xf32, #tpu.memory_space<vmem>>
        %dma_wait3A_435 = arith.constant 0 : i32
        %dma_wait3A_436 = arith.constant 0 : i32
        %dma_wait3A_437 = tpu.memref_slice %arg4[%dma_wait3A_435, %dma_wait3A_436] : memref<320000x128xf32, #tpu.memory_space<hbm>> -> memref<80x128xf32, #tpu.memory_space<hbm>>
        %dma_wait3A_438 = arith.constant 0 : i32
        %dma_wait3A_439 = arith.constant 0 : i32
        %dma_wait3A_440 = tpu.memref_slice %arg11[%dma_wait3A_430, %dma_wait3A_438, %dma_wait3A_439] : memref<4x80x128xf32, #tpu.memory_space<vmem>> -> memref<1x80x128xf32, #tpu.memory_space<vmem>>
        %dma_wait3A_441 = tpu.memref_squeeze %dma_wait3A_440 : memref<1x80x128xf32, #tpu.memory_space<vmem>> -> memref<80x128xf32, #tpu.memory_space<vmem>>
        %dma_wait3A_442 = arith.constant 0 : i32
        %dma_wait3A_443 = arith.constant 0 : i32
        %dma_wait3A_444 = tpu.memref_slice %arg4[%dma_wait3A_442, %dma_wait3A_443] : memref<320000x128xf32, #tpu.memory_space<hbm>> -> memref<80x128xf32, #tpu.memory_space<hbm>>
        tpu.wait_dma2 semaphore(%arg16 : memref<!tpu.dma_semaphore, #tpu.memory_space<semaphore_mem>>) src(%dma_wait3A_444 : memref<80x128xf32, #tpu.memory_space<hbm>>) dst(%dma_wait3A_441 : memref<80x128xf32, #tpu.memory_space<vmem>>)
        %ge3A_445 = arith.constant 2 : i32
        %ge3A_446 = arith.cmpi sge, %add3A_418, %ge3A_445 : i32
        %convert_element_type3A_447 = arith.extui %ge3A_446 : i1 to i32
        %cond3A_448 = arith.constant 0 : i32
        %cond3A_449 = arith.cmpi ne, %convert_element_type3A_447, %cond3A_448 : i32
        scf.if %cond3A_449 {
          %dma_wait3A_469 = arith.constant 1 : i32
          %dma_wait3A_470 = arith.constant 1 : i32
          %dma_wait3A_471 = arith.constant 0 : i32
          %dma_wait3A_472 = arith.constant 0 : i32
          %dma_wait3A_473 = tpu.memref_slice %arg11[%dma_wait3A_469, %dma_wait3A_471, %dma_wait3A_472] : memref<4x80x128xf32, #tpu.memory_space<vmem>> -> memref<1x80x128xf32, #tpu.memory_space<vmem>>
          %dma_wait3A_474 = tpu.memref_squeeze %dma_wait3A_473 : memref<1x80x128xf32, #tpu.memory_space<vmem>> -> memref<80x128xf32, #tpu.memory_space<vmem>>
          %dma_wait3A_475 = arith.constant 0 : i32
          %dma_wait3A_476 = tpu.memref_slice %arg10[%dma_wait3A_470, %dma_wait3A_475] : memref<4x80xi32, #tpu.memory_space<vmem>> -> memref<1x80xi32, #tpu.memory_space<vmem>>
          %dma_wait3A_477 = tpu.memref_squeeze %dma_wait3A_476 : memref<1x80xi32, #tpu.memory_space<vmem>> -> memref<80xi32, #tpu.memory_space<vmem>>
          %dma_wait3A_478 = arith.constant 0 : i32
          %dma_wait3A_479 = arith.constant 0 : i32
          %dma_wait3A_480 = tpu.memref_slice %arg8[%dma_wait3A_478, %dma_wait3A_479] : memref<10240x128xf32, #tpu.memory_space<vmem_shared>> -> memref<10240x128xf32, #tpu.memory_space<vmem_shared>>
          tpu.wait_indirect_dma semaphore(%arg17 : memref<!tpu.dma_semaphore, #tpu.memory_space<semaphore_mem>>) src(%dma_wait3A_474 : memref<80x128xf32, #tpu.memory_space<vmem>>) dst(%dma_wait3A_480 : memref<10240x128xf32, #tpu.memory_space<vmem_shared>>)
        } else {
        }
        %add3A_450 = arith.constant 2 : i32
        %add3A_451 = arith.addi %add3A_418, %add3A_450 : i32
        %lt3A_452 = arith.constant 250 : i32
        %lt3A_453 = arith.cmpi slt, %add3A_451, %lt3A_452 : i32
        %convert_element_type3A_454 = arith.extui %lt3A_453 : i1 to i32
        %cond3A_455 = arith.constant 0 : i32
        %cond3A_456 = arith.cmpi ne, %convert_element_type3A_454, %cond3A_455 : i32
        scf.if %cond3A_456 {
          %add3A_469 = arith.constant 2 : i32
          %add3A_470 = arith.addi %add3A_418, %add3A_469 : i32
          %mul3A_471 = arith.constant 80 : i32
          %mul3A_472 = arith.muli %add3A_470, %mul3A_471 : i32
          %add3A_473 = arith.addi %mul3A_55, %mul3A_472 : i32
          %multiple_of3A_474 = tpu.assume_multiple %add3A_473, 8 : i32
          %dma_start3A_475 = arith.constant 1 : i32
          %dma_start3A_476 = arith.constant 0 : i32
          %dma_start3A_477 = tpu.memref_slice %arg10[%dma_start3A_475, %dma_start3A_476] : memref<4x80xi32, #tpu.memory_space<vmem>> -> memref<1x80xi32, #tpu.memory_space<vmem>>
          %dma_start3A_478 = tpu.memref_squeeze %dma_start3A_477 : memref<1x80xi32, #tpu.memory_space<vmem>> -> memref<80xi32, #tpu.memory_space<vmem>>
          %dma_start3A_479 = tpu.memref_slice %arg2[%multiple_of3A_474] : memref<320000xi32, #tpu.memory_space<hbm>> -> memref<80xi32, #tpu.memory_space<hbm>>
          %dma_start3A_480 = arith.constant 0 : i32
          %dma_start3A_481 = tpu.memref_slice %arg10[%dma_start3A_475, %dma_start3A_480] : memref<4x80xi32, #tpu.memory_space<vmem>> -> memref<1x80xi32, #tpu.memory_space<vmem>>
          %dma_start3A_482 = tpu.memref_squeeze %dma_start3A_481 : memref<1x80xi32, #tpu.memory_space<vmem>> -> memref<80xi32, #tpu.memory_space<vmem>>
          %dma_start3A_483 = tpu.memref_slice %arg2[%multiple_of3A_474] : memref<320000xi32, #tpu.memory_space<hbm>> -> memref<80xi32, #tpu.memory_space<hbm>>
          tpu.enqueue_dma source(%dma_start3A_483 : memref<80xi32, #tpu.memory_space<hbm>>) target(%dma_start3A_482 : memref<80xi32, #tpu.memory_space<vmem>>) target_semaphore(%arg15 : memref<!tpu.dma_semaphore, #tpu.memory_space<semaphore_mem>>)
          %dma_start3A_484 = arith.constant 1 : i32
          %dma_start3A_485 = arith.constant 0 : i32
          %dma_start3A_486 = arith.constant 0 : i32
          %dma_start3A_487 = tpu.memref_slice %arg11[%dma_start3A_484, %dma_start3A_485, %dma_start3A_486] : memref<4x80x128xf32, #tpu.memory_space<vmem>> -> memref<1x80x128xf32, #tpu.memory_space<vmem>>
          %dma_start3A_488 = tpu.memref_squeeze %dma_start3A_487 : memref<1x80x128xf32, #tpu.memory_space<vmem>> -> memref<80x128xf32, #tpu.memory_space<vmem>>
          %dma_start3A_489 = arith.constant 0 : i32
          %dma_start3A_490 = tpu.memref_slice %arg4[%multiple_of3A_474, %dma_start3A_489] : memref<320000x128xf32, #tpu.memory_space<hbm>> -> memref<80x128xf32, #tpu.memory_space<hbm>>
          %dma_start3A_491 = arith.constant 0 : i32
          %dma_start3A_492 = arith.constant 0 : i32
          %dma_start3A_493 = tpu.memref_slice %arg11[%dma_start3A_484, %dma_start3A_491, %dma_start3A_492] : memref<4x80x128xf32, #tpu.memory_space<vmem>> -> memref<1x80x128xf32, #tpu.memory_space<vmem>>
          %dma_start3A_494 = tpu.memref_squeeze %dma_start3A_493 : memref<1x80x128xf32, #tpu.memory_space<vmem>> -> memref<80x128xf32, #tpu.memory_space<vmem>>
          %dma_start3A_495 = arith.constant 0 : i32
          %dma_start3A_496 = tpu.memref_slice %arg4[%multiple_of3A_474, %dma_start3A_495] : memref<320000x128xf32, #tpu.memory_space<hbm>> -> memref<80x128xf32, #tpu.memory_space<hbm>>
          tpu.enqueue_dma source(%dma_start3A_496 : memref<80x128xf32, #tpu.memory_space<hbm>>) target(%dma_start3A_494 : memref<80x128xf32, #tpu.memory_space<vmem>>) target_semaphore(%arg16 : memref<!tpu.dma_semaphore, #tpu.memory_space<semaphore_mem>>)
        } else {
        }
        %dma_start3A_457 = arith.constant 3 : i32
        %dma_start3A_458 = arith.constant 3 : i32
        %dma_start3A_459 = arith.constant 0 : i32
        %dma_start3A_460 = arith.constant 0 : i32
        %dma_start3A_461 = tpu.memref_slice %arg11[%dma_start3A_457, %dma_start3A_459, %dma_start3A_460] : memref<4x80x128xf32, #tpu.memory_space<vmem>> -> memref<1x80x128xf32, #tpu.memory_space<vmem>>
        %dma_start3A_462 = tpu.memref_squeeze %dma_start3A_461 : memref<1x80x128xf32, #tpu.memory_space<vmem>> -> memref<80x128xf32, #tpu.memory_space<vmem>>
        %dma_start3A_463 = arith.constant 0 : i32
        %dma_start3A_464 = tpu.memref_slice %arg10[%dma_start3A_458, %dma_start3A_463] : memref<4x80xi32, #tpu.memory_space<vmem>> -> memref<1x80xi32, #tpu.memory_space<vmem>>
        %dma_start3A_465 = tpu.memref_squeeze %dma_start3A_464 : memref<1x80xi32, #tpu.memory_space<vmem>> -> memref<80xi32, #tpu.memory_space<vmem>>
        %dma_start3A_466 = arith.constant 0 : i32
        %dma_start3A_467 = arith.constant 0 : i32
        %dma_start3A_468 = tpu.memref_slice %arg8[%dma_start3A_466, %dma_start3A_467] : memref<10240x128xf32, #tpu.memory_space<vmem_shared>> -> memref<10240x128xf32, #tpu.memory_space<vmem_shared>>
        tpu.enqueue_indirect_dma source(%dma_start3A_462 : memref<80x128xf32, #tpu.memory_space<vmem>>) target(%dma_start3A_468 : memref<10240x128xf32, #tpu.memory_space<vmem_shared>>) offsets(%dma_start3A_465 : memref<80xi32, #tpu.memory_space<vmem>>) semaphore(%arg17 : memref<!tpu.dma_semaphore, #tpu.memory_space<semaphore_mem>>) {add = true}
      }
      %scan3A_129 = arith.constant 62 : i32
      %dma_wait3A = arith.constant 0 : i32
      %dma_wait3A_130 = arith.constant 0 : i32
      %dma_wait3A_131 = tpu.memref_slice %arg10[%dma_wait3A, %dma_wait3A_130] : memref<4x80xi32, #tpu.memory_space<vmem>> -> memref<1x80xi32, #tpu.memory_space<vmem>>
      %dma_wait3A_132 = tpu.memref_squeeze %dma_wait3A_131 : memref<1x80xi32, #tpu.memory_space<vmem>> -> memref<80xi32, #tpu.memory_space<vmem>>
      %dma_wait3A_133 = arith.constant 0 : i32
      %dma_wait3A_134 = tpu.memref_slice %arg2[%dma_wait3A_133] : memref<320000xi32, #tpu.memory_space<hbm>> -> memref<80xi32, #tpu.memory_space<hbm>>
      %dma_wait3A_135 = arith.constant 0 : i32
      %dma_wait3A_136 = tpu.memref_slice %arg10[%dma_wait3A, %dma_wait3A_135] : memref<4x80xi32, #tpu.memory_space<vmem>> -> memref<1x80xi32, #tpu.memory_space<vmem>>
      %dma_wait3A_137 = tpu.memref_squeeze %dma_wait3A_136 : memref<1x80xi32, #tpu.memory_space<vmem>> -> memref<80xi32, #tpu.memory_space<vmem>>
      %dma_wait3A_138 = arith.constant 0 : i32
      %dma_wait3A_139 = tpu.memref_slice %arg2[%dma_wait3A_138] : memref<320000xi32, #tpu.memory_space<hbm>> -> memref<80xi32, #tpu.memory_space<hbm>>
      tpu.wait_dma2 semaphore(%arg15 : memref<!tpu.dma_semaphore, #tpu.memory_space<semaphore_mem>>) src(%dma_wait3A_139 : memref<80xi32, #tpu.memory_space<hbm>>) dst(%dma_wait3A_137 : memref<80xi32, #tpu.memory_space<vmem>>)
      %dma_wait3A_140 = arith.constant 0 : i32
      %dma_wait3A_141 = arith.constant 0 : i32
      %dma_wait3A_142 = arith.constant 0 : i32
      %dma_wait3A_143 = tpu.memref_slice %arg11[%dma_wait3A_140, %dma_wait3A_141, %dma_wait3A_142] : memref<4x80x128xf32, #tpu.memory_space<vmem>> -> memref<1x80x128xf32, #tpu.memory_space<vmem>>
      %dma_wait3A_144 = tpu.memref_squeeze %dma_wait3A_143 : memref<1x80x128xf32, #tpu.memory_space<vmem>> -> memref<80x128xf32, #tpu.memory_space<vmem>>
      %dma_wait3A_145 = arith.constant 0 : i32
      %dma_wait3A_146 = arith.constant 0 : i32
      %dma_wait3A_147 = tpu.memref_slice %arg4[%dma_wait3A_145, %dma_wait3A_146] : memref<320000x128xf32, #tpu.memory_space<hbm>> -> memref<80x128xf32, #tpu.memory_space<hbm>>
      %dma_wait3A_148 = arith.constant 0 : i32
      %dma_wait3A_149 = arith.constant 0 : i32
      %dma_wait3A_150 = tpu.memref_slice %arg11[%dma_wait3A_140, %dma_wait3A_148, %dma_wait3A_149] : memref<4x80x128xf32, #tpu.memory_space<vmem>> -> memref<1x80x128xf32, #tpu.memory_space<vmem>>
      %dma_wait3A_151 = tpu.memref_squeeze %dma_wait3A_150 : memref<1x80x128xf32, #tpu.memory_space<vmem>> -> memref<80x128xf32, #tpu.memory_space<vmem>>
      %dma_wait3A_152 = arith.constant 0 : i32
      %dma_wait3A_153 = arith.constant 0 : i32
      %dma_wait3A_154 = tpu.memref_slice %arg4[%dma_wait3A_152, %dma_wait3A_153] : memref<320000x128xf32, #tpu.memory_space<hbm>> -> memref<80x128xf32, #tpu.memory_space<hbm>>
      tpu.wait_dma2 semaphore(%arg16 : memref<!tpu.dma_semaphore, #tpu.memory_space<semaphore_mem>>) src(%dma_wait3A_154 : memref<80x128xf32, #tpu.memory_space<hbm>>) dst(%dma_wait3A_151 : memref<80x128xf32, #tpu.memory_space<vmem>>)
      %dma_wait3A_155 = arith.constant 2 : i32
      %dma_wait3A_156 = arith.constant 2 : i32
      %dma_wait3A_157 = arith.constant 0 : i32
      %dma_wait3A_158 = arith.constant 0 : i32
      %dma_wait3A_159 = tpu.memref_slice %arg11[%dma_wait3A_155, %dma_wait3A_157, %dma_wait3A_158] : memref<4x80x128xf32, #tpu.memory_space<vmem>> -> memref<1x80x128xf32, #tpu.memory_space<vmem>>
      %dma_wait3A_160 = tpu.memref_squeeze %dma_wait3A_159 : memref<1x80x128xf32, #tpu.memory_space<vmem>> -> memref<80x128xf32, #tpu.memory_space<vmem>>
      %dma_wait3A_161 = arith.constant 0 : i32
      %dma_wait3A_162 = tpu.memref_slice %arg10[%dma_wait3A_156, %dma_wait3A_161] : memref<4x80xi32, #tpu.memory_space<vmem>> -> memref<1x80xi32, #tpu.memory_space<vmem>>
      %dma_wait3A_163 = tpu.memref_squeeze %dma_wait3A_162 : memref<1x80xi32, #tpu.memory_space<vmem>> -> memref<80xi32, #tpu.memory_space<vmem>>
      %dma_wait3A_164 = arith.constant 0 : i32
      %dma_wait3A_165 = arith.constant 0 : i32
      %dma_wait3A_166 = tpu.memref_slice %arg8[%dma_wait3A_164, %dma_wait3A_165] : memref<10240x128xf32, #tpu.memory_space<vmem_shared>> -> memref<10240x128xf32, #tpu.memory_space<vmem_shared>>
      tpu.wait_indirect_dma semaphore(%arg17 : memref<!tpu.dma_semaphore, #tpu.memory_space<semaphore_mem>>) src(%dma_wait3A_160 : memref<80x128xf32, #tpu.memory_space<vmem>>) dst(%dma_wait3A_166 : memref<10240x128xf32, #tpu.memory_space<vmem_shared>>)
      %dma_start3A_167 = arith.constant 0 : i32
      %dma_start3A_168 = arith.constant 0 : i32
      %dma_start3A_169 = arith.constant 0 : i32
      %dma_start3A_170 = arith.constant 0 : i32
      %dma_start3A_171 = tpu.memref_slice %arg11[%dma_start3A_167, %dma_start3A_169, %dma_start3A_170] : memref<4x80x128xf32, #tpu.memory_space<vmem>> -> memref<1x80x128xf32, #tpu.memory_space<vmem>>
      %dma_start3A_172 = tpu.memref_squeeze %dma_start3A_171 : memref<1x80x128xf32, #tpu.memory_space<vmem>> -> memref<80x128xf32, #tpu.memory_space<vmem>>
      %dma_start3A_173 = arith.constant 0 : i32
      %dma_start3A_174 = tpu.memref_slice %arg10[%dma_start3A_168, %dma_start3A_173] : memref<4x80xi32, #tpu.memory_space<vmem>> -> memref<1x80xi32, #tpu.memory_space<vmem>>
      %dma_start3A_175 = tpu.memref_squeeze %dma_start3A_174 : memref<1x80xi32, #tpu.memory_space<vmem>> -> memref<80xi32, #tpu.memory_space<vmem>>
      %dma_start3A_176 = arith.constant 0 : i32
      %dma_start3A_177 = arith.constant 0 : i32
      %dma_start3A_178 = tpu.memref_slice %arg8[%dma_start3A_176, %dma_start3A_177] : memref<10240x128xf32, #tpu.memory_space<vmem_shared>> -> memref<10240x128xf32, #tpu.memory_space<vmem_shared>>
      tpu.enqueue_indirect_dma source(%dma_start3A_172 : memref<80x128xf32, #tpu.memory_space<vmem>>) target(%dma_start3A_178 : memref<10240x128xf32, #tpu.memory_space<vmem_shared>>) offsets(%dma_start3A_175 : memref<80xi32, #tpu.memory_space<vmem>>) semaphore(%arg17 : memref<!tpu.dma_semaphore, #tpu.memory_space<semaphore_mem>>) {add = true}
      %dma_wait3A_179 = arith.constant 1 : i32
      %dma_wait3A_180 = arith.constant 0 : i32
      %dma_wait3A_181 = tpu.memref_slice %arg10[%dma_wait3A_179, %dma_wait3A_180] : memref<4x80xi32, #tpu.memory_space<vmem>> -> memref<1x80xi32, #tpu.memory_space<vmem>>
      %dma_wait3A_182 = tpu.memref_squeeze %dma_wait3A_181 : memref<1x80xi32, #tpu.memory_space<vmem>> -> memref<80xi32, #tpu.memory_space<vmem>>
      %dma_wait3A_183 = arith.constant 0 : i32
      %dma_wait3A_184 = tpu.memref_slice %arg2[%dma_wait3A_183] : memref<320000xi32, #tpu.memory_space<hbm>> -> memref<80xi32, #tpu.memory_space<hbm>>
      %dma_wait3A_185 = arith.constant 0 : i32
      %dma_wait3A_186 = tpu.memref_slice %arg10[%dma_wait3A_179, %dma_wait3A_185] : memref<4x80xi32, #tpu.memory_space<vmem>> -> memref<1x80xi32, #tpu.memory_space<vmem>>
      %dma_wait3A_187 = tpu.memref_squeeze %dma_wait3A_186 : memref<1x80xi32, #tpu.memory_space<vmem>> -> memref<80xi32, #tpu.memory_space<vmem>>
      %dma_wait3A_188 = arith.constant 0 : i32
      %dma_wait3A_189 = tpu.memref_slice %arg2[%dma_wait3A_188] : memref<320000xi32, #tpu.memory_space<hbm>> -> memref<80xi32, #tpu.memory_space<hbm>>
      tpu.wait_dma2 semaphore(%arg15 : memref<!tpu.dma_semaphore, #tpu.memory_space<semaphore_mem>>) src(%dma_wait3A_189 : memref<80xi32, #tpu.memory_space<hbm>>) dst(%dma_wait3A_187 : memref<80xi32, #tpu.memory_space<vmem>>)
      %dma_wait3A_190 = arith.constant 1 : i32
      %dma_wait3A_191 = arith.constant 0 : i32
      %dma_wait3A_192 = arith.constant 0 : i32
      %dma_wait3A_193 = tpu.memref_slice %arg11[%dma_wait3A_190, %dma_wait3A_191, %dma_wait3A_192] : memref<4x80x128xf32, #tpu.memory_space<vmem>> -> memref<1x80x128xf32, #tpu.memory_space<vmem>>
      %dma_wait3A_194 = tpu.memref_squeeze %dma_wait3A_193 : memref<1x80x128xf32, #tpu.memory_space<vmem>> -> memref<80x128xf32, #tpu.memory_space<vmem>>
      %dma_wait3A_195 = arith.constant 0 : i32
      %dma_wait3A_196 = arith.constant 0 : i32
      %dma_wait3A_197 = tpu.memref_slice %arg4[%dma_wait3A_195, %dma_wait3A_196] : memref<320000x128xf32, #tpu.memory_space<hbm>> -> memref<80x128xf32, #tpu.memory_space<hbm>>
      %dma_wait3A_198 = arith.constant 0 : i32
      %dma_wait3A_199 = arith.constant 0 : i32
      %dma_wait3A_200 = tpu.memref_slice %arg11[%dma_wait3A_190, %dma_wait3A_198, %dma_wait3A_199] : memref<4x80x128xf32, #tpu.memory_space<vmem>> -> memref<1x80x128xf32, #tpu.memory_space<vmem>>
      %dma_wait3A_201 = tpu.memref_squeeze %dma_wait3A_200 : memref<1x80x128xf32, #tpu.memory_space<vmem>> -> memref<80x128xf32, #tpu.memory_space<vmem>>
      %dma_wait3A_202 = arith.constant 0 : i32
      %dma_wait3A_203 = arith.constant 0 : i32
      %dma_wait3A_204 = tpu.memref_slice %arg4[%dma_wait3A_202, %dma_wait3A_203] : memref<320000x128xf32, #tpu.memory_space<hbm>> -> memref<80x128xf32, #tpu.memory_space<hbm>>
      tpu.wait_dma2 semaphore(%arg16 : memref<!tpu.dma_semaphore, #tpu.memory_space<semaphore_mem>>) src(%dma_wait3A_204 : memref<80x128xf32, #tpu.memory_space<hbm>>) dst(%dma_wait3A_201 : memref<80x128xf32, #tpu.memory_space<vmem>>)
      %dma_wait3A_205 = arith.constant 3 : i32
      %dma_wait3A_206 = arith.constant 3 : i32
      %dma_wait3A_207 = arith.constant 0 : i32
      %dma_wait3A_208 = arith.constant 0 : i32
      %dma_wait3A_209 = tpu.memref_slice %arg11[%dma_wait3A_205, %dma_wait3A_207, %dma_wait3A_208] : memref<4x80x128xf32, #tpu.memory_space<vmem>> -> memref<1x80x128xf32, #tpu.memory_space<vmem>>
      %dma_wait3A_210 = tpu.memref_squeeze %dma_wait3A_209 : memref<1x80x128xf32, #tpu.memory_space<vmem>> -> memref<80x128xf32, #tpu.memory_space<vmem>>
      %dma_wait3A_211 = arith.constant 0 : i32
      %dma_wait3A_212 = tpu.memref_slice %arg10[%dma_wait3A_206, %dma_wait3A_211] : memref<4x80xi32, #tpu.memory_space<vmem>> -> memref<1x80xi32, #tpu.memory_space<vmem>>
      %dma_wait3A_213 = tpu.memref_squeeze %dma_wait3A_212 : memref<1x80xi32, #tpu.memory_space<vmem>> -> memref<80xi32, #tpu.memory_space<vmem>>
      %dma_wait3A_214 = arith.constant 0 : i32
      %dma_wait3A_215 = arith.constant 0 : i32
      %dma_wait3A_216 = tpu.memref_slice %arg8[%dma_wait3A_214, %dma_wait3A_215] : memref<10240x128xf32, #tpu.memory_space<vmem_shared>> -> memref<10240x128xf32, #tpu.memory_space<vmem_shared>>
      tpu.wait_indirect_dma semaphore(%arg17 : memref<!tpu.dma_semaphore, #tpu.memory_space<semaphore_mem>>) src(%dma_wait3A_210 : memref<80x128xf32, #tpu.memory_space<vmem>>) dst(%dma_wait3A_216 : memref<10240x128xf32, #tpu.memory_space<vmem_shared>>)
      %dma_start3A_217 = arith.constant 1 : i32
      %dma_start3A_218 = arith.constant 1 : i32
      %dma_start3A_219 = arith.constant 0 : i32
      %dma_start3A_220 = arith.constant 0 : i32
      %dma_start3A_221 = tpu.memref_slice %arg11[%dma_start3A_217, %dma_start3A_219, %dma_start3A_220] : memref<4x80x128xf32, #tpu.memory_space<vmem>> -> memref<1x80x128xf32, #tpu.memory_space<vmem>>
      %dma_start3A_222 = tpu.memref_squeeze %dma_start3A_221 : memref<1x80x128xf32, #tpu.memory_space<vmem>> -> memref<80x128xf32, #tpu.memory_space<vmem>>
      %dma_start3A_223 = arith.constant 0 : i32
      %dma_start3A_224 = tpu.memref_slice %arg10[%dma_start3A_218, %dma_start3A_223] : memref<4x80xi32, #tpu.memory_space<vmem>> -> memref<1x80xi32, #tpu.memory_space<vmem>>
      %dma_start3A_225 = tpu.memref_squeeze %dma_start3A_224 : memref<1x80xi32, #tpu.memory_space<vmem>> -> memref<80xi32, #tpu.memory_space<vmem>>
      %dma_start3A_226 = arith.constant 0 : i32
      %dma_start3A_227 = arith.constant 0 : i32
      %dma_start3A_228 = tpu.memref_slice %arg8[%dma_start3A_226, %dma_start3A_227] : memref<10240x128xf32, #tpu.memory_space<vmem_shared>> -> memref<10240x128xf32, #tpu.memory_space<vmem_shared>>
      tpu.enqueue_indirect_dma source(%dma_start3A_222 : memref<80x128xf32, #tpu.memory_space<vmem>>) target(%dma_start3A_228 : memref<10240x128xf32, #tpu.memory_space<vmem_shared>>) offsets(%dma_start3A_225 : memref<80xi32, #tpu.memory_space<vmem>>) semaphore(%arg17 : memref<!tpu.dma_semaphore, #tpu.memory_space<semaphore_mem>>) {add = true}
      %dma_wait3A_229 = arith.constant 0 : i32
      %dma_wait3A_230 = arith.constant 0 : i32
      %dma_wait3A_231 = arith.constant 0 : i32
      %dma_wait3A_232 = arith.constant 0 : i32
      %dma_wait3A_233 = tpu.memref_slice %arg11[%dma_wait3A_229, %dma_wait3A_231, %dma_wait3A_232] : memref<4x80x128xf32, #tpu.memory_space<vmem>> -> memref<1x80x128xf32, #tpu.memory_space<vmem>>
      %dma_wait3A_234 = tpu.memref_squeeze %dma_wait3A_233 : memref<1x80x128xf32, #tpu.memory_space<vmem>> -> memref<80x128xf32, #tpu.memory_space<vmem>>
      %dma_wait3A_235 = arith.constant 0 : i32
      %dma_wait3A_236 = tpu.memref_slice %arg10[%dma_wait3A_230, %dma_wait3A_235] : memref<4x80xi32, #tpu.memory_space<vmem>> -> memref<1x80xi32, #tpu.memory_space<vmem>>
      %dma_wait3A_237 = tpu.memref_squeeze %dma_wait3A_236 : memref<1x80xi32, #tpu.memory_space<vmem>> -> memref<80xi32, #tpu.memory_space<vmem>>
      %dma_wait3A_238 = arith.constant 0 : i32
      %dma_wait3A_239 = arith.constant 0 : i32
      %dma_wait3A_240 = tpu.memref_slice %arg8[%dma_wait3A_238, %dma_wait3A_239] : memref<10240x128xf32, #tpu.memory_space<vmem_shared>> -> memref<10240x128xf32, #tpu.memory_space<vmem_shared>>
      tpu.wait_indirect_dma semaphore(%arg17 : memref<!tpu.dma_semaphore, #tpu.memory_space<semaphore_mem>>) src(%dma_wait3A_234 : memref<80x128xf32, #tpu.memory_space<vmem>>) dst(%dma_wait3A_240 : memref<10240x128xf32, #tpu.memory_space<vmem_shared>>)
      %dma_wait3A_241 = arith.constant 1 : i32
      %dma_wait3A_242 = arith.constant 1 : i32
      %dma_wait3A_243 = arith.constant 0 : i32
      %dma_wait3A_244 = arith.constant 0 : i32
      %dma_wait3A_245 = tpu.memref_slice %arg11[%dma_wait3A_241, %dma_wait3A_243, %dma_wait3A_244] : memref<4x80x128xf32, #tpu.memory_space<vmem>> -> memref<1x80x128xf32, #tpu.memory_space<vmem>>
      %dma_wait3A_246 = tpu.memref_squeeze %dma_wait3A_245 : memref<1x80x128xf32, #tpu.memory_space<vmem>> -> memref<80x128xf32, #tpu.memory_space<vmem>>
      %dma_wait3A_247 = arith.constant 0 : i32
      %dma_wait3A_248 = tpu.memref_slice %arg10[%dma_wait3A_242, %dma_wait3A_247] : memref<4x80xi32, #tpu.memory_space<vmem>> -> memref<1x80xi32, #tpu.memory_space<vmem>>
      %dma_wait3A_249 = tpu.memref_squeeze %dma_wait3A_248 : memref<1x80xi32, #tpu.memory_space<vmem>> -> memref<80xi32, #tpu.memory_space<vmem>>
      %dma_wait3A_250 = arith.constant 0 : i32
      %dma_wait3A_251 = arith.constant 0 : i32
      %dma_wait3A_252 = tpu.memref_slice %arg8[%dma_wait3A_250, %dma_wait3A_251] : memref<10240x128xf32, #tpu.memory_space<vmem_shared>> -> memref<10240x128xf32, #tpu.memory_space<vmem_shared>>
      tpu.wait_indirect_dma semaphore(%arg17 : memref<!tpu.dma_semaphore, #tpu.memory_space<semaphore_mem>>) src(%dma_wait3A_246 : memref<80x128xf32, #tpu.memory_space<vmem>>) dst(%dma_wait3A_252 : memref<10240x128xf32, #tpu.memory_space<vmem_shared>>)
    } else {
    }
    %barrier3A_66 = arith.constant 0 : index
    tpu.barrier barrier_id(%barrier3A_66)
    %eq3A_67 = arith.constant 0 : i32
    %eq3A_68 = arith.cmpi eq, %arg0, %eq3A_67 : i32
    %convert_element_type3A_69 = arith.extui %eq3A_68 : i1 to i32
    %cond3A_70 = arith.constant 0 : i32
    %cond3A_71 = arith.cmpi ne, %convert_element_type3A_69, %cond3A_70 : i32
    scf.if %cond3A_71 {
      %lt3A_77 = arith.constant 15 : i32
      %lt3A_78 = arith.cmpi slt, %arg1, %lt3A_77 : i32
      %convert_element_type3A_79 = arith.extui %lt3A_78 : i1 to i32
      %cond3A_80 = arith.constant 0 : i32
      %cond3A_81 = arith.cmpi ne, %convert_element_type3A_79, %cond3A_80 : i32
      scf.if %cond3A_81 {
        %mul3A_92 = arith.constant 632 : i32
        %mul3A_93 = arith.muli %arg1, %mul3A_92 : i32
        %multiple_of3A = tpu.assume_multiple %mul3A_93, 8 : i32
        "tpu.region"() ({
          %run_scoped3A = tpu.sem_alloc : memref<!tpu.dma_semaphore, #tpu.memory_space<semaphore_mem>>
          %dma_start3A = arith.constant 0 : i32
          %dma_start3A_94 = tpu.memref_slice %arg5[%multiple_of3A, %dma_start3A] : memref<10000x128xf32, #tpu.memory_space<hbm>> -> memref<632x128xf32, #tpu.memory_space<hbm>>
          %dma_start3A_95 = arith.constant 0 : i32
          %dma_start3A_96 = tpu.memref_slice %arg8[%multiple_of3A, %dma_start3A_95] : memref<10240x128xf32, #tpu.memory_space<vmem_shared>> -> memref<632x128xf32, #tpu.memory_space<vmem_shared>>
          tpu.enqueue_dma source(%dma_start3A_96 : memref<632x128xf32, #tpu.memory_space<vmem_shared>>) target(%dma_start3A_94 : memref<632x128xf32, #tpu.memory_space<hbm>>) target_semaphore(%run_scoped3A : memref<!tpu.dma_semaphore, #tpu.memory_space<semaphore_mem>>)
          %dma_wait3A = arith.constant 0 : i32
          %dma_wait3A_97 = tpu.memref_slice %arg5[%multiple_of3A, %dma_wait3A] : memref<10000x128xf32, #tpu.memory_space<hbm>> -> memref<632x128xf32, #tpu.memory_space<hbm>>
          %dma_wait3A_98 = arith.constant 0 : i32
          %dma_wait3A_99 = tpu.memref_slice %arg8[%multiple_of3A, %dma_wait3A_98] : memref<10240x128xf32, #tpu.memory_space<vmem_shared>> -> memref<632x128xf32, #tpu.memory_space<vmem_shared>>
          tpu.wait_dma2 semaphore(%run_scoped3A : memref<!tpu.dma_semaphore, #tpu.memory_space<semaphore_mem>>) src(%dma_wait3A_99 : memref<632x128xf32, #tpu.memory_space<vmem_shared>>) dst(%dma_wait3A_97 : memref<632x128xf32, #tpu.memory_space<hbm>>)
          tpu.yield
        }) : () -> ()
      } else {
      }
      %eq3A_82 = arith.constant 15 : i32
      %eq3A_83 = arith.cmpi eq, %arg1, %eq3A_82 : i32
      %convert_element_type3A_84 = arith.extui %eq3A_83 : i1 to i32
      %cond3A_85 = arith.constant 0 : i32
      %cond3A_86 = arith.cmpi ne, %convert_element_type3A_84, %cond3A_85 : i32
      scf.if %cond3A_86 {
        "tpu.region"() ({
          %run_scoped3A = tpu.sem_alloc : memref<!tpu.dma_semaphore, #tpu.memory_space<semaphore_mem>>
          %dma_start3A = arith.constant 9480 : i32
          %dma_start3A_92 = arith.constant 0 : i32
          %dma_start3A_93 = tpu.memref_slice %arg5[%dma_start3A, %dma_start3A_92] : memref<10000x128xf32, #tpu.memory_space<hbm>> -> memref<520x128xf32, #tpu.memory_space<hbm>>
          %dma_start3A_94 = arith.constant 9480 : i32
          %dma_start3A_95 = arith.constant 0 : i32
          %dma_start3A_96 = tpu.memref_slice %arg8[%dma_start3A_94, %dma_start3A_95] : memref<10240x128xf32, #tpu.memory_space<vmem_shared>> -> memref<520x128xf32, #tpu.memory_space<vmem_shared>>
          tpu.enqueue_dma source(%dma_start3A_96 : memref<520x128xf32, #tpu.memory_space<vmem_shared>>) target(%dma_start3A_93 : memref<520x128xf32, #tpu.memory_space<hbm>>) target_semaphore(%run_scoped3A : memref<!tpu.dma_semaphore, #tpu.memory_space<semaphore_mem>>)
          %dma_wait3A = arith.constant 9480 : i32
          %dma_wait3A_97 = arith.constant 0 : i32
          %dma_wait3A_98 = tpu.memref_slice %arg5[%dma_wait3A, %dma_wait3A_97] : memref<10000x128xf32, #tpu.memory_space<hbm>> -> memref<520x128xf32, #tpu.memory_space<hbm>>
          %dma_wait3A_99 = arith.constant 9480 : i32
          %dma_wait3A_100 = arith.constant 0 : i32
          %dma_wait3A_101 = tpu.memref_slice %arg8[%dma_wait3A_99, %dma_wait3A_100] : memref<10240x128xf32, #tpu.memory_space<vmem_shared>> -> memref<520x128xf32, #tpu.memory_space<vmem_shared>>
          tpu.wait_dma2 semaphore(%run_scoped3A : memref<!tpu.dma_semaphore, #tpu.memory_space<semaphore_mem>>) src(%dma_wait3A_101 : memref<520x128xf32, #tpu.memory_space<vmem_shared>>) dst(%dma_wait3A_98 : memref<520x128xf32, #tpu.memory_space<hbm>>)
          tpu.yield
        }) : () -> ()
      } else {
      }
      %eq3A_87 = arith.constant 0 : i32
      %eq3A_88 = arith.cmpi eq, %arg1, %eq3A_87 : i32
      %convert_element_type3A_89 = arith.extui %eq3A_88 : i1 to i32
      %cond3A_90 = arith.constant 0 : i32
      %cond3A_91 = arith.cmpi ne, %convert_element_type3A_89, %cond3A_90 : i32
      scf.if %cond3A_91 {
        "tpu.region"() ({
          %run_scoped3A = tpu.sem_alloc : memref<!tpu.dma_semaphore, #tpu.memory_space<semaphore_mem>>
          tpu.enqueue_dma source(%arg9 : memref<10000xf32, #tpu.memory_space<vmem_shared>>) target(%arg7 : memref<10000xf32, #tpu.memory_space<hbm>>) target_semaphore(%run_scoped3A : memref<!tpu.dma_semaphore, #tpu.memory_space<semaphore_mem>>)
          tpu.wait_dma2 semaphore(%run_scoped3A : memref<!tpu.dma_semaphore, #tpu.memory_space<semaphore_mem>>) src(%arg9 : memref<10000xf32, #tpu.memory_space<vmem_shared>>) dst(%arg7 : memref<10000xf32, #tpu.memory_space<hbm>>)
          tpu.yield
        }) : () -> ()
      } else {
      }
    } else {
    }
    %eq3A_72 = arith.constant 1 : i32
    %eq3A_73 = arith.cmpi eq, %arg0, %eq3A_72 : i32
    %convert_element_type3A_74 = arith.extui %eq3A_73 : i1 to i32
    %cond3A_75 = arith.constant 0 : i32
    %cond3A_76 = arith.cmpi ne, %convert_element_type3A_74, %cond3A_75 : i32
    scf.if %cond3A_76 {
      %lt3A_77 = arith.constant 15 : i32
      %lt3A_78 = arith.cmpi slt, %arg1, %lt3A_77 : i32
      %convert_element_type3A_79 = arith.extui %lt3A_78 : i1 to i32
      %cond3A_80 = arith.constant 0 : i32
      %cond3A_81 = arith.cmpi ne, %convert_element_type3A_79, %cond3A_80 : i32
      scf.if %cond3A_81 {
        %mul3A_87 = arith.constant 632 : i32
        %mul3A_88 = arith.muli %arg1, %mul3A_87 : i32
        %multiple_of3A = tpu.assume_multiple %mul3A_88, 8 : i32
        "tpu.region"() ({
          %run_scoped3A = tpu.sem_alloc : memref<!tpu.dma_semaphore, #tpu.memory_space<semaphore_mem>>
          %dma_start3A = arith.constant 0 : i32
          %dma_start3A_89 = tpu.memref_slice %arg6[%multiple_of3A, %dma_start3A] : memref<10000x128xf32, #tpu.memory_space<hbm>> -> memref<632x128xf32, #tpu.memory_space<hbm>>
          %dma_start3A_90 = arith.constant 0 : i32
          %dma_start3A_91 = tpu.memref_slice %arg8[%multiple_of3A, %dma_start3A_90] : memref<10240x128xf32, #tpu.memory_space<vmem_shared>> -> memref<632x128xf32, #tpu.memory_space<vmem_shared>>
          tpu.enqueue_dma source(%dma_start3A_91 : memref<632x128xf32, #tpu.memory_space<vmem_shared>>) target(%dma_start3A_89 : memref<632x128xf32, #tpu.memory_space<hbm>>) target_semaphore(%run_scoped3A : memref<!tpu.dma_semaphore, #tpu.memory_space<semaphore_mem>>)
          %dma_wait3A = arith.constant 0 : i32
          %dma_wait3A_92 = tpu.memref_slice %arg6[%multiple_of3A, %dma_wait3A] : memref<10000x128xf32, #tpu.memory_space<hbm>> -> memref<632x128xf32, #tpu.memory_space<hbm>>
          %dma_wait3A_93 = arith.constant 0 : i32
          %dma_wait3A_94 = tpu.memref_slice %arg8[%multiple_of3A, %dma_wait3A_93] : memref<10240x128xf32, #tpu.memory_space<vmem_shared>> -> memref<632x128xf32, #tpu.memory_space<vmem_shared>>
          tpu.wait_dma2 semaphore(%run_scoped3A : memref<!tpu.dma_semaphore, #tpu.memory_space<semaphore_mem>>) src(%dma_wait3A_94 : memref<632x128xf32, #tpu.memory_space<vmem_shared>>) dst(%dma_wait3A_92 : memref<632x128xf32, #tpu.memory_space<hbm>>)
          tpu.yield
        }) : () -> ()
      } else {
      }
      %eq3A_82 = arith.constant 15 : i32
      %eq3A_83 = arith.cmpi eq, %arg1, %eq3A_82 : i32
      %convert_element_type3A_84 = arith.extui %eq3A_83 : i1 to i32
      %cond3A_85 = arith.constant 0 : i32
      %cond3A_86 = arith.cmpi ne, %convert_element_type3A_84, %cond3A_85 : i32
      scf.if %cond3A_86 {
        "tpu.region"() ({
          %run_scoped3A = tpu.sem_alloc : memref<!tpu.dma_semaphore, #tpu.memory_space<semaphore_mem>>
          %dma_start3A = arith.constant 9480 : i32
          %dma_start3A_87 = arith.constant 0 : i32
          %dma_start3A_88 = tpu.memref_slice %arg6[%dma_start3A, %dma_start3A_87] : memref<10000x128xf32, #tpu.memory_space<hbm>> -> memref<520x128xf32, #tpu.memory_space<hbm>>
          %dma_start3A_89 = arith.constant 9480 : i32
          %dma_start3A_90 = arith.constant 0 : i32
          %dma_start3A_91 = tpu.memref_slice %arg8[%dma_start3A_89, %dma_start3A_90] : memref<10240x128xf32, #tpu.memory_space<vmem_shared>> -> memref<520x128xf32, #tpu.memory_space<vmem_shared>>
          tpu.enqueue_dma source(%dma_start3A_91 : memref<520x128xf32, #tpu.memory_space<vmem_shared>>) target(%dma_start3A_88 : memref<520x128xf32, #tpu.memory_space<hbm>>) target_semaphore(%run_scoped3A : memref<!tpu.dma_semaphore, #tpu.memory_space<semaphore_mem>>)
          %dma_wait3A = arith.constant 9480 : i32
          %dma_wait3A_92 = arith.constant 0 : i32
          %dma_wait3A_93 = tpu.memref_slice %arg6[%dma_wait3A, %dma_wait3A_92] : memref<10000x128xf32, #tpu.memory_space<hbm>> -> memref<520x128xf32, #tpu.memory_space<hbm>>
          %dma_wait3A_94 = arith.constant 9480 : i32
          %dma_wait3A_95 = arith.constant 0 : i32
          %dma_wait3A_96 = tpu.memref_slice %arg8[%dma_wait3A_94, %dma_wait3A_95] : memref<10240x128xf32, #tpu.memory_space<vmem_shared>> -> memref<520x128xf32, #tpu.memory_space<vmem_shared>>
          tpu.wait_dma2 semaphore(%run_scoped3A : memref<!tpu.dma_semaphore, #tpu.memory_space<semaphore_mem>>) src(%dma_wait3A_96 : memref<520x128xf32, #tpu.memory_space<vmem_shared>>) dst(%dma_wait3A_93 : memref<520x128xf32, #tpu.memory_space<hbm>>)
          tpu.yield
        }) : () -> ()
      } else {
      }
    } else {
    }
    return
  }
}

#map = affine_map<(d0, d1) -> (0)>
#map1 = affine_map<(d0, d1) -> (0, 0)>
#map2 = affine_map<(d0, d1) -> (0, 0, 0)>
module attributes {stable_mosaic.version = 14 : i64} {
  func.func @k2(%arg0: i32, %arg1: i32, %arg2: memref<320000xi32, #tpu.memory_space<hbm>>, %arg3: memref<320000xi32, #tpu.memory_space<hbm>>, %arg4: memref<10000x128xf32, #tpu.memory_space<hbm>>, %arg5: memref<2x10000x128xf32, #tpu.memory_space<hbm>>, %arg6: memref<10240x128xf32, #tpu.memory_space<vmem_shared>>, %arg7: memref<4x80xi32, #tpu.memory_space<vmem>>, %arg8: memref<4x80xi32, #tpu.memory_space<vmem>>, %arg9: memref<4x80x128xf32, #tpu.memory_space<vmem>>, %arg10: memref<40x128xf32, #tpu.memory_space<vmem>>, %arg11: memref<!tpu.dma_semaphore, #tpu.memory_space<semaphore_mem>>, %arg12: memref<!tpu.dma_semaphore, #tpu.memory_space<semaphore_mem>>, %arg13: memref<!tpu.dma_semaphore, #tpu.memory_space<semaphore_mem>>) attributes {dimension_semantics = [#tpu.dimension_semantics<core_parallel>, #tpu.dimension_semantics<subcore_parallel>], iteration_bounds = array<i64: 2, 16>, scalar_prefetch = 0 : i64, scratch_operands = 8 : i64, tpu.core_type = #tpu.core_type<sc_vector_subcore>, window_params = [{transform_indices = #map}, {transform_indices = #map}, {transform_indices = #map1}, {transform_indices = #map2}]} {
    %scan3A = arith.constant 0 : i32
    %scan3A_0 = arith.constant 0 : i32
    %scan3A_1 = arith.constant 40 : i32
    %scan3A_2 = arith.addi %scan3A_0, %scan3A_1 : i32
    %scan3A_3 = arith.constant 1 : i32
    scf.for %scan3A_188 = %scan3A_0 to %scan3A_2 step %scan3A_3  : i32 {
      %broadcast_in_dim3A = arith.constant 0.000000e+00 : f32
      %broadcast_in_dim3A_189 = vector.broadcast %broadcast_in_dim3A : f32 to vector<16xf32>
      %swap3A = arith.index_cast %scan3A_188 : i32 to index
      %swap3A_190 = arith.constant 0 : index
      %swap3A_191 = tpu.vector_load %arg10[%swap3A, %swap3A_190] {strides = array<i32>} : memref<40x128xf32, #tpu.memory_space<vmem>>, vector<1x16xf32>,
      %swap3A_192 = vector.shape_cast %swap3A_191 : vector<1x16xf32> to vector<16xf32>
      %swap3A_193 = vector.shape_cast %broadcast_in_dim3A_189 : vector<16xf32> to vector<1x16xf32>
      tpu.vector_store %arg10[%swap3A, %swap3A_190], %swap3A_193 {strides = array<i32>} : memref<40x128xf32, #tpu.memory_space<vmem>>, vector<1x16xf32>,
      %broadcast_in_dim3A_194 = arith.constant 0.000000e+00 : f32
      %broadcast_in_dim3A_195 = vector.broadcast %broadcast_in_dim3A_194 : f32 to vector<16xf32>
      %swap3A_196 = arith.index_cast %scan3A_188 : i32 to index
      %swap3A_197 = arith.constant 16 : index
      %swap3A_198 = tpu.vector_load %arg10[%swap3A_196, %swap3A_197] {strides = array<i32>} : memref<40x128xf32, #tpu.memory_space<vmem>>, vector<1x16xf32>,
      %swap3A_199 = vector.shape_cast %swap3A_198 : vector<1x16xf32> to vector<16xf32>
      %swap3A_200 = vector.shape_cast %broadcast_in_dim3A_195 : vector<16xf32> to vector<1x16xf32>
      tpu.vector_store %arg10[%swap3A_196, %swap3A_197], %swap3A_200 {strides = array<i32>} : memref<40x128xf32, #tpu.memory_space<vmem>>, vector<1x16xf32>,
      %broadcast_in_dim3A_201 = arith.constant 0.000000e+00 : f32
      %broadcast_in_dim3A_202 = vector.broadcast %broadcast_in_dim3A_201 : f32 to vector<16xf32>
      %swap3A_203 = arith.index_cast %scan3A_188 : i32 to index
      %swap3A_204 = arith.constant 32 : index
      %swap3A_205 = tpu.vector_load %arg10[%swap3A_203, %swap3A_204] {strides = array<i32>} : memref<40x128xf32, #tpu.memory_space<vmem>>, vector<1x16xf32>,
      %swap3A_206 = vector.shape_cast %swap3A_205 : vector<1x16xf32> to vector<16xf32>
      %swap3A_207 = vector.shape_cast %broadcast_in_dim3A_202 : vector<16xf32> to vector<1x16xf32>
      tpu.vector_store %arg10[%swap3A_203, %swap3A_204], %swap3A_207 {strides = array<i32>} : memref<40x128xf32, #tpu.memory_space<vmem>>, vector<1x16xf32>,
      %broadcast_in_dim3A_208 = arith.constant 0.000000e+00 : f32
      %broadcast_in_dim3A_209 = vector.broadcast %broadcast_in_dim3A_208 : f32 to vector<16xf32>
      %swap3A_210 = arith.index_cast %scan3A_188 : i32 to index
      %swap3A_211 = arith.constant 48 : index
      %swap3A_212 = tpu.vector_load %arg10[%swap3A_210, %swap3A_211] {strides = array<i32>} : memref<40x128xf32, #tpu.memory_space<vmem>>, vector<1x16xf32>,
      %swap3A_213 = vector.shape_cast %swap3A_212 : vector<1x16xf32> to vector<16xf32>
      %swap3A_214 = vector.shape_cast %broadcast_in_dim3A_209 : vector<16xf32> to vector<1x16xf32>
      tpu.vector_store %arg10[%swap3A_210, %swap3A_211], %swap3A_214 {strides = array<i32>} : memref<40x128xf32, #tpu.memory_space<vmem>>, vector<1x16xf32>,
      %broadcast_in_dim3A_215 = arith.constant 0.000000e+00 : f32
      %broadcast_in_dim3A_216 = vector.broadcast %broadcast_in_dim3A_215 : f32 to vector<16xf32>
      %swap3A_217 = arith.index_cast %scan3A_188 : i32 to index
      %swap3A_218 = arith.constant 64 : index
      %swap3A_219 = tpu.vector_load %arg10[%swap3A_217, %swap3A_218] {strides = array<i32>} : memref<40x128xf32, #tpu.memory_space<vmem>>, vector<1x16xf32>,
      %swap3A_220 = vector.shape_cast %swap3A_219 : vector<1x16xf32> to vector<16xf32>
      %swap3A_221 = vector.shape_cast %broadcast_in_dim3A_216 : vector<16xf32> to vector<1x16xf32>
      tpu.vector_store %arg10[%swap3A_217, %swap3A_218], %swap3A_221 {strides = array<i32>} : memref<40x128xf32, #tpu.memory_space<vmem>>, vector<1x16xf32>,
      %broadcast_in_dim3A_222 = arith.constant 0.000000e+00 : f32
      %broadcast_in_dim3A_223 = vector.broadcast %broadcast_in_dim3A_222 : f32 to vector<16xf32>
      %swap3A_224 = arith.index_cast %scan3A_188 : i32 to index
      %swap3A_225 = arith.constant 80 : index
      %swap3A_226 = tpu.vector_load %arg10[%swap3A_224, %swap3A_225] {strides = array<i32>} : memref<40x128xf32, #tpu.memory_space<vmem>>, vector<1x16xf32>,
      %swap3A_227 = vector.shape_cast %swap3A_226 : vector<1x16xf32> to vector<16xf32>
      %swap3A_228 = vector.shape_cast %broadcast_in_dim3A_223 : vector<16xf32> to vector<1x16xf32>
      tpu.vector_store %arg10[%swap3A_224, %swap3A_225], %swap3A_228 {strides = array<i32>} : memref<40x128xf32, #tpu.memory_space<vmem>>, vector<1x16xf32>,
      %broadcast_in_dim3A_229 = arith.constant 0.000000e+00 : f32
      %broadcast_in_dim3A_230 = vector.broadcast %broadcast_in_dim3A_229 : f32 to vector<16xf32>
      %swap3A_231 = arith.index_cast %scan3A_188 : i32 to index
      %swap3A_232 = arith.constant 96 : index
      %swap3A_233 = tpu.vector_load %arg10[%swap3A_231, %swap3A_232] {strides = array<i32>} : memref<40x128xf32, #tpu.memory_space<vmem>>, vector<1x16xf32>,
      %swap3A_234 = vector.shape_cast %swap3A_233 : vector<1x16xf32> to vector<16xf32>
      %swap3A_235 = vector.shape_cast %broadcast_in_dim3A_230 : vector<16xf32> to vector<1x16xf32>
      tpu.vector_store %arg10[%swap3A_231, %swap3A_232], %swap3A_235 {strides = array<i32>} : memref<40x128xf32, #tpu.memory_space<vmem>>, vector<1x16xf32>,
      %broadcast_in_dim3A_236 = arith.constant 0.000000e+00 : f32
      %broadcast_in_dim3A_237 = vector.broadcast %broadcast_in_dim3A_236 : f32 to vector<16xf32>
      %swap3A_238 = arith.index_cast %scan3A_188 : i32 to index
      %swap3A_239 = arith.constant 112 : index
      %swap3A_240 = tpu.vector_load %arg10[%swap3A_238, %swap3A_239] {strides = array<i32>} : memref<40x128xf32, #tpu.memory_space<vmem>>, vector<1x16xf32>,
      %swap3A_241 = vector.shape_cast %swap3A_240 : vector<1x16xf32> to vector<16xf32>
      %swap3A_242 = vector.shape_cast %broadcast_in_dim3A_237 : vector<16xf32> to vector<1x16xf32>
      tpu.vector_store %arg10[%swap3A_238, %swap3A_239], %swap3A_242 {strides = array<i32>} : memref<40x128xf32, #tpu.memory_space<vmem>>, vector<1x16xf32>,
    }
    %scan3A_4 = arith.constant 40 : i32
    %lt3A = arith.constant 15 : i32
    %lt3A_5 = arith.cmpi slt, %arg1, %lt3A : i32
    %convert_element_type3A = arith.extui %lt3A_5 : i1 to i32
    %cond3A = arith.constant 0 : i32
    %cond3A_6 = arith.cmpi ne, %convert_element_type3A, %cond3A : i32
    scf.if %cond3A_6 {
      %mul3A_188 = arith.constant 640 : i32
      %mul3A_189 = arith.muli %arg1, %mul3A_188 : i32
      %multiple_of3A_190 = tpu.assume_multiple %mul3A_189, 8 : i32
      %add3A_191 = arith.constant 0 : i32
      %add3A_192 = arith.addi %multiple_of3A_190, %add3A_191 : i32
      "tpu.region"() ({
        %run_scoped3A = tpu.sem_alloc : memref<!tpu.dma_semaphore, #tpu.memory_space<semaphore_mem>>
        %dma_start3A_223 = arith.constant 0 : i32
        %dma_start3A_224 = tpu.memref_slice %arg6[%add3A_192, %dma_start3A_223] : memref<10240x128xf32, #tpu.memory_space<vmem_shared>> -> memref<40x128xf32, #tpu.memory_space<vmem_shared>>
        %dma_start3A_225 = arith.constant 0 : i32
        %dma_start3A_226 = tpu.memref_slice %arg6[%add3A_192, %dma_start3A_225] : memref<10240x128xf32, #tpu.memory_space<vmem_shared>> -> memref<40x128xf32, #tpu.memory_space<vmem_shared>>
        tpu.enqueue_dma source(%arg10 : memref<40x128xf32, #tpu.memory_space<vmem>>) target(%dma_start3A_226 : memref<40x128xf32, #tpu.memory_space<vmem_shared>>) target_semaphore(%run_scoped3A : memref<!tpu.dma_semaphore, #tpu.memory_space<semaphore_mem>>)
        %dma_wait3A_227 = arith.constant 0 : i32
        %dma_wait3A_228 = tpu.memref_slice %arg6[%add3A_192, %dma_wait3A_227] : memref<10240x128xf32, #tpu.memory_space<vmem_shared>> -> memref<40x128xf32, #tpu.memory_space<vmem_shared>>
        %dma_wait3A_229 = arith.constant 0 : i32
        %dma_wait3A_230 = tpu.memref_slice %arg6[%add3A_192, %dma_wait3A_229] : memref<10240x128xf32, #tpu.memory_space<vmem_shared>> -> memref<40x128xf32, #tpu.memory_space<vmem_shared>>
        tpu.wait_dma2 semaphore(%run_scoped3A : memref<!tpu.dma_semaphore, #tpu.memory_space<semaphore_mem>>) src(%arg10 : memref<40x128xf32, #tpu.memory_space<vmem>>) dst(%dma_wait3A_230 : memref<40x128xf32, #tpu.memory_space<vmem_shared>>)
        tpu.yield
      }) : () -> ()
      %add3A_193 = arith.constant 40 : i32
      %add3A_194 = arith.addi %multiple_of3A_190, %add3A_193 : i32
      "tpu.region"() ({
        %run_scoped3A = tpu.sem_alloc : memref<!tpu.dma_semaphore, #tpu.memory_space<semaphore_mem>>
        %dma_start3A_223 = arith.constant 0 : i32
        %dma_start3A_224 = tpu.memref_slice %arg6[%add3A_194, %dma_start3A_223] : memref<10240x128xf32, #tpu.memory_space<vmem_shared>> -> memref<40x128xf32, #tpu.memory_space<vmem_shared>>
        %dma_start3A_225 = arith.constant 0 : i32
        %dma_start3A_226 = tpu.memref_slice %arg6[%add3A_194, %dma_start3A_225] : memref<10240x128xf32, #tpu.memory_space<vmem_shared>> -> memref<40x128xf32, #tpu.memory_space<vmem_shared>>
        tpu.enqueue_dma source(%arg10 : memref<40x128xf32, #tpu.memory_space<vmem>>) target(%dma_start3A_226 : memref<40x128xf32, #tpu.memory_space<vmem_shared>>) target_semaphore(%run_scoped3A : memref<!tpu.dma_semaphore, #tpu.memory_space<semaphore_mem>>)
        %dma_wait3A_227 = arith.constant 0 : i32
        %dma_wait3A_228 = tpu.memref_slice %arg6[%add3A_194, %dma_wait3A_227] : memref<10240x128xf32, #tpu.memory_space<vmem_shared>> -> memref<40x128xf32, #tpu.memory_space<vmem_shared>>
        %dma_wait3A_229 = arith.constant 0 : i32
        %dma_wait3A_230 = tpu.memref_slice %arg6[%add3A_194, %dma_wait3A_229] : memref<10240x128xf32, #tpu.memory_space<vmem_shared>> -> memref<40x128xf32, #tpu.memory_space<vmem_shared>>
        tpu.wait_dma2 semaphore(%run_scoped3A : memref<!tpu.dma_semaphore, #tpu.memory_space<semaphore_mem>>) src(%arg10 : memref<40x128xf32, #tpu.memory_space<vmem>>) dst(%dma_wait3A_230 : memref<40x128xf32, #tpu.memory_space<vmem_shared>>)
        tpu.yield
      }) : () -> ()
      %add3A_195 = arith.constant 80 : i32
      %add3A_196 = arith.addi %multiple_of3A_190, %add3A_195 : i32
      "tpu.region"() ({
        %run_scoped3A = tpu.sem_alloc : memref<!tpu.dma_semaphore, #tpu.memory_space<semaphore_mem>>
        %dma_start3A_223 = arith.constant 0 : i32
        %dma_start3A_224 = tpu.memref_slice %arg6[%add3A_196, %dma_start3A_223] : memref<10240x128xf32, #tpu.memory_space<vmem_shared>> -> memref<40x128xf32, #tpu.memory_space<vmem_shared>>
        %dma_start3A_225 = arith.constant 0 : i32
        %dma_start3A_226 = tpu.memref_slice %arg6[%add3A_196, %dma_start3A_225] : memref<10240x128xf32, #tpu.memory_space<vmem_shared>> -> memref<40x128xf32, #tpu.memory_space<vmem_shared>>
        tpu.enqueue_dma source(%arg10 : memref<40x128xf32, #tpu.memory_space<vmem>>) target(%dma_start3A_226 : memref<40x128xf32, #tpu.memory_space<vmem_shared>>) target_semaphore(%run_scoped3A : memref<!tpu.dma_semaphore, #tpu.memory_space<semaphore_mem>>)
        %dma_wait3A_227 = arith.constant 0 : i32
        %dma_wait3A_228 = tpu.memref_slice %arg6[%add3A_196, %dma_wait3A_227] : memref<10240x128xf32, #tpu.memory_space<vmem_shared>> -> memref<40x128xf32, #tpu.memory_space<vmem_shared>>
        %dma_wait3A_229 = arith.constant 0 : i32
        %dma_wait3A_230 = tpu.memref_slice %arg6[%add3A_196, %dma_wait3A_229] : memref<10240x128xf32, #tpu.memory_space<vmem_shared>> -> memref<40x128xf32, #tpu.memory_space<vmem_shared>>
        tpu.wait_dma2 semaphore(%run_scoped3A : memref<!tpu.dma_semaphore, #tpu.memory_space<semaphore_mem>>) src(%arg10 : memref<40x128xf32, #tpu.memory_space<vmem>>) dst(%dma_wait3A_230 : memref<40x128xf32, #tpu.memory_space<vmem_shared>>)
        tpu.yield
      }) : () -> ()
      %add3A_197 = arith.constant 120 : i32
      %add3A_198 = arith.addi %multiple_of3A_190, %add3A_197 : i32
      "tpu.region"() ({
        %run_scoped3A = tpu.sem_alloc : memref<!tpu.dma_semaphore, #tpu.memory_space<semaphore_mem>>
        %dma_start3A_223 = arith.constant 0 : i32
        %dma_start3A_224 = tpu.memref_slice %arg6[%add3A_198, %dma_start3A_223] : memref<10240x128xf32, #tpu.memory_space<vmem_shared>> -> memref<40x128xf32, #tpu.memory_space<vmem_shared>>
        %dma_start3A_225 = arith.constant 0 : i32
        %dma_start3A_226 = tpu.memref_slice %arg6[%add3A_198, %dma_start3A_225] : memref<10240x128xf32, #tpu.memory_space<vmem_shared>> -> memref<40x128xf32, #tpu.memory_space<vmem_shared>>
        tpu.enqueue_dma source(%arg10 : memref<40x128xf32, #tpu.memory_space<vmem>>) target(%dma_start3A_226 : memref<40x128xf32, #tpu.memory_space<vmem_shared>>) target_semaphore(%run_scoped3A : memref<!tpu.dma_semaphore, #tpu.memory_space<semaphore_mem>>)
        %dma_wait3A_227 = arith.constant 0 : i32
        %dma_wait3A_228 = tpu.memref_slice %arg6[%add3A_198, %dma_wait3A_227] : memref<10240x128xf32, #tpu.memory_space<vmem_shared>> -> memref<40x128xf32, #tpu.memory_space<vmem_shared>>
        %dma_wait3A_229 = arith.constant 0 : i32
        %dma_wait3A_230 = tpu.memref_slice %arg6[%add3A_198, %dma_wait3A_229] : memref<10240x128xf32, #tpu.memory_space<vmem_shared>> -> memref<40x128xf32, #tpu.memory_space<vmem_shared>>
        tpu.wait_dma2 semaphore(%run_scoped3A : memref<!tpu.dma_semaphore, #tpu.memory_space<semaphore_mem>>) src(%arg10 : memref<40x128xf32, #tpu.memory_space<vmem>>) dst(%dma_wait3A_230 : memref<40x128xf32, #tpu.memory_space<vmem_shared>>)
        tpu.yield
      }) : () -> ()
      %add3A_199 = arith.constant 160 : i32
      %add3A_200 = arith.addi %multiple_of3A_190, %add3A_199 : i32
      "tpu.region"() ({
        %run_scoped3A = tpu.sem_alloc : memref<!tpu.dma_semaphore, #tpu.memory_space<semaphore_mem>>
        %dma_start3A_223 = arith.constant 0 : i32
        %dma_start3A_224 = tpu.memref_slice %arg6[%add3A_200, %dma_start3A_223] : memref<10240x128xf32, #tpu.memory_space<vmem_shared>> -> memref<40x128xf32, #tpu.memory_space<vmem_shared>>
        %dma_start3A_225 = arith.constant 0 : i32
        %dma_start3A_226 = tpu.memref_slice %arg6[%add3A_200, %dma_start3A_225] : memref<10240x128xf32, #tpu.memory_space<vmem_shared>> -> memref<40x128xf32, #tpu.memory_space<vmem_shared>>
        tpu.enqueue_dma source(%arg10 : memref<40x128xf32, #tpu.memory_space<vmem>>) target(%dma_start3A_226 : memref<40x128xf32, #tpu.memory_space<vmem_shared>>) target_semaphore(%run_scoped3A : memref<!tpu.dma_semaphore, #tpu.memory_space<semaphore_mem>>)
        %dma_wait3A_227 = arith.constant 0 : i32
        %dma_wait3A_228 = tpu.memref_slice %arg6[%add3A_200, %dma_wait3A_227] : memref<10240x128xf32, #tpu.memory_space<vmem_shared>> -> memref<40x128xf32, #tpu.memory_space<vmem_shared>>
        %dma_wait3A_229 = arith.constant 0 : i32
        %dma_wait3A_230 = tpu.memref_slice %arg6[%add3A_200, %dma_wait3A_229] : memref<10240x128xf32, #tpu.memory_space<vmem_shared>> -> memref<40x128xf32, #tpu.memory_space<vmem_shared>>
        tpu.wait_dma2 semaphore(%run_scoped3A : memref<!tpu.dma_semaphore, #tpu.memory_space<semaphore_mem>>) src(%arg10 : memref<40x128xf32, #tpu.memory_space<vmem>>) dst(%dma_wait3A_230 : memref<40x128xf32, #tpu.memory_space<vmem_shared>>)
        tpu.yield
      }) : () -> ()
      %add3A_201 = arith.constant 200 : i32
      %add3A_202 = arith.addi %multiple_of3A_190, %add3A_201 : i32
      "tpu.region"() ({
        %run_scoped3A = tpu.sem_alloc : memref<!tpu.dma_semaphore, #tpu.memory_space<semaphore_mem>>
        %dma_start3A_223 = arith.constant 0 : i32
        %dma_start3A_224 = tpu.memref_slice %arg6[%add3A_202, %dma_start3A_223] : memref<10240x128xf32, #tpu.memory_space<vmem_shared>> -> memref<40x128xf32, #tpu.memory_space<vmem_shared>>
        %dma_start3A_225 = arith.constant 0 : i32
        %dma_start3A_226 = tpu.memref_slice %arg6[%add3A_202, %dma_start3A_225] : memref<10240x128xf32, #tpu.memory_space<vmem_shared>> -> memref<40x128xf32, #tpu.memory_space<vmem_shared>>
        tpu.enqueue_dma source(%arg10 : memref<40x128xf32, #tpu.memory_space<vmem>>) target(%dma_start3A_226 : memref<40x128xf32, #tpu.memory_space<vmem_shared>>) target_semaphore(%run_scoped3A : memref<!tpu.dma_semaphore, #tpu.memory_space<semaphore_mem>>)
        %dma_wait3A_227 = arith.constant 0 : i32
        %dma_wait3A_228 = tpu.memref_slice %arg6[%add3A_202, %dma_wait3A_227] : memref<10240x128xf32, #tpu.memory_space<vmem_shared>> -> memref<40x128xf32, #tpu.memory_space<vmem_shared>>
        %dma_wait3A_229 = arith.constant 0 : i32
        %dma_wait3A_230 = tpu.memref_slice %arg6[%add3A_202, %dma_wait3A_229] : memref<10240x128xf32, #tpu.memory_space<vmem_shared>> -> memref<40x128xf32, #tpu.memory_space<vmem_shared>>
        tpu.wait_dma2 semaphore(%run_scoped3A : memref<!tpu.dma_semaphore, #tpu.memory_space<semaphore_mem>>) src(%arg10 : memref<40x128xf32, #tpu.memory_space<vmem>>) dst(%dma_wait3A_230 : memref<40x128xf32, #tpu.memory_space<vmem_shared>>)
        tpu.yield
      }) : () -> ()
      %add3A_203 = arith.constant 240 : i32
      %add3A_204 = arith.addi %multiple_of3A_190, %add3A_203 : i32
      "tpu.region"() ({
        %run_scoped3A = tpu.sem_alloc : memref<!tpu.dma_semaphore, #tpu.memory_space<semaphore_mem>>
        %dma_start3A_223 = arith.constant 0 : i32
        %dma_start3A_224 = tpu.memref_slice %arg6[%add3A_204, %dma_start3A_223] : memref<10240x128xf32, #tpu.memory_space<vmem_shared>> -> memref<40x128xf32, #tpu.memory_space<vmem_shared>>
        %dma_start3A_225 = arith.constant 0 : i32
        %dma_start3A_226 = tpu.memref_slice %arg6[%add3A_204, %dma_start3A_225] : memref<10240x128xf32, #tpu.memory_space<vmem_shared>> -> memref<40x128xf32, #tpu.memory_space<vmem_shared>>
        tpu.enqueue_dma source(%arg10 : memref<40x128xf32, #tpu.memory_space<vmem>>) target(%dma_start3A_226 : memref<40x128xf32, #tpu.memory_space<vmem_shared>>) target_semaphore(%run_scoped3A : memref<!tpu.dma_semaphore, #tpu.memory_space<semaphore_mem>>)
        %dma_wait3A_227 = arith.constant 0 : i32
        %dma_wait3A_228 = tpu.memref_slice %arg6[%add3A_204, %dma_wait3A_227] : memref<10240x128xf32, #tpu.memory_space<vmem_shared>> -> memref<40x128xf32, #tpu.memory_space<vmem_shared>>
        %dma_wait3A_229 = arith.constant 0 : i32
        %dma_wait3A_230 = tpu.memref_slice %arg6[%add3A_204, %dma_wait3A_229] : memref<10240x128xf32, #tpu.memory_space<vmem_shared>> -> memref<40x128xf32, #tpu.memory_space<vmem_shared>>
        tpu.wait_dma2 semaphore(%run_scoped3A : memref<!tpu.dma_semaphore, #tpu.memory_space<semaphore_mem>>) src(%arg10 : memref<40x128xf32, #tpu.memory_space<vmem>>) dst(%dma_wait3A_230 : memref<40x128xf32, #tpu.memory_space<vmem_shared>>)
        tpu.yield
      }) : () -> ()
      %add3A_205 = arith.constant 280 : i32
      %add3A_206 = arith.addi %multiple_of3A_190, %add3A_205 : i32
      "tpu.region"() ({
        %run_scoped3A = tpu.sem_alloc : memref<!tpu.dma_semaphore, #tpu.memory_space<semaphore_mem>>
        %dma_start3A_223 = arith.constant 0 : i32
        %dma_start3A_224 = tpu.memref_slice %arg6[%add3A_206, %dma_start3A_223] : memref<10240x128xf32, #tpu.memory_space<vmem_shared>> -> memref<40x128xf32, #tpu.memory_space<vmem_shared>>
        %dma_start3A_225 = arith.constant 0 : i32
        %dma_start3A_226 = tpu.memref_slice %arg6[%add3A_206, %dma_start3A_225] : memref<10240x128xf32, #tpu.memory_space<vmem_shared>> -> memref<40x128xf32, #tpu.memory_space<vmem_shared>>
        tpu.enqueue_dma source(%arg10 : memref<40x128xf32, #tpu.memory_space<vmem>>) target(%dma_start3A_226 : memref<40x128xf32, #tpu.memory_space<vmem_shared>>) target_semaphore(%run_scoped3A : memref<!tpu.dma_semaphore, #tpu.memory_space<semaphore_mem>>)
        %dma_wait3A_227 = arith.constant 0 : i32
        %dma_wait3A_228 = tpu.memref_slice %arg6[%add3A_206, %dma_wait3A_227] : memref<10240x128xf32, #tpu.memory_space<vmem_shared>> -> memref<40x128xf32, #tpu.memory_space<vmem_shared>>
        %dma_wait3A_229 = arith.constant 0 : i32
        %dma_wait3A_230 = tpu.memref_slice %arg6[%add3A_206, %dma_wait3A_229] : memref<10240x128xf32, #tpu.memory_space<vmem_shared>> -> memref<40x128xf32, #tpu.memory_space<vmem_shared>>
        tpu.wait_dma2 semaphore(%run_scoped3A : memref<!tpu.dma_semaphore, #tpu.memory_space<semaphore_mem>>) src(%arg10 : memref<40x128xf32, #tpu.memory_space<vmem>>) dst(%dma_wait3A_230 : memref<40x128xf32, #tpu.memory_space<vmem_shared>>)
        tpu.yield
      }) : () -> ()
      %add3A_207 = arith.constant 320 : i32
      %add3A_208 = arith.addi %multiple_of3A_190, %add3A_207 : i32
      "tpu.region"() ({
        %run_scoped3A = tpu.sem_alloc : memref<!tpu.dma_semaphore, #tpu.memory_space<semaphore_mem>>
        %dma_start3A_223 = arith.constant 0 : i32
        %dma_start3A_224 = tpu.memref_slice %arg6[%add3A_208, %dma_start3A_223] : memref<10240x128xf32, #tpu.memory_space<vmem_shared>> -> memref<40x128xf32, #tpu.memory_space<vmem_shared>>
        %dma_start3A_225 = arith.constant 0 : i32
        %dma_start3A_226 = tpu.memref_slice %arg6[%add3A_208, %dma_start3A_225] : memref<10240x128xf32, #tpu.memory_space<vmem_shared>> -> memref<40x128xf32, #tpu.memory_space<vmem_shared>>
        tpu.enqueue_dma source(%arg10 : memref<40x128xf32, #tpu.memory_space<vmem>>) target(%dma_start3A_226 : memref<40x128xf32, #tpu.memory_space<vmem_shared>>) target_semaphore(%run_scoped3A : memref<!tpu.dma_semaphore, #tpu.memory_space<semaphore_mem>>)
        %dma_wait3A_227 = arith.constant 0 : i32
        %dma_wait3A_228 = tpu.memref_slice %arg6[%add3A_208, %dma_wait3A_227] : memref<10240x128xf32, #tpu.memory_space<vmem_shared>> -> memref<40x128xf32, #tpu.memory_space<vmem_shared>>
        %dma_wait3A_229 = arith.constant 0 : i32
        %dma_wait3A_230 = tpu.memref_slice %arg6[%add3A_208, %dma_wait3A_229] : memref<10240x128xf32, #tpu.memory_space<vmem_shared>> -> memref<40x128xf32, #tpu.memory_space<vmem_shared>>
        tpu.wait_dma2 semaphore(%run_scoped3A : memref<!tpu.dma_semaphore, #tpu.memory_space<semaphore_mem>>) src(%arg10 : memref<40x128xf32, #tpu.memory_space<vmem>>) dst(%dma_wait3A_230 : memref<40x128xf32, #tpu.memory_space<vmem_shared>>)
        tpu.yield
      }) : () -> ()
      %add3A_209 = arith.constant 360 : i32
      %add3A_210 = arith.addi %multiple_of3A_190, %add3A_209 : i32
      "tpu.region"() ({
        %run_scoped3A = tpu.sem_alloc : memref<!tpu.dma_semaphore, #tpu.memory_space<semaphore_mem>>
        %dma_start3A_223 = arith.constant 0 : i32
        %dma_start3A_224 = tpu.memref_slice %arg6[%add3A_210, %dma_start3A_223] : memref<10240x128xf32, #tpu.memory_space<vmem_shared>> -> memref<40x128xf32, #tpu.memory_space<vmem_shared>>
        %dma_start3A_225 = arith.constant 0 : i32
        %dma_start3A_226 = tpu.memref_slice %arg6[%add3A_210, %dma_start3A_225] : memref<10240x128xf32, #tpu.memory_space<vmem_shared>> -> memref<40x128xf32, #tpu.memory_space<vmem_shared>>
        tpu.enqueue_dma source(%arg10 : memref<40x128xf32, #tpu.memory_space<vmem>>) target(%dma_start3A_226 : memref<40x128xf32, #tpu.memory_space<vmem_shared>>) target_semaphore(%run_scoped3A : memref<!tpu.dma_semaphore, #tpu.memory_space<semaphore_mem>>)
        %dma_wait3A_227 = arith.constant 0 : i32
        %dma_wait3A_228 = tpu.memref_slice %arg6[%add3A_210, %dma_wait3A_227] : memref<10240x128xf32, #tpu.memory_space<vmem_shared>> -> memref<40x128xf32, #tpu.memory_space<vmem_shared>>
        %dma_wait3A_229 = arith.constant 0 : i32
        %dma_wait3A_230 = tpu.memref_slice %arg6[%add3A_210, %dma_wait3A_229] : memref<10240x128xf32, #tpu.memory_space<vmem_shared>> -> memref<40x128xf32, #tpu.memory_space<vmem_shared>>
        tpu.wait_dma2 semaphore(%run_scoped3A : memref<!tpu.dma_semaphore, #tpu.memory_space<semaphore_mem>>) src(%arg10 : memref<40x128xf32, #tpu.memory_space<vmem>>) dst(%dma_wait3A_230 : memref<40x128xf32, #tpu.memory_space<vmem_shared>>)
        tpu.yield
      }) : () -> ()
      %add3A_211 = arith.constant 400 : i32
      %add3A_212 = arith.addi %multiple_of3A_190, %add3A_211 : i32
      "tpu.region"() ({
        %run_scoped3A = tpu.sem_alloc : memref<!tpu.dma_semaphore, #tpu.memory_space<semaphore_mem>>
        %dma_start3A_223 = arith.constant 0 : i32
        %dma_start3A_224 = tpu.memref_slice %arg6[%add3A_212, %dma_start3A_223] : memref<10240x128xf32, #tpu.memory_space<vmem_shared>> -> memref<40x128xf32, #tpu.memory_space<vmem_shared>>
        %dma_start3A_225 = arith.constant 0 : i32
        %dma_start3A_226 = tpu.memref_slice %arg6[%add3A_212, %dma_start3A_225] : memref<10240x128xf32, #tpu.memory_space<vmem_shared>> -> memref<40x128xf32, #tpu.memory_space<vmem_shared>>
        tpu.enqueue_dma source(%arg10 : memref<40x128xf32, #tpu.memory_space<vmem>>) target(%dma_start3A_226 : memref<40x128xf32, #tpu.memory_space<vmem_shared>>) target_semaphore(%run_scoped3A : memref<!tpu.dma_semaphore, #tpu.memory_space<semaphore_mem>>)
        %dma_wait3A_227 = arith.constant 0 : i32
        %dma_wait3A_228 = tpu.memref_slice %arg6[%add3A_212, %dma_wait3A_227] : memref<10240x128xf32, #tpu.memory_space<vmem_shared>> -> memref<40x128xf32, #tpu.memory_space<vmem_shared>>
        %dma_wait3A_229 = arith.constant 0 : i32
        %dma_wait3A_230 = tpu.memref_slice %arg6[%add3A_212, %dma_wait3A_229] : memref<10240x128xf32, #tpu.memory_space<vmem_shared>> -> memref<40x128xf32, #tpu.memory_space<vmem_shared>>
        tpu.wait_dma2 semaphore(%run_scoped3A : memref<!tpu.dma_semaphore, #tpu.memory_space<semaphore_mem>>) src(%arg10 : memref<40x128xf32, #tpu.memory_space<vmem>>) dst(%dma_wait3A_230 : memref<40x128xf32, #tpu.memory_space<vmem_shared>>)
        tpu.yield
      }) : () -> ()
      %add3A_213 = arith.constant 440 : i32
      %add3A_214 = arith.addi %multiple_of3A_190, %add3A_213 : i32
      "tpu.region"() ({
        %run_scoped3A = tpu.sem_alloc : memref<!tpu.dma_semaphore, #tpu.memory_space<semaphore_mem>>
        %dma_start3A_223 = arith.constant 0 : i32
        %dma_start3A_224 = tpu.memref_slice %arg6[%add3A_214, %dma_start3A_223] : memref<10240x128xf32, #tpu.memory_space<vmem_shared>> -> memref<40x128xf32, #tpu.memory_space<vmem_shared>>
        %dma_start3A_225 = arith.constant 0 : i32
        %dma_start3A_226 = tpu.memref_slice %arg6[%add3A_214, %dma_start3A_225] : memref<10240x128xf32, #tpu.memory_space<vmem_shared>> -> memref<40x128xf32, #tpu.memory_space<vmem_shared>>
        tpu.enqueue_dma source(%arg10 : memref<40x128xf32, #tpu.memory_space<vmem>>) target(%dma_start3A_226 : memref<40x128xf32, #tpu.memory_space<vmem_shared>>) target_semaphore(%run_scoped3A : memref<!tpu.dma_semaphore, #tpu.memory_space<semaphore_mem>>)
        %dma_wait3A_227 = arith.constant 0 : i32
        %dma_wait3A_228 = tpu.memref_slice %arg6[%add3A_214, %dma_wait3A_227] : memref<10240x128xf32, #tpu.memory_space<vmem_shared>> -> memref<40x128xf32, #tpu.memory_space<vmem_shared>>
        %dma_wait3A_229 = arith.constant 0 : i32
        %dma_wait3A_230 = tpu.memref_slice %arg6[%add3A_214, %dma_wait3A_229] : memref<10240x128xf32, #tpu.memory_space<vmem_shared>> -> memref<40x128xf32, #tpu.memory_space<vmem_shared>>
        tpu.wait_dma2 semaphore(%run_scoped3A : memref<!tpu.dma_semaphore, #tpu.memory_space<semaphore_mem>>) src(%arg10 : memref<40x128xf32, #tpu.memory_space<vmem>>) dst(%dma_wait3A_230 : memref<40x128xf32, #tpu.memory_space<vmem_shared>>)
        tpu.yield
      }) : () -> ()
      %add3A_215 = arith.constant 480 : i32
      %add3A_216 = arith.addi %multiple_of3A_190, %add3A_215 : i32
      "tpu.region"() ({
        %run_scoped3A = tpu.sem_alloc : memref<!tpu.dma_semaphore, #tpu.memory_space<semaphore_mem>>
        %dma_start3A_223 = arith.constant 0 : i32
        %dma_start3A_224 = tpu.memref_slice %arg6[%add3A_216, %dma_start3A_223] : memref<10240x128xf32, #tpu.memory_space<vmem_shared>> -> memref<40x128xf32, #tpu.memory_space<vmem_shared>>
        %dma_start3A_225 = arith.constant 0 : i32
        %dma_start3A_226 = tpu.memref_slice %arg6[%add3A_216, %dma_start3A_225] : memref<10240x128xf32, #tpu.memory_space<vmem_shared>> -> memref<40x128xf32, #tpu.memory_space<vmem_shared>>
        tpu.enqueue_dma source(%arg10 : memref<40x128xf32, #tpu.memory_space<vmem>>) target(%dma_start3A_226 : memref<40x128xf32, #tpu.memory_space<vmem_shared>>) target_semaphore(%run_scoped3A : memref<!tpu.dma_semaphore, #tpu.memory_space<semaphore_mem>>)
        %dma_wait3A_227 = arith.constant 0 : i32
        %dma_wait3A_228 = tpu.memref_slice %arg6[%add3A_216, %dma_wait3A_227] : memref<10240x128xf32, #tpu.memory_space<vmem_shared>> -> memref<40x128xf32, #tpu.memory_space<vmem_shared>>
        %dma_wait3A_229 = arith.constant 0 : i32
        %dma_wait3A_230 = tpu.memref_slice %arg6[%add3A_216, %dma_wait3A_229] : memref<10240x128xf32, #tpu.memory_space<vmem_shared>> -> memref<40x128xf32, #tpu.memory_space<vmem_shared>>
        tpu.wait_dma2 semaphore(%run_scoped3A : memref<!tpu.dma_semaphore, #tpu.memory_space<semaphore_mem>>) src(%arg10 : memref<40x128xf32, #tpu.memory_space<vmem>>) dst(%dma_wait3A_230 : memref<40x128xf32, #tpu.memory_space<vmem_shared>>)
        tpu.yield
      }) : () -> ()
      %add3A_217 = arith.constant 520 : i32
      %add3A_218 = arith.addi %multiple_of3A_190, %add3A_217 : i32
      "tpu.region"() ({
        %run_scoped3A = tpu.sem_alloc : memref<!tpu.dma_semaphore, #tpu.memory_space<semaphore_mem>>
        %dma_start3A_223 = arith.constant 0 : i32
        %dma_start3A_224 = tpu.memref_slice %arg6[%add3A_218, %dma_start3A_223] : memref<10240x128xf32, #tpu.memory_space<vmem_shared>> -> memref<40x128xf32, #tpu.memory_space<vmem_shared>>
        %dma_start3A_225 = arith.constant 0 : i32
        %dma_start3A_226 = tpu.memref_slice %arg6[%add3A_218, %dma_start3A_225] : memref<10240x128xf32, #tpu.memory_space<vmem_shared>> -> memref<40x128xf32, #tpu.memory_space<vmem_shared>>
        tpu.enqueue_dma source(%arg10 : memref<40x128xf32, #tpu.memory_space<vmem>>) target(%dma_start3A_226 : memref<40x128xf32, #tpu.memory_space<vmem_shared>>) target_semaphore(%run_scoped3A : memref<!tpu.dma_semaphore, #tpu.memory_space<semaphore_mem>>)
        %dma_wait3A_227 = arith.constant 0 : i32
        %dma_wait3A_228 = tpu.memref_slice %arg6[%add3A_218, %dma_wait3A_227] : memref<10240x128xf32, #tpu.memory_space<vmem_shared>> -> memref<40x128xf32, #tpu.memory_space<vmem_shared>>
        %dma_wait3A_229 = arith.constant 0 : i32
        %dma_wait3A_230 = tpu.memref_slice %arg6[%add3A_218, %dma_wait3A_229] : memref<10240x128xf32, #tpu.memory_space<vmem_shared>> -> memref<40x128xf32, #tpu.memory_space<vmem_shared>>
        tpu.wait_dma2 semaphore(%run_scoped3A : memref<!tpu.dma_semaphore, #tpu.memory_space<semaphore_mem>>) src(%arg10 : memref<40x128xf32, #tpu.memory_space<vmem>>) dst(%dma_wait3A_230 : memref<40x128xf32, #tpu.memory_space<vmem_shared>>)
        tpu.yield
      }) : () -> ()
      %add3A_219 = arith.constant 560 : i32
      %add3A_220 = arith.addi %multiple_of3A_190, %add3A_219 : i32
      "tpu.region"() ({
        %run_scoped3A = tpu.sem_alloc : memref<!tpu.dma_semaphore, #tpu.memory_space<semaphore_mem>>
        %dma_start3A_223 = arith.constant 0 : i32
        %dma_start3A_224 = tpu.memref_slice %arg6[%add3A_220, %dma_start3A_223] : memref<10240x128xf32, #tpu.memory_space<vmem_shared>> -> memref<40x128xf32, #tpu.memory_space<vmem_shared>>
        %dma_start3A_225 = arith.constant 0 : i32
        %dma_start3A_226 = tpu.memref_slice %arg6[%add3A_220, %dma_start3A_225] : memref<10240x128xf32, #tpu.memory_space<vmem_shared>> -> memref<40x128xf32, #tpu.memory_space<vmem_shared>>
        tpu.enqueue_dma source(%arg10 : memref<40x128xf32, #tpu.memory_space<vmem>>) target(%dma_start3A_226 : memref<40x128xf32, #tpu.memory_space<vmem_shared>>) target_semaphore(%run_scoped3A : memref<!tpu.dma_semaphore, #tpu.memory_space<semaphore_mem>>)
        %dma_wait3A_227 = arith.constant 0 : i32
        %dma_wait3A_228 = tpu.memref_slice %arg6[%add3A_220, %dma_wait3A_227] : memref<10240x128xf32, #tpu.memory_space<vmem_shared>> -> memref<40x128xf32, #tpu.memory_space<vmem_shared>>
        %dma_wait3A_229 = arith.constant 0 : i32
        %dma_wait3A_230 = tpu.memref_slice %arg6[%add3A_220, %dma_wait3A_229] : memref<10240x128xf32, #tpu.memory_space<vmem_shared>> -> memref<40x128xf32, #tpu.memory_space<vmem_shared>>
        tpu.wait_dma2 semaphore(%run_scoped3A : memref<!tpu.dma_semaphore, #tpu.memory_space<semaphore_mem>>) src(%arg10 : memref<40x128xf32, #tpu.memory_space<vmem>>) dst(%dma_wait3A_230 : memref<40x128xf32, #tpu.memory_space<vmem_shared>>)
        tpu.yield
      }) : () -> ()
      %add3A_221 = arith.constant 600 : i32
      %add3A_222 = arith.addi %multiple_of3A_190, %add3A_221 : i32
      "tpu.region"() ({
        %run_scoped3A = tpu.sem_alloc : memref<!tpu.dma_semaphore, #tpu.memory_space<semaphore_mem>>
        %dma_start3A_223 = arith.constant 0 : i32
        %dma_start3A_224 = tpu.memref_slice %arg6[%add3A_222, %dma_start3A_223] : memref<10240x128xf32, #tpu.memory_space<vmem_shared>> -> memref<40x128xf32, #tpu.memory_space<vmem_shared>>
        %dma_start3A_225 = arith.constant 0 : i32
        %dma_start3A_226 = tpu.memref_slice %arg6[%add3A_222, %dma_start3A_225] : memref<10240x128xf32, #tpu.memory_space<vmem_shared>> -> memref<40x128xf32, #tpu.memory_space<vmem_shared>>
        tpu.enqueue_dma source(%arg10 : memref<40x128xf32, #tpu.memory_space<vmem>>) target(%dma_start3A_226 : memref<40x128xf32, #tpu.memory_space<vmem_shared>>) target_semaphore(%run_scoped3A : memref<!tpu.dma_semaphore, #tpu.memory_space<semaphore_mem>>)
        %dma_wait3A_227 = arith.constant 0 : i32
        %dma_wait3A_228 = tpu.memref_slice %arg6[%add3A_222, %dma_wait3A_227] : memref<10240x128xf32, #tpu.memory_space<vmem_shared>> -> memref<40x128xf32, #tpu.memory_space<vmem_shared>>
        %dma_wait3A_229 = arith.constant 0 : i32
        %dma_wait3A_230 = tpu.memref_slice %arg6[%add3A_222, %dma_wait3A_229] : memref<10240x128xf32, #tpu.memory_space<vmem_shared>> -> memref<40x128xf32, #tpu.memory_space<vmem_shared>>
        tpu.wait_dma2 semaphore(%run_scoped3A : memref<!tpu.dma_semaphore, #tpu.memory_space<semaphore_mem>>) src(%arg10 : memref<40x128xf32, #tpu.memory_space<vmem>>) dst(%dma_wait3A_230 : memref<40x128xf32, #tpu.memory_space<vmem_shared>>)
        tpu.yield
      }) : () -> ()
    } else {
    }
    %eq3A = arith.constant 15 : i32
    %eq3A_7 = arith.cmpi eq, %arg1, %eq3A : i32
    %convert_element_type3A_8 = arith.extui %eq3A_7 : i1 to i32
    %cond3A_9 = arith.constant 0 : i32
    %cond3A_10 = arith.cmpi ne, %convert_element_type3A_8, %cond3A_9 : i32
    scf.if %cond3A_10 {
      "tpu.region"() ({
        %run_scoped3A = tpu.sem_alloc : memref<!tpu.dma_semaphore, #tpu.memory_space<semaphore_mem>>
        %dma_start3A_188 = arith.constant 9600 : i32
        %dma_start3A_189 = arith.constant 0 : i32
        %dma_start3A_190 = tpu.memref_slice %arg6[%dma_start3A_188, %dma_start3A_189] : memref<10240x128xf32, #tpu.memory_space<vmem_shared>> -> memref<40x128xf32, #tpu.memory_space<vmem_shared>>
        %dma_start3A_191 = arith.constant 9600 : i32
        %dma_start3A_192 = arith.constant 0 : i32
        %dma_start3A_193 = tpu.memref_slice %arg6[%dma_start3A_191, %dma_start3A_192] : memref<10240x128xf32, #tpu.memory_space<vmem_shared>> -> memref<40x128xf32, #tpu.memory_space<vmem_shared>>
        tpu.enqueue_dma source(%arg10 : memref<40x128xf32, #tpu.memory_space<vmem>>) target(%dma_start3A_193 : memref<40x128xf32, #tpu.memory_space<vmem_shared>>) target_semaphore(%run_scoped3A : memref<!tpu.dma_semaphore, #tpu.memory_space<semaphore_mem>>)
        %dma_wait3A_194 = arith.constant 9600 : i32
        %dma_wait3A_195 = arith.constant 0 : i32
        %dma_wait3A_196 = tpu.memref_slice %arg6[%dma_wait3A_194, %dma_wait3A_195] : memref<10240x128xf32, #tpu.memory_space<vmem_shared>> -> memref<40x128xf32, #tpu.memory_space<vmem_shared>>
        %dma_wait3A_197 = arith.constant 9600 : i32
        %dma_wait3A_198 = arith.constant 0 : i32
        %dma_wait3A_199 = tpu.memref_slice %arg6[%dma_wait3A_197, %dma_wait3A_198] : memref<10240x128xf32, #tpu.memory_space<vmem_shared>> -> memref<40x128xf32, #tpu.memory_space<vmem_shared>>
        tpu.wait_dma2 semaphore(%run_scoped3A : memref<!tpu.dma_semaphore, #tpu.memory_space<semaphore_mem>>) src(%arg10 : memref<40x128xf32, #tpu.memory_space<vmem>>) dst(%dma_wait3A_199 : memref<40x128xf32, #tpu.memory_space<vmem_shared>>)
        tpu.yield
      }) : () -> ()
      "tpu.region"() ({
        %run_scoped3A = tpu.sem_alloc : memref<!tpu.dma_semaphore, #tpu.memory_space<semaphore_mem>>
        %dma_start3A_188 = arith.constant 9640 : i32
        %dma_start3A_189 = arith.constant 0 : i32
        %dma_start3A_190 = tpu.memref_slice %arg6[%dma_start3A_188, %dma_start3A_189] : memref<10240x128xf32, #tpu.memory_space<vmem_shared>> -> memref<40x128xf32, #tpu.memory_space<vmem_shared>>
        %dma_start3A_191 = arith.constant 9640 : i32
        %dma_start3A_192 = arith.constant 0 : i32
        %dma_start3A_193 = tpu.memref_slice %arg6[%dma_start3A_191, %dma_start3A_192] : memref<10240x128xf32, #tpu.memory_space<vmem_shared>> -> memref<40x128xf32, #tpu.memory_space<vmem_shared>>
        tpu.enqueue_dma source(%arg10 : memref<40x128xf32, #tpu.memory_space<vmem>>) target(%dma_start3A_193 : memref<40x128xf32, #tpu.memory_space<vmem_shared>>) target_semaphore(%run_scoped3A : memref<!tpu.dma_semaphore, #tpu.memory_space<semaphore_mem>>)
        %dma_wait3A_194 = arith.constant 9640 : i32
        %dma_wait3A_195 = arith.constant 0 : i32
        %dma_wait3A_196 = tpu.memref_slice %arg6[%dma_wait3A_194, %dma_wait3A_195] : memref<10240x128xf32, #tpu.memory_space<vmem_shared>> -> memref<40x128xf32, #tpu.memory_space<vmem_shared>>
        %dma_wait3A_197 = arith.constant 9640 : i32
        %dma_wait3A_198 = arith.constant 0 : i32
        %dma_wait3A_199 = tpu.memref_slice %arg6[%dma_wait3A_197, %dma_wait3A_198] : memref<10240x128xf32, #tpu.memory_space<vmem_shared>> -> memref<40x128xf32, #tpu.memory_space<vmem_shared>>
        tpu.wait_dma2 semaphore(%run_scoped3A : memref<!tpu.dma_semaphore, #tpu.memory_space<semaphore_mem>>) src(%arg10 : memref<40x128xf32, #tpu.memory_space<vmem>>) dst(%dma_wait3A_199 : memref<40x128xf32, #tpu.memory_space<vmem_shared>>)
        tpu.yield
      }) : () -> ()
      "tpu.region"() ({
        %run_scoped3A = tpu.sem_alloc : memref<!tpu.dma_semaphore, #tpu.memory_space<semaphore_mem>>
        %dma_start3A_188 = arith.constant 9680 : i32
        %dma_start3A_189 = arith.constant 0 : i32
        %dma_start3A_190 = tpu.memref_slice %arg6[%dma_start3A_188, %dma_start3A_189] : memref<10240x128xf32, #tpu.memory_space<vmem_shared>> -> memref<40x128xf32, #tpu.memory_space<vmem_shared>>
        %dma_start3A_191 = arith.constant 9680 : i32
        %dma_start3A_192 = arith.constant 0 : i32
        %dma_start3A_193 = tpu.memref_slice %arg6[%dma_start3A_191, %dma_start3A_192] : memref<10240x128xf32, #tpu.memory_space<vmem_shared>> -> memref<40x128xf32, #tpu.memory_space<vmem_shared>>
        tpu.enqueue_dma source(%arg10 : memref<40x128xf32, #tpu.memory_space<vmem>>) target(%dma_start3A_193 : memref<40x128xf32, #tpu.memory_space<vmem_shared>>) target_semaphore(%run_scoped3A : memref<!tpu.dma_semaphore, #tpu.memory_space<semaphore_mem>>)
        %dma_wait3A_194 = arith.constant 9680 : i32
        %dma_wait3A_195 = arith.constant 0 : i32
        %dma_wait3A_196 = tpu.memref_slice %arg6[%dma_wait3A_194, %dma_wait3A_195] : memref<10240x128xf32, #tpu.memory_space<vmem_shared>> -> memref<40x128xf32, #tpu.memory_space<vmem_shared>>
        %dma_wait3A_197 = arith.constant 9680 : i32
        %dma_wait3A_198 = arith.constant 0 : i32
        %dma_wait3A_199 = tpu.memref_slice %arg6[%dma_wait3A_197, %dma_wait3A_198] : memref<10240x128xf32, #tpu.memory_space<vmem_shared>> -> memref<40x128xf32, #tpu.memory_space<vmem_shared>>
        tpu.wait_dma2 semaphore(%run_scoped3A : memref<!tpu.dma_semaphore, #tpu.memory_space<semaphore_mem>>) src(%arg10 : memref<40x128xf32, #tpu.memory_space<vmem>>) dst(%dma_wait3A_199 : memref<40x128xf32, #tpu.memory_space<vmem_shared>>)
        tpu.yield
      }) : () -> ()
      "tpu.region"() ({
        %run_scoped3A = tpu.sem_alloc : memref<!tpu.dma_semaphore, #tpu.memory_space<semaphore_mem>>
        %dma_start3A_188 = arith.constant 9720 : i32
        %dma_start3A_189 = arith.constant 0 : i32
        %dma_start3A_190 = tpu.memref_slice %arg6[%dma_start3A_188, %dma_start3A_189] : memref<10240x128xf32, #tpu.memory_space<vmem_shared>> -> memref<40x128xf32, #tpu.memory_space<vmem_shared>>
        %dma_start3A_191 = arith.constant 9720 : i32
        %dma_start3A_192 = arith.constant 0 : i32
        %dma_start3A_193 = tpu.memref_slice %arg6[%dma_start3A_191, %dma_start3A_192] : memref<10240x128xf32, #tpu.memory_space<vmem_shared>> -> memref<40x128xf32, #tpu.memory_space<vmem_shared>>
        tpu.enqueue_dma source(%arg10 : memref<40x128xf32, #tpu.memory_space<vmem>>) target(%dma_start3A_193 : memref<40x128xf32, #tpu.memory_space<vmem_shared>>) target_semaphore(%run_scoped3A : memref<!tpu.dma_semaphore, #tpu.memory_space<semaphore_mem>>)
        %dma_wait3A_194 = arith.constant 9720 : i32
        %dma_wait3A_195 = arith.constant 0 : i32
        %dma_wait3A_196 = tpu.memref_slice %arg6[%dma_wait3A_194, %dma_wait3A_195] : memref<10240x128xf32, #tpu.memory_space<vmem_shared>> -> memref<40x128xf32, #tpu.memory_space<vmem_shared>>
        %dma_wait3A_197 = arith.constant 9720 : i32
        %dma_wait3A_198 = arith.constant 0 : i32
        %dma_wait3A_199 = tpu.memref_slice %arg6[%dma_wait3A_197, %dma_wait3A_198] : memref<10240x128xf32, #tpu.memory_space<vmem_shared>> -> memref<40x128xf32, #tpu.memory_space<vmem_shared>>
        tpu.wait_dma2 semaphore(%run_scoped3A : memref<!tpu.dma_semaphore, #tpu.memory_space<semaphore_mem>>) src(%arg10 : memref<40x128xf32, #tpu.memory_space<vmem>>) dst(%dma_wait3A_199 : memref<40x128xf32, #tpu.memory_space<vmem_shared>>)
        tpu.yield
      }) : () -> ()
      "tpu.region"() ({
        %run_scoped3A = tpu.sem_alloc : memref<!tpu.dma_semaphore, #tpu.memory_space<semaphore_mem>>
        %dma_start3A_188 = arith.constant 9760 : i32
        %dma_start3A_189 = arith.constant 0 : i32
        %dma_start3A_190 = tpu.memref_slice %arg6[%dma_start3A_188, %dma_start3A_189] : memref<10240x128xf32, #tpu.memory_space<vmem_shared>> -> memref<40x128xf32, #tpu.memory_space<vmem_shared>>
        %dma_start3A_191 = arith.constant 9760 : i32
        %dma_start3A_192 = arith.constant 0 : i32
        %dma_start3A_193 = tpu.memref_slice %arg6[%dma_start3A_191, %dma_start3A_192] : memref<10240x128xf32, #tpu.memory_space<vmem_shared>> -> memref<40x128xf32, #tpu.memory_space<vmem_shared>>
        tpu.enqueue_dma source(%arg10 : memref<40x128xf32, #tpu.memory_space<vmem>>) target(%dma_start3A_193 : memref<40x128xf32, #tpu.memory_space<vmem_shared>>) target_semaphore(%run_scoped3A : memref<!tpu.dma_semaphore, #tpu.memory_space<semaphore_mem>>)
        %dma_wait3A_194 = arith.constant 9760 : i32
        %dma_wait3A_195 = arith.constant 0 : i32
        %dma_wait3A_196 = tpu.memref_slice %arg6[%dma_wait3A_194, %dma_wait3A_195] : memref<10240x128xf32, #tpu.memory_space<vmem_shared>> -> memref<40x128xf32, #tpu.memory_space<vmem_shared>>
        %dma_wait3A_197 = arith.constant 9760 : i32
        %dma_wait3A_198 = arith.constant 0 : i32
        %dma_wait3A_199 = tpu.memref_slice %arg6[%dma_wait3A_197, %dma_wait3A_198] : memref<10240x128xf32, #tpu.memory_space<vmem_shared>> -> memref<40x128xf32, #tpu.memory_space<vmem_shared>>
        tpu.wait_dma2 semaphore(%run_scoped3A : memref<!tpu.dma_semaphore, #tpu.memory_space<semaphore_mem>>) src(%arg10 : memref<40x128xf32, #tpu.memory_space<vmem>>) dst(%dma_wait3A_199 : memref<40x128xf32, #tpu.memory_space<vmem_shared>>)
        tpu.yield
      }) : () -> ()
      "tpu.region"() ({
        %run_scoped3A = tpu.sem_alloc : memref<!tpu.dma_semaphore, #tpu.memory_space<semaphore_mem>>
        %dma_start3A_188 = arith.constant 9800 : i32
        %dma_start3A_189 = arith.constant 0 : i32
        %dma_start3A_190 = tpu.memref_slice %arg6[%dma_start3A_188, %dma_start3A_189] : memref<10240x128xf32, #tpu.memory_space<vmem_shared>> -> memref<40x128xf32, #tpu.memory_space<vmem_shared>>
        %dma_start3A_191 = arith.constant 9800 : i32
        %dma_start3A_192 = arith.constant 0 : i32
        %dma_start3A_193 = tpu.memref_slice %arg6[%dma_start3A_191, %dma_start3A_192] : memref<10240x128xf32, #tpu.memory_space<vmem_shared>> -> memref<40x128xf32, #tpu.memory_space<vmem_shared>>
        tpu.enqueue_dma source(%arg10 : memref<40x128xf32, #tpu.memory_space<vmem>>) target(%dma_start3A_193 : memref<40x128xf32, #tpu.memory_space<vmem_shared>>) target_semaphore(%run_scoped3A : memref<!tpu.dma_semaphore, #tpu.memory_space<semaphore_mem>>)
        %dma_wait3A_194 = arith.constant 9800 : i32
        %dma_wait3A_195 = arith.constant 0 : i32
        %dma_wait3A_196 = tpu.memref_slice %arg6[%dma_wait3A_194, %dma_wait3A_195] : memref<10240x128xf32, #tpu.memory_space<vmem_shared>> -> memref<40x128xf32, #tpu.memory_space<vmem_shared>>
        %dma_wait3A_197 = arith.constant 9800 : i32
        %dma_wait3A_198 = arith.constant 0 : i32
        %dma_wait3A_199 = tpu.memref_slice %arg6[%dma_wait3A_197, %dma_wait3A_198] : memref<10240x128xf32, #tpu.memory_space<vmem_shared>> -> memref<40x128xf32, #tpu.memory_space<vmem_shared>>
        tpu.wait_dma2 semaphore(%run_scoped3A : memref<!tpu.dma_semaphore, #tpu.memory_space<semaphore_mem>>) src(%arg10 : memref<40x128xf32, #tpu.memory_space<vmem>>) dst(%dma_wait3A_199 : memref<40x128xf32, #tpu.memory_space<vmem_shared>>)
        tpu.yield
      }) : () -> ()
      "tpu.region"() ({
        %run_scoped3A = tpu.sem_alloc : memref<!tpu.dma_semaphore, #tpu.memory_space<semaphore_mem>>
        %dma_start3A_188 = arith.constant 9840 : i32
        %dma_start3A_189 = arith.constant 0 : i32
        %dma_start3A_190 = tpu.memref_slice %arg6[%dma_start3A_188, %dma_start3A_189] : memref<10240x128xf32, #tpu.memory_space<vmem_shared>> -> memref<40x128xf32, #tpu.memory_space<vmem_shared>>
        %dma_start3A_191 = arith.constant 9840 : i32
        %dma_start3A_192 = arith.constant 0 : i32
        %dma_start3A_193 = tpu.memref_slice %arg6[%dma_start3A_191, %dma_start3A_192] : memref<10240x128xf32, #tpu.memory_space<vmem_shared>> -> memref<40x128xf32, #tpu.memory_space<vmem_shared>>
        tpu.enqueue_dma source(%arg10 : memref<40x128xf32, #tpu.memory_space<vmem>>) target(%dma_start3A_193 : memref<40x128xf32, #tpu.memory_space<vmem_shared>>) target_semaphore(%run_scoped3A : memref<!tpu.dma_semaphore, #tpu.memory_space<semaphore_mem>>)
        %dma_wait3A_194 = arith.constant 9840 : i32
        %dma_wait3A_195 = arith.constant 0 : i32
        %dma_wait3A_196 = tpu.memref_slice %arg6[%dma_wait3A_194, %dma_wait3A_195] : memref<10240x128xf32, #tpu.memory_space<vmem_shared>> -> memref<40x128xf32, #tpu.memory_space<vmem_shared>>
        %dma_wait3A_197 = arith.constant 9840 : i32
        %dma_wait3A_198 = arith.constant 0 : i32
        %dma_wait3A_199 = tpu.memref_slice %arg6[%dma_wait3A_197, %dma_wait3A_198] : memref<10240x128xf32, #tpu.memory_space<vmem_shared>> -> memref<40x128xf32, #tpu.memory_space<vmem_shared>>
        tpu.wait_dma2 semaphore(%run_scoped3A : memref<!tpu.dma_semaphore, #tpu.memory_space<semaphore_mem>>) src(%arg10 : memref<40x128xf32, #tpu.memory_space<vmem>>) dst(%dma_wait3A_199 : memref<40x128xf32, #tpu.memory_space<vmem_shared>>)
        tpu.yield
      }) : () -> ()
      "tpu.region"() ({
        %run_scoped3A = tpu.sem_alloc : memref<!tpu.dma_semaphore, #tpu.memory_space<semaphore_mem>>
        %dma_start3A_188 = arith.constant 9880 : i32
        %dma_start3A_189 = arith.constant 0 : i32
        %dma_start3A_190 = tpu.memref_slice %arg6[%dma_start3A_188, %dma_start3A_189] : memref<10240x128xf32, #tpu.memory_space<vmem_shared>> -> memref<40x128xf32, #tpu.memory_space<vmem_shared>>
        %dma_start3A_191 = arith.constant 9880 : i32
        %dma_start3A_192 = arith.constant 0 : i32
        %dma_start3A_193 = tpu.memref_slice %arg6[%dma_start3A_191, %dma_start3A_192] : memref<10240x128xf32, #tpu.memory_space<vmem_shared>> -> memref<40x128xf32, #tpu.memory_space<vmem_shared>>
        tpu.enqueue_dma source(%arg10 : memref<40x128xf32, #tpu.memory_space<vmem>>) target(%dma_start3A_193 : memref<40x128xf32, #tpu.memory_space<vmem_shared>>) target_semaphore(%run_scoped3A : memref<!tpu.dma_semaphore, #tpu.memory_space<semaphore_mem>>)
        %dma_wait3A_194 = arith.constant 9880 : i32
        %dma_wait3A_195 = arith.constant 0 : i32
        %dma_wait3A_196 = tpu.memref_slice %arg6[%dma_wait3A_194, %dma_wait3A_195] : memref<10240x128xf32, #tpu.memory_space<vmem_shared>> -> memref<40x128xf32, #tpu.memory_space<vmem_shared>>
        %dma_wait3A_197 = arith.constant 9880 : i32
        %dma_wait3A_198 = arith.constant 0 : i32
        %dma_wait3A_199 = tpu.memref_slice %arg6[%dma_wait3A_197, %dma_wait3A_198] : memref<10240x128xf32, #tpu.memory_space<vmem_shared>> -> memref<40x128xf32, #tpu.memory_space<vmem_shared>>
        tpu.wait_dma2 semaphore(%run_scoped3A : memref<!tpu.dma_semaphore, #tpu.memory_space<semaphore_mem>>) src(%arg10 : memref<40x128xf32, #tpu.memory_space<vmem>>) dst(%dma_wait3A_199 : memref<40x128xf32, #tpu.memory_space<vmem_shared>>)
        tpu.yield
      }) : () -> ()
      "tpu.region"() ({
        %run_scoped3A = tpu.sem_alloc : memref<!tpu.dma_semaphore, #tpu.memory_space<semaphore_mem>>
        %dma_start3A_188 = arith.constant 9920 : i32
        %dma_start3A_189 = arith.constant 0 : i32
        %dma_start3A_190 = tpu.memref_slice %arg6[%dma_start3A_188, %dma_start3A_189] : memref<10240x128xf32, #tpu.memory_space<vmem_shared>> -> memref<40x128xf32, #tpu.memory_space<vmem_shared>>
        %dma_start3A_191 = arith.constant 9920 : i32
        %dma_start3A_192 = arith.constant 0 : i32
        %dma_start3A_193 = tpu.memref_slice %arg6[%dma_start3A_191, %dma_start3A_192] : memref<10240x128xf32, #tpu.memory_space<vmem_shared>> -> memref<40x128xf32, #tpu.memory_space<vmem_shared>>
        tpu.enqueue_dma source(%arg10 : memref<40x128xf32, #tpu.memory_space<vmem>>) target(%dma_start3A_193 : memref<40x128xf32, #tpu.memory_space<vmem_shared>>) target_semaphore(%run_scoped3A : memref<!tpu.dma_semaphore, #tpu.memory_space<semaphore_mem>>)
        %dma_wait3A_194 = arith.constant 9920 : i32
        %dma_wait3A_195 = arith.constant 0 : i32
        %dma_wait3A_196 = tpu.memref_slice %arg6[%dma_wait3A_194, %dma_wait3A_195] : memref<10240x128xf32, #tpu.memory_space<vmem_shared>> -> memref<40x128xf32, #tpu.memory_space<vmem_shared>>
        %dma_wait3A_197 = arith.constant 9920 : i32
        %dma_wait3A_198 = arith.constant 0 : i32
        %dma_wait3A_199 = tpu.memref_slice %arg6[%dma_wait3A_197, %dma_wait3A_198] : memref<10240x128xf32, #tpu.memory_space<vmem_shared>> -> memref<40x128xf32, #tpu.memory_space<vmem_shared>>
        tpu.wait_dma2 semaphore(%run_scoped3A : memref<!tpu.dma_semaphore, #tpu.memory_space<semaphore_mem>>) src(%arg10 : memref<40x128xf32, #tpu.memory_space<vmem>>) dst(%dma_wait3A_199 : memref<40x128xf32, #tpu.memory_space<vmem_shared>>)
        tpu.yield
      }) : () -> ()
      "tpu.region"() ({
        %run_scoped3A = tpu.sem_alloc : memref<!tpu.dma_semaphore, #tpu.memory_space<semaphore_mem>>
        %dma_start3A_188 = arith.constant 9960 : i32
        %dma_start3A_189 = arith.constant 0 : i32
        %dma_start3A_190 = tpu.memref_slice %arg6[%dma_start3A_188, %dma_start3A_189] : memref<10240x128xf32, #tpu.memory_space<vmem_shared>> -> memref<40x128xf32, #tpu.memory_space<vmem_shared>>
        %dma_start3A_191 = arith.constant 9960 : i32
        %dma_start3A_192 = arith.constant 0 : i32
        %dma_start3A_193 = tpu.memref_slice %arg6[%dma_start3A_191, %dma_start3A_192] : memref<10240x128xf32, #tpu.memory_space<vmem_shared>> -> memref<40x128xf32, #tpu.memory_space<vmem_shared>>
        tpu.enqueue_dma source(%arg10 : memref<40x128xf32, #tpu.memory_space<vmem>>) target(%dma_start3A_193 : memref<40x128xf32, #tpu.memory_space<vmem_shared>>) target_semaphore(%run_scoped3A : memref<!tpu.dma_semaphore, #tpu.memory_space<semaphore_mem>>)
        %dma_wait3A_194 = arith.constant 9960 : i32
        %dma_wait3A_195 = arith.constant 0 : i32
        %dma_wait3A_196 = tpu.memref_slice %arg6[%dma_wait3A_194, %dma_wait3A_195] : memref<10240x128xf32, #tpu.memory_space<vmem_shared>> -> memref<40x128xf32, #tpu.memory_space<vmem_shared>>
        %dma_wait3A_197 = arith.constant 9960 : i32
        %dma_wait3A_198 = arith.constant 0 : i32
        %dma_wait3A_199 = tpu.memref_slice %arg6[%dma_wait3A_197, %dma_wait3A_198] : memref<10240x128xf32, #tpu.memory_space<vmem_shared>> -> memref<40x128xf32, #tpu.memory_space<vmem_shared>>
        tpu.wait_dma2 semaphore(%run_scoped3A : memref<!tpu.dma_semaphore, #tpu.memory_space<semaphore_mem>>) src(%arg10 : memref<40x128xf32, #tpu.memory_space<vmem>>) dst(%dma_wait3A_199 : memref<40x128xf32, #tpu.memory_space<vmem_shared>>)
        tpu.yield
      }) : () -> ()
    } else {
    }
    %barrier3A = arith.constant 0 : index
    tpu.barrier barrier_id(%barrier3A)
    %mul3A = arith.constant 160000 : i32
    %mul3A_11 = arith.muli %arg0, %mul3A : i32
    %mul3A_12 = arith.constant 10000 : i32
    %mul3A_13 = arith.muli %arg1, %mul3A_12 : i32
    %add3A = arith.addi %mul3A_11, %mul3A_13 : i32
    %add3A_14 = arith.constant 0 : i32
    %add3A_15 = arith.addi %add3A, %add3A_14 : i32
    %multiple_of3A = tpu.assume_multiple %add3A_15, 8 : i32
    %dma_start3A = arith.constant 0 : i32
    %dma_start3A_16 = arith.constant 0 : i32
    %dma_start3A_17 = tpu.memref_slice %arg7[%dma_start3A, %dma_start3A_16] : memref<4x80xi32, #tpu.memory_space<vmem>> -> memref<1x80xi32, #tpu.memory_space<vmem>>
    %dma_start3A_18 = tpu.memref_squeeze %dma_start3A_17 : memref<1x80xi32, #tpu.memory_space<vmem>> -> memref<80xi32, #tpu.memory_space<vmem>>
    %dma_start3A_19 = tpu.memref_slice %arg2[%multiple_of3A] : memref<320000xi32, #tpu.memory_space<hbm>> -> memref<80xi32, #tpu.memory_space<hbm>>
    %dma_start3A_20 = arith.constant 0 : i32
    %dma_start3A_21 = tpu.memref_slice %arg7[%dma_start3A, %dma_start3A_20] : memref<4x80xi32, #tpu.memory_space<vmem>> -> memref<1x80xi32, #tpu.memory_space<vmem>>
    %dma_start3A_22 = tpu.memref_squeeze %dma_start3A_21 : memref<1x80xi32, #tpu.memory_space<vmem>> -> memref<80xi32, #tpu.memory_space<vmem>>
    %dma_start3A_23 = tpu.memref_slice %arg2[%multiple_of3A] : memref<320000xi32, #tpu.memory_space<hbm>> -> memref<80xi32, #tpu.memory_space<hbm>>
    tpu.enqueue_dma source(%dma_start3A_23 : memref<80xi32, #tpu.memory_space<hbm>>) target(%dma_start3A_22 : memref<80xi32, #tpu.memory_space<vmem>>) target_semaphore(%arg11 : memref<!tpu.dma_semaphore, #tpu.memory_space<semaphore_mem>>)
    %dma_start3A_24 = arith.constant 0 : i32
    %dma_start3A_25 = arith.constant 0 : i32
    %dma_start3A_26 = tpu.memref_slice %arg8[%dma_start3A_24, %dma_start3A_25] : memref<4x80xi32, #tpu.memory_space<vmem>> -> memref<1x80xi32, #tpu.memory_space<vmem>>
    %dma_start3A_27 = tpu.memref_squeeze %dma_start3A_26 : memref<1x80xi32, #tpu.memory_space<vmem>> -> memref<80xi32, #tpu.memory_space<vmem>>
    %dma_start3A_28 = tpu.memref_slice %arg3[%multiple_of3A] : memref<320000xi32, #tpu.memory_space<hbm>> -> memref<80xi32, #tpu.memory_space<hbm>>
    %dma_start3A_29 = arith.constant 0 : i32
    %dma_start3A_30 = tpu.memref_slice %arg8[%dma_start3A_24, %dma_start3A_29] : memref<4x80xi32, #tpu.memory_space<vmem>> -> memref<1x80xi32, #tpu.memory_space<vmem>>
    %dma_start3A_31 = tpu.memref_squeeze %dma_start3A_30 : memref<1x80xi32, #tpu.memory_space<vmem>> -> memref<80xi32, #tpu.memory_space<vmem>>
    %dma_start3A_32 = tpu.memref_slice %arg3[%multiple_of3A] : memref<320000xi32, #tpu.memory_space<hbm>> -> memref<80xi32, #tpu.memory_space<hbm>>
    tpu.enqueue_dma source(%dma_start3A_32 : memref<80xi32, #tpu.memory_space<hbm>>) target(%dma_start3A_31 : memref<80xi32, #tpu.memory_space<vmem>>) target_semaphore(%arg11 : memref<!tpu.dma_semaphore, #tpu.memory_space<semaphore_mem>>)
    %add3A_33 = arith.constant 80 : i32
    %add3A_34 = arith.addi %add3A, %add3A_33 : i32
    %multiple_of3A_35 = tpu.assume_multiple %add3A_34, 8 : i32
    %dma_start3A_36 = arith.constant 1 : i32
    %dma_start3A_37 = arith.constant 0 : i32
    %dma_start3A_38 = tpu.memref_slice %arg7[%dma_start3A_36, %dma_start3A_37] : memref<4x80xi32, #tpu.memory_space<vmem>> -> memref<1x80xi32, #tpu.memory_space<vmem>>
    %dma_start3A_39 = tpu.memref_squeeze %dma_start3A_38 : memref<1x80xi32, #tpu.memory_space<vmem>> -> memref<80xi32, #tpu.memory_space<vmem>>
    %dma_start3A_40 = tpu.memref_slice %arg2[%multiple_of3A_35] : memref<320000xi32, #tpu.memory_space<hbm>> -> memref<80xi32, #tpu.memory_space<hbm>>
    %dma_start3A_41 = arith.constant 0 : i32
    %dma_start3A_42 = tpu.memref_slice %arg7[%dma_start3A_36, %dma_start3A_41] : memref<4x80xi32, #tpu.memory_space<vmem>> -> memref<1x80xi32, #tpu.memory_space<vmem>>
    %dma_start3A_43 = tpu.memref_squeeze %dma_start3A_42 : memref<1x80xi32, #tpu.memory_space<vmem>> -> memref<80xi32, #tpu.memory_space<vmem>>
    %dma_start3A_44 = tpu.memref_slice %arg2[%multiple_of3A_35] : memref<320000xi32, #tpu.memory_space<hbm>> -> memref<80xi32, #tpu.memory_space<hbm>>
    tpu.enqueue_dma source(%dma_start3A_44 : memref<80xi32, #tpu.memory_space<hbm>>) target(%dma_start3A_43 : memref<80xi32, #tpu.memory_space<vmem>>) target_semaphore(%arg11 : memref<!tpu.dma_semaphore, #tpu.memory_space<semaphore_mem>>)
    %dma_start3A_45 = arith.constant 1 : i32
    %dma_start3A_46 = arith.constant 0 : i32
    %dma_start3A_47 = tpu.memref_slice %arg8[%dma_start3A_45, %dma_start3A_46] : memref<4x80xi32, #tpu.memory_space<vmem>> -> memref<1x80xi32, #tpu.memory_space<vmem>>
    %dma_start3A_48 = tpu.memref_squeeze %dma_start3A_47 : memref<1x80xi32, #tpu.memory_space<vmem>> -> memref<80xi32, #tpu.memory_space<vmem>>
    %dma_start3A_49 = tpu.memref_slice %arg3[%multiple_of3A_35] : memref<320000xi32, #tpu.memory_space<hbm>> -> memref<80xi32, #tpu.memory_space<hbm>>
    %dma_start3A_50 = arith.constant 0 : i32
    %dma_start3A_51 = tpu.memref_slice %arg8[%dma_start3A_45, %dma_start3A_50] : memref<4x80xi32, #tpu.memory_space<vmem>> -> memref<1x80xi32, #tpu.memory_space<vmem>>
    %dma_start3A_52 = tpu.memref_squeeze %dma_start3A_51 : memref<1x80xi32, #tpu.memory_space<vmem>> -> memref<80xi32, #tpu.memory_space<vmem>>
    %dma_start3A_53 = tpu.memref_slice %arg3[%multiple_of3A_35] : memref<320000xi32, #tpu.memory_space<hbm>> -> memref<80xi32, #tpu.memory_space<hbm>>
    tpu.enqueue_dma source(%dma_start3A_53 : memref<80xi32, #tpu.memory_space<hbm>>) target(%dma_start3A_52 : memref<80xi32, #tpu.memory_space<vmem>>) target_semaphore(%arg11 : memref<!tpu.dma_semaphore, #tpu.memory_space<semaphore_mem>>)
    %scan3A_54 = arith.constant 0 : i32
    %scan3A_55 = arith.constant 0 : i32
    %scan3A_56 = arith.constant 31 : i32
    %scan3A_57 = arith.addi %scan3A_55, %scan3A_56 : i32
    %scan3A_58 = arith.constant 1 : i32
    scf.for %scan3A_188 = %scan3A_55 to %scan3A_57 step %scan3A_58  : i32 {
      %mul3A_189 = arith.constant 4 : i32
      %mul3A_190 = arith.muli %scan3A_188, %mul3A_189 : i32
      %add3A_191 = arith.constant 0 : i32
      %add3A_192 = arith.addi %mul3A_190, %add3A_191 : i32
      %dma_wait3A_193 = arith.constant 0 : i32
      %dma_wait3A_194 = arith.constant 0 : i32
      %dma_wait3A_195 = tpu.memref_slice %arg7[%dma_wait3A_193, %dma_wait3A_194] : memref<4x80xi32, #tpu.memory_space<vmem>> -> memref<1x80xi32, #tpu.memory_space<vmem>>
      %dma_wait3A_196 = tpu.memref_squeeze %dma_wait3A_195 : memref<1x80xi32, #tpu.memory_space<vmem>> -> memref<80xi32, #tpu.memory_space<vmem>>
      %dma_wait3A_197 = arith.constant 0 : i32
      %dma_wait3A_198 = tpu.memref_slice %arg2[%dma_wait3A_197] : memref<320000xi32, #tpu.memory_space<hbm>> -> memref<80xi32, #tpu.memory_space<hbm>>
      %dma_wait3A_199 = arith.constant 0 : i32
      %dma_wait3A_200 = tpu.memref_slice %arg7[%dma_wait3A_193, %dma_wait3A_199] : memref<4x80xi32, #tpu.memory_space<vmem>> -> memref<1x80xi32, #tpu.memory_space<vmem>>
      %dma_wait3A_201 = tpu.memref_squeeze %dma_wait3A_200 : memref<1x80xi32, #tpu.memory_space<vmem>> -> memref<80xi32, #tpu.memory_space<vmem>>
      %dma_wait3A_202 = arith.constant 0 : i32
      %dma_wait3A_203 = tpu.memref_slice %arg2[%dma_wait3A_202] : memref<320000xi32, #tpu.memory_space<hbm>> -> memref<80xi32, #tpu.memory_space<hbm>>
      tpu.wait_dma2 semaphore(%arg11 : memref<!tpu.dma_semaphore, #tpu.memory_space<semaphore_mem>>) src(%dma_wait3A_203 : memref<80xi32, #tpu.memory_space<hbm>>) dst(%dma_wait3A_201 : memref<80xi32, #tpu.memory_space<vmem>>)
      %dma_wait3A_204 = arith.constant 0 : i32
      %dma_wait3A_205 = arith.constant 0 : i32
      %dma_wait3A_206 = tpu.memref_slice %arg8[%dma_wait3A_204, %dma_wait3A_205] : memref<4x80xi32, #tpu.memory_space<vmem>> -> memref<1x80xi32, #tpu.memory_space<vmem>>
      %dma_wait3A_207 = tpu.memref_squeeze %dma_wait3A_206 : memref<1x80xi32, #tpu.memory_space<vmem>> -> memref<80xi32, #tpu.memory_space<vmem>>
      %dma_wait3A_208 = arith.constant 0 : i32
      %dma_wait3A_209 = tpu.memref_slice %arg3[%dma_wait3A_208] : memref<320000xi32, #tpu.memory_space<hbm>> -> memref<80xi32, #tpu.memory_space<hbm>>
      %dma_wait3A_210 = arith.constant 0 : i32
      %dma_wait3A_211 = tpu.memref_slice %arg8[%dma_wait3A_204, %dma_wait3A_210] : memref<4x80xi32, #tpu.memory_space<vmem>> -> memref<1x80xi32, #tpu.memory_space<vmem>>
      %dma_wait3A_212 = tpu.memref_squeeze %dma_wait3A_211 : memref<1x80xi32, #tpu.memory_space<vmem>> -> memref<80xi32, #tpu.memory_space<vmem>>
      %dma_wait3A_213 = arith.constant 0 : i32
      %dma_wait3A_214 = tpu.memref_slice %arg3[%dma_wait3A_213] : memref<320000xi32, #tpu.memory_space<hbm>> -> memref<80xi32, #tpu.memory_space<hbm>>
      tpu.wait_dma2 semaphore(%arg11 : memref<!tpu.dma_semaphore, #tpu.memory_space<semaphore_mem>>) src(%dma_wait3A_214 : memref<80xi32, #tpu.memory_space<hbm>>) dst(%dma_wait3A_212 : memref<80xi32, #tpu.memory_space<vmem>>)
      %dma_start3A_215 = arith.constant 0 : i32
      %dma_start3A_216 = arith.constant 0 : i32
      %dma_start3A_217 = arith.constant 0 : i32
      %dma_start3A_218 = arith.constant 0 : i32
      %dma_start3A_219 = tpu.memref_slice %arg9[%dma_start3A_216, %dma_start3A_217, %dma_start3A_218] : memref<4x80x128xf32, #tpu.memory_space<vmem>> -> memref<1x80x128xf32, #tpu.memory_space<vmem>>
      %dma_start3A_220 = tpu.memref_squeeze %dma_start3A_219 : memref<1x80x128xf32, #tpu.memory_space<vmem>> -> memref<80x128xf32, #tpu.memory_space<vmem>>
      %dma_start3A_221 = arith.constant 0 : i32
      %dma_start3A_222 = tpu.memref_slice %arg7[%dma_start3A_215, %dma_start3A_221] : memref<4x80xi32, #tpu.memory_space<vmem>> -> memref<1x80xi32, #tpu.memory_space<vmem>>
      %dma_start3A_223 = tpu.memref_squeeze %dma_start3A_222 : memref<1x80xi32, #tpu.memory_space<vmem>> -> memref<80xi32, #tpu.memory_space<vmem>>
      %dma_start3A_224 = arith.constant 0 : i32
      %dma_start3A_225 = arith.constant 0 : i32
      %dma_start3A_226 = tpu.memref_slice %arg4[%dma_start3A_224, %dma_start3A_225] : memref<10000x128xf32, #tpu.memory_space<hbm>> -> memref<10000x128xf32, #tpu.memory_space<hbm>>
      tpu.enqueue_indirect_dma source(%dma_start3A_226 : memref<10000x128xf32, #tpu.memory_space<hbm>>) target(%dma_start3A_220 : memref<80x128xf32, #tpu.memory_space<vmem>>) offsets(%dma_start3A_223 : memref<80xi32, #tpu.memory_space<vmem>>) semaphore(%arg12 : memref<!tpu.dma_semaphore, #tpu.memory_space<semaphore_mem>>)
      %ge3A = arith.constant 1 : i32
      %ge3A_227 = arith.cmpi sge, %add3A_192, %ge3A : i32
      %convert_element_type3A_228 = arith.extui %ge3A_227 : i1 to i32
      %cond3A_229 = arith.constant 0 : i32
      %cond3A_230 = arith.cmpi ne, %convert_element_type3A_228, %cond3A_229 : i32
      scf.if %cond3A_230 {
        %dma_wait3A_408 = arith.constant 3 : i32
        %dma_wait3A_409 = arith.constant 3 : i32
        %dma_wait3A_410 = arith.constant 0 : i32
        %dma_wait3A_411 = arith.constant 0 : i32
        %dma_wait3A_412 = tpu.memref_slice %arg9[%dma_wait3A_409, %dma_wait3A_410, %dma_wait3A_411] : memref<4x80x128xf32, #tpu.memory_space<vmem>> -> memref<1x80x128xf32, #tpu.memory_space<vmem>>
        %dma_wait3A_413 = tpu.memref_squeeze %dma_wait3A_412 : memref<1x80x128xf32, #tpu.memory_space<vmem>> -> memref<80x128xf32, #tpu.memory_space<vmem>>
        %dma_wait3A_414 = arith.constant 0 : i32
        %dma_wait3A_415 = tpu.memref_slice %arg7[%dma_wait3A_408, %dma_wait3A_414] : memref<4x80xi32, #tpu.memory_space<vmem>> -> memref<1x80xi32, #tpu.memory_space<vmem>>
        %dma_wait3A_416 = tpu.memref_squeeze %dma_wait3A_415 : memref<1x80xi32, #tpu.memory_space<vmem>> -> memref<80xi32, #tpu.memory_space<vmem>>
        %dma_wait3A_417 = arith.constant 0 : i32
        %dma_wait3A_418 = arith.constant 0 : i32
        %dma_wait3A_419 = tpu.memref_slice %arg4[%dma_wait3A_417, %dma_wait3A_418] : memref<10000x128xf32, #tpu.memory_space<hbm>> -> memref<10000x128xf32, #tpu.memory_space<hbm>>
        tpu.wait_indirect_dma semaphore(%arg12 : memref<!tpu.dma_semaphore, #tpu.memory_space<semaphore_mem>>) src(%dma_wait3A_419 : memref<10000x128xf32, #tpu.memory_space<hbm>>) dst(%dma_wait3A_413 : memref<80x128xf32, #tpu.memory_space<vmem>>)
        %dma_start3A_420 = arith.constant 3 : i32
        %dma_start3A_421 = arith.constant 3 : i32
        %dma_start3A_422 = arith.constant 0 : i32
        %dma_start3A_423 = arith.constant 0 : i32
        %dma_start3A_424 = tpu.memref_slice %arg9[%dma_start3A_420, %dma_start3A_422, %dma_start3A_423] : memref<4x80x128xf32, #tpu.memory_space<vmem>> -> memref<1x80x128xf32, #tpu.memory_space<vmem>>
        %dma_start3A_425 = tpu.memref_squeeze %dma_start3A_424 : memref<1x80x128xf32, #tpu.memory_space<vmem>> -> memref<80x128xf32, #tpu.memory_space<vmem>>
        %dma_start3A_426 = arith.constant 0 : i32
        %dma_start3A_427 = tpu.memref_slice %arg8[%dma_start3A_421, %dma_start3A_426] : memref<4x80xi32, #tpu.memory_space<vmem>> -> memref<1x80xi32, #tpu.memory_space<vmem>>
        %dma_start3A_428 = tpu.memref_squeeze %dma_start3A_427 : memref<1x80xi32, #tpu.memory_space<vmem>> -> memref<80xi32, #tpu.memory_space<vmem>>
        %dma_start3A_429 = arith.constant 0 : i32
        %dma_start3A_430 = arith.constant 0 : i32
        %dma_start3A_431 = tpu.memref_slice %arg6[%dma_start3A_429, %dma_start3A_430] : memref<10240x128xf32, #tpu.memory_space<vmem_shared>> -> memref<10240x128xf32, #tpu.memory_space<vmem_shared>>
        tpu.enqueue_indirect_dma source(%dma_start3A_425 : memref<80x128xf32, #tpu.memory_space<vmem>>) target(%dma_start3A_431 : memref<10240x128xf32, #tpu.memory_space<vmem_shared>>) offsets(%dma_start3A_428 : memref<80xi32, #tpu.memory_space<vmem>>) semaphore(%arg13 : memref<!tpu.dma_semaphore, #tpu.memory_space<semaphore_mem>>) {add = true}
      } else {
      }
      %ge3A_231 = arith.constant 2 : i32
      %ge3A_232 = arith.cmpi sge, %add3A_192, %ge3A_231 : i32
      %convert_element_type3A_233 = arith.extui %ge3A_232 : i1 to i32
      %cond3A_234 = arith.constant 0 : i32
      %cond3A_235 = arith.cmpi ne, %convert_element_type3A_233, %cond3A_234 : i32
      scf.if %cond3A_235 {
        %dma_wait3A_408 = arith.constant 2 : i32
        %dma_wait3A_409 = arith.constant 2 : i32
        %dma_wait3A_410 = arith.constant 0 : i32
        %dma_wait3A_411 = arith.constant 0 : i32
        %dma_wait3A_412 = tpu.memref_slice %arg9[%dma_wait3A_408, %dma_wait3A_410, %dma_wait3A_411] : memref<4x80x128xf32, #tpu.memory_space<vmem>> -> memref<1x80x128xf32, #tpu.memory_space<vmem>>
        %dma_wait3A_413 = tpu.memref_squeeze %dma_wait3A_412 : memref<1x80x128xf32, #tpu.memory_space<vmem>> -> memref<80x128xf32, #tpu.memory_space<vmem>>
        %dma_wait3A_414 = arith.constant 0 : i32
        %dma_wait3A_415 = tpu.memref_slice %arg8[%dma_wait3A_409, %dma_wait3A_414] : memref<4x80xi32, #tpu.memory_space<vmem>> -> memref<1x80xi32, #tpu.memory_space<vmem>>
        %dma_wait3A_416 = tpu.memref_squeeze %dma_wait3A_415 : memref<1x80xi32, #tpu.memory_space<vmem>> -> memref<80xi32, #tpu.memory_space<vmem>>
        %dma_wait3A_417 = arith.constant 0 : i32
        %dma_wait3A_418 = arith.constant 0 : i32
        %dma_wait3A_419 = tpu.memref_slice %arg6[%dma_wait3A_417, %dma_wait3A_418] : memref<10240x128xf32, #tpu.memory_space<vmem_shared>> -> memref<10240x128xf32, #tpu.memory_space<vmem_shared>>
        tpu.wait_indirect_dma semaphore(%arg13 : memref<!tpu.dma_semaphore, #tpu.memory_space<semaphore_mem>>) src(%dma_wait3A_413 : memref<80x128xf32, #tpu.memory_space<vmem>>) dst(%dma_wait3A_419 : memref<10240x128xf32, #tpu.memory_space<vmem_shared>>)
      } else {
      }
      %add3A_236 = arith.constant 2 : i32
      %add3A_237 = arith.addi %add3A_192, %add3A_236 : i32
      %lt3A_238 = arith.constant 125 : i32
      %lt3A_239 = arith.cmpi slt, %add3A_237, %lt3A_238 : i32
      %convert_element_type3A_240 = arith.extui %lt3A_239 : i1 to i32
      %cond3A_241 = arith.constant 0 : i32
      %cond3A_242 = arith.cmpi ne, %convert_element_type3A_240, %cond3A_241 : i32
      scf.if %cond3A_242 {
        %add3A_408 = arith.constant 2 : i32
        %add3A_409 = arith.addi %add3A_192, %add3A_408 : i32
        %mul3A_410 = arith.constant 80 : i32
        %mul3A_411 = arith.muli %add3A_409, %mul3A_410 : i32
        %add3A_412 = arith.addi %add3A, %mul3A_411 : i32
        %multiple_of3A_413 = tpu.assume_multiple %add3A_412, 8 : i32
        %dma_start3A_414 = arith.constant 2 : i32
        %dma_start3A_415 = arith.constant 0 : i32
        %dma_start3A_416 = tpu.memref_slice %arg7[%dma_start3A_414, %dma_start3A_415] : memref<4x80xi32, #tpu.memory_space<vmem>> -> memref<1x80xi32, #tpu.memory_space<vmem>>
        %dma_start3A_417 = tpu.memref_squeeze %dma_start3A_416 : memref<1x80xi32, #tpu.memory_space<vmem>> -> memref<80xi32, #tpu.memory_space<vmem>>
        %dma_start3A_418 = tpu.memref_slice %arg2[%multiple_of3A_413] : memref<320000xi32, #tpu.memory_space<hbm>> -> memref<80xi32, #tpu.memory_space<hbm>>
        %dma_start3A_419 = arith.constant 0 : i32
        %dma_start3A_420 = tpu.memref_slice %arg7[%dma_start3A_414, %dma_start3A_419] : memref<4x80xi32, #tpu.memory_space<vmem>> -> memref<1x80xi32, #tpu.memory_space<vmem>>
        %dma_start3A_421 = tpu.memref_squeeze %dma_start3A_420 : memref<1x80xi32, #tpu.memory_space<vmem>> -> memref<80xi32, #tpu.memory_space<vmem>>
        %dma_start3A_422 = tpu.memref_slice %arg2[%multiple_of3A_413] : memref<320000xi32, #tpu.memory_space<hbm>> -> memref<80xi32, #tpu.memory_space<hbm>>
        tpu.enqueue_dma source(%dma_start3A_422 : memref<80xi32, #tpu.memory_space<hbm>>) target(%dma_start3A_421 : memref<80xi32, #tpu.memory_space<vmem>>) target_semaphore(%arg11 : memref<!tpu.dma_semaphore, #tpu.memory_space<semaphore_mem>>)
        %dma_start3A_423 = arith.constant 2 : i32
        %dma_start3A_424 = arith.constant 0 : i32
        %dma_start3A_425 = tpu.memref_slice %arg8[%dma_start3A_423, %dma_start3A_424] : memref<4x80xi32, #tpu.memory_space<vmem>> -> memref<1x80xi32, #tpu.memory_space<vmem>>
        %dma_start3A_426 = tpu.memref_squeeze %dma_start3A_425 : memref<1x80xi32, #tpu.memory_space<vmem>> -> memref<80xi32, #tpu.memory_space<vmem>>
        %dma_start3A_427 = tpu.memref_slice %arg3[%multiple_of3A_413] : memref<320000xi32, #tpu.memory_space<hbm>> -> memref<80xi32, #tpu.memory_space<hbm>>
        %dma_start3A_428 = arith.constant 0 : i32
        %dma_start3A_429 = tpu.memref_slice %arg8[%dma_start3A_423, %dma_start3A_428] : memref<4x80xi32, #tpu.memory_space<vmem>> -> memref<1x80xi32, #tpu.memory_space<vmem>>
        %dma_start3A_430 = tpu.memref_squeeze %dma_start3A_429 : memref<1x80xi32, #tpu.memory_space<vmem>> -> memref<80xi32, #tpu.memory_space<vmem>>
        %dma_start3A_431 = tpu.memref_slice %arg3[%multiple_of3A_413] : memref<320000xi32, #tpu.memory_space<hbm>> -> memref<80xi32, #tpu.memory_space<hbm>>
        tpu.enqueue_dma source(%dma_start3A_431 : memref<80xi32, #tpu.memory_space<hbm>>) target(%dma_start3A_430 : memref<80xi32, #tpu.memory_space<vmem>>) target_semaphore(%arg11 : memref<!tpu.dma_semaphore, #tpu.memory_space<semaphore_mem>>)
      } else {
      }
      %mul3A_243 = arith.constant 4 : i32
      %mul3A_244 = arith.muli %scan3A_188, %mul3A_243 : i32
      %add3A_245 = arith.constant 1 : i32
      %add3A_246 = arith.addi %mul3A_244, %add3A_245 : i32
      %dma_wait3A_247 = arith.constant 1 : i32
      %dma_wait3A_248 = arith.constant 0 : i32
      %dma_wait3A_249 = tpu.memref_slice %arg7[%dma_wait3A_247, %dma_wait3A_248] : memref<4x80xi32, #tpu.memory_space<vmem>> -> memref<1x80xi32, #tpu.memory_space<vmem>>
      %dma_wait3A_250 = tpu.memref_squeeze %dma_wait3A_249 : memref<1x80xi32, #tpu.memory_space<vmem>> -> memref<80xi32, #tpu.memory_space<vmem>>
      %dma_wait3A_251 = arith.constant 0 : i32
      %dma_wait3A_252 = tpu.memref_slice %arg2[%dma_wait3A_251] : memref<320000xi32, #tpu.memory_space<hbm>> -> memref<80xi32, #tpu.memory_space<hbm>>
      %dma_wait3A_253 = arith.constant 0 : i32
      %dma_wait3A_254 = tpu.memref_slice %arg7[%dma_wait3A_247, %dma_wait3A_253] : memref<4x80xi32, #tpu.memory_space<vmem>> -> memref<1x80xi32, #tpu.memory_space<vmem>>
      %dma_wait3A_255 = tpu.memref_squeeze %dma_wait3A_254 : memref<1x80xi32, #tpu.memory_space<vmem>> -> memref<80xi32, #tpu.memory_space<vmem>>
      %dma_wait3A_256 = arith.constant 0 : i32
      %dma_wait3A_257 = tpu.memref_slice %arg2[%dma_wait3A_256] : memref<320000xi32, #tpu.memory_space<hbm>> -> memref<80xi32, #tpu.memory_space<hbm>>
      tpu.wait_dma2 semaphore(%arg11 : memref<!tpu.dma_semaphore, #tpu.memory_space<semaphore_mem>>) src(%dma_wait3A_257 : memref<80xi32, #tpu.memory_space<hbm>>) dst(%dma_wait3A_255 : memref<80xi32, #tpu.memory_space<vmem>>)
      %dma_wait3A_258 = arith.constant 1 : i32
      %dma_wait3A_259 = arith.constant 0 : i32
      %dma_wait3A_260 = tpu.memref_slice %arg8[%dma_wait3A_258, %dma_wait3A_259] : memref<4x80xi32, #tpu.memory_space<vmem>> -> memref<1x80xi32, #tpu.memory_space<vmem>>
      %dma_wait3A_261 = tpu.memref_squeeze %dma_wait3A_260 : memref<1x80xi32, #tpu.memory_space<vmem>> -> memref<80xi32, #tpu.memory_space<vmem>>
      %dma_wait3A_262 = arith.constant 0 : i32
      %dma_wait3A_263 = tpu.memref_slice %arg3[%dma_wait3A_262] : memref<320000xi32, #tpu.memory_space<hbm>> -> memref<80xi32, #tpu.memory_space<hbm>>
      %dma_wait3A_264 = arith.constant 0 : i32
      %dma_wait3A_265 = tpu.memref_slice %arg8[%dma_wait3A_258, %dma_wait3A_264] : memref<4x80xi32, #tpu.memory_space<vmem>> -> memref<1x80xi32, #tpu.memory_space<vmem>>
      %dma_wait3A_266 = tpu.memref_squeeze %dma_wait3A_265 : memref<1x80xi32, #tpu.memory_space<vmem>> -> memref<80xi32, #tpu.memory_space<vmem>>
      %dma_wait3A_267 = arith.constant 0 : i32
      %dma_wait3A_268 = tpu.memref_slice %arg3[%dma_wait3A_267] : memref<320000xi32, #tpu.memory_space<hbm>> -> memref<80xi32, #tpu.memory_space<hbm>>
      tpu.wait_dma2 semaphore(%arg11 : memref<!tpu.dma_semaphore, #tpu.memory_space<semaphore_mem>>) src(%dma_wait3A_268 : memref<80xi32, #tpu.memory_space<hbm>>) dst(%dma_wait3A_266 : memref<80xi32, #tpu.memory_space<vmem>>)
      %dma_start3A_269 = arith.constant 1 : i32
      %dma_start3A_270 = arith.constant 1 : i32
      %dma_start3A_271 = arith.constant 0 : i32
      %dma_start3A_272 = arith.constant 0 : i32
      %dma_start3A_273 = tpu.memref_slice %arg9[%dma_start3A_270, %dma_start3A_271, %dma_start3A_272] : memref<4x80x128xf32, #tpu.memory_space<vmem>> -> memref<1x80x128xf32, #tpu.memory_space<vmem>>
      %dma_start3A_274 = tpu.memref_squeeze %dma_start3A_273 : memref<1x80x128xf32, #tpu.memory_space<vmem>> -> memref<80x128xf32, #tpu.memory_space<vmem>>
      %dma_start3A_275 = arith.constant 0 : i32
      %dma_start3A_276 = tpu.memref_slice %arg7[%dma_start3A_269, %dma_start3A_275] : memref<4x80xi32, #tpu.memory_space<vmem>> -> memref<1x80xi32, #tpu.memory_space<vmem>>
      %dma_start3A_277 = tpu.memref_squeeze %dma_start3A_276 : memref<1x80xi32, #tpu.memory_space<vmem>> -> memref<80xi32, #tpu.memory_space<vmem>>
      %dma_start3A_278 = arith.constant 0 : i32
      %dma_start3A_279 = arith.constant 0 : i32
      %dma_start3A_280 = tpu.memref_slice %arg4[%dma_start3A_278, %dma_start3A_279] : memref<10000x128xf32, #tpu.memory_space<hbm>> -> memref<10000x128xf32, #tpu.memory_space<hbm>>
      tpu.enqueue_indirect_dma source(%dma_start3A_280 : memref<10000x128xf32, #tpu.memory_space<hbm>>) target(%dma_start3A_274 : memref<80x128xf32, #tpu.memory_space<vmem>>) offsets(%dma_start3A_277 : memref<80xi32, #tpu.memory_space<vmem>>) semaphore(%arg12 : memref<!tpu.dma_semaphore, #tpu.memory_space<semaphore_mem>>)
      %ge3A_281 = arith.constant 1 : i32
      %ge3A_282 = arith.cmpi sge, %add3A_246, %ge3A_281 : i32
      %convert_element_type3A_283 = arith.extui %ge3A_282 : i1 to i32
      %cond3A_284 = arith.constant 0 : i32
      %cond3A_285 = arith.cmpi ne, %convert_element_type3A_283, %cond3A_284 : i32
      scf.if %cond3A_285 {
        %dma_wait3A_408 = arith.constant 0 : i32
        %dma_wait3A_409 = arith.constant 0 : i32
        %dma_wait3A_410 = arith.constant 0 : i32
        %dma_wait3A_411 = arith.constant 0 : i32
        %dma_wait3A_412 = tpu.memref_slice %arg9[%dma_wait3A_409, %dma_wait3A_410, %dma_wait3A_411] : memref<4x80x128xf32, #tpu.memory_space<vmem>> -> memref<1x80x128xf32, #tpu.memory_space<vmem>>
        %dma_wait3A_413 = tpu.memref_squeeze %dma_wait3A_412 : memref<1x80x128xf32, #tpu.memory_space<vmem>> -> memref<80x128xf32, #tpu.memory_space<vmem>>
        %dma_wait3A_414 = arith.constant 0 : i32
        %dma_wait3A_415 = tpu.memref_slice %arg7[%dma_wait3A_408, %dma_wait3A_414] : memref<4x80xi32, #tpu.memory_space<vmem>> -> memref<1x80xi32, #tpu.memory_space<vmem>>
        %dma_wait3A_416 = tpu.memref_squeeze %dma_wait3A_415 : memref<1x80xi32, #tpu.memory_space<vmem>> -> memref<80xi32, #tpu.memory_space<vmem>>
        %dma_wait3A_417 = arith.constant 0 : i32
        %dma_wait3A_418 = arith.constant 0 : i32
        %dma_wait3A_419 = tpu.memref_slice %arg4[%dma_wait3A_417, %dma_wait3A_418] : memref<10000x128xf32, #tpu.memory_space<hbm>> -> memref<10000x128xf32, #tpu.memory_space<hbm>>
        tpu.wait_indirect_dma semaphore(%arg12 : memref<!tpu.dma_semaphore, #tpu.memory_space<semaphore_mem>>) src(%dma_wait3A_419 : memref<10000x128xf32, #tpu.memory_space<hbm>>) dst(%dma_wait3A_413 : memref<80x128xf32, #tpu.memory_space<vmem>>)
        %dma_start3A_420 = arith.constant 0 : i32
        %dma_start3A_421 = arith.constant 0 : i32
        %dma_start3A_422 = arith.constant 0 : i32
        %dma_start3A_423 = arith.constant 0 : i32
        %dma_start3A_424 = tpu.memref_slice %arg9[%dma_start3A_420, %dma_start3A_422, %dma_start3A_423] : memref<4x80x128xf32, #tpu.memory_space<vmem>> -> memref<1x80x128xf32, #tpu.memory_space<vmem>>
        %dma_start3A_425 = tpu.memref_squeeze %dma_start3A_424 : memref<1x80x128xf32, #tpu.memory_space<vmem>> -> memref<80x128xf32, #tpu.memory_space<vmem>>
        %dma_start3A_426 = arith.constant 0 : i32
        %dma_start3A_427 = tpu.memref_slice %arg8[%dma_start3A_421, %dma_start3A_426] : memref<4x80xi32, #tpu.memory_space<vmem>> -> memref<1x80xi32, #tpu.memory_space<vmem>>
        %dma_start3A_428 = tpu.memref_squeeze %dma_start3A_427 : memref<1x80xi32, #tpu.memory_space<vmem>> -> memref<80xi32, #tpu.memory_space<vmem>>
        %dma_start3A_429 = arith.constant 0 : i32
        %dma_start3A_430 = arith.constant 0 : i32
        %dma_start3A_431 = tpu.memref_slice %arg6[%dma_start3A_429, %dma_start3A_430] : memref<10240x128xf32, #tpu.memory_space<vmem_shared>> -> memref<10240x128xf32, #tpu.memory_space<vmem_shared>>
        tpu.enqueue_indirect_dma source(%dma_start3A_425 : memref<80x128xf32, #tpu.memory_space<vmem>>) target(%dma_start3A_431 : memref<10240x128xf32, #tpu.memory_space<vmem_shared>>) offsets(%dma_start3A_428 : memref<80xi32, #tpu.memory_space<vmem>>) semaphore(%arg13 : memref<!tpu.dma_semaphore, #tpu.memory_space<semaphore_mem>>) {add = true}
      } else {
      }
      %ge3A_286 = arith.constant 2 : i32
      %ge3A_287 = arith.cmpi sge, %add3A_246, %ge3A_286 : i32
      %convert_element_type3A_288 = arith.extui %ge3A_287 : i1 to i32
      %cond3A_289 = arith.constant 0 : i32
      %cond3A_290 = arith.cmpi ne, %convert_element_type3A_288, %cond3A_289 : i32
      scf.if %cond3A_290 {
        %dma_wait3A_408 = arith.constant 3 : i32
        %dma_wait3A_409 = arith.constant 3 : i32
        %dma_wait3A_410 = arith.constant 0 : i32
        %dma_wait3A_411 = arith.constant 0 : i32
        %dma_wait3A_412 = tpu.memref_slice %arg9[%dma_wait3A_408, %dma_wait3A_410, %dma_wait3A_411] : memref<4x80x128xf32, #tpu.memory_space<vmem>> -> memref<1x80x128xf32, #tpu.memory_space<vmem>>
        %dma_wait3A_413 = tpu.memref_squeeze %dma_wait3A_412 : memref<1x80x128xf32, #tpu.memory_space<vmem>> -> memref<80x128xf32, #tpu.memory_space<vmem>>
        %dma_wait3A_414 = arith.constant 0 : i32
        %dma_wait3A_415 = tpu.memref_slice %arg8[%dma_wait3A_409, %dma_wait3A_414] : memref<4x80xi32, #tpu.memory_space<vmem>> -> memref<1x80xi32, #tpu.memory_space<vmem>>
        %dma_wait3A_416 = tpu.memref_squeeze %dma_wait3A_415 : memref<1x80xi32, #tpu.memory_space<vmem>> -> memref<80xi32, #tpu.memory_space<vmem>>
        %dma_wait3A_417 = arith.constant 0 : i32
        %dma_wait3A_418 = arith.constant 0 : i32
        %dma_wait3A_419 = tpu.memref_slice %arg6[%dma_wait3A_417, %dma_wait3A_418] : memref<10240x128xf32, #tpu.memory_space<vmem_shared>> -> memref<10240x128xf32, #tpu.memory_space<vmem_shared>>
        tpu.wait_indirect_dma semaphore(%arg13 : memref<!tpu.dma_semaphore, #tpu.memory_space<semaphore_mem>>) src(%dma_wait3A_413 : memref<80x128xf32, #tpu.memory_space<vmem>>) dst(%dma_wait3A_419 : memref<10240x128xf32, #tpu.memory_space<vmem_shared>>)
      } else {
      }
      %add3A_291 = arith.constant 2 : i32
      %add3A_292 = arith.addi %add3A_246, %add3A_291 : i32
      %lt3A_293 = arith.constant 125 : i32
      %lt3A_294 = arith.cmpi slt, %add3A_292, %lt3A_293 : i32
      %convert_element_type3A_295 = arith.extui %lt3A_294 : i1 to i32
      %cond3A_296 = arith.constant 0 : i32
      %cond3A_297 = arith.cmpi ne, %convert_element_type3A_295, %cond3A_296 : i32
      scf.if %cond3A_297 {
        %add3A_408 = arith.constant 2 : i32
        %add3A_409 = arith.addi %add3A_246, %add3A_408 : i32
        %mul3A_410 = arith.constant 80 : i32
        %mul3A_411 = arith.muli %add3A_409, %mul3A_410 : i32
        %add3A_412 = arith.addi %add3A, %mul3A_411 : i32
        %multiple_of3A_413 = tpu.assume_multiple %add3A_412, 8 : i32
        %dma_start3A_414 = arith.constant 3 : i32
        %dma_start3A_415 = arith.constant 0 : i32
        %dma_start3A_416 = tpu.memref_slice %arg7[%dma_start3A_414, %dma_start3A_415] : memref<4x80xi32, #tpu.memory_space<vmem>> -> memref<1x80xi32, #tpu.memory_space<vmem>>
        %dma_start3A_417 = tpu.memref_squeeze %dma_start3A_416 : memref<1x80xi32, #tpu.memory_space<vmem>> -> memref<80xi32, #tpu.memory_space<vmem>>
        %dma_start3A_418 = tpu.memref_slice %arg2[%multiple_of3A_413] : memref<320000xi32, #tpu.memory_space<hbm>> -> memref<80xi32, #tpu.memory_space<hbm>>
        %dma_start3A_419 = arith.constant 0 : i32
        %dma_start3A_420 = tpu.memref_slice %arg7[%dma_start3A_414, %dma_start3A_419] : memref<4x80xi32, #tpu.memory_space<vmem>> -> memref<1x80xi32, #tpu.memory_space<vmem>>
        %dma_start3A_421 = tpu.memref_squeeze %dma_start3A_420 : memref<1x80xi32, #tpu.memory_space<vmem>> -> memref<80xi32, #tpu.memory_space<vmem>>
        %dma_start3A_422 = tpu.memref_slice %arg2[%multiple_of3A_413] : memref<320000xi32, #tpu.memory_space<hbm>> -> memref<80xi32, #tpu.memory_space<hbm>>
        tpu.enqueue_dma source(%dma_start3A_422 : memref<80xi32, #tpu.memory_space<hbm>>) target(%dma_start3A_421 : memref<80xi32, #tpu.memory_space<vmem>>) target_semaphore(%arg11 : memref<!tpu.dma_semaphore, #tpu.memory_space<semaphore_mem>>)
        %dma_start3A_423 = arith.constant 3 : i32
        %dma_start3A_424 = arith.constant 0 : i32
        %dma_start3A_425 = tpu.memref_slice %arg8[%dma_start3A_423, %dma_start3A_424] : memref<4x80xi32, #tpu.memory_space<vmem>> -> memref<1x80xi32, #tpu.memory_space<vmem>>
        %dma_start3A_426 = tpu.memref_squeeze %dma_start3A_425 : memref<1x80xi32, #tpu.memory_space<vmem>> -> memref<80xi32, #tpu.memory_space<vmem>>
        %dma_start3A_427 = tpu.memref_slice %arg3[%multiple_of3A_413] : memref<320000xi32, #tpu.memory_space<hbm>> -> memref<80xi32, #tpu.memory_space<hbm>>
        %dma_start3A_428 = arith.constant 0 : i32
        %dma_start3A_429 = tpu.memref_slice %arg8[%dma_start3A_423, %dma_start3A_428] : memref<4x80xi32, #tpu.memory_space<vmem>> -> memref<1x80xi32, #tpu.memory_space<vmem>>
        %dma_start3A_430 = tpu.memref_squeeze %dma_start3A_429 : memref<1x80xi32, #tpu.memory_space<vmem>> -> memref<80xi32, #tpu.memory_space<vmem>>
        %dma_start3A_431 = tpu.memref_slice %arg3[%multiple_of3A_413] : memref<320000xi32, #tpu.memory_space<hbm>> -> memref<80xi32, #tpu.memory_space<hbm>>
        tpu.enqueue_dma source(%dma_start3A_431 : memref<80xi32, #tpu.memory_space<hbm>>) target(%dma_start3A_430 : memref<80xi32, #tpu.memory_space<vmem>>) target_semaphore(%arg11 : memref<!tpu.dma_semaphore, #tpu.memory_space<semaphore_mem>>)
      } else {
      }
      %mul3A_298 = arith.constant 4 : i32
      %mul3A_299 = arith.muli %scan3A_188, %mul3A_298 : i32
      %add3A_300 = arith.constant 2 : i32
      %add3A_301 = arith.addi %mul3A_299, %add3A_300 : i32
      %dma_wait3A_302 = arith.constant 2 : i32
      %dma_wait3A_303 = arith.constant 0 : i32
      %dma_wait3A_304 = tpu.memref_slice %arg7[%dma_wait3A_302, %dma_wait3A_303] : memref<4x80xi32, #tpu.memory_space<vmem>> -> memref<1x80xi32, #tpu.memory_space<vmem>>
      %dma_wait3A_305 = tpu.memref_squeeze %dma_wait3A_304 : memref<1x80xi32, #tpu.memory_space<vmem>> -> memref<80xi32, #tpu.memory_space<vmem>>
      %dma_wait3A_306 = arith.constant 0 : i32
      %dma_wait3A_307 = tpu.memref_slice %arg2[%dma_wait3A_306] : memref<320000xi32, #tpu.memory_space<hbm>> -> memref<80xi32, #tpu.memory_space<hbm>>
      %dma_wait3A_308 = arith.constant 0 : i32
      %dma_wait3A_309 = tpu.memref_slice %arg7[%dma_wait3A_302, %dma_wait3A_308] : memref<4x80xi32, #tpu.memory_space<vmem>> -> memref<1x80xi32, #tpu.memory_space<vmem>>
      %dma_wait3A_310 = tpu.memref_squeeze %dma_wait3A_309 : memref<1x80xi32, #tpu.memory_space<vmem>> -> memref<80xi32, #tpu.memory_space<vmem>>
      %dma_wait3A_311 = arith.constant 0 : i32
      %dma_wait3A_312 = tpu.memref_slice %arg2[%dma_wait3A_311] : memref<320000xi32, #tpu.memory_space<hbm>> -> memref<80xi32, #tpu.memory_space<hbm>>
      tpu.wait_dma2 semaphore(%arg11 : memref<!tpu.dma_semaphore, #tpu.memory_space<semaphore_mem>>) src(%dma_wait3A_312 : memref<80xi32, #tpu.memory_space<hbm>>) dst(%dma_wait3A_310 : memref<80xi32, #tpu.memory_space<vmem>>)
      %dma_wait3A_313 = arith.constant 2 : i32
      %dma_wait3A_314 = arith.constant 0 : i32
      %dma_wait3A_315 = tpu.memref_slice %arg8[%dma_wait3A_313, %dma_wait3A_314] : memref<4x80xi32, #tpu.memory_space<vmem>> -> memref<1x80xi32, #tpu.memory_space<vmem>>
      %dma_wait3A_316 = tpu.memref_squeeze %dma_wait3A_315 : memref<1x80xi32, #tpu.memory_space<vmem>> -> memref<80xi32, #tpu.memory_space<vmem>>
      %dma_wait3A_317 = arith.constant 0 : i32
      %dma_wait3A_318 = tpu.memref_slice %arg3[%dma_wait3A_317] : memref<320000xi32, #tpu.memory_space<hbm>> -> memref<80xi32, #tpu.memory_space<hbm>>
      %dma_wait3A_319 = arith.constant 0 : i32
      %dma_wait3A_320 = tpu.memref_slice %arg8[%dma_wait3A_313, %dma_wait3A_319] : memref<4x80xi32, #tpu.memory_space<vmem>> -> memref<1x80xi32, #tpu.memory_space<vmem>>
      %dma_wait3A_321 = tpu.memref_squeeze %dma_wait3A_320 : memref<1x80xi32, #tpu.memory_space<vmem>> -> memref<80xi32, #tpu.memory_space<vmem>>
      %dma_wait3A_322 = arith.constant 0 : i32
      %dma_wait3A_323 = tpu.memref_slice %arg3[%dma_wait3A_322] : memref<320000xi32, #tpu.memory_space<hbm>> -> memref<80xi32, #tpu.memory_space<hbm>>
      tpu.wait_dma2 semaphore(%arg11 : memref<!tpu.dma_semaphore, #tpu.memory_space<semaphore_mem>>) src(%dma_wait3A_323 : memref<80xi32, #tpu.memory_space<hbm>>) dst(%dma_wait3A_321 : memref<80xi32, #tpu.memory_space<vmem>>)
      %dma_start3A_324 = arith.constant 2 : i32
      %dma_start3A_325 = arith.constant 2 : i32
      %dma_start3A_326 = arith.constant 0 : i32
      %dma_start3A_327 = arith.constant 0 : i32
      %dma_start3A_328 = tpu.memref_slice %arg9[%dma_start3A_325, %dma_start3A_326, %dma_start3A_327] : memref<4x80x128xf32, #tpu.memory_space<vmem>> -> memref<1x80x128xf32, #tpu.memory_space<vmem>>
      %dma_start3A_329 = tpu.memref_squeeze %dma_start3A_328 : memref<1x80x128xf32, #tpu.memory_space<vmem>> -> memref<80x128xf32, #tpu.memory_space<vmem>>
      %dma_start3A_330 = arith.constant 0 : i32
      %dma_start3A_331 = tpu.memref_slice %arg7[%dma_start3A_324, %dma_start3A_330] : memref<4x80xi32, #tpu.memory_space<vmem>> -> memref<1x80xi32, #tpu.memory_space<vmem>>
      %dma_start3A_332 = tpu.memref_squeeze %dma_start3A_331 : memref<1x80xi32, #tpu.memory_space<vmem>> -> memref<80xi32, #tpu.memory_space<vmem>>
      %dma_start3A_333 = arith.constant 0 : i32
      %dma_start3A_334 = arith.constant 0 : i32
      %dma_start3A_335 = tpu.memref_slice %arg4[%dma_start3A_333, %dma_start3A_334] : memref<10000x128xf32, #tpu.memory_space<hbm>> -> memref<10000x128xf32, #tpu.memory_space<hbm>>
      tpu.enqueue_indirect_dma source(%dma_start3A_335 : memref<10000x128xf32, #tpu.memory_space<hbm>>) target(%dma_start3A_329 : memref<80x128xf32, #tpu.memory_space<vmem>>) offsets(%dma_start3A_332 : memref<80xi32, #tpu.memory_space<vmem>>) semaphore(%arg12 : memref<!tpu.dma_semaphore, #tpu.memory_space<semaphore_mem>>)
      %ge3A_336 = arith.constant 1 : i32
      %ge3A_337 = arith.cmpi sge, %add3A_301, %ge3A_336 : i32
      %convert_element_type3A_338 = arith.extui %ge3A_337 : i1 to i32
      %cond3A_339 = arith.constant 0 : i32
      %cond3A_340 = arith.cmpi ne, %convert_element_type3A_338, %cond3A_339 : i32
      scf.if %cond3A_340 {
        %dma_wait3A_408 = arith.constant 1 : i32
        %dma_wait3A_409 = arith.constant 1 : i32
        %dma_wait3A_410 = arith.constant 0 : i32
        %dma_wait3A_411 = arith.constant 0 : i32
        %dma_wait3A_412 = tpu.memref_slice %arg9[%dma_wait3A_409, %dma_wait3A_410, %dma_wait3A_411] : memref<4x80x128xf32, #tpu.memory_space<vmem>> -> memref<1x80x128xf32, #tpu.memory_space<vmem>>
        %dma_wait3A_413 = tpu.memref_squeeze %dma_wait3A_412 : memref<1x80x128xf32, #tpu.memory_space<vmem>> -> memref<80x128xf32, #tpu.memory_space<vmem>>
        %dma_wait3A_414 = arith.constant 0 : i32
        %dma_wait3A_415 = tpu.memref_slice %arg7[%dma_wait3A_408, %dma_wait3A_414] : memref<4x80xi32, #tpu.memory_space<vmem>> -> memref<1x80xi32, #tpu.memory_space<vmem>>
        %dma_wait3A_416 = tpu.memref_squeeze %dma_wait3A_415 : memref<1x80xi32, #tpu.memory_space<vmem>> -> memref<80xi32, #tpu.memory_space<vmem>>
        %dma_wait3A_417 = arith.constant 0 : i32
        %dma_wait3A_418 = arith.constant 0 : i32
        %dma_wait3A_419 = tpu.memref_slice %arg4[%dma_wait3A_417, %dma_wait3A_418] : memref<10000x128xf32, #tpu.memory_space<hbm>> -> memref<10000x128xf32, #tpu.memory_space<hbm>>
        tpu.wait_indirect_dma semaphore(%arg12 : memref<!tpu.dma_semaphore, #tpu.memory_space<semaphore_mem>>) src(%dma_wait3A_419 : memref<10000x128xf32, #tpu.memory_space<hbm>>) dst(%dma_wait3A_413 : memref<80x128xf32, #tpu.memory_space<vmem>>)
        %dma_start3A_420 = arith.constant 1 : i32
        %dma_start3A_421 = arith.constant 1 : i32
        %dma_start3A_422 = arith.constant 0 : i32
        %dma_start3A_423 = arith.constant 0 : i32
        %dma_start3A_424 = tpu.memref_slice %arg9[%dma_start3A_420, %dma_start3A_422, %dma_start3A_423] : memref<4x80x128xf32, #tpu.memory_space<vmem>> -> memref<1x80x128xf32, #tpu.memory_space<vmem>>
        %dma_start3A_425 = tpu.memref_squeeze %dma_start3A_424 : memref<1x80x128xf32, #tpu.memory_space<vmem>> -> memref<80x128xf32, #tpu.memory_space<vmem>>
        %dma_start3A_426 = arith.constant 0 : i32
        %dma_start3A_427 = tpu.memref_slice %arg8[%dma_start3A_421, %dma_start3A_426] : memref<4x80xi32, #tpu.memory_space<vmem>> -> memref<1x80xi32, #tpu.memory_space<vmem>>
        %dma_start3A_428 = tpu.memref_squeeze %dma_start3A_427 : memref<1x80xi32, #tpu.memory_space<vmem>> -> memref<80xi32, #tpu.memory_space<vmem>>
        %dma_start3A_429 = arith.constant 0 : i32
        %dma_start3A_430 = arith.constant 0 : i32
        %dma_start3A_431 = tpu.memref_slice %arg6[%dma_start3A_429, %dma_start3A_430] : memref<10240x128xf32, #tpu.memory_space<vmem_shared>> -> memref<10240x128xf32, #tpu.memory_space<vmem_shared>>
        tpu.enqueue_indirect_dma source(%dma_start3A_425 : memref<80x128xf32, #tpu.memory_space<vmem>>) target(%dma_start3A_431 : memref<10240x128xf32, #tpu.memory_space<vmem_shared>>) offsets(%dma_start3A_428 : memref<80xi32, #tpu.memory_space<vmem>>) semaphore(%arg13 : memref<!tpu.dma_semaphore, #tpu.memory_space<semaphore_mem>>) {add = true}
      } else {
      }
      %ge3A_341 = arith.constant 2 : i32
      %ge3A_342 = arith.cmpi sge, %add3A_301, %ge3A_341 : i32
      %convert_element_type3A_343 = arith.extui %ge3A_342 : i1 to i32
      %cond3A_344 = arith.constant 0 : i32
      %cond3A_345 = arith.cmpi ne, %convert_element_type3A_343, %cond3A_344 : i32
      scf.if %cond3A_345 {
        %dma_wait3A_408 = arith.constant 0 : i32
        %dma_wait3A_409 = arith.constant 0 : i32
        %dma_wait3A_410 = arith.constant 0 : i32
        %dma_wait3A_411 = arith.constant 0 : i32
        %dma_wait3A_412 = tpu.memref_slice %arg9[%dma_wait3A_408, %dma_wait3A_410, %dma_wait3A_411] : memref<4x80x128xf32, #tpu.memory_space<vmem>> -> memref<1x80x128xf32, #tpu.memory_space<vmem>>
        %dma_wait3A_413 = tpu.memref_squeeze %dma_wait3A_412 : memref<1x80x128xf32, #tpu.memory_space<vmem>> -> memref<80x128xf32, #tpu.memory_space<vmem>>
        %dma_wait3A_414 = arith.constant 0 : i32
        %dma_wait3A_415 = tpu.memref_slice %arg8[%dma_wait3A_409, %dma_wait3A_414] : memref<4x80xi32, #tpu.memory_space<vmem>> -> memref<1x80xi32, #tpu.memory_space<vmem>>
        %dma_wait3A_416 = tpu.memref_squeeze %dma_wait3A_415 : memref<1x80xi32, #tpu.memory_space<vmem>> -> memref<80xi32, #tpu.memory_space<vmem>>
        %dma_wait3A_417 = arith.constant 0 : i32
        %dma_wait3A_418 = arith.constant 0 : i32
        %dma_wait3A_419 = tpu.memref_slice %arg6[%dma_wait3A_417, %dma_wait3A_418] : memref<10240x128xf32, #tpu.memory_space<vmem_shared>> -> memref<10240x128xf32, #tpu.memory_space<vmem_shared>>
        tpu.wait_indirect_dma semaphore(%arg13 : memref<!tpu.dma_semaphore, #tpu.memory_space<semaphore_mem>>) src(%dma_wait3A_413 : memref<80x128xf32, #tpu.memory_space<vmem>>) dst(%dma_wait3A_419 : memref<10240x128xf32, #tpu.memory_space<vmem_shared>>)
      } else {
      }
      %add3A_346 = arith.constant 2 : i32
      %add3A_347 = arith.addi %add3A_301, %add3A_346 : i32
      %lt3A_348 = arith.constant 125 : i32
      %lt3A_349 = arith.cmpi slt, %add3A_347, %lt3A_348 : i32
      %convert_element_type3A_350 = arith.extui %lt3A_349 : i1 to i32
      %cond3A_351 = arith.constant 0 : i32
      %cond3A_352 = arith.cmpi ne, %convert_element_type3A_350, %cond3A_351 : i32
      scf.if %cond3A_352 {
        %add3A_408 = arith.constant 2 : i32
        %add3A_409 = arith.addi %add3A_301, %add3A_408 : i32
        %mul3A_410 = arith.constant 80 : i32
        %mul3A_411 = arith.muli %add3A_409, %mul3A_410 : i32
        %add3A_412 = arith.addi %add3A, %mul3A_411 : i32
        %multiple_of3A_413 = tpu.assume_multiple %add3A_412, 8 : i32
        %dma_start3A_414 = arith.constant 0 : i32
        %dma_start3A_415 = arith.constant 0 : i32
        %dma_start3A_416 = tpu.memref_slice %arg7[%dma_start3A_414, %dma_start3A_415] : memref<4x80xi32, #tpu.memory_space<vmem>> -> memref<1x80xi32, #tpu.memory_space<vmem>>
        %dma_start3A_417 = tpu.memref_squeeze %dma_start3A_416 : memref<1x80xi32, #tpu.memory_space<vmem>> -> memref<80xi32, #tpu.memory_space<vmem>>
        %dma_start3A_418 = tpu.memref_slice %arg2[%multiple_of3A_413] : memref<320000xi32, #tpu.memory_space<hbm>> -> memref<80xi32, #tpu.memory_space<hbm>>
        %dma_start3A_419 = arith.constant 0 : i32
        %dma_start3A_420 = tpu.memref_slice %arg7[%dma_start3A_414, %dma_start3A_419] : memref<4x80xi32, #tpu.memory_space<vmem>> -> memref<1x80xi32, #tpu.memory_space<vmem>>
        %dma_start3A_421 = tpu.memref_squeeze %dma_start3A_420 : memref<1x80xi32, #tpu.memory_space<vmem>> -> memref<80xi32, #tpu.memory_space<vmem>>
        %dma_start3A_422 = tpu.memref_slice %arg2[%multiple_of3A_413] : memref<320000xi32, #tpu.memory_space<hbm>> -> memref<80xi32, #tpu.memory_space<hbm>>
        tpu.enqueue_dma source(%dma_start3A_422 : memref<80xi32, #tpu.memory_space<hbm>>) target(%dma_start3A_421 : memref<80xi32, #tpu.memory_space<vmem>>) target_semaphore(%arg11 : memref<!tpu.dma_semaphore, #tpu.memory_space<semaphore_mem>>)
        %dma_start3A_423 = arith.constant 0 : i32
        %dma_start3A_424 = arith.constant 0 : i32
        %dma_start3A_425 = tpu.memref_slice %arg8[%dma_start3A_423, %dma_start3A_424] : memref<4x80xi32, #tpu.memory_space<vmem>> -> memref<1x80xi32, #tpu.memory_space<vmem>>
        %dma_start3A_426 = tpu.memref_squeeze %dma_start3A_425 : memref<1x80xi32, #tpu.memory_space<vmem>> -> memref<80xi32, #tpu.memory_space<vmem>>
        %dma_start3A_427 = tpu.memref_slice %arg3[%multiple_of3A_413] : memref<320000xi32, #tpu.memory_space<hbm>> -> memref<80xi32, #tpu.memory_space<hbm>>
        %dma_start3A_428 = arith.constant 0 : i32
        %dma_start3A_429 = tpu.memref_slice %arg8[%dma_start3A_423, %dma_start3A_428] : memref<4x80xi32, #tpu.memory_space<vmem>> -> memref<1x80xi32, #tpu.memory_space<vmem>>
        %dma_start3A_430 = tpu.memref_squeeze %dma_start3A_429 : memref<1x80xi32, #tpu.memory_space<vmem>> -> memref<80xi32, #tpu.memory_space<vmem>>
        %dma_start3A_431 = tpu.memref_slice %arg3[%multiple_of3A_413] : memref<320000xi32, #tpu.memory_space<hbm>> -> memref<80xi32, #tpu.memory_space<hbm>>
        tpu.enqueue_dma source(%dma_start3A_431 : memref<80xi32, #tpu.memory_space<hbm>>) target(%dma_start3A_430 : memref<80xi32, #tpu.memory_space<vmem>>) target_semaphore(%arg11 : memref<!tpu.dma_semaphore, #tpu.memory_space<semaphore_mem>>)
      } else {
      }
      %mul3A_353 = arith.constant 4 : i32
      %mul3A_354 = arith.muli %scan3A_188, %mul3A_353 : i32
      %add3A_355 = arith.constant 3 : i32
      %add3A_356 = arith.addi %mul3A_354, %add3A_355 : i32
      %dma_wait3A_357 = arith.constant 3 : i32
      %dma_wait3A_358 = arith.constant 0 : i32
      %dma_wait3A_359 = tpu.memref_slice %arg7[%dma_wait3A_357, %dma_wait3A_358] : memref<4x80xi32, #tpu.memory_space<vmem>> -> memref<1x80xi32, #tpu.memory_space<vmem>>
      %dma_wait3A_360 = tpu.memref_squeeze %dma_wait3A_359 : memref<1x80xi32, #tpu.memory_space<vmem>> -> memref<80xi32, #tpu.memory_space<vmem>>
      %dma_wait3A_361 = arith.constant 0 : i32
      %dma_wait3A_362 = tpu.memref_slice %arg2[%dma_wait3A_361] : memref<320000xi32, #tpu.memory_space<hbm>> -> memref<80xi32, #tpu.memory_space<hbm>>
      %dma_wait3A_363 = arith.constant 0 : i32
      %dma_wait3A_364 = tpu.memref_slice %arg7[%dma_wait3A_357, %dma_wait3A_363] : memref<4x80xi32, #tpu.memory_space<vmem>> -> memref<1x80xi32, #tpu.memory_space<vmem>>
      %dma_wait3A_365 = tpu.memref_squeeze %dma_wait3A_364 : memref<1x80xi32, #tpu.memory_space<vmem>> -> memref<80xi32, #tpu.memory_space<vmem>>
      %dma_wait3A_366 = arith.constant 0 : i32
      %dma_wait3A_367 = tpu.memref_slice %arg2[%dma_wait3A_366] : memref<320000xi32, #tpu.memory_space<hbm>> -> memref<80xi32, #tpu.memory_space<hbm>>
      tpu.wait_dma2 semaphore(%arg11 : memref<!tpu.dma_semaphore, #tpu.memory_space<semaphore_mem>>) src(%dma_wait3A_367 : memref<80xi32, #tpu.memory_space<hbm>>) dst(%dma_wait3A_365 : memref<80xi32, #tpu.memory_space<vmem>>)
      %dma_wait3A_368 = arith.constant 3 : i32
      %dma_wait3A_369 = arith.constant 0 : i32
      %dma_wait3A_370 = tpu.memref_slice %arg8[%dma_wait3A_368, %dma_wait3A_369] : memref<4x80xi32, #tpu.memory_space<vmem>> -> memref<1x80xi32, #tpu.memory_space<vmem>>
      %dma_wait3A_371 = tpu.memref_squeeze %dma_wait3A_370 : memref<1x80xi32, #tpu.memory_space<vmem>> -> memref<80xi32, #tpu.memory_space<vmem>>
      %dma_wait3A_372 = arith.constant 0 : i32
      %dma_wait3A_373 = tpu.memref_slice %arg3[%dma_wait3A_372] : memref<320000xi32, #tpu.memory_space<hbm>> -> memref<80xi32, #tpu.memory_space<hbm>>
      %dma_wait3A_374 = arith.constant 0 : i32
      %dma_wait3A_375 = tpu.memref_slice %arg8[%dma_wait3A_368, %dma_wait3A_374] : memref<4x80xi32, #tpu.memory_space<vmem>> -> memref<1x80xi32, #tpu.memory_space<vmem>>
      %dma_wait3A_376 = tpu.memref_squeeze %dma_wait3A_375 : memref<1x80xi32, #tpu.memory_space<vmem>> -> memref<80xi32, #tpu.memory_space<vmem>>
      %dma_wait3A_377 = arith.constant 0 : i32
      %dma_wait3A_378 = tpu.memref_slice %arg3[%dma_wait3A_377] : memref<320000xi32, #tpu.memory_space<hbm>> -> memref<80xi32, #tpu.memory_space<hbm>>
      tpu.wait_dma2 semaphore(%arg11 : memref<!tpu.dma_semaphore, #tpu.memory_space<semaphore_mem>>) src(%dma_wait3A_378 : memref<80xi32, #tpu.memory_space<hbm>>) dst(%dma_wait3A_376 : memref<80xi32, #tpu.memory_space<vmem>>)
      %dma_start3A_379 = arith.constant 3 : i32
      %dma_start3A_380 = arith.constant 3 : i32
      %dma_start3A_381 = arith.constant 0 : i32
      %dma_start3A_382 = arith.constant 0 : i32
      %dma_start3A_383 = tpu.memref_slice %arg9[%dma_start3A_380, %dma_start3A_381, %dma_start3A_382] : memref<4x80x128xf32, #tpu.memory_space<vmem>> -> memref<1x80x128xf32, #tpu.memory_space<vmem>>
      %dma_start3A_384 = tpu.memref_squeeze %dma_start3A_383 : memref<1x80x128xf32, #tpu.memory_space<vmem>> -> memref<80x128xf32, #tpu.memory_space<vmem>>
      %dma_start3A_385 = arith.constant 0 : i32
      %dma_start3A_386 = tpu.memref_slice %arg7[%dma_start3A_379, %dma_start3A_385] : memref<4x80xi32, #tpu.memory_space<vmem>> -> memref<1x80xi32, #tpu.memory_space<vmem>>
      %dma_start3A_387 = tpu.memref_squeeze %dma_start3A_386 : memref<1x80xi32, #tpu.memory_space<vmem>> -> memref<80xi32, #tpu.memory_space<vmem>>
      %dma_start3A_388 = arith.constant 0 : i32
      %dma_start3A_389 = arith.constant 0 : i32
      %dma_start3A_390 = tpu.memref_slice %arg4[%dma_start3A_388, %dma_start3A_389] : memref<10000x128xf32, #tpu.memory_space<hbm>> -> memref<10000x128xf32, #tpu.memory_space<hbm>>
      tpu.enqueue_indirect_dma source(%dma_start3A_390 : memref<10000x128xf32, #tpu.memory_space<hbm>>) target(%dma_start3A_384 : memref<80x128xf32, #tpu.memory_space<vmem>>) offsets(%dma_start3A_387 : memref<80xi32, #tpu.memory_space<vmem>>) semaphore(%arg12 : memref<!tpu.dma_semaphore, #tpu.memory_space<semaphore_mem>>)
      %ge3A_391 = arith.constant 1 : i32
      %ge3A_392 = arith.cmpi sge, %add3A_356, %ge3A_391 : i32
      %convert_element_type3A_393 = arith.extui %ge3A_392 : i1 to i32
      %cond3A_394 = arith.constant 0 : i32
      %cond3A_395 = arith.cmpi ne, %convert_element_type3A_393, %cond3A_394 : i32
      scf.if %cond3A_395 {
        %dma_wait3A_408 = arith.constant 2 : i32
        %dma_wait3A_409 = arith.constant 2 : i32
        %dma_wait3A_410 = arith.constant 0 : i32
        %dma_wait3A_411 = arith.constant 0 : i32
        %dma_wait3A_412 = tpu.memref_slice %arg9[%dma_wait3A_409, %dma_wait3A_410, %dma_wait3A_411] : memref<4x80x128xf32, #tpu.memory_space<vmem>> -> memref<1x80x128xf32, #tpu.memory_space<vmem>>
        %dma_wait3A_413 = tpu.memref_squeeze %dma_wait3A_412 : memref<1x80x128xf32, #tpu.memory_space<vmem>> -> memref<80x128xf32, #tpu.memory_space<vmem>>
        %dma_wait3A_414 = arith.constant 0 : i32
        %dma_wait3A_415 = tpu.memref_slice %arg7[%dma_wait3A_408, %dma_wait3A_414] : memref<4x80xi32, #tpu.memory_space<vmem>> -> memref<1x80xi32, #tpu.memory_space<vmem>>
        %dma_wait3A_416 = tpu.memref_squeeze %dma_wait3A_415 : memref<1x80xi32, #tpu.memory_space<vmem>> -> memref<80xi32, #tpu.memory_space<vmem>>
        %dma_wait3A_417 = arith.constant 0 : i32
        %dma_wait3A_418 = arith.constant 0 : i32
        %dma_wait3A_419 = tpu.memref_slice %arg4[%dma_wait3A_417, %dma_wait3A_418] : memref<10000x128xf32, #tpu.memory_space<hbm>> -> memref<10000x128xf32, #tpu.memory_space<hbm>>
        tpu.wait_indirect_dma semaphore(%arg12 : memref<!tpu.dma_semaphore, #tpu.memory_space<semaphore_mem>>) src(%dma_wait3A_419 : memref<10000x128xf32, #tpu.memory_space<hbm>>) dst(%dma_wait3A_413 : memref<80x128xf32, #tpu.memory_space<vmem>>)
        %dma_start3A_420 = arith.constant 2 : i32
        %dma_start3A_421 = arith.constant 2 : i32
        %dma_start3A_422 = arith.constant 0 : i32
        %dma_start3A_423 = arith.constant 0 : i32
        %dma_start3A_424 = tpu.memref_slice %arg9[%dma_start3A_420, %dma_start3A_422, %dma_start3A_423] : memref<4x80x128xf32, #tpu.memory_space<vmem>> -> memref<1x80x128xf32, #tpu.memory_space<vmem>>
        %dma_start3A_425 = tpu.memref_squeeze %dma_start3A_424 : memref<1x80x128xf32, #tpu.memory_space<vmem>> -> memref<80x128xf32, #tpu.memory_space<vmem>>
        %dma_start3A_426 = arith.constant 0 : i32
        %dma_start3A_427 = tpu.memref_slice %arg8[%dma_start3A_421, %dma_start3A_426] : memref<4x80xi32, #tpu.memory_space<vmem>> -> memref<1x80xi32, #tpu.memory_space<vmem>>
        %dma_start3A_428 = tpu.memref_squeeze %dma_start3A_427 : memref<1x80xi32, #tpu.memory_space<vmem>> -> memref<80xi32, #tpu.memory_space<vmem>>
        %dma_start3A_429 = arith.constant 0 : i32
        %dma_start3A_430 = arith.constant 0 : i32
        %dma_start3A_431 = tpu.memref_slice %arg6[%dma_start3A_429, %dma_start3A_430] : memref<10240x128xf32, #tpu.memory_space<vmem_shared>> -> memref<10240x128xf32, #tpu.memory_space<vmem_shared>>
        tpu.enqueue_indirect_dma source(%dma_start3A_425 : memref<80x128xf32, #tpu.memory_space<vmem>>) target(%dma_start3A_431 : memref<10240x128xf32, #tpu.memory_space<vmem_shared>>) offsets(%dma_start3A_428 : memref<80xi32, #tpu.memory_space<vmem>>) semaphore(%arg13 : memref<!tpu.dma_semaphore, #tpu.memory_space<semaphore_mem>>) {add = true}
      } else {
      }
      %ge3A_396 = arith.constant 2 : i32
      %ge3A_397 = arith.cmpi sge, %add3A_356, %ge3A_396 : i32
      %convert_element_type3A_398 = arith.extui %ge3A_397 : i1 to i32
      %cond3A_399 = arith.constant 0 : i32
      %cond3A_400 = arith.cmpi ne, %convert_element_type3A_398, %cond3A_399 : i32
      scf.if %cond3A_400 {
        %dma_wait3A_408 = arith.constant 1 : i32
        %dma_wait3A_409 = arith.constant 1 : i32
        %dma_wait3A_410 = arith.constant 0 : i32
        %dma_wait3A_411 = arith.constant 0 : i32
        %dma_wait3A_412 = tpu.memref_slice %arg9[%dma_wait3A_408, %dma_wait3A_410, %dma_wait3A_411] : memref<4x80x128xf32, #tpu.memory_space<vmem>> -> memref<1x80x128xf32, #tpu.memory_space<vmem>>
        %dma_wait3A_413 = tpu.memref_squeeze %dma_wait3A_412 : memref<1x80x128xf32, #tpu.memory_space<vmem>> -> memref<80x128xf32, #tpu.memory_space<vmem>>
        %dma_wait3A_414 = arith.constant 0 : i32
        %dma_wait3A_415 = tpu.memref_slice %arg8[%dma_wait3A_409, %dma_wait3A_414] : memref<4x80xi32, #tpu.memory_space<vmem>> -> memref<1x80xi32, #tpu.memory_space<vmem>>
        %dma_wait3A_416 = tpu.memref_squeeze %dma_wait3A_415 : memref<1x80xi32, #tpu.memory_space<vmem>> -> memref<80xi32, #tpu.memory_space<vmem>>
        %dma_wait3A_417 = arith.constant 0 : i32
        %dma_wait3A_418 = arith.constant 0 : i32
        %dma_wait3A_419 = tpu.memref_slice %arg6[%dma_wait3A_417, %dma_wait3A_418] : memref<10240x128xf32, #tpu.memory_space<vmem_shared>> -> memref<10240x128xf32, #tpu.memory_space<vmem_shared>>
        tpu.wait_indirect_dma semaphore(%arg13 : memref<!tpu.dma_semaphore, #tpu.memory_space<semaphore_mem>>) src(%dma_wait3A_413 : memref<80x128xf32, #tpu.memory_space<vmem>>) dst(%dma_wait3A_419 : memref<10240x128xf32, #tpu.memory_space<vmem_shared>>)
      } else {
      }
      %add3A_401 = arith.constant 2 : i32
      %add3A_402 = arith.addi %add3A_356, %add3A_401 : i32
      %lt3A_403 = arith.constant 125 : i32
      %lt3A_404 = arith.cmpi slt, %add3A_402, %lt3A_403 : i32
      %convert_element_type3A_405 = arith.extui %lt3A_404 : i1 to i32
      %cond3A_406 = arith.constant 0 : i32
      %cond3A_407 = arith.cmpi ne, %convert_element_type3A_405, %cond3A_406 : i32
      scf.if %cond3A_407 {
        %add3A_408 = arith.constant 2 : i32
        %add3A_409 = arith.addi %add3A_356, %add3A_408 : i32
        %mul3A_410 = arith.constant 80 : i32
        %mul3A_411 = arith.muli %add3A_409, %mul3A_410 : i32
        %add3A_412 = arith.addi %add3A, %mul3A_411 : i32
        %multiple_of3A_413 = tpu.assume_multiple %add3A_412, 8 : i32
        %dma_start3A_414 = arith.constant 1 : i32
        %dma_start3A_415 = arith.constant 0 : i32
        %dma_start3A_416 = tpu.memref_slice %arg7[%dma_start3A_414, %dma_start3A_415] : memref<4x80xi32, #tpu.memory_space<vmem>> -> memref<1x80xi32, #tpu.memory_space<vmem>>
        %dma_start3A_417 = tpu.memref_squeeze %dma_start3A_416 : memref<1x80xi32, #tpu.memory_space<vmem>> -> memref<80xi32, #tpu.memory_space<vmem>>
        %dma_start3A_418 = tpu.memref_slice %arg2[%multiple_of3A_413] : memref<320000xi32, #tpu.memory_space<hbm>> -> memref<80xi32, #tpu.memory_space<hbm>>
        %dma_start3A_419 = arith.constant 0 : i32
        %dma_start3A_420 = tpu.memref_slice %arg7[%dma_start3A_414, %dma_start3A_419] : memref<4x80xi32, #tpu.memory_space<vmem>> -> memref<1x80xi32, #tpu.memory_space<vmem>>
        %dma_start3A_421 = tpu.memref_squeeze %dma_start3A_420 : memref<1x80xi32, #tpu.memory_space<vmem>> -> memref<80xi32, #tpu.memory_space<vmem>>
        %dma_start3A_422 = tpu.memref_slice %arg2[%multiple_of3A_413] : memref<320000xi32, #tpu.memory_space<hbm>> -> memref<80xi32, #tpu.memory_space<hbm>>
        tpu.enqueue_dma source(%dma_start3A_422 : memref<80xi32, #tpu.memory_space<hbm>>) target(%dma_start3A_421 : memref<80xi32, #tpu.memory_space<vmem>>) target_semaphore(%arg11 : memref<!tpu.dma_semaphore, #tpu.memory_space<semaphore_mem>>)
        %dma_start3A_423 = arith.constant 1 : i32
        %dma_start3A_424 = arith.constant 0 : i32
        %dma_start3A_425 = tpu.memref_slice %arg8[%dma_start3A_423, %dma_start3A_424] : memref<4x80xi32, #tpu.memory_space<vmem>> -> memref<1x80xi32, #tpu.memory_space<vmem>>
        %dma_start3A_426 = tpu.memref_squeeze %dma_start3A_425 : memref<1x80xi32, #tpu.memory_space<vmem>> -> memref<80xi32, #tpu.memory_space<vmem>>
        %dma_start3A_427 = tpu.memref_slice %arg3[%multiple_of3A_413] : memref<320000xi32, #tpu.memory_space<hbm>> -> memref<80xi32, #tpu.memory_space<hbm>>
        %dma_start3A_428 = arith.constant 0 : i32
        %dma_start3A_429 = tpu.memref_slice %arg8[%dma_start3A_423, %dma_start3A_428] : memref<4x80xi32, #tpu.memory_space<vmem>> -> memref<1x80xi32, #tpu.memory_space<vmem>>
        %dma_start3A_430 = tpu.memref_squeeze %dma_start3A_429 : memref<1x80xi32, #tpu.memory_space<vmem>> -> memref<80xi32, #tpu.memory_space<vmem>>
        %dma_start3A_431 = tpu.memref_slice %arg3[%multiple_of3A_413] : memref<320000xi32, #tpu.memory_space<hbm>> -> memref<80xi32, #tpu.memory_space<hbm>>
        tpu.enqueue_dma source(%dma_start3A_431 : memref<80xi32, #tpu.memory_space<hbm>>) target(%dma_start3A_430 : memref<80xi32, #tpu.memory_space<vmem>>) target_semaphore(%arg11 : memref<!tpu.dma_semaphore, #tpu.memory_space<semaphore_mem>>)
      } else {
      }
    }
    %scan3A_59 = arith.constant 31 : i32
    %dma_wait3A = arith.constant 0 : i32
    %dma_wait3A_60 = arith.constant 0 : i32
    %dma_wait3A_61 = tpu.memref_slice %arg7[%dma_wait3A, %dma_wait3A_60] : memref<4x80xi32, #tpu.memory_space<vmem>> -> memref<1x80xi32, #tpu.memory_space<vmem>>
    %dma_wait3A_62 = tpu.memref_squeeze %dma_wait3A_61 : memref<1x80xi32, #tpu.memory_space<vmem>> -> memref<80xi32, #tpu.memory_space<vmem>>
    %dma_wait3A_63 = arith.constant 0 : i32
    %dma_wait3A_64 = tpu.memref_slice %arg2[%dma_wait3A_63] : memref<320000xi32, #tpu.memory_space<hbm>> -> memref<80xi32, #tpu.memory_space<hbm>>
    %dma_wait3A_65 = arith.constant 0 : i32
    %dma_wait3A_66 = tpu.memref_slice %arg7[%dma_wait3A, %dma_wait3A_65] : memref<4x80xi32, #tpu.memory_space<vmem>> -> memref<1x80xi32, #tpu.memory_space<vmem>>
    %dma_wait3A_67 = tpu.memref_squeeze %dma_wait3A_66 : memref<1x80xi32, #tpu.memory_space<vmem>> -> memref<80xi32, #tpu.memory_space<vmem>>
    %dma_wait3A_68 = arith.constant 0 : i32
    %dma_wait3A_69 = tpu.memref_slice %arg2[%dma_wait3A_68] : memref<320000xi32, #tpu.memory_space<hbm>> -> memref<80xi32, #tpu.memory_space<hbm>>
    tpu.wait_dma2 semaphore(%arg11 : memref<!tpu.dma_semaphore, #tpu.memory_space<semaphore_mem>>) src(%dma_wait3A_69 : memref<80xi32, #tpu.memory_space<hbm>>) dst(%dma_wait3A_67 : memref<80xi32, #tpu.memory_space<vmem>>)
    %dma_wait3A_70 = arith.constant 0 : i32
    %dma_wait3A_71 = arith.constant 0 : i32
    %dma_wait3A_72 = tpu.memref_slice %arg8[%dma_wait3A_70, %dma_wait3A_71] : memref<4x80xi32, #tpu.memory_space<vmem>> -> memref<1x80xi32, #tpu.memory_space<vmem>>
    %dma_wait3A_73 = tpu.memref_squeeze %dma_wait3A_72 : memref<1x80xi32, #tpu.memory_space<vmem>> -> memref<80xi32, #tpu.memory_space<vmem>>
    %dma_wait3A_74 = arith.constant 0 : i32
    %dma_wait3A_75 = tpu.memref_slice %arg3[%dma_wait3A_74] : memref<320000xi32, #tpu.memory_space<hbm>> -> memref<80xi32, #tpu.memory_space<hbm>>
    %dma_wait3A_76 = arith.constant 0 : i32
    %dma_wait3A_77 = tpu.memref_slice %arg8[%dma_wait3A_70, %dma_wait3A_76] : memref<4x80xi32, #tpu.memory_space<vmem>> -> memref<1x80xi32, #tpu.memory_space<vmem>>
    %dma_wait3A_78 = tpu.memref_squeeze %dma_wait3A_77 : memref<1x80xi32, #tpu.memory_space<vmem>> -> memref<80xi32, #tpu.memory_space<vmem>>
    %dma_wait3A_79 = arith.constant 0 : i32
    %dma_wait3A_80 = tpu.memref_slice %arg3[%dma_wait3A_79] : memref<320000xi32, #tpu.memory_space<hbm>> -> memref<80xi32, #tpu.memory_space<hbm>>
    tpu.wait_dma2 semaphore(%arg11 : memref<!tpu.dma_semaphore, #tpu.memory_space<semaphore_mem>>) src(%dma_wait3A_80 : memref<80xi32, #tpu.memory_space<hbm>>) dst(%dma_wait3A_78 : memref<80xi32, #tpu.memory_space<vmem>>)
    %dma_start3A_81 = arith.constant 0 : i32
    %dma_start3A_82 = arith.constant 0 : i32
    %dma_start3A_83 = arith.constant 0 : i32
    %dma_start3A_84 = arith.constant 0 : i32
    %dma_start3A_85 = tpu.memref_slice %arg9[%dma_start3A_82, %dma_start3A_83, %dma_start3A_84] : memref<4x80x128xf32, #tpu.memory_space<vmem>> -> memref<1x80x128xf32, #tpu.memory_space<vmem>>
    %dma_start3A_86 = tpu.memref_squeeze %dma_start3A_85 : memref<1x80x128xf32, #tpu.memory_space<vmem>> -> memref<80x128xf32, #tpu.memory_space<vmem>>
    %dma_start3A_87 = arith.constant 0 : i32
    %dma_start3A_88 = tpu.memref_slice %arg7[%dma_start3A_81, %dma_start3A_87] : memref<4x80xi32, #tpu.memory_space<vmem>> -> memref<1x80xi32, #tpu.memory_space<vmem>>
    %dma_start3A_89 = tpu.memref_squeeze %dma_start3A_88 : memref<1x80xi32, #tpu.memory_space<vmem>> -> memref<80xi32, #tpu.memory_space<vmem>>
    %dma_start3A_90 = arith.constant 0 : i32
    %dma_start3A_91 = arith.constant 0 : i32
    %dma_start3A_92 = tpu.memref_slice %arg4[%dma_start3A_90, %dma_start3A_91] : memref<10000x128xf32, #tpu.memory_space<hbm>> -> memref<10000x128xf32, #tpu.memory_space<hbm>>
    tpu.enqueue_indirect_dma source(%dma_start3A_92 : memref<10000x128xf32, #tpu.memory_space<hbm>>) target(%dma_start3A_86 : memref<80x128xf32, #tpu.memory_space<vmem>>) offsets(%dma_start3A_89 : memref<80xi32, #tpu.memory_space<vmem>>) semaphore(%arg12 : memref<!tpu.dma_semaphore, #tpu.memory_space<semaphore_mem>>)
    %dma_wait3A_93 = arith.constant 3 : i32
    %dma_wait3A_94 = arith.constant 3 : i32
    %dma_wait3A_95 = arith.constant 0 : i32
    %dma_wait3A_96 = arith.constant 0 : i32
    %dma_wait3A_97 = tpu.memref_slice %arg9[%dma_wait3A_94, %dma_wait3A_95, %dma_wait3A_96] : memref<4x80x128xf32, #tpu.memory_space<vmem>> -> memref<1x80x128xf32, #tpu.memory_space<vmem>>
    %dma_wait3A_98 = tpu.memref_squeeze %dma_wait3A_97 : memref<1x80x128xf32, #tpu.memory_space<vmem>> -> memref<80x128xf32, #tpu.memory_space<vmem>>
    %dma_wait3A_99 = arith.constant 0 : i32
    %dma_wait3A_100 = tpu.memref_slice %arg7[%dma_wait3A_93, %dma_wait3A_99] : memref<4x80xi32, #tpu.memory_space<vmem>> -> memref<1x80xi32, #tpu.memory_space<vmem>>
    %dma_wait3A_101 = tpu.memref_squeeze %dma_wait3A_100 : memref<1x80xi32, #tpu.memory_space<vmem>> -> memref<80xi32, #tpu.memory_space<vmem>>
    %dma_wait3A_102 = arith.constant 0 : i32
    %dma_wait3A_103 = arith.constant 0 : i32
    %dma_wait3A_104 = tpu.memref_slice %arg4[%dma_wait3A_102, %dma_wait3A_103] : memref<10000x128xf32, #tpu.memory_space<hbm>> -> memref<10000x128xf32, #tpu.memory_space<hbm>>
    tpu.wait_indirect_dma semaphore(%arg12 : memref<!tpu.dma_semaphore, #tpu.memory_space<semaphore_mem>>) src(%dma_wait3A_104 : memref<10000x128xf32, #tpu.memory_space<hbm>>) dst(%dma_wait3A_98 : memref<80x128xf32, #tpu.memory_space<vmem>>)
    %dma_start3A_105 = arith.constant 3 : i32
    %dma_start3A_106 = arith.constant 3 : i32
    %dma_start3A_107 = arith.constant 0 : i32
    %dma_start3A_108 = arith.constant 0 : i32
    %dma_start3A_109 = tpu.memref_slice %arg9[%dma_start3A_105, %dma_start3A_107, %dma_start3A_108] : memref<4x80x128xf32, #tpu.memory_space<vmem>> -> memref<1x80x128xf32, #tpu.memory_space<vmem>>
    %dma_start3A_110 = tpu.memref_squeeze %dma_start3A_109 : memref<1x80x128xf32, #tpu.memory_space<vmem>> -> memref<80x128xf32, #tpu.memory_space<vmem>>
    %dma_start3A_111 = arith.constant 0 : i32
    %dma_start3A_112 = tpu.memref_slice %arg8[%dma_start3A_106, %dma_start3A_111] : memref<4x80xi32, #tpu.memory_space<vmem>> -> memref<1x80xi32, #tpu.memory_space<vmem>>
    %dma_start3A_113 = tpu.memref_squeeze %dma_start3A_112 : memref<1x80xi32, #tpu.memory_space<vmem>> -> memref<80xi32, #tpu.memory_space<vmem>>
    %dma_start3A_114 = arith.constant 0 : i32
    %dma_start3A_115 = arith.constant 0 : i32
    %dma_start3A_116 = tpu.memref_slice %arg6[%dma_start3A_114, %dma_start3A_115] : memref<10240x128xf32, #tpu.memory_space<vmem_shared>> -> memref<10240x128xf32, #tpu.memory_space<vmem_shared>>
    tpu.enqueue_indirect_dma source(%dma_start3A_110 : memref<80x128xf32, #tpu.memory_space<vmem>>) target(%dma_start3A_116 : memref<10240x128xf32, #tpu.memory_space<vmem_shared>>) offsets(%dma_start3A_113 : memref<80xi32, #tpu.memory_space<vmem>>) semaphore(%arg13 : memref<!tpu.dma_semaphore, #tpu.memory_space<semaphore_mem>>) {add = true}
    %dma_wait3A_117 = arith.constant 2 : i32
    %dma_wait3A_118 = arith.constant 2 : i32
    %dma_wait3A_119 = arith.constant 0 : i32
    %dma_wait3A_120 = arith.constant 0 : i32
    %dma_wait3A_121 = tpu.memref_slice %arg9[%dma_wait3A_117, %dma_wait3A_119, %dma_wait3A_120] : memref<4x80x128xf32, #tpu.memory_space<vmem>> -> memref<1x80x128xf32, #tpu.memory_space<vmem>>
    %dma_wait3A_122 = tpu.memref_squeeze %dma_wait3A_121 : memref<1x80x128xf32, #tpu.memory_space<vmem>> -> memref<80x128xf32, #tpu.memory_space<vmem>>
    %dma_wait3A_123 = arith.constant 0 : i32
    %dma_wait3A_124 = tpu.memref_slice %arg8[%dma_wait3A_118, %dma_wait3A_123] : memref<4x80xi32, #tpu.memory_space<vmem>> -> memref<1x80xi32, #tpu.memory_space<vmem>>
    %dma_wait3A_125 = tpu.memref_squeeze %dma_wait3A_124 : memref<1x80xi32, #tpu.memory_space<vmem>> -> memref<80xi32, #tpu.memory_space<vmem>>
    %dma_wait3A_126 = arith.constant 0 : i32
    %dma_wait3A_127 = arith.constant 0 : i32
    %dma_wait3A_128 = tpu.memref_slice %arg6[%dma_wait3A_126, %dma_wait3A_127] : memref<10240x128xf32, #tpu.memory_space<vmem_shared>> -> memref<10240x128xf32, #tpu.memory_space<vmem_shared>>
    tpu.wait_indirect_dma semaphore(%arg13 : memref<!tpu.dma_semaphore, #tpu.memory_space<semaphore_mem>>) src(%dma_wait3A_122 : memref<80x128xf32, #tpu.memory_space<vmem>>) dst(%dma_wait3A_128 : memref<10240x128xf32, #tpu.memory_space<vmem_shared>>)
    %dma_wait3A_129 = arith.constant 0 : i32
    %dma_wait3A_130 = arith.constant 0 : i32
    %dma_wait3A_131 = arith.constant 0 : i32
    %dma_wait3A_132 = arith.constant 0 : i32
    %dma_wait3A_133 = tpu.memref_slice %arg9[%dma_wait3A_130, %dma_wait3A_131, %dma_wait3A_132] : memref<4x80x128xf32, #tpu.memory_space<vmem>> -> memref<1x80x128xf32, #tpu.memory_space<vmem>>
    %dma_wait3A_134 = tpu.memref_squeeze %dma_wait3A_133 : memref<1x80x128xf32, #tpu.memory_space<vmem>> -> memref<80x128xf32, #tpu.memory_space<vmem>>
    %dma_wait3A_135 = arith.constant 0 : i32
    %dma_wait3A_136 = tpu.memref_slice %arg7[%dma_wait3A_129, %dma_wait3A_135] : memref<4x80xi32, #tpu.memory_space<vmem>> -> memref<1x80xi32, #tpu.memory_space<vmem>>
    %dma_wait3A_137 = tpu.memref_squeeze %dma_wait3A_136 : memref<1x80xi32, #tpu.memory_space<vmem>> -> memref<80xi32, #tpu.memory_space<vmem>>
    %dma_wait3A_138 = arith.constant 0 : i32
    %dma_wait3A_139 = arith.constant 0 : i32
    %dma_wait3A_140 = tpu.memref_slice %arg4[%dma_wait3A_138, %dma_wait3A_139] : memref<10000x128xf32, #tpu.memory_space<hbm>> -> memref<10000x128xf32, #tpu.memory_space<hbm>>
    tpu.wait_indirect_dma semaphore(%arg12 : memref<!tpu.dma_semaphore, #tpu.memory_space<semaphore_mem>>) src(%dma_wait3A_140 : memref<10000x128xf32, #tpu.memory_space<hbm>>) dst(%dma_wait3A_134 : memref<80x128xf32, #tpu.memory_space<vmem>>)
    %dma_start3A_141 = arith.constant 0 : i32
    %dma_start3A_142 = arith.constant 0 : i32
    %dma_start3A_143 = arith.constant 0 : i32
    %dma_start3A_144 = arith.constant 0 : i32
    %dma_start3A_145 = tpu.memref_slice %arg9[%dma_start3A_141, %dma_start3A_143, %dma_start3A_144] : memref<4x80x128xf32, #tpu.memory_space<vmem>> -> memref<1x80x128xf32, #tpu.memory_space<vmem>>
    %dma_start3A_146 = tpu.memref_squeeze %dma_start3A_145 : memref<1x80x128xf32, #tpu.memory_space<vmem>> -> memref<80x128xf32, #tpu.memory_space<vmem>>
    %dma_start3A_147 = arith.constant 0 : i32
    %dma_start3A_148 = tpu.memref_slice %arg8[%dma_start3A_142, %dma_start3A_147] : memref<4x80xi32, #tpu.memory_space<vmem>> -> memref<1x80xi32, #tpu.memory_space<vmem>>
    %dma_start3A_149 = tpu.memref_squeeze %dma_start3A_148 : memref<1x80xi32, #tpu.memory_space<vmem>> -> memref<80xi32, #tpu.memory_space<vmem>>
    %dma_start3A_150 = arith.constant 0 : i32
    %dma_start3A_151 = arith.constant 0 : i32
    %dma_start3A_152 = tpu.memref_slice %arg6[%dma_start3A_150, %dma_start3A_151] : memref<10240x128xf32, #tpu.memory_space<vmem_shared>> -> memref<10240x128xf32, #tpu.memory_space<vmem_shared>>
    tpu.enqueue_indirect_dma source(%dma_start3A_146 : memref<80x128xf32, #tpu.memory_space<vmem>>) target(%dma_start3A_152 : memref<10240x128xf32, #tpu.memory_space<vmem_shared>>) offsets(%dma_start3A_149 : memref<80xi32, #tpu.memory_space<vmem>>) semaphore(%arg13 : memref<!tpu.dma_semaphore, #tpu.memory_space<semaphore_mem>>) {add = true}
    %dma_wait3A_153 = arith.constant 3 : i32
    %dma_wait3A_154 = arith.constant 3 : i32
    %dma_wait3A_155 = arith.constant 0 : i32
    %dma_wait3A_156 = arith.constant 0 : i32
    %dma_wait3A_157 = tpu.memref_slice %arg9[%dma_wait3A_153, %dma_wait3A_155, %dma_wait3A_156] : memref<4x80x128xf32, #tpu.memory_space<vmem>> -> memref<1x80x128xf32, #tpu.memory_space<vmem>>
    %dma_wait3A_158 = tpu.memref_squeeze %dma_wait3A_157 : memref<1x80x128xf32, #tpu.memory_space<vmem>> -> memref<80x128xf32, #tpu.memory_space<vmem>>
    %dma_wait3A_159 = arith.constant 0 : i32
    %dma_wait3A_160 = tpu.memref_slice %arg8[%dma_wait3A_154, %dma_wait3A_159] : memref<4x80xi32, #tpu.memory_space<vmem>> -> memref<1x80xi32, #tpu.memory_space<vmem>>
    %dma_wait3A_161 = tpu.memref_squeeze %dma_wait3A_160 : memref<1x80xi32, #tpu.memory_space<vmem>> -> memref<80xi32, #tpu.memory_space<vmem>>
    %dma_wait3A_162 = arith.constant 0 : i32
    %dma_wait3A_163 = arith.constant 0 : i32
    %dma_wait3A_164 = tpu.memref_slice %arg6[%dma_wait3A_162, %dma_wait3A_163] : memref<10240x128xf32, #tpu.memory_space<vmem_shared>> -> memref<10240x128xf32, #tpu.memory_space<vmem_shared>>
    tpu.wait_indirect_dma semaphore(%arg13 : memref<!tpu.dma_semaphore, #tpu.memory_space<semaphore_mem>>) src(%dma_wait3A_158 : memref<80x128xf32, #tpu.memory_space<vmem>>) dst(%dma_wait3A_164 : memref<10240x128xf32, #tpu.memory_space<vmem_shared>>)
    %dma_wait3A_165 = arith.constant 0 : i32
    %dma_wait3A_166 = arith.constant 0 : i32
    %dma_wait3A_167 = arith.constant 0 : i32
    %dma_wait3A_168 = arith.constant 0 : i32
    %dma_wait3A_169 = tpu.memref_slice %arg9[%dma_wait3A_165, %dma_wait3A_167, %dma_wait3A_168] : memref<4x80x128xf32, #tpu.memory_space<vmem>> -> memref<1x80x128xf32, #tpu.memory_space<vmem>>
    %dma_wait3A_170 = tpu.memref_squeeze %dma_wait3A_169 : memref<1x80x128xf32, #tpu.memory_space<vmem>> -> memref<80x128xf32, #tpu.memory_space<vmem>>
    %dma_wait3A_171 = arith.constant 0 : i32
    %dma_wait3A_172 = tpu.memref_slice %arg8[%dma_wait3A_166, %dma_wait3A_171] : memref<4x80xi32, #tpu.memory_space<vmem>> -> memref<1x80xi32, #tpu.memory_space<vmem>>
    %dma_wait3A_173 = tpu.memref_squeeze %dma_wait3A_172 : memref<1x80xi32, #tpu.memory_space<vmem>> -> memref<80xi32, #tpu.memory_space<vmem>>
    %dma_wait3A_174 = arith.constant 0 : i32
    %dma_wait3A_175 = arith.constant 0 : i32
    %dma_wait3A_176 = tpu.memref_slice %arg6[%dma_wait3A_174, %dma_wait3A_175] : memref<10240x128xf32, #tpu.memory_space<vmem_shared>> -> memref<10240x128xf32, #tpu.memory_space<vmem_shared>>
    tpu.wait_indirect_dma semaphore(%arg13 : memref<!tpu.dma_semaphore, #tpu.memory_space<semaphore_mem>>) src(%dma_wait3A_170 : memref<80x128xf32, #tpu.memory_space<vmem>>) dst(%dma_wait3A_176 : memref<10240x128xf32, #tpu.memory_space<vmem_shared>>)
    %barrier3A_177 = arith.constant 0 : index
    tpu.barrier barrier_id(%barrier3A_177)
    %lt3A_178 = arith.constant 15 : i32
    %lt3A_179 = arith.cmpi slt, %arg1, %lt3A_178 : i32
    %convert_element_type3A_180 = arith.extui %lt3A_179 : i1 to i32
    %cond3A_181 = arith.constant 0 : i32
    %cond3A_182 = arith.cmpi ne, %convert_element_type3A_180, %cond3A_181 : i32
    scf.if %cond3A_182 {
      %mul3A_188 = arith.constant 632 : i32
      %mul3A_189 = arith.muli %arg1, %mul3A_188 : i32
      %multiple_of3A_190 = tpu.assume_multiple %mul3A_189, 8 : i32
      "tpu.region"() ({
        %run_scoped3A = tpu.sem_alloc : memref<!tpu.dma_semaphore, #tpu.memory_space<semaphore_mem>>
        %dma_start3A_191 = arith.constant 0 : i32
        %dma_start3A_192 = arith.constant 0 : i32
        %dma_start3A_193 = tpu.memref_slice %arg5[%arg0, %dma_start3A_191, %dma_start3A_192] : memref<2x10000x128xf32, #tpu.memory_space<hbm>> -> memref<1x10000x128xf32, #tpu.memory_space<hbm>>
        %dma_start3A_194 = tpu.memref_squeeze %dma_start3A_193 : memref<1x10000x128xf32, #tpu.memory_space<hbm>> -> memref<10000x128xf32, #tpu.memory_space<hbm>>
        %dma_start3A_195 = arith.constant 0 : i32
        %dma_start3A_196 = tpu.memref_slice %dma_start3A_194[%multiple_of3A_190, %dma_start3A_195] : memref<10000x128xf32, #tpu.memory_space<hbm>> -> memref<632x128xf32, #tpu.memory_space<hbm>>
        %dma_start3A_197 = arith.constant 0 : i32
        %dma_start3A_198 = tpu.memref_slice %arg6[%multiple_of3A_190, %dma_start3A_197] : memref<10240x128xf32, #tpu.memory_space<vmem_shared>> -> memref<632x128xf32, #tpu.memory_space<vmem_shared>>
        tpu.enqueue_dma source(%dma_start3A_198 : memref<632x128xf32, #tpu.memory_space<vmem_shared>>) target(%dma_start3A_196 : memref<632x128xf32, #tpu.memory_space<hbm>>) target_semaphore(%run_scoped3A : memref<!tpu.dma_semaphore, #tpu.memory_space<semaphore_mem>>)
        %dma_wait3A_199 = arith.constant 0 : i32
        %dma_wait3A_200 = arith.constant 0 : i32
        %dma_wait3A_201 = tpu.memref_slice %arg5[%arg0, %dma_wait3A_199, %dma_wait3A_200] : memref<2x10000x128xf32, #tpu.memory_space<hbm>> -> memref<1x10000x128xf32, #tpu.memory_space<hbm>>
        %dma_wait3A_202 = tpu.memref_squeeze %dma_wait3A_201 : memref<1x10000x128xf32, #tpu.memory_space<hbm>> -> memref<10000x128xf32, #tpu.memory_space<hbm>>
        %dma_wait3A_203 = arith.constant 0 : i32
        %dma_wait3A_204 = tpu.memref_slice %dma_wait3A_202[%multiple_of3A_190, %dma_wait3A_203] : memref<10000x128xf32, #tpu.memory_space<hbm>> -> memref<632x128xf32, #tpu.memory_space<hbm>>
        %dma_wait3A_205 = arith.constant 0 : i32
        %dma_wait3A_206 = tpu.memref_slice %arg6[%multiple_of3A_190, %dma_wait3A_205] : memref<10240x128xf32, #tpu.memory_space<vmem_shared>> -> memref<632x128xf32, #tpu.memory_space<vmem_shared>>
        tpu.wait_dma2 semaphore(%run_scoped3A : memref<!tpu.dma_semaphore, #tpu.memory_space<semaphore_mem>>) src(%dma_wait3A_206 : memref<632x128xf32, #tpu.memory_space<vmem_shared>>) dst(%dma_wait3A_204 : memref<632x128xf32, #tpu.memory_space<hbm>>)
        tpu.yield
      }) : () -> ()
    } else {
    }
    %eq3A_183 = arith.constant 15 : i32
    %eq3A_184 = arith.cmpi eq, %arg1, %eq3A_183 : i32
    %convert_element_type3A_185 = arith.extui %eq3A_184 : i1 to i32
    %cond3A_186 = arith.constant 0 : i32
    %cond3A_187 = arith.cmpi ne, %convert_element_type3A_185, %cond3A_186 : i32
    scf.if %cond3A_187 {
      "tpu.region"() ({
        %run_scoped3A = tpu.sem_alloc : memref<!tpu.dma_semaphore, #tpu.memory_space<semaphore_mem>>
        %dma_start3A_188 = arith.constant 0 : i32
        %dma_start3A_189 = arith.constant 0 : i32
        %dma_start3A_190 = tpu.memref_slice %arg5[%arg0, %dma_start3A_188, %dma_start3A_189] : memref<2x10000x128xf32, #tpu.memory_space<hbm>> -> memref<1x10000x128xf32, #tpu.memory_space<hbm>>
        %dma_start3A_191 = tpu.memref_squeeze %dma_start3A_190 : memref<1x10000x128xf32, #tpu.memory_space<hbm>> -> memref<10000x128xf32, #tpu.memory_space<hbm>>
        %dma_start3A_192 = arith.constant 9480 : i32
        %dma_start3A_193 = arith.constant 0 : i32
        %dma_start3A_194 = tpu.memref_slice %dma_start3A_191[%dma_start3A_192, %dma_start3A_193] : memref<10000x128xf32, #tpu.memory_space<hbm>> -> memref<520x128xf32, #tpu.memory_space<hbm>>
        %dma_start3A_195 = arith.constant 9480 : i32
        %dma_start3A_196 = arith.constant 0 : i32
        %dma_start3A_197 = tpu.memref_slice %arg6[%dma_start3A_195, %dma_start3A_196] : memref<10240x128xf32, #tpu.memory_space<vmem_shared>> -> memref<520x128xf32, #tpu.memory_space<vmem_shared>>
        tpu.enqueue_dma source(%dma_start3A_197 : memref<520x128xf32, #tpu.memory_space<vmem_shared>>) target(%dma_start3A_194 : memref<520x128xf32, #tpu.memory_space<hbm>>) target_semaphore(%run_scoped3A : memref<!tpu.dma_semaphore, #tpu.memory_space<semaphore_mem>>)
        %dma_wait3A_198 = arith.constant 0 : i32
        %dma_wait3A_199 = arith.constant 0 : i32
        %dma_wait3A_200 = tpu.memref_slice %arg5[%arg0, %dma_wait3A_198, %dma_wait3A_199] : memref<2x10000x128xf32, #tpu.memory_space<hbm>> -> memref<1x10000x128xf32, #tpu.memory_space<hbm>>
        %dma_wait3A_201 = tpu.memref_squeeze %dma_wait3A_200 : memref<1x10000x128xf32, #tpu.memory_space<hbm>> -> memref<10000x128xf32, #tpu.memory_space<hbm>>
        %dma_wait3A_202 = arith.constant 9480 : i32
        %dma_wait3A_203 = arith.constant 0 : i32
        %dma_wait3A_204 = tpu.memref_slice %dma_wait3A_201[%dma_wait3A_202, %dma_wait3A_203] : memref<10000x128xf32, #tpu.memory_space<hbm>> -> memref<520x128xf32, #tpu.memory_space<hbm>>
        %dma_wait3A_205 = arith.constant 9480 : i32
        %dma_wait3A_206 = arith.constant 0 : i32
        %dma_wait3A_207 = tpu.memref_slice %arg6[%dma_wait3A_205, %dma_wait3A_206] : memref<10240x128xf32, #tpu.memory_space<vmem_shared>> -> memref<520x128xf32, #tpu.memory_space<vmem_shared>>
        tpu.wait_dma2 semaphore(%run_scoped3A : memref<!tpu.dma_semaphore, #tpu.memory_space<semaphore_mem>>) src(%dma_wait3A_207 : memref<520x128xf32, #tpu.memory_space<vmem_shared>>) dst(%dma_wait3A_204 : memref<520x128xf32, #tpu.memory_space<hbm>>)
        tpu.yield
      }) : () -> ()
    } else {
    }
    return
  }
}

module attributes {stable_mosaic.version = 14 : i64} {
  func.func @_k3_body(%arg0: i32, %arg1: memref<5000x128xf32, #tpu.memory_space<vmem>>, %arg2: memref<5000x128xf32, #tpu.memory_space<vmem>>, %arg3: memref<5000x1xf32, #tpu.memory_space<vmem>>, %arg4: memref<5000x128xf32, #tpu.memory_space<vmem>>, %arg5: memref<128x128xf32, #tpu.memory_space<vmem>>, %arg6: memref<128x256xf32, #tpu.memory_space<vmem>>, %arg7: memref<1x128xf32, #tpu.memory_space<vmem>>, %arg8: memref<1x128xf32, #tpu.memory_space<vmem>>, %arg9: memref<5000x128xf32, #tpu.memory_space<vmem>>) attributes {dimension_semantics = [#tpu.dimension_semantics<arbitrary>], iteration_bounds = array<i64: 2>, scalar_prefetch = 0 : i64, scratch_operands = 0 : i64, tpu.core_type = #tpu.core_type<tc>, window_params = [{transform_indices = @transform_0, window_bounds = array<i64: 5000, 128>}, {transform_indices = @transform_1, window_bounds = array<i64: 5000, 128>}, {transform_indices = @transform_2, window_bounds = array<i64: 5000, 1>}, {transform_indices = @transform_3, window_bounds = array<i64: 5000, 128>}, {pipeline_mode = #tpu.pipeline_mode<synchronous>, transform_indices = @transform_4, window_bounds = array<i64: 128, 128>}, {pipeline_mode = #tpu.pipeline_mode<synchronous>, transform_indices = @transform_5, window_bounds = array<i64: 128, 256>}, {pipeline_mode = #tpu.pipeline_mode<synchronous>, transform_indices = @transform_6, window_bounds = array<i64: 1, 128>}, {pipeline_mode = #tpu.pipeline_mode<synchronous>, transform_indices = @transform_7, window_bounds = array<i64: 1, 128>}, {transform_indices = @transform_8, window_bounds = array<i64: 5000, 128>}]} {
    %get3A = arith.constant 0 : index
    %get3A_0 = arith.constant 0 : index
    %get3A_1 = vector.load %arg3[%get3A, %get3A_0] : memref<5000x1xf32, #tpu.memory_space<vmem>>, vector<5000x1xf32>
    %max3A = arith.constant 1.000000e+00 : f32
    %max3A_2 = vector.broadcast %max3A : f32 to vector<5000x1xf32>
    %max3A_3 = arith.maximumf %get3A_1, %max3A_2 : vector<5000x1xf32>
    %get3A_4 = arith.constant 0 : index
    %get3A_5 = arith.constant 0 : index
    %get3A_6 = vector.load %arg4[%get3A_4, %get3A_5] : memref<5000x128xf32, #tpu.memory_space<vmem>>, vector<5000x128xf32>
    %get3A_7 = arith.constant 0 : index
    %get3A_8 = arith.constant 0 : index
    %get3A_9 = vector.load %arg1[%get3A_7, %get3A_8] : memref<5000x128xf32, #tpu.memory_space<vmem>>, vector<5000x128xf32>
    %mul3A = arith.mulf %get3A_6, %get3A_9 : vector<5000x128xf32>
    %div3A = vector.broadcast %max3A_3 : vector<5000x1xf32> to vector<5000x128xf32>
    %div3A_10 = arith.divf %mul3A, %div3A : vector<5000x128xf32>
    %get3A_11 = arith.constant 0 : index
    %get3A_12 = arith.constant 0 : index
    %get3A_13 = vector.load %arg2[%get3A_11, %get3A_12] : memref<5000x128xf32, #tpu.memory_space<vmem>>, vector<5000x128xf32>
    %get3A_14 = arith.constant 0 : index
    %get3A_15 = arith.constant 0 : index
    %get3A_16 = vector.load %arg5[%get3A_14, %get3A_15] : memref<128x128xf32, #tpu.memory_space<vmem>>, vector<128x128xf32>
    %dot_general3A = arith.constant dense<0.000000e+00> : vector<5000x128xf32>
    %dot_general3A_17 = tpu.matmul %get3A_13, %get3A_16, %dot_general3A {dimension_numbers = #tpu.dot_dimension_numbers<[1], [1], [0], [0], [0, 0, 1, 0], [], []>, transpose_lhs_hint = false} : vector<5000x128xf32>, vector<128x128xf32>, vector<5000x128xf32> -> vector<5000x128xf32>
    %get3A_18 = arith.constant 0 : index
    %get3A_19 = arith.constant 0 : index
    %get3A_20 = vector.load %arg7[%get3A_18, %get3A_19] : memref<1x128xf32, #tpu.memory_space<vmem>>, vector<1x128xf32>
    %mul3A_21 = vector.broadcast %get3A_1 : vector<5000x1xf32> to vector<5000x128xf32>
    %mul3A_22 = vector.broadcast %get3A_20 : vector<1x128xf32> to vector<5000x128xf32>
    %mul3A_23 = arith.mulf %mul3A_21, %mul3A_22 : vector<5000x128xf32>
    %add3A = arith.addf %dot_general3A_17, %mul3A_23 : vector<5000x128xf32>
    %div3A_24 = vector.broadcast %max3A_3 : vector<5000x1xf32> to vector<5000x128xf32>
    %div3A_25 = arith.divf %add3A, %div3A_24 : vector<5000x128xf32>
    %get3A_26 = arith.constant 0 : index
    %get3A_27 = arith.constant 0 : index
    %get3A_28 = vector.load %arg6[%get3A_26, %get3A_27] : memref<128x256xf32, #tpu.memory_space<vmem>>, vector<128x128xf32>
    %dot_general3A_29 = arith.constant dense<0.000000e+00> : vector<5000x128xf32>
    %dot_general3A_30 = tpu.matmul %div3A_25, %get3A_28, %dot_general3A_29 {dimension_numbers = #tpu.dot_dimension_numbers<[1], [1], [0], [0], [0, 0, 1, 0], [], []>, transpose_lhs_hint = false} : vector<5000x128xf32>, vector<128x128xf32>, vector<5000x128xf32> -> vector<5000x128xf32>
    %get3A_31 = arith.constant 0 : index
    %get3A_32 = arith.constant 128 : index
    %get3A_33 = vector.load %arg6[%get3A_31, %get3A_32] : memref<128x256xf32, #tpu.memory_space<vmem>>, vector<128x128xf32>
    %dot_general3A_34 = arith.constant dense<0.000000e+00> : vector<5000x128xf32>
    %dot_general3A_35 = tpu.matmul %div3A_10, %get3A_33, %dot_general3A_34 {dimension_numbers = #tpu.dot_dimension_numbers<[1], [1], [0], [0], [0, 0, 1, 0], [], []>, transpose_lhs_hint = false} : vector<5000x128xf32>, vector<128x128xf32>, vector<5000x128xf32> -> vector<5000x128xf32>
    %add3A_36 = arith.addf %dot_general3A_30, %dot_general3A_35 : vector<5000x128xf32>
    %get3A_37 = arith.constant 0 : index
    %get3A_38 = arith.constant 0 : index
    %get3A_39 = vector.load %arg8[%get3A_37, %get3A_38] : memref<1x128xf32, #tpu.memory_space<vmem>>, vector<1x128xf32>
    %add3A_40 = vector.broadcast %get3A_39 : vector<1x128xf32> to vector<5000x128xf32>
    %add3A_41 = arith.addf %add3A_36, %add3A_40 : vector<5000x128xf32>
    %swap3A = arith.constant 0 : index
    %swap3A_42 = arith.constant 0 : index
    %swap3A_43 = vector.load %arg9[%swap3A, %swap3A_42] : memref<5000x128xf32, #tpu.memory_space<vmem>>, vector<5000x128xf32>
    tpu.vector_store %arg9[%swap3A, %swap3A_42], %add3A_41 {strides = array<i32>} : memref<5000x128xf32, #tpu.memory_space<vmem>>, vector<5000x128xf32>,
    return
  }
  func.func @transform_0(%arg0: i32) -> (i32, i32) {
    %c0_i32 = arith.constant 0 : i32
    %c0_i32_0 = arith.constant 0 : i32
    return %arg0, %c0_i32 : i32, i32
  }
  func.func @transform_1(%arg0: i32) -> (i32, i32) {
    %c0_i32 = arith.constant 0 : i32
    %c0_i32_0 = arith.constant 0 : i32
    return %arg0, %c0_i32 : i32, i32
  }
  func.func @transform_2(%arg0: i32) -> (i32, i32) {
    %c0_i32 = arith.constant 0 : i32
    %c0_i32_0 = arith.constant 0 : i32
    return %arg0, %c0_i32 : i32, i32
  }
  func.func @transform_3(%arg0: i32) -> (i32, i32) {
    %c0_i32 = arith.constant 0 : i32
    %c0_i32_0 = arith.constant 0 : i32
    return %arg0, %c0_i32 : i32, i32
  }
  func.func @transform_4(%arg0: i32) -> (i32, i32) {
    %c0_i32 = arith.constant 0 : i32
    %c0_i32_0 = arith.constant 0 : i32
    %c0_i32_1 = arith.constant 0 : i32
    return %c0_i32, %c0_i32_0 : i32, i32
  }
  func.func @transform_5(%arg0: i32) -> (i32, i32) {
    %c0_i32 = arith.constant 0 : i32
    %c0_i32_0 = arith.constant 0 : i32
    %c0_i32_1 = arith.constant 0 : i32
    return %c0_i32, %c0_i32_0 : i32, i32
  }
  func.func @transform_6(%arg0: i32) -> (i32, i32) {
    %c0_i32 = arith.constant 0 : i32
    %c0_i32_0 = arith.constant 0 : i32
    %c0_i32_1 = arith.constant 0 : i32
    return %c0_i32, %c0_i32_0 : i32, i32
  }
  func.func @transform_7(%arg0: i32) -> (i32, i32) {
    %c0_i32 = arith.constant 0 : i32
    %c0_i32_0 = arith.constant 0 : i32
    %c0_i32_1 = arith.constant 0 : i32
    return %c0_i32, %c0_i32_0 : i32, i32
  }
  func.func @transform_8(%arg0: i32) -> (i32, i32) {
    %c0_i32 = arith.constant 0 : i32
    %c0_i32_0 = arith.constant 0 : i32
    return %arg0, %c0_i32 : i32, i32
  }
}

module attributes {stable_mosaic.version = 14 : i64} {
  func.func @_k4_body(%arg0: i32, %arg1: memref<10000x128xf32, #tpu.memory_space<vmem>>, %arg2: memref<10000x128xf32, #tpu.memory_space<vmem>>, %arg3: memref<128x256xf32, #tpu.memory_space<vmem>>, %arg4: memref<128x128xf32, #tpu.memory_space<vmem>>, %arg5: memref<1x128xf32, #tpu.memory_space<vmem>>, %arg6: memref<1x128xf32, #tpu.memory_space<vmem>>, %arg7: memref<10000x128xf32, #tpu.memory_space<vmem>>, %arg8: memref<256x128xf32, #tpu.memory_space<vmem>>, %arg9: memref<1x128xf32, #tpu.memory_space<vmem>>) attributes {dimension_semantics = [#tpu.dimension_semantics<arbitrary>], iteration_bounds = array<i64: 32>, scalar_prefetch = 0 : i64, scratch_operands = 2 : i64, tpu.core_type = #tpu.core_type<tc>, window_params = [{transform_indices = @transform_0, window_bounds = array<i64: 10000, 128>}, {transform_indices = @transform_1, window_bounds = array<i64: 10000, 128>}, {pipeline_mode = #tpu.pipeline_mode<synchronous>, transform_indices = @transform_2, window_bounds = array<i64: 128, 256>}, {pipeline_mode = #tpu.pipeline_mode<synchronous>, transform_indices = @transform_3, window_bounds = array<i64: 128, 128>}, {pipeline_mode = #tpu.pipeline_mode<synchronous>, transform_indices = @transform_4, window_bounds = array<i64: 1, 128>}, {pipeline_mode = #tpu.pipeline_mode<synchronous>, transform_indices = @transform_5, window_bounds = array<i64: 1, 128>}, {transform_indices = @transform_6, window_bounds = array<i64: 10000, 128>}]} {
    %eq3A = arith.constant 0 : i32
    %eq3A_0 = arith.cmpi eq, %arg0, %eq3A : i32
    %convert_element_type3A = arith.extui %eq3A_0 : i1 to i32
    %cond3A = arith.constant 0 : i32
    %cond3A_1 = arith.cmpi ne, %convert_element_type3A, %cond3A : i32
    scf.if %cond3A_1 {
      %get3A_17 = arith.constant 0 : index
      %get3A_18 = arith.constant 128 : index
      %get3A_19 = vector.load %arg3[%get3A_17, %get3A_18] : memref<128x256xf32, #tpu.memory_space<vmem>>, vector<128x128xf32>
      %get3A_20 = arith.constant 0 : index
      %get3A_21 = arith.constant 0 : index
      %get3A_22 = vector.load %arg3[%get3A_20, %get3A_21] : memref<128x256xf32, #tpu.memory_space<vmem>>, vector<128x128xf32>
      %transpose3A = tpu.transpose %get3A_22, [1, 0] : vector<128x128xf32> -> vector<128x128xf32>
      %swap3A_23 = arith.constant 0 : index
      %swap3A_24 = arith.constant 0 : index
      %swap3A_25 = vector.load %arg8[%swap3A_23, %swap3A_24] : memref<256x128xf32, #tpu.memory_space<vmem>>, vector<128x128xf32>
      tpu.vector_store %arg8[%swap3A_23, %swap3A_24], %transpose3A {strides = array<i32>} : memref<256x128xf32, #tpu.memory_space<vmem>>, vector<128x128xf32>,
      %get3A_26 = arith.constant 0 : index
      %get3A_27 = arith.constant 0 : index
      %get3A_28 = vector.load %arg4[%get3A_26, %get3A_27] : memref<128x128xf32, #tpu.memory_space<vmem>>, vector<128x128xf32>
      %dot_general3A_29 = arith.constant dense<0.000000e+00> : vector<128x128xf32>
      %dot_general3A_30 = tpu.matmul %get3A_28, %get3A_19, %dot_general3A_29 {dimension_numbers = #tpu.dot_dimension_numbers<[0], [1], [1], [0], [0, 1, 1, 0], [], []>, transpose_lhs_hint = false} : vector<128x128xf32>, vector<128x128xf32>, vector<128x128xf32> -> vector<128x128xf32>
      %swap3A_31 = arith.constant 128 : index
      %swap3A_32 = arith.constant 0 : index
      %swap3A_33 = vector.load %arg8[%swap3A_31, %swap3A_32] : memref<256x128xf32, #tpu.memory_space<vmem>>, vector<128x128xf32>
      tpu.vector_store %arg8[%swap3A_31, %swap3A_32], %dot_general3A_30 {strides = array<i32>} : memref<256x128xf32, #tpu.memory_space<vmem>>, vector<128x128xf32>,
      %get3A_34 = arith.constant 0 : index
      %get3A_35 = arith.constant 0 : index
      %get3A_36 = vector.load %arg5[%get3A_34, %get3A_35] : memref<1x128xf32, #tpu.memory_space<vmem>>, vector<1x128xf32>
      %get3A_37 = arith.constant 0 : index
      %get3A_38 = arith.constant 0 : index
      %get3A_39 = vector.load %arg6[%get3A_37, %get3A_38] : memref<1x128xf32, #tpu.memory_space<vmem>>, vector<1x128xf32>
      %dot_general3A_40 = arith.constant dense<0.000000e+00> : vector<1x128xf32>
      %dot_general3A_41 = tpu.matmul %get3A_39, %get3A_19, %dot_general3A_40 {dimension_numbers = #tpu.dot_dimension_numbers<[1], [1], [0], [0], [0, 0, 1, 0], [], []>, transpose_lhs_hint = false} : vector<1x128xf32>, vector<128x128xf32>, vector<1x128xf32> -> vector<1x128xf32>
      %add3A_42 = arith.addf %get3A_36, %dot_general3A_41 : vector<1x128xf32>
      %swap3A_43 = arith.constant 0 : index
      %swap3A_44 = arith.constant 0 : index
      %swap3A_45 = vector.load %arg9[%swap3A_43, %swap3A_44] : memref<1x128xf32, #tpu.memory_space<vmem>>, vector<1x128xf32>
      tpu.vector_store %arg9[%swap3A_43, %swap3A_44], %add3A_42 {strides = array<i32>} : memref<1x128xf32, #tpu.memory_space<vmem>>, vector<1x128xf32>,
    } else {
    }
    %get3A = arith.constant 0 : index
    %get3A_2 = arith.constant 0 : index
    %get3A_3 = vector.load %arg1[%get3A, %get3A_2] : memref<10000x128xf32, #tpu.memory_space<vmem>>, vector<10000x128xf32>
    %get3A_4 = arith.constant 0 : index
    %get3A_5 = arith.constant 0 : index
    %get3A_6 = vector.load %arg2[%get3A_4, %get3A_5] : memref<10000x128xf32, #tpu.memory_space<vmem>>, vector<10000x128xf32>
    %concatenate3A = tpu.concatenate %get3A_3, %get3A_6 in 1 : vector<10000x128xf32>, vector<10000x128xf32> -> vector<10000x256xf32>
    %get3A_7 = arith.constant 0 : index
    %get3A_8 = arith.constant 0 : index
    %get3A_9 = vector.load %arg8[%get3A_7, %get3A_8] : memref<256x128xf32, #tpu.memory_space<vmem>>, vector<256x128xf32>
    %dot_general3A = arith.constant dense<0.000000e+00> : vector<10000x128xf32>
    %dot_general3A_10 = tpu.matmul %concatenate3A, %get3A_9, %dot_general3A {dimension_numbers = #tpu.dot_dimension_numbers<[1], [0], [0], [1], [0, 0, 1, 1], [], []>, transpose_lhs_hint = false} : vector<10000x256xf32>, vector<256x128xf32>, vector<10000x128xf32> -> vector<10000x128xf32>
    %get3A_11 = arith.constant 0 : index
    %get3A_12 = arith.constant 0 : index
    %get3A_13 = vector.load %arg9[%get3A_11, %get3A_12] : memref<1x128xf32, #tpu.memory_space<vmem>>, vector<1x128xf32>
    %add3A = vector.broadcast %get3A_13 : vector<1x128xf32> to vector<10000x128xf32>
    %add3A_14 = arith.addf %dot_general3A_10, %add3A : vector<10000x128xf32>
    %swap3A = arith.constant 0 : index
    %swap3A_15 = arith.constant 0 : index
    %swap3A_16 = vector.load %arg7[%swap3A, %swap3A_15] : memref<10000x128xf32, #tpu.memory_space<vmem>>, vector<10000x128xf32>
    tpu.vector_store %arg7[%swap3A, %swap3A_15], %add3A_14 {strides = array<i32>} : memref<10000x128xf32, #tpu.memory_space<vmem>>, vector<10000x128xf32>,
    return
  }
  func.func @transform_0(%arg0: i32) -> (i32, i32) {
    %c0_i32 = arith.constant 0 : i32
    %c0_i32_0 = arith.constant 0 : i32
    return %arg0, %c0_i32 : i32, i32
  }
  func.func @transform_1(%arg0: i32) -> (i32, i32) {
    %c0_i32 = arith.constant 0 : i32
    %c0_i32_0 = arith.constant 0 : i32
    return %arg0, %c0_i32 : i32, i32
  }
  func.func @transform_2(%arg0: i32) -> (i32, i32) {
    %c0_i32 = arith.constant 0 : i32
    %c0_i32_0 = arith.constant 0 : i32
    %c0_i32_1 = arith.constant 0 : i32
    return %c0_i32, %c0_i32_0 : i32, i32
  }
  func.func @transform_3(%arg0: i32) -> (i32, i32) {
    %c0_i32 = arith.constant 0 : i32
    %c0_i32_0 = arith.constant 0 : i32
    %c0_i32_1 = arith.constant 0 : i32
    return %c0_i32, %c0_i32_0 : i32, i32
  }
  func.func @transform_4(%arg0: i32) -> (i32, i32) {
    %c0_i32 = arith.constant 0 : i32
    %c0_i32_0 = arith.constant 0 : i32
    %c0_i32_1 = arith.constant 0 : i32
    return %c0_i32, %c0_i32_0 : i32, i32
  }
  func.func @transform_5(%arg0: i32) -> (i32, i32) {
    %c0_i32 = arith.constant 0 : i32
    %c0_i32_0 = arith.constant 0 : i32
    %c0_i32_1 = arith.constant 0 : i32
    return %c0_i32, %c0_i32_0 : i32, i32
  }
  func.func @transform_6(%arg0: i32) -> (i32, i32) {
    %c0_i32 = arith.constant 0 : i32
    %c0_i32_0 = arith.constant 0 : i32
    return %arg0, %c0_i32 : i32, i32
  }
}

module attributes {stable_mosaic.version = 14 : i64} {
  func.func @_k5_body(%arg0: i32, %arg1: memref<2x5000x128xf32, #tpu.memory_space<vmem>>, %arg2: memref<5000x1xf32, #tpu.memory_space<vmem>>, %arg3: memref<1x128xf32, #tpu.memory_space<vmem>>, %arg4: memref<5000x128xf32, #tpu.memory_space<vmem>>) attributes {dimension_semantics = [#tpu.dimension_semantics<arbitrary>], iteration_bounds = array<i64: 2>, scalar_prefetch = 0 : i64, scratch_operands = 0 : i64, tpu.core_type = #tpu.core_type<tc>, window_params = [{transform_indices = @transform_0, window_bounds = array<i64: 2, 5000, 128>}, {transform_indices = @transform_1, window_bounds = array<i64: 5000, 1>}, {pipeline_mode = #tpu.pipeline_mode<synchronous>, transform_indices = @transform_2, window_bounds = array<i64: 1, 128>}, {transform_indices = @transform_3, window_bounds = array<i64: 5000, 128>}]} {
    %get3A = arith.constant 0 : index
    %get3A_0 = arith.constant 0 : index
    %get3A_1 = arith.constant 0 : index
    %get3A_2 = vector.load %arg1[%get3A, %get3A_0, %get3A_1] : memref<2x5000x128xf32, #tpu.memory_space<vmem>>, vector<1x5000x128xf32>
    %get3A_3 = vector.shape_cast %get3A_2 : vector<1x5000x128xf32> to vector<5000x128xf32>
    %get3A_4 = arith.constant 1 : index
    %get3A_5 = arith.constant 0 : index
    %get3A_6 = arith.constant 0 : index
    %get3A_7 = vector.load %arg1[%get3A_4, %get3A_5, %get3A_6] : memref<2x5000x128xf32, #tpu.memory_space<vmem>>, vector<1x5000x128xf32>
    %get3A_8 = vector.shape_cast %get3A_7 : vector<1x5000x128xf32> to vector<5000x128xf32>
    %add3A = arith.addf %get3A_3, %get3A_8 : vector<5000x128xf32>
    %get3A_9 = arith.constant 0 : index
    %get3A_10 = arith.constant 0 : index
    %get3A_11 = vector.load %arg2[%get3A_9, %get3A_10] : memref<5000x1xf32, #tpu.memory_space<vmem>>, vector<5000x1xf32>
    %mul3A = vector.broadcast %get3A_11 : vector<5000x1xf32> to vector<5000x128xf32>
    %mul3A_12 = arith.mulf %add3A, %mul3A : vector<5000x128xf32>
    %get3A_13 = arith.constant 0 : index
    %get3A_14 = arith.constant 0 : index
    %get3A_15 = vector.load %arg3[%get3A_13, %get3A_14] : memref<1x128xf32, #tpu.memory_space<vmem>>, vector<1x128xf32>
    %add3A_16 = vector.broadcast %get3A_15 : vector<1x128xf32> to vector<5000x128xf32>
    %add3A_17 = arith.addf %mul3A_12, %add3A_16 : vector<5000x128xf32>
    %swap3A = arith.constant 0 : index
    %swap3A_18 = arith.constant 0 : index
    %swap3A_19 = vector.load %arg4[%swap3A, %swap3A_18] : memref<5000x128xf32, #tpu.memory_space<vmem>>, vector<5000x128xf32>
    tpu.vector_store %arg4[%swap3A, %swap3A_18], %add3A_17 {strides = array<i32>} : memref<5000x128xf32, #tpu.memory_space<vmem>>, vector<5000x128xf32>,
    return
  }
  func.func @transform_0(%arg0: i32) -> (i32, i32, i32) {
    %c0_i32 = arith.constant 0 : i32
    %c0_i32_0 = arith.constant 0 : i32
    %c0_i32_1 = arith.constant 0 : i32
    return %c0_i32, %arg0, %c0_i32_0 : i32, i32, i32
  }
  func.func @transform_1(%arg0: i32) -> (i32, i32) {
    %c0_i32 = arith.constant 0 : i32
    %c0_i32_0 = arith.constant 0 : i32
    return %arg0, %c0_i32 : i32, i32
  }
  func.func @transform_2(%arg0: i32) -> (i32, i32) {
    %c0_i32 = arith.constant 0 : i32
    %c0_i32_0 = arith.constant 0 : i32
    %c0_i32_1 = arith.constant 0 : i32
    return %c0_i32, %c0_i32_0 : i32, i32
  }
  func.func @transform_3(%arg0: i32) -> (i32, i32) {
    %c0_i32 = arith.constant 0 : i32
    %c0_i32_0 = arith.constant 0 : i32
    return %arg0, %c0_i32 : i32, i32
  }
}

</mosaic_0001>

<sc_bundles>
// kernel: kernel.10.cloned.1.call-start
scs
__scs_entry_jumppad:
0x0: {  	(pc) =	sbr.rel $0x88, $3  }
0x1: {  	(tag) =	ssettag $0x0;
	lr =	simm.s32 $0x1  }
0x2: {  	[smem:$0x3F95] =	sst lr;
	_ =	strace $0xD0000000  }
0x3: {  	_ = 	snop  }
0x4: {  	_ = 	snop  }
0x5: {  	_ = 	snop  }
0x6: {  	_ = 	snop  }
0x7: {  	_ = 	snop  }
__scs_overlays_trampoline_lowered:
0x8: {  	[smem:$0x3FA4] =	sst s0  }
0x9: {  	[smem:$0x3FA5] =	sst s1  }
0xa: {  	[smem:$0x3FA6] =	sst s2  }
0xb: {  	[smem:$0x3FA7] =	sst s3  }
0xc: {  	[smem:$0x3FA8] =	sst s4  }
0xd: {  	[smem:$0x3FA9] =	sst s5  }
0xe: {  	[smem:$0x3FAA] =	sst s6  }
0xf: {  	[smem:$0x3FAB] =	sst s7  }
0x10: {  	[smem:$0x3FAC] =	sst s8  }
0x11: {  	[smem:$0x3FAD] =	sst s9;
	s0 =	simm.s32 @!p0 $0x0  }
0x12: {  	s1 =	sld [smem:$0x3F93];
	s0 =	simm.s32 @p0 $0x1  }
0x13: {  	[smem:$0x3FAE] =	sst s0;
	s0 =	simm.s32 @!p1 $0x0  }
0x14: {  	s2 =	sld [smem:$0x3F92];
	s0 =	simm.s32 @p1 $0x1  }
0x15: {  	[smem:$0x3FAF] =	sst s0;
	s0 =	simm.s32 @!p2 $0x0  }
0x16: {  	s3 =	sld [smem:$0x3FDB];
	s0 =	simm.s32 @p2 $0x1  }
0x17: {  	s4 =	simm.s32 $0x1BF5;
	[smem:$0x3FB1] =	sst s0  }
0x18: {  	s0 =	sld [smem:$0x3F94];
	_ =	swait.ge [sflag:s4], $0x0  }
0x19: {  	s7 =	sld [smem:$0x3F95]  }
0x1a: {  	s8 =	sadd.s32 $0xFFFFE003, lr  }
0x1b: {  	s9 =	sadd.s32 $0xFFFFFEF7, lr;
	s5 =	simm.s32 $0xFFFFFFFF;
	p2 =	slt.u32 s8, $0xFFFFF086  }
0x1c: {  	p1 =	slt.u32 s9, $0xF7A;
	s5 =	simm.s32 @!p2 $0x0  }
0x1d: {  	s5 =	simm.s32 @p1 $0x1;
	p0 =	seq.s32 s7, s2  }
0x1e: {  	s7 =	smul.u32 @!p0 $0xF7A, s2;
	p2 =	seq.s32 @!p0 s5, $0x0  }
0x1f: {  	s9 =	smul.u32 $0xF7A, s1;
	s8 =	simm.s32 @!p0 $0x1BF5;
	p2 =	por !p2, p0  }
0x20: {  	[sflag:s8] =	ssyncset.s32 @!p0 $0xFFFFF086;
	s6 =	sadd.s32 @!p0 s3, s7;
	s7 =	simm.s32 @!p0 $0x108  }
0x21: {  	s3 =	sadd.s32 s3, s9;
	s6 =	sadd.s32 @!p0 $0x88, s6;
	s7 =	simm.s32 @p2 $0x1082  }
0x22: {  	[simem:s7], [sflag:s8] =	dma.local @!p0 [hbm:s6], $0xF7A  }
0x23: {  	s9 =	sor.u32 $0xD0000000, s2;
	s6 =	simm.s32 $0x108;
	_ =	swait.ge @!p0 [sflag:s8], $0x0  }
0x24: {  	s3 =	sadd.s32 $0x88, s3;
	s6 =	simm.s32 @!p1 $0x1082;
	[sflag:s4] =	ssyncset.s32 $0xFFFFF086  }
0x25: {  	[simem:s6], [sflag:s4] =	dma.local [hbm:s3], $0xF7A  }
0x26: {  	[smem:$0x3F95] =	sst s1;
	(tag) =	ssettag s2;
	_ =	strace s9  }
0x27: {  	s1 =	sld [smem:$0x3FA5]  }
0x28: {  	s2 =	sld [smem:$0x3FA6]  }
0x29: {  	s4 =	sld [smem:$0x3FA8]  }
0x2a: {  	p0 =	seq.s32 s5, $0x0;
	s5 =	sld [smem:$0x3FA9]  }
0x2b: {  	s6 =	sld [smem:$0x3FAA]  }
0x2c: {  	s7 =	sld [smem:$0x3FAB]  }
0x2d: {  	s3 =	simm.s32 $0x108;
	s8 =	sld [smem:$0x3FAC]  }
0x2e: {  	s3 =	simm.s32 @!p0 $0x1082;
	s9 =	sld [smem:$0x3FAD]  }
0x2f: {  	lr =	sadd.s32 s0, s3;
	s0 =	sld [smem:$0x3FA4]  }
0x30: {  	s3 =	sld [smem:$0x3FA7]  }
0x31: {  	[smem:$0x3FB0] =	sst s10  }
0x32: {  	s10 =	sld [smem:$0x3FAE];
	_ =	sdelay $0x3  }
0x33: {  	p0 =	seq.s32 s10, $0x1;
	s10 =	sld [smem:$0x3FB0];
	_ =	sdelay $0x3  }
0x34: {  	[smem:$0x3FB0] =	sst s10  }
0x35: {  	s10 =	sld [smem:$0x3FAF];
	_ =	sdelay $0x3  }
0x36: {  	p1 =	seq.s32 s10, $0x1;
	s10 =	sld [smem:$0x3FB0];
	_ =	sdelay $0x3  }
0x37: {  	[smem:$0x3FB0] =	sst s10  }
0x38: {  	s10 =	sld [smem:$0x3FB1]  }
0x39: {  	_ = 	snop;
	(pc) =	sbr.ind lr, $3  }
0x3a: {  	_ = 	snop  }
0x3b: {  	_ = 	snop  }
0x3c: {  	p2 =	seq.s32 s10, $0x1;
	s10 =	sld [smem:$0x3FB0]  }
0x3d: {  	_ =	shalt  }
0x3e: {  	_ =	shalt  }
0x3f: {  	_ =	shalt  }
0x40: {  	_ =	shalt  }
0x41: {  	_ =	shalt  }
0x42: {  	_ =	shalt  }
0x43: {  	_ =	shalt  }
0x44: {  	_ =	shalt  }
0x45: {  	_ =	shalt  }
0x46: {  	_ =	shalt  }
0x47: {  	_ =	shalt  }
0x48: {  	_ =	shalt  }
0x49: {  	_ =	shalt  }
0x4a: {  	_ =	shalt  }
0x4b: {  	_ =	shalt  }
0x4c: {  	_ =	shalt  }
0x4d: {  	_ =	shalt  }
0x4e: {  	_ =	shalt  }
0x4f: {  	_ =	shalt  }
0x50: {  	_ =	shalt  }
0x51: {  	_ =	shalt  }
0x52: {  	_ =	shalt  }
0x53: {  	_ =	shalt  }
0x54: {  	_ =	shalt  }
0x55: {  	_ =	shalt  }
0x56: {  	_ =	shalt  }
0x57: {  	_ =	shalt  }
0x58: {  	_ =	shalt  }
0x59: {  	_ =	shalt  }
0x5a: {  	_ =	shalt  }
0x5b: {  	_ =	shalt  }
0x5c: {  	_ =	shalt  }
0x5d: {  	_ =	shalt  }
0x5e: {  	_ =	shalt  }
0x5f: {  	_ =	shalt  }
0x60: {  	_ =	shalt  }
0x61: {  	_ =	shalt  }
0x62: {  	_ =	shalt  }
0x63: {  	_ =	shalt  }
0x64: {  	_ =	shalt  }
0x65: {  	_ =	shalt  }
0x66: {  	_ =	shalt  }
0x67: {  	_ =	shalt  }
0x68: {  	_ =	shalt  }
0x69: {  	_ =	shalt  }
0x6a: {  	_ =	shalt  }
0x6b: {  	_ =	shalt  }
0x6c: {  	_ =	shalt  }
0x6d: {  	_ =	shalt  }
0x6e: {  	_ =	shalt  }
0x6f: {  	_ =	shalt  }
0x70: {  	_ =	shalt  }
0x71: {  	_ =	shalt  }
0x72: {  	_ =	shalt  }
0x73: {  	_ =	shalt  }
0x74: {  	_ =	shalt  }
0x75: {  	_ =	shalt  }
0x76: {  	_ =	shalt  }
0x77: {  	_ =	shalt  }
0x78: {  	_ =	shalt  }
0x79: {  	_ =	shalt  }
0x7a: {  	_ =	shalt  }
0x7b: {  	_ =	shalt  }
0x7c: {  	_ =	shalt  }
0x7d: {  	_ =	shalt  }
0x7e: {  	_ =	shalt  }
0x7f: {  	_ =	shalt  }
0x80: {  	_ =	shalt  }
0x81: {  	_ =	shalt  }
0x82: {  	_ =	shalt  }
0x83: {  	_ =	shalt  }
0x84: {  	_ =	shalt  }
0x85: {  	_ =	shalt  }
0x86: {  	_ =	shalt  }
0x87: {  	_ =	shalt  }
.Lfunc_end0:
.L_simem_size_0:
called_computation.1_lowered:
.L_overlay_start_0:
0x88: {  	s2 =	sld [smem:$0x3FD9]  }
0x89: {  	s3 =	sld [smem:$0x3FFE];
	_ =	sdelay $0x1  }
0x8a: {  	s1 =	srdreg.scid  }
0x8b: {  	s0 =	sand.u32 $0x1, s1  }
0x8c: {  	s14 =	sshll.u32 s0, $0xA;
	s2 =	sadd.s32 s3, s2  }
0x8d: {  	s2 =	sadd.s32 s2, s14  }
0x8e: {  	[smem:$0x3FBC] =	sst s2  }
0x8f: {  	_ = 	snop  }
0x90: {  	s2 =	sld [smem:$0x3FD0];
	_ =	sdelay $0x2  }
0x91: {  	s15 =	simm.s32 $0xA;
	s4 =	simm.s32 $0x10  }
0x92: {  	[smem:s4], [sflag:s15] =	dma.local [hbm:s2], $0x1  }
0x93: {  	_ =	swait.eq [sflag:s15], $0x1  }
0x94: {  	[sflag:s15] =	ssyncset.done $0x0  }
0x95: {  	[sflag:s15] =	ssyncadd.s32 $0xFFFFFFFF  }
0x96: {  	s16 =	sld [smem:$0x10];
	(tm) =	ssettm $0x1  }
0x97: {  	s17 =	sld [smem:$0x3FFB];
	_ =	sdelay $0x3  }
0x98: {  	_ =	strace s17  }
0x99: {  	s3 =	sld [smem:$0x3FFC];
	_ =	sdelay $0x3  }
0x9a: {  	_ =	strace s3  }
0x9b: {  	s3 =	sld [smem:$0x3FFD];
	_ =	sdelay $0x3  }
0x9c: {  	_ =	strace s3  }
0x9d: {  	_ =	strace $0x8FFFFFFF  }
0x9e: {  	s18 =	sld [smem:$0x3FDB];
	_ =	sdelay $0x1  }
0x9f: {  	s19 =	simm.s32 $_scs_section_size  }
0xa0: {  	s5 =	simm.s32 $_size__tile_overlayer_lowered;
	s6 =	simm.s32 $_tile_overlayer_lowered  }
0xa1: {  	s22 =	simm.s32 $0x1BFF;
	s21 =	sshll.u32 s6, $0x1;
	s3 =	sadd.s32 s19, s18  }
0xa2: {  	s7 =	simm.s32 $0x0;
	s20 =	sshll.u32 s5, $0x1;
	s5 =	sadd.s32 s21, s3  }
0xa3: {  	[timem:s7], [sflag:s22] =	dma.local [hbm:s5], s20  }
0xa4: {  	_ =	swait.ge [sflag:s22], s20  }
0xa5: {  	s4 =	ssub.s32 $0x0, s20;
	[sflag:s22] =	ssyncset.done $0x0  }
0xa6: {  	[sflag:s22] =	ssyncadd.s32 s4;
	_ =	sdelay $0x1  }
0xa7: {  	s23 =	simm.s32 $0x1B8B  }
0xa8: {  	_ =	swait.ge [sflag:s23], $0x1  }
0xa9: {  	[sflag:s23] =	ssyncset.done $0x0  }
0xaa: {  	s25 =	simm.s32 $0x1B8E;
	s24 =	sld [smem:$0x3FFE];
	[sflag:s23] =	ssyncadd.s32 $0xFFFFFFFF  }
0xab: {  	s26 =	simm.s32 $execute0_lowered;
	[smem:$0x3FD2] =	sst s25  }
0xac: {  	s5 =	sshll.u32 s26, $0x1;
	_ =	strace $0x80000049;
	[dreg:$0x1] =	wrdreg $0xFFFFFFFF  }
0xad: {  	s28 =	simm.s32 $_size_execute0_lowered;
	s3 =	sadd.s32 s3, s5;
	[dreg:$0x0] =	wrdreg $0x0  }
0xae: {  	s5 =	sshll.u32 s28, $0x1;
	[dreg:$0x2] =	wrdreg s3  }
0xaf: {  	[dreg:$0x3] =	wrdreg s5  }
0xb0: {  	[dreg:$0x4] =	wrdreg $0xC0  }
0xb1: {  	_ =	task [dreg:s7], $0x5FFFF  }
0xb2: {  	[dreg:$0x1] =	wrdreg $0xFFFFFFFF  }
0xb3: {  	[dreg:$0x0] =	wrdreg $0x60  }
0xb4: {  	[dreg:$0x2] =	wrdreg s24  }
0xb5: {  	[dreg:$0x3] =	wrdreg s16  }
0xb6: {  	[dreg:$0x4] =	wrdreg $0x0  }
0xb7: {  	[dreg:$0x5] =	wrdreg $0x9  }
0xb8: {  	_ =	task.clear_ibuf [dreg:s7], $0x6FFFF;
	_ =	strace $0x90000049  }
0xb9: {  	s29 =	simm.s32 $0x9;
	_ =	strace $0x8000004B  }
0xba: {  	_ =	swait.ge [sflag:s29], $0x1  }
0xbb: {  	[sflag:s29] =	ssyncadd.s32 $0xFFFFFFFF  }
0xbc: {  	_ =	strace $0x9000004B  }
0xbd: {  	_ =	sfence  }
0xbe: {  	s30 =	sld [smem:$0x0];
	_ =	sdelay $0x2  }
0xbf: {  	s31 =	sshll.u32 s1, $0xD;
	s1 =	sshrl.u32 s1, $0x2  }
0xc0: {  	s3 =	sand.u32 $0x4000, s31;
	s1 =	sadd.s32 s1, s30  }
0xc1: {  	s0 =	sor.u32 s3, s0;
	s1 =	sshll.u32 s1, $0x11  }
0xc2: {  	s0 =	sor.u32 s1, s0  }
0xc3: {  	s0 =	sadd.s32 $0x8F2B, s0  }
0xc4: {  	[sflag:s0] =	ssyncadd.remote.s32 $0x1  }
0xc5: {  	_ =	sfence.sel $0xFFFF  }
0xc6: {  	[dreg:$0x0] =	wrdreg $0xFFFFFFFF;
	(pc) =	sbr.abs _section_cstart, $3  }
0xc7: {  	[dreg:$0x1] =	wrdreg $0xFFFFFFFF  }
0xc8: {  	_ =	task.clear_ibuf [dreg:s7], $0x2FFFF;
	_ =	strace $0x9FFFFFFF  }
0xc9: {  	(tm) =	ssettm $0x7FFFFFFF  }
tec
execute0_lowered:
.L_overlay_start_1:
0x0: {  	(tag) =	ssettag $0x1  }
0x1: {  	s0 =	rddreg [dreg:$0x0]  }
0x2: {  	s1 =	rddreg [dreg:$0x1]  }
0x3: {  	s3 =	rddreg [dreg:$0x2]  }
0x4: {  	s4 =	simm.s32 $0x0;
	s14 =	stileid.u32;
	s2 =	srdreg.scid  }
0x5: {  	s28 =	simm.s32 $0x19400;
	s29 =	simm.s32 $0x3;
	s30 =	simm.s32 $0x1BC00  }
0x6: {  	s31 =	simm.s32 $0x0;
	[smem:$0x7FF] =	sst s4;
	s6 =	smul.u32 $0x50000, s14  }
0x7: {  	s2 =	sand.u32 $0x1, s2;
	s5 =	sadd.s32 $0xBA00, s0;
	s11 =	sadd.s32 $0x12D400, s3  }
0x8: {  	s10 =	sadd.s32 $0x12C000, s3;
	s12 =	smul.u32 $0x2710, s14;
	s13 =	sadd.s32 $0x12FC00, s3  }
0x9: {  	p0 =	seq.s32 s14, $0xF;
	_ =	strace $0x8000004A;
	s8 =	smul.u32 $0x27100, s2  }
0xa: {  	s2 =	ssub.s32 $0x2, s2;
	s7 =	sshrl.u32 s6, $0x2;
	s6 =	sadd.s32 $0x1C00, s0  }
0xb: {  	s9 =	sshrl.u32 s2, $0x1;
	s7 =	sadd.s32 s7, s3;
	s0 =	sadd.s32 s8, s0  }
0xc: {  	s2 =	ssub.s32 s2, s9;
	s9 =	sadd.s32 $0x12E800, s3;
	s18 =	sadd.s32 s12, s8  }
0xd: {  	s8 =	sadd.s32 $0x131000, s3;
	s12 =	sadd.s32 $0x136000, s3;
	s15 =	sadd.s32 $0x7800, s7  }
0xe: {  	s16 =	sadd.s32 $0x8C00, s7;
	s17 =	sadd.s32 $0xA000, s7;
	s19 =	sadd.s32 $0xB400, s7  }
0xf: {  	s20 =	sadd.s32 $0xC800, s7;
	s21 =	sadd.s32 $0xDC00, s7;
	s22 =	sadd.s32 $0xF000, s7  }
0x10: {  	s23 =	sadd.s32 $0x10400, s7;
	s2 =	smax.u32 s2, $0x1;
	[dreg:$0x4] =	wrdreg s7  }
0x11: {  	s24 =	sadd.s32 $0x11800, s7;
	s26 =	sadd.s32 $0x6400, s7;
	[dreg:$0x14] =	wrdreg s2  }
0x12: {  	s25 =	sadd.s32 $0x12C00, s7;
	s15 =	smov.u32 @p0 s10;
	[dreg:$0x1c] =	wrdreg s26  }
0x13: {  	s10 =	sadd.s32 $0x132400, s3;
	s16 =	smov.u32 @p0 s11;
	[dreg:$0x5] =	wrdreg s15  }
0x14: {  	s11 =	sadd.s32 $0x133800, s3;
	s17 =	smov.u32 @p0 s9;
	[dreg:$0x6] =	wrdreg s16  }
0x15: {  	s9 =	sadd.s32 $0x134C00, s3;
	s19 =	smov.u32 @p0 s13;
	[dreg:$0x7] =	wrdreg s17  }
0x16: {  	s20 =	smov.u32 @p0 s8;
	s8 =	sadd.s32 $0x137400, s3;
	[dreg:$0x8] =	wrdreg s19  }
0x17: {  	s13 =	sshrl.u32 s18, $0x3;
	s24 =	smov.u32 @p0 s12;
	[dreg:$0x9] =	wrdreg s20  }
0x18: {  	s12 =	simm.s32 $0x14000;
	s21 =	smov.u32 @p0 s10;
	[dreg:$0xd] =	wrdreg s24  }
0x19: {  	s26 =	simm.s32 $0x14380;
	s22 =	smov.u32 @p0 s11;
	[dreg:$0xa] =	wrdreg s21  }
0x1a: {  	s15 =	sadd.s32 s5, s13;
	s23 =	smov.u32 @p0 s9;
	[dreg:$0xb] =	wrdreg s22  }
0x1b: {  	s16 =	sadd.s32 $0xA, s13;
	s17 =	smul.u32 $0x4F000, s14;
	[dreg:$0xf] =	wrdreg s15  }
0x1c: {  	s10 =	sadd.s32 s6, s13;
	s25 =	smov.u32 @p0 s8;
	[dreg:$0xc] =	wrdreg s23  }
0x1d: {  	s9 =	smul.u32 $0x2780, s14;
	s8 =	sadd.s32 $0x128400, s3;
	[dreg:$0x10] =	wrdreg s10  }
0x1e: {  	s24 =	sadd.s32 $0x3C00, s7;
	s11 =	simm.s32 $0x4;
	[dreg:$0xe] =	wrdreg s25  }
0x1f: {  	s13 =	simm.s32 $0x14200;
	s19 =	sadd.s32 s5, s16;
	[dreg:$0x1a] =	wrdreg s24  }
0x20: {  	s14 =	simm.s32 $0x14080;
	s20 =	sadd.s32 s6, s16;
	[dreg:$0x11] =	wrdreg s19  }
0x21: {  	s10 =	sadd.s32 $0x15800, s0;
	s2 =	sshrl.u32 @p0 s8, $0x3;
	[dreg:$0x12] =	wrdreg s20  }
0x22: {  	s22 =	sadd.s32 $0x1400, s7;
	s23 =	sadd.s32 $0x2800, s7;
	[dreg:$0x15] =	wrdreg s2  }
0x23: {  	s25 =	sadd.s32 $0x5000, s7;
	s8 =	sadd.s32 $0x140, s18;
	[dreg:$0x13] =	wrdreg s10  }
0x24: {  	s15 =	simm.s32 $0x14280;
	s16 =	simm.s32 $0x1;
	[dreg:$0x18] =	wrdreg s22  }
0x25: {  	s24 =	simm.s32 $0x2;
	s21 =	sshrl.u32 s17, $0x2;
	[dreg:$0x19] =	wrdreg s23  }
.Ltmp0:
0x26: {  	s2 =	sadd.s32 @!p0 s9, s10;
	[dreg:$0x1b] =	wrdreg s25;
	(pc) =	sbr.rel .LBB2_1-.Ltmp0, $4  }
0x27: {  	s9 =	sadd.s32 $0x190, s18;
	s10 =	simm.s32 $0x1E400;
	s17 =	simm.s32 $0x50  }
0x28: {  	s19 =	simm.s32 $0x14400;
	s20 =	simm.s32 $0x14100;
	s0 =	sadd.s32 s21, s3  }
0x29: {  	s22 =	simm.s32 $0x16C00;
	[dreg:$0x16] =	wrdreg s2;
	s0 =	sshrl.u32 @!p0 s0, $0x3  }
0x2a: {  	v0 =	vimm.f32 $0.0e+00;
	s25 =	simm.s32 $0x14180;
	s21 =	simm.s32 $0x14300;
	[dreg:$0x17] =	wrdreg s0  }
.LBB2_6:
0x2b: {  	_ =	swait.ge [sflag:s16], $0x50  }
0x2c: {  	[sflag:s16] =	ssyncset.done $0x0  }
0x2d: {  	[sflag:s16] =	ssyncadd.s32 $0xFFFFFFB0  }
0x2e: {  	_ =	swait.ge [sflag:s16], $0x50  }
0x2f: {  	[sflag:s16] =	ssyncset.done $0x0  }
0x30: {  	[sflag:s16] =	ssyncadd.s32 $0xFFFFFFB0  }
0x31: {  	[tilespmem:s19], [sflag:$0x2] =	stream.indirect.gather [hbm4b:s1+s17], $0x80, s12, s17, $0xb8;
	[tilespmem:$0x1F800] =	vst v63  }
0x32: {  	_ =	swait.ge [sflag:s24], $0x2800  }
0x33: {  	[sflag:s24] =	ssyncset.done $0x0  }
0x34: {  	[sflag:s24] =	ssyncadd.s32 $0xFFFFD800  }
0x35: {  	[spmem:s3] =	stream.indirect.scatter.add.f32 [tilespmem:s30], [sflag:$0x3], $0x80, s26, s17, $0xb8;
	[tilespmem:$0x1F800] =	vst v63  }
0x36: {  	_ =	swait.ge [sflag:s29], $0x2800  }
0x37: {  	[sflag:s29] =	ssyncset.done $0x0  }
0x38: {  	[sflag:s29] =	ssyncadd.s32 $0xFFFFD800  }
0x39: {  	_ =	swait.ge [sflag:s24], $0x2800  }
0x3a: {  	[sflag:s24] =	ssyncset.done $0x0  }
0x3b: {  	[sflag:s24] =	ssyncadd.s32 $0xFFFFD800  }
0x3c: {  	[spmem:s3] =	stream.indirect.scatter.add.f32 [tilespmem:s19], [sflag:$0x3], $0x80, s13, s17, $0xb8;
	[tilespmem:$0x1F800] =	vst v63  }
0x3d: {  	_ =	swait.ge [sflag:s29], $0x2800  }
0x3e: {  	[sflag:s29] =	ssyncset.done $0x0  }
0x3f: {  	[sflag:s29] =	ssyncadd.s32 $0xFFFFD800  }
0x40: {  	_ =	swait.ge [sflag:s29], $0x2800  }
0x41: {  	[sflag:s29] =	ssyncset.done $0x0  }
0x42: {  	[sflag:s29] =	ssyncadd.s32 $0xFFFFD800  }
0x43: {  	[bflag:$0x0] =	sbarrier.arrive $0xFFFF  }
0x44: {  	s0 =	rddreg [dreg:$0x13]  }
0x45: {  	s2 =	simm.s32 @p0 $0x1FC4;
	s7 =	rddreg [dreg:$0x15];
	s0 =	sadd.s32 @p0 $0x25080, s0  }
0x46: {  	[hbm:s0], [sflag:s2] =	dma.local @p0 [spmem:s7], $0x2080  }
0x47: {  	s0 =	simm.s32 @p0 $0x4  }
0x48: {  	s2 =	stileid.u32;
	_ =	swait.ge @p0 [sflag:s0], $0x2080  }
0x49: {  	s2 =	sshll.u32 @!p0 s2, $0x6;
	[sflag:s0] =	ssyncset.done @p0 $0x0;
	s7 =	rddreg [dreg:$0x17]  }
0x4a: {  	[sflag:s0] =	ssyncadd.s32 @p0 $0xFFFFDF80;
	s0 =	sor.u32 @!p0 $0x1C04, s2;
	s2 =	rddreg [dreg:$0x16]  }
0x4b: {  	[hbm:s2], [sflag:s0] =	dma.local @!p0 [spmem:s7], $0x2780  }
0x4c: {  	s0 =	simm.s32 @!p0 $0x4  }
0x4d: {  	_ =	swait.ge @!p0 [sflag:s0], $0x2780  }
0x4e: {  	s31 =	sadd.s32 $0x1, s31;
	s23 =	rddreg [dreg:$0x14]  }
0x4f: {  	p1 =	sne.s32 s31, s23  }
.Ltmp1:
0x50: {  	_ = 	snop;
	(pc) =	sbr.rel @!p1 .LBB2_7-.Ltmp1, $3  }
0x51: {  	_ =	sdelay $0x1  }
0x52: {  	[sflag:s0] =	ssyncset.done @!p0 $0x0  }
0x53: {  	[sflag:s0] =	ssyncadd.s32 @!p0 $0xFFFFD880  }
.LBB2_1:
0x54: {  	s0 =	simm.s32 $0x0;
	s23 =	simm.s32 $0x200  }
.LBB2_2:
0x55: {  	p1 =	sne.s32 s23, $0x4E00;
	[tilespmem:s0+$0x1E470] =	vst v0  }
0x56: {  	[tilespmem:s0+$0x1E400] =	vst v0  }
0x57: {  	[tilespmem:s0+$0x1E410] =	vst v0  }
.Ltmp2:
0x58: {  	[tilespmem:s0+$0x1E420] =	vst v0;
	(pc) =	sbr.rel @p1 .LBB2_2-.Ltmp2, $4  }
0x59: {  	[tilespmem:s0+$0x1E430] =	vst v0  }
0x5a: {  	[tilespmem:s0+$0x1E440] =	vst v0  }
0x5b: {  	[tilespmem:s0+$0x1E450] =	vst v0  }
0x5c: {  	[tilespmem:s0+$0x1E460] =	vst v0;
	s0 =	sshra.s32 s23, $0x2;
	s23 =	sadd.s32 $0x200, s23  }
0x5d: {  	[tilespmem:s0+$0x1E470] =	vst v0  }
0x5e: {  	[tilespmem:s0+$0x1E400] =	vst v0  }
0x5f: {  	[tilespmem:s0+$0x1E410] =	vst v0  }
0x60: {  	[tilespmem:s0+$0x1E420] =	vst v0  }
0x61: {  	[tilespmem:s0+$0x1E430] =	vst v0  }
0x62: {  	[tilespmem:s0+$0x1E440] =	vst v0  }
0x63: {  	[tilespmem:s0+$0x1E450] =	vst v0  }
0x64: {  	[tilespmem:s0+$0x1E460] =	vst v0;
	s0 =	simm.s32 @!p0 $0x1E400;
	s2 =	rddreg [dreg:$0x4];
	s23 =	simm.s32 @!p0 $0x4  }
0x65: {  	[spmem:s2] =	stream.linear.scatter @!p0 [tilespmem:s0], [sflag:$0x4], $0x1400, $0x38;
	[tilespmem:$0x1F800] =	vst v63  }
0x66: {  	_ =	swait.ge @!p0 [sflag:s23], $0x1400  }
0x67: {  	[sflag:s23] =	ssyncset.done @!p0 $0x0  }
0x68: {  	s2 =	rddreg [dreg:$0x18];
	[sflag:s23] =	ssyncadd.s32 @!p0 $0xFFFFEC00  }
0x69: {  	[spmem:s2] =	stream.linear.scatter @!p0 [tilespmem:s0], [sflag:$0x4], $0x1400, $0x38;
	[tilespmem:$0x1F800] =	vst v63  }
0x6a: {  	_ =	swait.ge @!p0 [sflag:s23], $0x1400  }
0x6b: {  	[sflag:s23] =	ssyncset.done @!p0 $0x0  }
0x6c: {  	s2 =	rddreg [dreg:$0x19];
	[sflag:s23] =	ssyncadd.s32 @!p0 $0xFFFFEC00  }
0x6d: {  	[spmem:s2] =	stream.linear.scatter @!p0 [tilespmem:s0], [sflag:$0x4], $0x1400, $0x38;
	[tilespmem:$0x1F800] =	vst v63  }
0x6e: {  	_ =	swait.ge @!p0 [sflag:s23], $0x1400  }
0x6f: {  	[sflag:s23] =	ssyncset.done @!p0 $0x0  }
0x70: {  	s2 =	rddreg [dreg:$0x1a];
	[sflag:s23] =	ssyncadd.s32 @!p0 $0xFFFFEC00  }
0x71: {  	[spmem:s2] =	stream.linear.scatter @!p0 [tilespmem:s0], [sflag:$0x4], $0x1400, $0x38;
	[tilespmem:$0x1F800] =	vst v63  }
0x72: {  	_ =	swait.ge @!p0 [sflag:s23], $0x1400  }
0x73: {  	[sflag:s23] =	ssyncset.done @!p0 $0x0  }
0x74: {  	s2 =	rddreg [dreg:$0x1b];
	[sflag:s23] =	ssyncadd.s32 @!p0 $0xFFFFEC00  }
0x75: {  	[spmem:s2] =	stream.linear.scatter @!p0 [tilespmem:s0], [sflag:$0x4], $0x1400, $0x38;
	[tilespmem:$0x1F800] =	vst v63  }
0x76: {  	_ =	swait.ge @!p0 [sflag:s23], $0x1400  }
0x77: {  	[sflag:s23] =	ssyncset.done @!p0 $0x0  }
0x78: {  	s2 =	rddreg [dreg:$0x1c];
	[sflag:s23] =	ssyncadd.s32 @!p0 $0xFFFFEC00  }
0x79: {  	[spmem:s2] =	stream.linear.scatter @!p0 [tilespmem:s0], [sflag:$0x4], $0x1400, $0x38;
	[tilespmem:$0x1F800] =	vst v63  }
0x7a: {  	_ =	swait.ge @!p0 [sflag:s23], $0x1400  }
0x7b: {  	[sflag:s23] =	ssyncset.done @!p0 $0x0  }
0x7c: {  	s2 =	rddreg [dreg:$0x5];
	[sflag:s23] =	ssyncadd.s32 @!p0 $0xFFFFEC00  }
0x7d: {  	[spmem:s2] =	stream.linear.scatter [tilespmem:s10], [sflag:$0x4], $0x1400, $0x38;
	[tilespmem:$0x1F800] =	vst v63  }
0x7e: {  	_ =	swait.ge [sflag:s11], $0x1400  }
0x7f: {  	[sflag:s11] =	ssyncset.done $0x0  }
0x80: {  	s7 =	rddreg [dreg:$0x6];
	[sflag:s11] =	ssyncadd.s32 $0xFFFFEC00  }
0x81: {  	[spmem:s7] =	stream.linear.scatter [tilespmem:s10], [sflag:$0x4], $0x1400, $0x38;
	[tilespmem:$0x1F800] =	vst v63  }
0x82: {  	_ =	swait.ge [sflag:s11], $0x1400  }
0x83: {  	[sflag:s11] =	ssyncset.done $0x0  }
0x84: {  	s23 =	rddreg [dreg:$0x7];
	[sflag:s11] =	ssyncadd.s32 $0xFFFFEC00  }
0x85: {  	[spmem:s23] =	stream.linear.scatter [tilespmem:s10], [sflag:$0x4], $0x1400, $0x38;
	[tilespmem:$0x1F800] =	vst v63  }
0x86: {  	_ =	swait.ge [sflag:s11], $0x1400  }
0x87: {  	[sflag:s11] =	ssyncset.done $0x0  }
0x88: {  	s2 =	rddreg [dreg:$0x8];
	[sflag:s11] =	ssyncadd.s32 $0xFFFFEC00  }
0x89: {  	[spmem:s2] =	stream.linear.scatter [tilespmem:s10], [sflag:$0x4], $0x1400, $0x38;
	[tilespmem:$0x1F800] =	vst v63  }
0x8a: {  	_ =	swait.ge [sflag:s11], $0x1400  }
0x8b: {  	[sflag:s11] =	ssyncset.done $0x0  }
0x8c: {  	s7 =	rddreg [dreg:$0x9];
	[sflag:s11] =	ssyncadd.s32 $0xFFFFEC00  }
0x8d: {  	[spmem:s7] =	stream.linear.scatter [tilespmem:s10], [sflag:$0x4], $0x1400, $0x38;
	[tilespmem:$0x1F800] =	vst v63  }
0x8e: {  	_ =	swait.ge [sflag:s11], $0x1400  }
0x8f: {  	[sflag:s11] =	ssyncset.done $0x0  }
0x90: {  	s23 =	rddreg [dreg:$0xa];
	[sflag:s11] =	ssyncadd.s32 $0xFFFFEC00  }
0x91: {  	[spmem:s23] =	stream.linear.scatter [tilespmem:s10], [sflag:$0x4], $0x1400, $0x38;
	[tilespmem:$0x1F800] =	vst v63  }
0x92: {  	_ =	swait.ge [sflag:s11], $0x1400  }
0x93: {  	[sflag:s11] =	ssyncset.done $0x0  }
0x94: {  	s2 =	rddreg [dreg:$0xb];
	[sflag:s11] =	ssyncadd.s32 $0xFFFFEC00  }
0x95: {  	[spmem:s2] =	stream.linear.scatter [tilespmem:s10], [sflag:$0x4], $0x1400, $0x38;
	[tilespmem:$0x1F800] =	vst v63  }
0x96: {  	_ =	swait.ge [sflag:s11], $0x1400  }
0x97: {  	[sflag:s11] =	ssyncset.done $0x0  }
0x98: {  	s7 =	rddreg [dreg:$0xc];
	[sflag:s11] =	ssyncadd.s32 $0xFFFFEC00  }
0x99: {  	[spmem:s7] =	stream.linear.scatter [tilespmem:s10], [sflag:$0x4], $0x1400, $0x38;
	[tilespmem:$0x1F800] =	vst v63  }
0x9a: {  	_ =	swait.ge [sflag:s11], $0x1400  }
0x9b: {  	[sflag:s11] =	ssyncset.done $0x0  }
0x9c: {  	s23 =	rddreg [dreg:$0xd];
	[sflag:s11] =	ssyncadd.s32 $0xFFFFEC00  }
0x9d: {  	[spmem:s23] =	stream.linear.scatter [tilespmem:s10], [sflag:$0x4], $0x1400, $0x38;
	[tilespmem:$0x1F800] =	vst v63  }
0x9e: {  	_ =	swait.ge [sflag:s11], $0x1400  }
0x9f: {  	[sflag:s11] =	ssyncset.done $0x0  }
0xa0: {  	s2 =	rddreg [dreg:$0xe];
	[sflag:s11] =	ssyncadd.s32 $0xFFFFEC00  }
0xa1: {  	[spmem:s2] =	stream.linear.scatter [tilespmem:s10], [sflag:$0x4], $0x1400, $0x38;
	[tilespmem:$0x1F800] =	vst v63  }
0xa2: {  	_ =	swait.ge [sflag:s11], $0x1400  }
0xa3: {  	[sflag:s11] =	ssyncset.done $0x0  }
0xa4: {  	[sflag:s11] =	ssyncadd.s32 $0xFFFFEC00  }
0xa5: {  	[bflag:$0x0] =	sbarrier.arrive $0xFFFF  }
0xa6: {  	s0 =	simm.s32 $0x0;
	s7 =	rddreg [dreg:$0xf]  }
0xa7: {  	[tilespmem:s12], [sflag:$0x1] =	stream.linear.gather [hbm4b:s7+s0], $0x50, $0x38;
	[tilespmem:$0x1F800] =	vst v63  }
0xa8: {  	s23 =	rddreg [dreg:$0x10]  }
0xa9: {  	[tilespmem:s13], [sflag:$0x1] =	stream.linear.gather [hbm4b:s23+s0], $0x50, $0x38;
	[tilespmem:$0x1F800] =	vst v63  }
0xaa: {  	s7 =	rddreg [dreg:$0x11]  }
0xab: {  	[tilespmem:s14], [sflag:$0x1] =	stream.linear.gather [hbm4b:s7+s0], $0x50, $0x38;
	[tilespmem:$0x1F800] =	vst v63  }
0xac: {  	s23 =	rddreg [dreg:$0x12]  }
0xad: {  	[tilespmem:s15], [sflag:$0x1] =	stream.linear.gather [hbm4b:s23+s0], $0x50, $0x38;
	[tilespmem:$0x1F800] =	vst v63  }
.LBB2_4:
0xae: {  	_ =	swait.ge [sflag:s16], $0x50  }
0xaf: {  	[sflag:s16] =	ssyncset.done $0x0  }
0xb0: {  	[sflag:s16] =	ssyncadd.s32 $0xFFFFFFB0  }
0xb1: {  	_ =	swait.ge [sflag:s16], $0x50  }
0xb2: {  	p1 =	seq.s32 s0, $0x0;
	[sflag:s16] =	ssyncset.done $0x0  }
0xb3: {  	s23 =	simm.s32 @!p1 $0x2;
	[sflag:s16] =	ssyncadd.s32 $0xFFFFFFB0  }
0xb4: {  	[tilespmem:s19], [sflag:$0x2] =	stream.indirect.gather [hbm4b:s1+s17], $0x80, s12, s17, $0xb8;
	[tilespmem:$0x1F800] =	vst v63  }
0xb5: {  	_ =	swait.ge @!p1 [sflag:s23], $0x2800  }
0xb6: {  	s2 =	simm.s32 @!p1 $0x14380;
	[sflag:s23] =	ssyncset.done @!p1 $0x0  }
0xb7: {  	s7 =	simm.s32 @!p1 $0x1BC00;
	[sflag:s23] =	ssyncadd.s32 @!p1 $0xFFFFD800;
	s23 =	simm.s32 @!p1 $0x50  }
0xb8: {  	[spmem:s3] =	stream.indirect.scatter.add.f32 @!p1 [tilespmem:s7], [sflag:$0x3], $0x80, s2, s23, $0xb8;
	[tilespmem:$0x1F800] =	vst v63  }
0xb9: {  	s2 =	sadd.s32 @!p1 $0xA0, s0  }
0xba: {  	s7 =	simm.s32 @!p1 $0x3;
	s2 =	simm.s32 @p1 $0xA0  }
0xbb: {  	_ =	swait.ge @!p1 [sflag:s7], $0x2800;
	s2 =	sadd.s32 s18, s2  }
0xbc: {  	[sflag:s7] =	ssyncset.done @!p1 $0x0;
	s2 =	sshrl.u32 s2, $0x3  }
0xbd: {  	[sflag:s7] =	ssyncadd.s32 @!p1 $0xFFFFD800;
	s23 =	sadd.s32 s5, s2  }
0xbe: {  	[tilespmem:s20], [sflag:$0x1] =	stream.linear.gather [hbm4b:s23+s4], $0x50, $0x38;
	[tilespmem:$0x1F800] =	vst v63  }
0xbf: {  	s2 =	sadd.s32 s6, s2  }
0xc0: {  	[tilespmem:s21], [sflag:$0x1] =	stream.linear.gather [hbm4b:s2+s4], $0x50, $0x38;
	[tilespmem:$0x1F800] =	vst v63  }
0xc1: {  	_ =	swait.ge [sflag:s16], $0x50  }
0xc2: {  	[sflag:s16] =	ssyncset.done $0x0  }
0xc3: {  	[sflag:s16] =	ssyncadd.s32 $0xFFFFFFB0  }
0xc4: {  	_ =	swait.ge [sflag:s16], $0x50  }
0xc5: {  	[sflag:s16] =	ssyncset.done $0x0  }
0xc6: {  	[sflag:s16] =	ssyncadd.s32 $0xFFFFFFB0  }
0xc7: {  	[tilespmem:s22], [sflag:$0x2] =	stream.indirect.gather [hbm4b:s1+s17], $0x80, s14, s17, $0xb8;
	[tilespmem:$0x1F800] =	vst v63  }
0xc8: {  	_ =	swait.ge [sflag:s24], $0x2800  }
0xc9: {  	s2 =	sadd.s32 @!p1 $0xF0, s0;
	[sflag:s24] =	ssyncset.done $0x0  }
0xca: {  	s2 =	simm.s32 @p1 $0xF0;
	[sflag:s24] =	ssyncadd.s32 $0xFFFFD800  }
0xcb: {  	[spmem:s3] =	stream.indirect.scatter.add.f32 [tilespmem:s19], [sflag:$0x3], $0x80, s13, s17, $0xb8;
	[tilespmem:$0x1F800] =	vst v63  }
0xcc: {  	s2 =	sadd.s32 s18, s2;
	_ =	swait.ge @!p1 [sflag:s7], $0x2800  }
0xcd: {  	s2 =	sshrl.u32 s2, $0x3;
	[sflag:s7] =	ssyncset.done @!p1 $0x0  }
0xce: {  	s23 =	sadd.s32 s5, s2;
	[sflag:s7] =	ssyncadd.s32 @!p1 $0xFFFFD800  }
0xcf: {  	[tilespmem:s25], [sflag:$0x1] =	stream.linear.gather [hbm4b:s23+s4], $0x50, $0x38;
	[tilespmem:$0x1F800] =	vst v63  }
0xd0: {  	s2 =	sadd.s32 s6, s2  }
0xd1: {  	[tilespmem:s26], [sflag:$0x1] =	stream.linear.gather [hbm4b:s2+s4], $0x50, $0x38;
	[tilespmem:$0x1F800] =	vst v63  }
0xd2: {  	_ =	swait.ge [sflag:s16], $0x50  }
0xd3: {  	[sflag:s16] =	ssyncset.done $0x0  }
0xd4: {  	[sflag:s16] =	ssyncadd.s32 $0xFFFFFFB0  }
0xd5: {  	_ =	swait.ge [sflag:s16], $0x50  }
0xd6: {  	[sflag:s16] =	ssyncset.done $0x0  }
0xd7: {  	[sflag:s16] =	ssyncadd.s32 $0xFFFFFFB0  }
0xd8: {  	[tilespmem:s28], [sflag:$0x2] =	stream.indirect.gather [hbm4b:s1+s17], $0x80, s20, s17, $0xb8;
	[tilespmem:$0x1F800] =	vst v63  }
0xd9: {  	_ =	swait.ge [sflag:s24], $0x2800  }
0xda: {  	s23 =	smov.u32 s0;
	[sflag:s24] =	ssyncset.done $0x0  }
0xdb: {  	s23 =	simm.s32 @p1 $0x0;
	[sflag:s24] =	ssyncadd.s32 $0xFFFFD800  }
0xdc: {  	[spmem:s3] =	stream.indirect.scatter.add.f32 [tilespmem:s22], [sflag:$0x3], $0x80, s15, s17, $0xb8;
	[tilespmem:$0x1F800] =	vst v63  }
0xdd: {  	s7 =	sadd.s32 s23, s8;
	_ =	swait.ge [sflag:s29], $0x2800  }
0xde: {  	s2 =	sshrl.u32 s7, $0x3;
	[sflag:s29] =	ssyncset.done $0x0  }
0xdf: {  	s7 =	sadd.s32 s5, s2;
	[sflag:s29] =	ssyncadd.s32 $0xFFFFD800  }
0xe0: {  	[tilespmem:s12], [sflag:$0x1] =	stream.linear.gather [hbm4b:s7+s4], $0x50, $0x38;
	[tilespmem:$0x1F800] =	vst v63  }
0xe1: {  	s2 =	sadd.s32 s6, s2  }
0xe2: {  	[tilespmem:s13], [sflag:$0x1] =	stream.linear.gather [hbm4b:s2+s4], $0x50, $0x38;
	[tilespmem:$0x1F800] =	vst v63  }
0xe3: {  	_ =	swait.ge [sflag:s16], $0x50  }
0xe4: {  	[sflag:s16] =	ssyncset.done $0x0  }
0xe5: {  	[sflag:s16] =	ssyncadd.s32 $0xFFFFFFB0  }
0xe6: {  	_ =	swait.ge [sflag:s16], $0x50  }
0xe7: {  	[sflag:s16] =	ssyncset.done $0x0  }
0xe8: {  	[sflag:s16] =	ssyncadd.s32 $0xFFFFFFB0  }
0xe9: {  	[tilespmem:s30], [sflag:$0x2] =	stream.indirect.gather [hbm4b:s1+s17], $0x80, s25, s17, $0xb8;
	[tilespmem:$0x1F800] =	vst v63  }
0xea: {  	_ =	swait.ge [sflag:s24], $0x2800  }
0xeb: {  	p1 =	seq.s32 s0, $0x2580;
	[sflag:s24] =	ssyncset.done $0x0  }
.Ltmp3:
0xec: {  	[sflag:s24] =	ssyncadd.s32 $0xFFFFD800;
	(pc) =	sbr.rel @p1 .LBB2_6-.Ltmp3, $4  }
0xed: {  	[spmem:s3] =	stream.indirect.scatter.add.f32 [tilespmem:s28], [sflag:$0x3], $0x80, s21, s17, $0xb8;
	[tilespmem:$0x1F800] =	vst v63  }
0xee: {  	_ =	swait.ge [sflag:s29], $0x2800  }
0xef: {  	[sflag:s29] =	ssyncset.done $0x0  }
0xf0: {  	[sflag:s29] =	ssyncadd.s32 $0xFFFFD800  }
0xf1: {  	s2 =	sadd.s32 s23, s9  }
.Ltmp4:
0xf2: {  	s2 =	sshrl.u32 s2, $0x3;
	(pc) =	sbr.rel .LBB2_4-.Ltmp4, $4  }
0xf3: {  	s7 =	sadd.s32 s5, s2  }
0xf4: {  	[tilespmem:s14], [sflag:$0x1] =	stream.linear.gather [hbm4b:s7+s4], $0x50, $0x38;
	[tilespmem:$0x1F800] =	vst v63  }
0xf5: {  	s0 =	sadd.s32 $0x140, s0;
	s2 =	sadd.s32 s6, s2  }
0xf6: {  	[tilespmem:s15], [sflag:$0x1] =	stream.linear.gather [hbm4b:s2+s4], $0x50, $0x38;
	[tilespmem:$0x1F800] =	vst v63  }
.LBB2_7:
0xf7: {  	_ =	sfence.sel $0x180000  }
0xf8: {  	[bflag:$0x0] =	sbarrier.arrive $0xFFFF  }
0xf9: {  	_ =	strace $0x9000004A  }
0xfa: {  	s0 =	stileid.u32;
	[bflag:$0x2] =	sbarrier.arrive $0xFFFF  }
0xfb: {  	p0 =	sne.s32 s0, $0x0;
	s0 =	rddreg [dreg:$0x3]  }
0xfc: {  	s0 =	sadd.s32 @!p0 $0x100000, s0  }
0xfd: {  	[sflag:s0] =	ssyncadd.tile.s32 @!p0 $0x1;
	_ =	shalt  }
.Lfunc_end2:
_tile_overlayer_lowered:
.L_overlay_start_2:
0xfe: {  	(tag) =	ssettag $0x2  }
0xff: {  	s0 =	rddreg [dreg:$0x0];
	s2 =	stileid.u32  }
0x100: {  	s1 =	rddreg [dreg:$0x1];
	p0 =	sne.s32 s2, $0x0  }
0x101: {  	s3 =	rddreg [dreg:$0x2];
	[bflag:$0x3] =	sbarrier.arrive $0xFFFF;
	s2 =	simm.s32 @!p0 $0x1C04  }
0x102: {  	[timem:s3], [sflag:s2] =	dma.local @!p0 [hbm:s0], s1  }
0x103: {  	s0 =	simm.s32 @!p0 $0x4  }
0x104: {  	_ =	swait.ge @!p0 [sflag:s0], s1  }
0x105: {  	s1 =	ssub.s32 @!p0 $0x0, s1;
	[sflag:s0] =	ssyncset.done @!p0 $0x0  }
0x106: {  	[sflag:s0] =	ssyncadd.s32 @!p0 s1  }
0x107: {  	[bflag:$0x3] =	sbarrier.arrive $0xFFFF  }
0x108: {  	_ =	shalt  }

// kernel: kernel.7.cloned.1.call-start
scs
__scs_entry_jumppad:
0x0: {  	(pc) =	sbr.rel $0x88, $3  }
0x1: {  	(tag) =	ssettag $0x0;
	lr =	simm.s32 $0x1  }
0x2: {  	[smem:$0x3F95] =	sst lr;
	_ =	strace $0xD0000000  }
0x3: {  	_ = 	snop  }
0x4: {  	_ = 	snop  }
0x5: {  	_ = 	snop  }
0x6: {  	_ = 	snop  }
0x7: {  	_ = 	snop  }
__scs_overlays_trampoline_lowered:
0x8: {  	[smem:$0x3FA4] =	sst s0  }
0x9: {  	[smem:$0x3FA5] =	sst s1  }
0xa: {  	[smem:$0x3FA6] =	sst s2  }
0xb: {  	[smem:$0x3FA7] =	sst s3  }
0xc: {  	[smem:$0x3FA8] =	sst s4  }
0xd: {  	[smem:$0x3FA9] =	sst s5  }
0xe: {  	[smem:$0x3FAA] =	sst s6  }
0xf: {  	[smem:$0x3FAB] =	sst s7  }
0x10: {  	[smem:$0x3FAC] =	sst s8  }
0x11: {  	[smem:$0x3FAD] =	sst s9;
	s0 =	simm.s32 @!p0 $0x0  }
0x12: {  	s1 =	sld [smem:$0x3F93];
	s0 =	simm.s32 @p0 $0x1  }
0x13: {  	[smem:$0x3FAE] =	sst s0;
	s0 =	simm.s32 @!p1 $0x0  }
0x14: {  	s2 =	sld [smem:$0x3F92];
	s0 =	simm.s32 @p1 $0x1  }
0x15: {  	[smem:$0x3FAF] =	sst s0;
	s0 =	simm.s32 @!p2 $0x0  }
0x16: {  	s3 =	sld [smem:$0x3FDB];
	s0 =	simm.s32 @p2 $0x1  }
0x17: {  	s4 =	simm.s32 $0x1BF5;
	[smem:$0x3FB1] =	sst s0  }
0x18: {  	s0 =	sld [smem:$0x3F94];
	_ =	swait.ge [sflag:s4], $0x0  }
0x19: {  	s7 =	sld [smem:$0x3F95]  }
0x1a: {  	s8 =	sadd.s32 $0xFFFFE003, lr  }
0x1b: {  	s9 =	sadd.s32 $0xFFFFFEF7, lr;
	s5 =	simm.s32 $0xFFFFFFFF;
	p2 =	slt.u32 s8, $0xFFFFF086  }
0x1c: {  	p1 =	slt.u32 s9, $0xF7A;
	s5 =	simm.s32 @!p2 $0x0  }
0x1d: {  	s5 =	simm.s32 @p1 $0x1;
	p0 =	seq.s32 s7, s2  }
0x1e: {  	s7 =	smul.u32 @!p0 $0xF7A, s2;
	p2 =	seq.s32 @!p0 s5, $0x0  }
0x1f: {  	s9 =	smul.u32 $0xF7A, s1;
	s8 =	simm.s32 @!p0 $0x1BF5;
	p2 =	por !p2, p0  }
0x20: {  	[sflag:s8] =	ssyncset.s32 @!p0 $0xFFFFF086;
	s6 =	sadd.s32 @!p0 s3, s7;
	s7 =	simm.s32 @!p0 $0x108  }
0x21: {  	s3 =	sadd.s32 s3, s9;
	s6 =	sadd.s32 @!p0 $0x88, s6;
	s7 =	simm.s32 @p2 $0x1082  }
0x22: {  	[simem:s7], [sflag:s8] =	dma.local @!p0 [hbm:s6], $0xF7A  }
0x23: {  	s9 =	sor.u32 $0xD0000000, s2;
	s6 =	simm.s32 $0x108;
	_ =	swait.ge @!p0 [sflag:s8], $0x0  }
0x24: {  	s3 =	sadd.s32 $0x88, s3;
	s6 =	simm.s32 @!p1 $0x1082;
	[sflag:s4] =	ssyncset.s32 $0xFFFFF086  }
0x25: {  	[simem:s6], [sflag:s4] =	dma.local [hbm:s3], $0xF7A  }
0x26: {  	[smem:$0x3F95] =	sst s1;
	(tag) =	ssettag s2;
	_ =	strace s9  }
0x27: {  	s1 =	sld [smem:$0x3FA5]  }
0x28: {  	s2 =	sld [smem:$0x3FA6]  }
0x29: {  	s4 =	sld [smem:$0x3FA8]  }
0x2a: {  	p0 =	seq.s32 s5, $0x0;
	s5 =	sld [smem:$0x3FA9]  }
0x2b: {  	s6 =	sld [smem:$0x3FAA]  }
0x2c: {  	s7 =	sld [smem:$0x3FAB]  }
0x2d: {  	s3 =	simm.s32 $0x108;
	s8 =	sld [smem:$0x3FAC]  }
0x2e: {  	s3 =	simm.s32 @!p0 $0x1082;
	s9 =	sld [smem:$0x3FAD]  }
0x2f: {  	lr =	sadd.s32 s0, s3;
	s0 =	sld [smem:$0x3FA4]  }
0x30: {  	s3 =	sld [smem:$0x3FA7]  }
0x31: {  	[smem:$0x3FB0] =	sst s10  }
0x32: {  	s10 =	sld [smem:$0x3FAE];
	_ =	sdelay $0x3  }
0x33: {  	p0 =	seq.s32 s10, $0x1;
	s10 =	sld [smem:$0x3FB0];
	_ =	sdelay $0x3  }
0x34: {  	[smem:$0x3FB0] =	sst s10  }
0x35: {  	s10 =	sld [smem:$0x3FAF];
	_ =	sdelay $0x3  }
0x36: {  	p1 =	seq.s32 s10, $0x1;
	s10 =	sld [smem:$0x3FB0];
	_ =	sdelay $0x3  }
0x37: {  	[smem:$0x3FB0] =	sst s10  }
0x38: {  	s10 =	sld [smem:$0x3FB1]  }
0x39: {  	_ = 	snop;
	(pc) =	sbr.ind lr, $3  }
0x3a: {  	_ = 	snop  }
0x3b: {  	_ = 	snop  }
0x3c: {  	p2 =	seq.s32 s10, $0x1;
	s10 =	sld [smem:$0x3FB0]  }
0x3d: {  	_ =	shalt  }
0x3e: {  	_ =	shalt  }
0x3f: {  	_ =	shalt  }
0x40: {  	_ =	shalt  }
0x41: {  	_ =	shalt  }
0x42: {  	_ =	shalt  }
0x43: {  	_ =	shalt  }
0x44: {  	_ =	shalt  }
0x45: {  	_ =	shalt  }
0x46: {  	_ =	shalt  }
0x47: {  	_ =	shalt  }
0x48: {  	_ =	shalt  }
0x49: {  	_ =	shalt  }
0x4a: {  	_ =	shalt  }
0x4b: {  	_ =	shalt  }
0x4c: {  	_ =	shalt  }
0x4d: {  	_ =	shalt  }
0x4e: {  	_ =	shalt  }
0x4f: {  	_ =	shalt  }
0x50: {  	_ =	shalt  }
0x51: {  	_ =	shalt  }
0x52: {  	_ =	shalt  }
0x53: {  	_ =	shalt  }
0x54: {  	_ =	shalt  }
0x55: {  	_ =	shalt  }
0x56: {  	_ =	shalt  }
0x57: {  	_ =	shalt  }
0x58: {  	_ =	shalt  }
0x59: {  	_ =	shalt  }
0x5a: {  	_ =	shalt  }
0x5b: {  	_ =	shalt  }
0x5c: {  	_ =	shalt  }
0x5d: {  	_ =	shalt  }
0x5e: {  	_ =	shalt  }
0x5f: {  	_ =	shalt  }
0x60: {  	_ =	shalt  }
0x61: {  	_ =	shalt  }
0x62: {  	_ =	shalt  }
0x63: {  	_ =	shalt  }
0x64: {  	_ =	shalt  }
0x65: {  	_ =	shalt  }
0x66: {  	_ =	shalt  }
0x67: {  	_ =	shalt  }
0x68: {  	_ =	shalt  }
0x69: {  	_ =	shalt  }
0x6a: {  	_ =	shalt  }
0x6b: {  	_ =	shalt  }
0x6c: {  	_ =	shalt  }
0x6d: {  	_ =	shalt  }
0x6e: {  	_ =	shalt  }
0x6f: {  	_ =	shalt  }
0x70: {  	_ =	shalt  }
0x71: {  	_ =	shalt  }
0x72: {  	_ =	shalt  }
0x73: {  	_ =	shalt  }
0x74: {  	_ =	shalt  }
0x75: {  	_ =	shalt  }
0x76: {  	_ =	shalt  }
0x77: {  	_ =	shalt  }
0x78: {  	_ =	shalt  }
0x79: {  	_ =	shalt  }
0x7a: {  	_ =	shalt  }
0x7b: {  	_ =	shalt  }
0x7c: {  	_ =	shalt  }
0x7d: {  	_ =	shalt  }
0x7e: {  	_ =	shalt  }
0x7f: {  	_ =	shalt  }
0x80: {  	_ =	shalt  }
0x81: {  	_ =	shalt  }
0x82: {  	_ =	shalt  }
0x83: {  	_ =	shalt  }
0x84: {  	_ =	shalt  }
0x85: {  	_ =	shalt  }
0x86: {  	_ =	shalt  }
0x87: {  	_ =	shalt  }
.Lfunc_end0:
.L_simem_size_0:
called_computation_lowered:
.L_overlay_start_0:
0x88: {  	s2 =	sld [smem:$0x3FD9]  }
0x89: {  	s3 =	sld [smem:$0x3FFE];
	_ =	sdelay $0x1  }
0x8a: {  	s1 =	srdreg.scid  }
0x8b: {  	s0 =	sand.u32 $0x1, s1  }
0x8c: {  	s14 =	sshll.u32 s0, $0xA;
	s2 =	sadd.s32 s3, s2  }
0x8d: {  	s2 =	sadd.s32 s2, s14  }
0x8e: {  	[smem:$0x3FBC] =	sst s2  }
0x8f: {  	_ = 	snop  }
0x90: {  	s2 =	sld [smem:$0x3FD0];
	_ =	sdelay $0x1  }
0x91: {  	s15 =	sld [smem:$0x3FC7]  }
0x92: {  	s5 =	simm.s32 $0xA;
	s6 =	simm.s32 $0x10;
	s4 =	sld [smem:$0x3FC6]  }
0x93: {  	[smem:s6], [sflag:s5] =	dma.local [hbm:s2], $0x1  }
0x94: {  	_ =	swait.eq [sflag:s5], $0x1  }
0x95: {  	[sflag:s5] =	ssyncset.done $0x0  }
0x96: {  	s16 =	sld [smem:$0x10];
	[sflag:s5] =	ssyncadd.s32 $0xFFFFFFFF  }
0x97: {  	s17 =	sld [smem:$0x11];
	(tm) =	ssettm $0x1  }
0x98: {  	s18 =	sld [smem:$0x3FFB];
	_ =	sdelay $0x3  }
0x99: {  	_ =	strace s18  }
0x9a: {  	s6 =	sld [smem:$0x3FFC];
	_ =	sdelay $0x3  }
0x9b: {  	_ =	strace s6  }
0x9c: {  	s6 =	sld [smem:$0x3FFD];
	_ =	sdelay $0x3  }
0x9d: {  	_ =	strace s6  }
0x9e: {  	_ =	strace $0x8FFFFFFF  }
0x9f: {  	s19 =	sld [smem:$0x3FDB];
	_ =	sdelay $0x1  }
0xa0: {  	s7 =	simm.s32 $_scs_section_size  }
0xa1: {  	s8 =	simm.s32 $_size__tile_overlayer_lowered;
	s9 =	simm.s32 $_tile_overlayer_lowered  }
0xa2: {  	s22 =	simm.s32 $0x1BFF;
	s21 =	sshll.u32 s9, $0x1;
	s6 =	sadd.s32 s7, s19  }
0xa3: {  	s10 =	simm.s32 $0x0;
	s20 =	sshll.u32 s8, $0x1;
	s8 =	sadd.s32 s21, s6  }
0xa4: {  	[timem:s10], [sflag:s22] =	dma.local [hbm:s8], s20  }
0xa5: {  	_ =	swait.ge [sflag:s22], s20  }
0xa6: {  	s7 =	ssub.s32 $0x0, s20;
	[sflag:s22] =	ssyncset.done $0x0  }
0xa7: {  	[sflag:s22] =	ssyncadd.s32 s7;
	_ =	sdelay $0x1  }
0xa8: {  	s23 =	simm.s32 $0x1B8B  }
0xa9: {  	_ =	swait.ge [sflag:s23], $0x1  }
0xaa: {  	[sflag:s23] =	ssyncset.done $0x0  }
0xab: {  	s25 =	simm.s32 $0x1B8E;
	s24 =	sld [smem:$0x3FFE];
	[sflag:s23] =	ssyncadd.s32 $0xFFFFFFFF  }
0xac: {  	s26 =	simm.s32 $execute0_lowered;
	[smem:$0x3FD2] =	sst s25  }
0xad: {  	s8 =	sshll.u32 s26, $0x1;
	_ =	strace $0x80000046;
	[dreg:$0x1] =	wrdreg $0xFFFFFFFF  }
0xae: {  	s28 =	simm.s32 $_size_execute0_lowered;
	s6 =	sadd.s32 s6, s8;
	[dreg:$0x0] =	wrdreg $0x0  }
0xaf: {  	s8 =	sshll.u32 s28, $0x1;
	[dreg:$0x2] =	wrdreg s6  }
0xb0: {  	[dreg:$0x3] =	wrdreg s8  }
0xb1: {  	[dreg:$0x4] =	wrdreg $0xC0  }
0xb2: {  	_ =	task [dreg:s10], $0x5FFFF  }
0xb3: {  	[dreg:$0x1] =	wrdreg $0xFFFFFFFF  }
0xb4: {  	[dreg:$0x0] =	wrdreg $0x60  }
0xb5: {  	[dreg:$0x2] =	wrdreg s24  }
0xb6: {  	[dreg:$0x3] =	wrdreg s15  }
0xb7: {  	[dreg:$0x4] =	wrdreg s4  }
0xb8: {  	[dreg:$0x5] =	wrdreg s16  }
0xb9: {  	[dreg:$0x6] =	wrdreg s17  }
0xba: {  	[dreg:$0x7] =	wrdreg $0x0  }
0xbb: {  	[dreg:$0x8] =	wrdreg $0x140000  }
0xbc: {  	[dreg:$0x9] =	wrdreg $0x9  }
0xbd: {  	_ =	task.clear_ibuf [dreg:s10], $0xAFFFF;
	_ =	strace $0x90000046  }
0xbe: {  	s29 =	simm.s32 $0x9;
	_ =	strace $0x80000048  }
0xbf: {  	_ =	swait.ge [sflag:s29], $0x1  }
0xc0: {  	[sflag:s29] =	ssyncadd.s32 $0xFFFFFFFF  }
0xc1: {  	_ =	strace $0x90000048  }
0xc2: {  	_ =	sfence  }
0xc3: {  	s30 =	sld [smem:$0x0];
	_ =	sdelay $0x2  }
0xc4: {  	s31 =	sshll.u32 s1, $0xD;
	s1 =	sshrl.u32 s1, $0x2  }
0xc5: {  	s3 =	sand.u32 $0x4000, s31;
	s1 =	sadd.s32 s1, s30  }
0xc6: {  	s0 =	sor.u32 s3, s0;
	s1 =	sshll.u32 s1, $0x11  }
0xc7: {  	s0 =	sor.u32 s1, s0  }
0xc8: {  	s0 =	sadd.s32 $0x8F2B, s0  }
0xc9: {  	[sflag:s0] =	ssyncadd.remote.s32 $0x1  }
0xca: {  	_ =	sfence.sel $0xFFFF  }
0xcb: {  	[dreg:$0x0] =	wrdreg $0xFFFFFFFF;
	(pc) =	sbr.abs _section_cstart, $3  }
0xcc: {  	[dreg:$0x1] =	wrdreg $0xFFFFFFFF  }
0xcd: {  	_ =	task.clear_ibuf [dreg:s10], $0x2FFFF;
	_ =	strace $0x9FFFFFFF  }
0xce: {  	(tm) =	ssettm $0x7FFFFFFF  }
0xcf: {  	_ =	shalt  }
tec
execute0_lowered:
.L_overlay_start_1:
0x0: {  	(tag) =	ssettag $0x1  }
0x1: {  	s7 =	rddreg [dreg:$0x0]  }
0x2: {  	s0 =	rddreg [dreg:$0x1]  }
0x3: {  	s5 =	rddreg [dreg:$0x2]  }
0x4: {  	s2 =	rddreg [dreg:$0x3]  }
0x5: {  	s3 =	rddreg [dreg:$0x4]  }
0x6: {  	s4 =	rddreg [dreg:$0x5]  }
0x7: {  	s22 =	rddreg [dreg:$0x6]  }
0x8: {  	s31 =	stileid.u32;
	s8 =	srdreg.scid;
	s6 =	simm.s32 $0x0  }
0x9: {  	s28 =	simm.s32 $0x3;
	s29 =	simm.s32 $0x4;
	s9 =	smul.u32 $0x50000, s31  }
0xa: {  	s10 =	sand.u32 $0x1, s8;
	[smem:$0x7FF] =	sst s6;
	s8 =	sadd.s32 $0x1C00, s7  }
0xb: {  	s12 =	sadd.s32 $0x12C000, s4;
	s13 =	sadd.s32 $0x12E800, s4;
	s25 =	smul.u32 $0x2780, s31  }
0xc: {  	p0 =	seq.s32 s31, $0xF;
	s7 =	sadd.s32 $0x15800, s7;
	s30 =	smul.u32 $0x4E200, s31  }
0xd: {  	s11 =	ssub.s32 $0x2, s10;
	_ =	strace $0x80000047;
	[dreg:$0x13] =	wrdreg s7  }
0xe: {  	p1 =	sne.s32 s10, $0x0;
	p2 =	sne.s32 @!p0 s31, $0x0;
	s14 =	sshrl.u32 s9, $0x2  }
0xf: {  	s15 =	sshrl.u32 s11, $0x1;
	p2 =	por p2, p0;
	s1 =	sadd.s32 s14, s4  }
0x10: {  	s9 =	ssub.s32 s11, s15;
	s11 =	sadd.s32 $0x12D400, s4;
	s14 =	sadd.s32 $0x7800, s1  }
0x11: {  	s15 =	sadd.s32 $0x8C00, s1;
	s16 =	sadd.s32 $0xA000, s1;
	s17 =	sadd.s32 $0xB400, s1  }
0x12: {  	s18 =	sadd.s32 $0xC800, s1;
	s19 =	sadd.s32 $0xDC00, s1;
	s20 =	sadd.s32 $0xF000, s1  }
0x13: {  	s21 =	sadd.s32 $0x10400, s1;
	[dreg:$0x8] =	wrdreg s1;
	s14 =	smov.u32 @p0 s12  }
0x14: {  	s23 =	sadd.s32 $0x11800, s1;
	s15 =	smov.u32 @p0 s11;
	[dreg:$0x9] =	wrdreg s14  }
0x15: {  	s12 =	sadd.s32 $0x12FC00, s4;
	s16 =	smov.u32 @p0 s13;
	[dreg:$0xa] =	wrdreg s15  }
0x16: {  	s11 =	sadd.s32 $0x131000, s4;
	s13 =	sadd.s32 $0x132400, s4;
	[dreg:$0xb] =	wrdreg s16  }
0x17: {  	s17 =	smov.u32 @p0 s12;
	s12 =	sadd.s32 $0x133800, s4;
	s18 =	smov.u32 @p0 s11  }
0x18: {  	s11 =	sadd.s32 $0x134C00, s4;
	s19 =	smov.u32 @p0 s13;
	[dreg:$0xc] =	wrdreg s17  }
0x19: {  	s16 =	smul.u32 $0xA00, s31;
	s14 =	sadd.s32 $0x12C00, s1;
	[dreg:$0xd] =	wrdreg s18  }
0x1a: {  	s13 =	sadd.s32 s3, s25;
	s3 =	sadd.s32 $0x25080, s3;
	[dreg:$0xe] =	wrdreg s19  }
0x1b: {  	s15 =	sadd.s32 s0, s30;
	s20 =	smov.u32 @p0 s12;
	[dreg:$0x18] =	wrdreg s13  }
0x1c: {  	s12 =	sadd.s32 $0x136000, s4;
	s21 =	smov.u32 @p0 s11;
	[dreg:$0x19] =	wrdreg s3  }
0x1d: {  	s11 =	sadd.s32 $0x137400, s4;
	s19 =	smul.u32 $0x4E20, s31;
	[dreg:$0x1b] =	wrdreg s15  }
0x1e: {  	s13 =	simm.s32 $0x2;
	s15 =	simm.s32 $0x19478;
	[dreg:$0xf] =	wrdreg s20  }
0x1f: {  	[dreg:$0x10] =	wrdreg s21;
	s23 =	smov.u32 @p0 s12;
	s17 =	sshrl.u32 s16, $0x2  }
0x20: {  	s14 =	smov.u32 @p0 s11;
	s11 =	simm.s32 $0x16C78;
	[dreg:$0x11] =	wrdreg s23  }
0x21: {  	s12 =	simm.s32 $0x1;
	[dreg:$0x12] =	wrdreg s14;
	s18 =	sadd.s32 s17, s22  }
0x22: {  	s20 =	sshrl.u32 s19, $0x3;
	s14 =	sadd.s32 s5, s30;
	[dreg:$0x14] =	wrdreg s18  }
0x23: {  	s21 =	sadd.s32 $0x50, s19;
	s30 =	sadd.s32 $0x128400, s4;
	[dreg:$0x1a] =	wrdreg s14  }
0x24: {  	s23 =	smul.u32 $0x4F000, s31;
	s7 =	sadd.s32 s8, s20;
	[smem:$0x7FD] =	sst s30  }
0x25: {  	s3 =	sadd.s32 $0x190, s19;
	s18 =	sadd.s32 s2, s25;
	[dreg:$0x15] =	wrdreg s7  }
0x26: {  	s24 =	sshrl.u32 s21, $0x3;
	s2 =	sadd.s32 $0x25080, s2;
	[dreg:$0x1e] =	wrdreg s18  }
0x27: {  	s10 =	sshll.u32 s21, $0x4;
	s20 =	smax.u32 s9, $0x1;
	[dreg:$0x1f] =	wrdreg s2  }
0x28: {  	s21 =	sadd.s32 $0x1400, s1;
	s25 =	sadd.s32 $0x5000, s1;
	[smem:$0x7F6] =	sst s20  }
0x29: {  	s9 =	simm.s32 $0x14478;
	s14 =	simm.s32 $0x14378;
	[smem:$0x7F7] =	sst s21  }
0x2a: {  	s7 =	sadd.s32 s8, s24;
	s26 =	sshrl.u32 s23, $0x2;
	[smem:$0x7FA] =	sst s25  }
0x2b: {  	s16 =	sadd.s32 s5, s10;
	s17 =	sadd.s32 s0, s10;
	[dreg:$0x16] =	wrdreg s7  }
0x2c: {  	s23 =	sadd.s32 $0x2800, s1;
	s24 =	sadd.s32 $0x3C00, s1;
	[dreg:$0x1c] =	wrdreg s16  }
0x2d: {  	s1 =	sadd.s32 $0x6400, s1;
	s20 =	sadd.s32 $0x140, s19;
	[dreg:$0x1d] =	wrdreg s17  }
.Ltmp0:
0x2e: {  	s10 =	simm.s32 $0x142F8;
	[smem:$0x7F8] =	sst s23;
	(pc) =	sbr.rel .LBB2_1-.Ltmp0, $4  }
0x2f: {  	s25 =	simm.s32 $0x50;
	s7 =	sadd.s32 s26, s4;
	[smem:$0x7F9] =	sst s24  }
0x30: {  	[smem:$0x7FB] =	sst s1;
	s26 =	sadd.s32 $0x2580, s22;
	s24 =	simm.s32 $0x14278  }
0x31: {  	s16 =	simm.s32 $0x1E478;
	s17 =	simm.s32 $0x143F8;
	[dreg:$0x17] =	wrdreg s7  }
0x32: {  	v0 =	vimm.f32 $1.000000000e+00;
	v1 =	vimm.f32 $0.0e+00;
	s1 =	simm.s32 $0x0;
	[smem:$0x7FC] =	sst s26;
	s26 =	simm.s32 $0x1BC78  }
.LBB2_9:
0x33: {  	[spmem:s4] =	stream.indirect.scatter.add.f32 [tilespmem:s26], [sflag:$0x3], $0x80, s17, s25, $0xb8;
	[tilespmem:$0x1FB78] =	vst v63  }
0x34: {  	_ =	swait.ge [sflag:s12], $0x50  }
0x35: {  	[sflag:s12] =	ssyncset.done $0x0  }
0x36: {  	[sflag:s12] =	ssyncadd.s32 $0xFFFFFFB0  }
0x37: {  	_ =	swait.ge [sflag:s13], $0x2800  }
0x38: {  	[sflag:s13] =	ssyncset.done $0x0  }
0x39: {  	[sflag:s13] =	ssyncadd.s32 $0xFFFFD800  }
0x3a: {  	_ =	swait.ge [sflag:s28], $0x2800  }
0x3b: {  	[sflag:s28] =	ssyncset.done $0x0  }
0x3c: {  	[sflag:s28] =	ssyncadd.s32 $0xFFFFD800  }
0x3d: {  	[spmem:s4] =	stream.indirect.scatter.add.f32 [tilespmem:s9], [sflag:$0x3], $0x80, s24, s25, $0xb8;
	[tilespmem:$0x1FB78] =	vst v63  }
0x3e: {  	_ =	swait.ge [sflag:s12], $0x50  }
0x3f: {  	[sflag:s12] =	ssyncset.done $0x0  }
0x40: {  	[sflag:s12] =	ssyncadd.s32 $0xFFFFFFB0  }
0x41: {  	_ =	swait.ge [sflag:s13], $0x2800  }
0x42: {  	[sflag:s13] =	ssyncset.done $0x0  }
0x43: {  	[sflag:s13] =	ssyncadd.s32 $0xFFFFD800  }
0x44: {  	_ =	swait.ge [sflag:s28], $0x2800  }
0x45: {  	[sflag:s28] =	ssyncset.done $0x0  }
0x46: {  	[sflag:s28] =	ssyncadd.s32 $0xFFFFD800  }
0x47: {  	[spmem:s4] =	stream.indirect.scatter.add.f32 [tilespmem:s11], [sflag:$0x3], $0x80, s10, s25, $0xb8;
	[tilespmem:$0x1FB78] =	vst v63  }
0x48: {  	_ =	swait.ge [sflag:s28], $0x2800  }
0x49: {  	[sflag:s28] =	ssyncset.done $0x0  }
0x4a: {  	[sflag:s28] =	ssyncadd.s32 $0xFFFFD800  }
0x4b: {  	_ =	swait.ge [sflag:s28], $0x2800  }
0x4c: {  	[sflag:s28] =	ssyncset.done $0x0  }
0x4d: {  	[sflag:s28] =	ssyncadd.s32 $0xFFFFD800  }
0x4e: {  	[bflag:$0x0] =	sbarrier.arrive $0xFFFF  }
0x4f: {  	s2 =	sld [smem:$0x7F2];
	_ =	sdelay $0x1  }
0x50: {  	s0 =	simm.s32 @p0 $0x1FC5;
	s1 =	rddreg [dreg:$0x19]  }
0x51: {  	[hbm:s1], [sflag:s0] =	dma.local @p0 [spmem:s2], $0x2080  }
0x52: {  	s0 =	simm.s32 @p0 $0x5  }
0x53: {  	_ =	swait.ge @p0 [sflag:s0], $0x2080  }
0x54: {  	s1 =	sld [smem:$0x7F3]  }
0x55: {  	s2 =	sld [smem:$0x7F4]  }
0x56: {  	[sflag:s0] =	ssyncset.done @p0 $0x0  }
0x57: {  	[sflag:s0] =	ssyncadd.s32 @p0 $0xFFFFDF80;
	s0 =	rddreg [dreg:$0x18]  }
0x58: {  	[hbm:s0], [sflag:s2] =	dma.local @!p0 [spmem:s1], $0x2780  }
0x59: {  	s0 =	simm.s32 @!p0 $0x5  }
0x5a: {  	_ =	swait.ge @!p0 [sflag:s0], $0x2780  }
0x5b: {  	[sflag:s0] =	ssyncset.done @!p0 $0x0  }
0x5c: {  	s1 =	sld [smem:$0x7F5];
	[sflag:s0] =	ssyncadd.s32 @!p0 $0xFFFFD880  }
0x5d: {  	s22 =	rddreg [dreg:$0x6]  }
.LBB2_10:
0x5e: {  	s0 =	sld [smem:$0x7F6];
	_ =	sdelay $0x1  }
0x5f: {  	s1 =	sadd.s32 $0x1, s1  }
0x60: {  	p3 =	sne.s32 s1, s0  }
.Ltmp1:
0x61: {  	_ = 	snop;
	(pc) =	sbr.rel @!p3 .LBB2_11-.Ltmp1, $2  }
0x62: {  	_ =	sdelay $0x2  }
0x63: {  	s0 =	rddreg [dreg:$0x1]  }
.LBB2_1:
0x64: {  	[tilespmem:$0x1E478] =	vst v0  }
0x65: {  	[tilespmem:$0x1E488] =	vst v0  }
0x66: {  	[tilespmem:$0x1E498] =	vst v0  }
0x67: {  	[tilespmem:$0x1E4A8] =	vst v0  }
0x68: {  	[smem:$0x7F5] =	sst s1;
	[tilespmem:$0x1E4B8] =	vst v0;
	s2 =	simm.s32 $0x0;
	s7 =	simm.s32 $0x200  }
.LBB2_2:
0x69: {  	p3 =	sne.s32 s7, $0x4E00;
	[tilespmem:s2+$0x1E568] =	vst v1  }
0x6a: {  	[tilespmem:s2+$0x1E4F8] =	vst v1  }
0x6b: {  	[tilespmem:s2+$0x1E508] =	vst v1  }
.Ltmp2:
0x6c: {  	[tilespmem:s2+$0x1E518] =	vst v1;
	(pc) =	sbr.rel @p3 .LBB2_2-.Ltmp2, $4  }
0x6d: {  	[tilespmem:s2+$0x1E528] =	vst v1  }
0x6e: {  	[tilespmem:s2+$0x1E538] =	vst v1  }
0x6f: {  	[tilespmem:s2+$0x1E548] =	vst v1  }
0x70: {  	[tilespmem:s2+$0x1E558] =	vst v1;
	s2 =	sshra.s32 s7, $0x2;
	s7 =	sadd.s32 $0x200, s7  }
0x71: {  	[tilespmem:s2+$0x1E568] =	vst v1  }
0x72: {  	[tilespmem:s2+$0x1E4F8] =	vst v1  }
0x73: {  	[tilespmem:s2+$0x1E508] =	vst v1  }
0x74: {  	[tilespmem:s2+$0x1E518] =	vst v1  }
0x75: {  	[tilespmem:s2+$0x1E528] =	vst v1  }
0x76: {  	[tilespmem:s2+$0x1E538] =	vst v1  }
0x77: {  	[tilespmem:s2+$0x1E548] =	vst v1  }
0x78: {  	[tilespmem:s2+$0x1E558] =	vst v1;
	s7 =	simm.s32 @!p0 $0x1E4F8;
	s1 =	rddreg [dreg:$0x8];
	s2 =	simm.s32 @!p0 $0x5  }
0x79: {  	[spmem:s1] =	stream.linear.scatter @!p0 [tilespmem:s7], [sflag:$0x5], $0x1400, $0x38;
	[tilespmem:$0x1FB78] =	vst v63  }
0x7a: {  	_ =	swait.ge @!p0 [sflag:s2], $0x1400  }
0x7b: {  	s1 =	sld [smem:$0x7F7]  }
0x7c: {  	[sflag:s2] =	ssyncset.done @!p0 $0x0  }
0x7d: {  	[sflag:s2] =	ssyncadd.s32 @!p0 $0xFFFFEC00  }
0x7e: {  	[spmem:s1] =	stream.linear.scatter @!p0 [tilespmem:s7], [sflag:$0x5], $0x1400, $0x38;
	[tilespmem:$0x1FB78] =	vst v63  }
0x7f: {  	_ =	swait.ge @!p0 [sflag:s2], $0x1400  }
0x80: {  	s1 =	sld [smem:$0x7F8]  }
0x81: {  	[sflag:s2] =	ssyncset.done @!p0 $0x0  }
0x82: {  	[sflag:s2] =	ssyncadd.s32 @!p0 $0xFFFFEC00  }
0x83: {  	[spmem:s1] =	stream.linear.scatter @!p0 [tilespmem:s7], [sflag:$0x5], $0x1400, $0x38;
	[tilespmem:$0x1FB78] =	vst v63  }
0x84: {  	_ =	swait.ge @!p0 [sflag:s2], $0x1400  }
0x85: {  	s1 =	sld [smem:$0x7F9]  }
0x86: {  	[sflag:s2] =	ssyncset.done @!p0 $0x0  }
0x87: {  	[sflag:s2] =	ssyncadd.s32 @!p0 $0xFFFFEC00  }
0x88: {  	[spmem:s1] =	stream.linear.scatter @!p0 [tilespmem:s7], [sflag:$0x5], $0x1400, $0x38;
	[tilespmem:$0x1FB78] =	vst v63  }
0x89: {  	_ =	swait.ge @!p0 [sflag:s2], $0x1400  }
0x8a: {  	s1 =	sld [smem:$0x7FA]  }
0x8b: {  	[sflag:s2] =	ssyncset.done @!p0 $0x0  }
0x8c: {  	[sflag:s2] =	ssyncadd.s32 @!p0 $0xFFFFEC00  }
0x8d: {  	[spmem:s1] =	stream.linear.scatter @!p0 [tilespmem:s7], [sflag:$0x5], $0x1400, $0x38;
	[tilespmem:$0x1FB78] =	vst v63  }
0x8e: {  	_ =	swait.ge @!p0 [sflag:s2], $0x1400  }
0x8f: {  	s1 =	sld [smem:$0x7FB]  }
0x90: {  	[sflag:s2] =	ssyncset.done @!p0 $0x0  }
0x91: {  	[sflag:s2] =	ssyncadd.s32 @!p0 $0xFFFFEC00  }
0x92: {  	[spmem:s1] =	stream.linear.scatter @!p0 [tilespmem:s7], [sflag:$0x5], $0x1400, $0x38;
	[tilespmem:$0x1FB78] =	vst v63  }
0x93: {  	_ =	swait.ge @!p0 [sflag:s2], $0x1400  }
0x94: {  	s18 =	simm.s32 $0x5;
	[sflag:s2] =	ssyncset.done @!p0 $0x0  }
0x95: {  	s7 =	simm.s32 $0x1E4F8;
	s23 =	rddreg [dreg:$0x9];
	[sflag:s2] =	ssyncadd.s32 @!p0 $0xFFFFEC00  }
0x96: {  	[spmem:s23] =	stream.linear.scatter [tilespmem:s7], [sflag:$0x5], $0x1400, $0x38;
	[tilespmem:$0x1FB78] =	vst v63  }
0x97: {  	_ =	swait.ge [sflag:s18], $0x1400  }
0x98: {  	[sflag:s18] =	ssyncset.done $0x0  }
0x99: {  	s30 =	rddreg [dreg:$0xa];
	[sflag:s18] =	ssyncadd.s32 $0xFFFFEC00  }
0x9a: {  	[spmem:s30] =	stream.linear.scatter [tilespmem:s7], [sflag:$0x5], $0x1400, $0x38;
	[tilespmem:$0x1FB78] =	vst v63  }
0x9b: {  	_ =	swait.ge [sflag:s18], $0x1400  }
0x9c: {  	[sflag:s18] =	ssyncset.done $0x0  }
0x9d: {  	s21 =	rddreg [dreg:$0xb];
	[sflag:s18] =	ssyncadd.s32 $0xFFFFEC00  }
0x9e: {  	[spmem:s21] =	stream.linear.scatter [tilespmem:s7], [sflag:$0x5], $0x1400, $0x38;
	[tilespmem:$0x1FB78] =	vst v63  }
0x9f: {  	_ =	swait.ge [sflag:s18], $0x1400  }
0xa0: {  	[sflag:s18] =	ssyncset.done $0x0  }
0xa1: {  	s23 =	rddreg [dreg:$0xc];
	[sflag:s18] =	ssyncadd.s32 $0xFFFFEC00  }
0xa2: {  	[spmem:s23] =	stream.linear.scatter [tilespmem:s7], [sflag:$0x5], $0x1400, $0x38;
	[tilespmem:$0x1FB78] =	vst v63  }
0xa3: {  	_ =	swait.ge [sflag:s18], $0x1400  }
0xa4: {  	[sflag:s18] =	ssyncset.done $0x0  }
0xa5: {  	s30 =	rddreg [dreg:$0xd];
	[sflag:s18] =	ssyncadd.s32 $0xFFFFEC00  }
0xa6: {  	[spmem:s30] =	stream.linear.scatter [tilespmem:s7], [sflag:$0x5], $0x1400, $0x38;
	[tilespmem:$0x1FB78] =	vst v63  }
0xa7: {  	_ =	swait.ge [sflag:s18], $0x1400  }
0xa8: {  	[sflag:s18] =	ssyncset.done $0x0  }
0xa9: {  	s21 =	rddreg [dreg:$0xe];
	[sflag:s18] =	ssyncadd.s32 $0xFFFFEC00  }
0xaa: {  	[spmem:s21] =	stream.linear.scatter [tilespmem:s7], [sflag:$0x5], $0x1400, $0x38;
	[tilespmem:$0x1FB78] =	vst v63  }
0xab: {  	_ =	swait.ge [sflag:s18], $0x1400  }
0xac: {  	[sflag:s18] =	ssyncset.done $0x0  }
0xad: {  	s23 =	rddreg [dreg:$0xf];
	[sflag:s18] =	ssyncadd.s32 $0xFFFFEC00  }
0xae: {  	[spmem:s23] =	stream.linear.scatter [tilespmem:s7], [sflag:$0x5], $0x1400, $0x38;
	[tilespmem:$0x1FB78] =	vst v63  }
0xaf: {  	_ =	swait.ge [sflag:s18], $0x1400  }
0xb0: {  	[sflag:s18] =	ssyncset.done $0x0  }
0xb1: {  	s30 =	rddreg [dreg:$0x10];
	[sflag:s18] =	ssyncadd.s32 $0xFFFFEC00  }
0xb2: {  	[spmem:s30] =	stream.linear.scatter [tilespmem:s7], [sflag:$0x5], $0x1400, $0x38;
	[tilespmem:$0x1FB78] =	vst v63  }
0xb3: {  	_ =	swait.ge [sflag:s18], $0x1400  }
0xb4: {  	[sflag:s18] =	ssyncset.done $0x0  }
0xb5: {  	s21 =	rddreg [dreg:$0x11];
	[sflag:s18] =	ssyncadd.s32 $0xFFFFEC00  }
0xb6: {  	[spmem:s21] =	stream.linear.scatter [tilespmem:s7], [sflag:$0x5], $0x1400, $0x38;
	[tilespmem:$0x1FB78] =	vst v63  }
0xb7: {  	_ =	swait.ge [sflag:s18], $0x1400  }
0xb8: {  	[sflag:s18] =	ssyncset.done $0x0  }
0xb9: {  	s23 =	rddreg [dreg:$0x12];
	[sflag:s18] =	ssyncadd.s32 $0xFFFFEC00  }
0xba: {  	[spmem:s23] =	stream.linear.scatter [tilespmem:s7], [sflag:$0x5], $0x1400, $0x38;
	[tilespmem:$0x1FB78] =	vst v63  }
0xbb: {  	_ =	swait.ge [sflag:s18], $0x1400  }
0xbc: {  	[sflag:s18] =	ssyncset.done $0x0  }
0xbd: {  	[sflag:s18] =	ssyncadd.s32 $0xFFFFEC00  }
0xbe: {  	[tilespmem:$0x1F8F8] =	vst v1  }
0xbf: {  	[tilespmem:$0x1F908] =	vst v1  }
0xc0: {  	[tilespmem:$0x1F918] =	vst v1  }
0xc1: {  	[tilespmem:$0x1F928] =	vst v1  }
0xc2: {  	[tilespmem:$0x1F938] =	vst v1  }
0xc3: {  	[tilespmem:$0x1F948] =	vst v1  }
0xc4: {  	[tilespmem:$0x1F958] =	vst v1  }
0xc5: {  	[tilespmem:$0x1F968] =	vst v1  }
0xc6: {  	[tilespmem:$0x1F978] =	vst v1  }
0xc7: {  	[tilespmem:$0x1F988] =	vst v1  }
0xc8: {  	[tilespmem:$0x1F998] =	vst v1  }
0xc9: {  	[tilespmem:$0x1F9A8] =	vst v1  }
0xca: {  	[tilespmem:$0x1F9B8] =	vst v1  }
0xcb: {  	[tilespmem:$0x1F9C8] =	vst v1  }
0xcc: {  	[tilespmem:$0x1F9D8] =	vst v1  }
0xcd: {  	[tilespmem:$0x1F9E8] =	vst v1  }
0xce: {  	[tilespmem:$0x1F9F8] =	vst v1  }
0xcf: {  	[tilespmem:$0x1FA08] =	vst v1  }
0xd0: {  	[tilespmem:$0x1FA18] =	vst v1  }
0xd1: {  	[tilespmem:$0x1FA28] =	vst v1  }
0xd2: {  	[tilespmem:$0x1FA38] =	vst v1  }
0xd3: {  	[tilespmem:$0x1FA48] =	vst v1  }
0xd4: {  	[tilespmem:$0x1FA58] =	vst v1  }
0xd5: {  	[tilespmem:$0x1FA68] =	vst v1  }
0xd6: {  	[tilespmem:$0x1FA78] =	vst v1  }
0xd7: {  	[tilespmem:$0x1FA88] =	vst v1  }
0xd8: {  	[tilespmem:$0x1FA98] =	vst v1  }
0xd9: {  	[tilespmem:$0x1FAA8] =	vst v1  }
0xda: {  	[tilespmem:$0x1FAB8] =	vst v1  }
0xdb: {  	[tilespmem:$0x1FAC8] =	vst v1  }
0xdc: {  	[tilespmem:$0x1FAD8] =	vst v1  }
0xdd: {  	[tilespmem:$0x1FAE8] =	vst v1  }
0xde: {  	[tilespmem:$0x1FAF8] =	vst v1  }
0xdf: {  	[tilespmem:$0x1FB08] =	vst v1  }
0xe0: {  	[tilespmem:$0x1FB18] =	vst v1  }
0xe1: {  	[tilespmem:$0x1FB28] =	vst v1  }
0xe2: {  	[tilespmem:$0x1FB38] =	vst v1  }
0xe3: {  	s1 =	sld [smem:$0x7FC];
	[tilespmem:$0x1FB48] =	vst v1  }
0xe4: {  	[tilespmem:$0x1FB58] =	vst v1  }
0xe5: {  	s7 =	simm.s32 @p0 $0x1F8F8;
	[tilespmem:$0x1FB68] =	vst v1  }
0xe6: {  	[spmem:s1] =	stream.linear.scatter @p0 [tilespmem:s7], [sflag:$0x5], $0x190, $0x38;
	[tilespmem:$0x1FB78] =	vst v63  }
0xe7: {  	s7 =	simm.s32 @p0 $0x5  }
0xe8: {  	_ =	swait.ge @p0 [sflag:s7], $0x190  }
0xe9: {  	[sflag:s7] =	ssyncset.done @p0 $0x0  }
0xea: {  	s1 =	rddreg [dreg:$0x14];
	[sflag:s7] =	ssyncadd.s32 @p0 $0xFFFFFE70;
	s7 =	simm.s32 @!p0 $0x1F8F8  }
0xeb: {  	[spmem:s1] =	stream.linear.scatter @!p0 [tilespmem:s7], [sflag:$0x5], $0x280, $0x38;
	[tilespmem:$0x1FB78] =	vst v63  }
0xec: {  	_ =	swait.ge @!p0 [sflag:s2], $0x280  }
0xed: {  	[sflag:s2] =	ssyncset.done @!p0 $0x0  }
0xee: {  	[sflag:s2] =	ssyncadd.s32 @!p0 $0xFFFFFD80  }
0xef: {  	[bflag:$0x0] =	sbarrier.arrive $0xFFFF  }
0xf0: {  	s1 =	sld [smem:$0x7FD]  }
0xf1: {  	s30 =	rddreg [dreg:$0x15]  }
0xf2: {  	[tilespmem:s24], [sflag:$0x1] =	stream.linear.gather [hbm4b:s30+s6], $0x50, $0x38;
	[tilespmem:$0x1FB78] =	vst v63  }
0xf3: {  	s1 =	sshrl.u32 @p0 s1, $0x3  }
.Ltmp3:
0xf4: {  	[smem:$0x7F2] =	sst s1;
	(pc) =	sbr.rel @p1 .LBB2_7-.Ltmp3, $4  }
0xf5: {  	s1 =	rddreg [dreg:$0x17]  }
0xf6: {  	s2 =	sshll.u32 @!p0 s31, $0x6;
	s1 =	sshrl.u32 @!p0 s1, $0x3  }
0xf7: {  	[smem:$0x7F3] =	sst s1;
	s1 =	sor.u32 @!p0 $0x1C05, s2  }
0xf8: {  	[smem:$0x7F4] =	sst s1  }
0xf9: {  	s7 =	simm.s32 $0x0;
	s1 =	rddreg [dreg:$0x1b]  }
0xfa: {  	[tilespmem:s9], [sflag:$0x2] =	stream.linear.gather [hbm4b:s1+s7], $0x2800, $0x38;
	[tilespmem:$0x1FB78] =	vst v63  }
0xfb: {  	s31 =	rddreg [dreg:$0x16]  }
0xfc: {  	[tilespmem:s10], [sflag:$0x1] =	stream.linear.gather [hbm4b:s31+s7], $0x50, $0x38;
	[tilespmem:$0x1FB78] =	vst v63  }
0xfd: {  	s2 =	rddreg [dreg:$0x1d]  }
0xfe: {  	[tilespmem:s11], [sflag:$0x2] =	stream.linear.gather [hbm4b:s2+s7], $0x2800, $0x38;
	[tilespmem:$0x1FB78] =	vst v63  }
0xff: {  	_ =	swait.ge [sflag:s12], $0x50  }
0x100: {  	[sflag:s12] =	ssyncset.done $0x0  }
0x101: {  	[sflag:s12] =	ssyncadd.s32 $0xFFFFFFB0  }
0x102: {  	_ =	swait.ge [sflag:s13], $0x2800  }
0x103: {  	p3 =	por $0x1, $0x1;
	[sflag:s13] =	ssyncset.done $0x0  }
0x104: {  	s2 =	simm.s32 @!p3 $0x3;
	[sflag:s13] =	ssyncadd.s32 $0xFFFFD800  }
0x105: {  	_ =	swait.ge @!p3 [sflag:s2], $0x2800  }
0x106: {  	s18 =	simm.s32 @!p3 $0xA0;
	[sflag:s2] =	ssyncset.done @!p3 $0x0  }
0x107: {  	s21 =	simm.s32 @!p3 $0x4;
	s18 =	simm.s32 @p3 $0xA0;
	[sflag:s2] =	ssyncadd.s32 @!p3 $0xFFFFD800  }
0x108: {  	s18 =	sadd.s32 s19, s18;
	_ =	swait.ge @!p3 [sflag:s21], $0x50  }
0x109: {  	s31 =	sshrl.u32 s18, $0x3;
	[sflag:s21] =	ssyncset.done @!p3 $0x0  }
0x10a: {  	s18 =	sshll.u32 s18, $0x4;
	s31 =	sadd.s32 s8, s31;
	[sflag:s21] =	ssyncadd.s32 @!p3 $0xFFFFFFB0  }
0x10b: {  	[tilespmem:s14], [sflag:$0x1] =	stream.linear.gather [hbm4b:s31+s6], $0x50, $0x38;
	[tilespmem:$0x1FB78] =	vst v63  }
0x10c: {  	s18 =	sadd.s32 s0, s18  }
0x10d: {  	[tilespmem:s15], [sflag:$0x2] =	stream.linear.gather [hbm4b:s18+s6], $0x2800, $0x38;
	[tilespmem:$0x1FB78] =	vst v63  }
0x10e: {  	_ = 	snop  }
0x10f: {  	[spmem:s4] =	stream.indirect.scatter.add.f32 [tilespmem:s9], [sflag:$0x3], $0x80, s24, s25, $0xb8;
	[tilespmem:$0x1FB78] =	vst v63  }
0x110: {  	_ = 	snop  }
0x111: {  	[spmem:s22] =	stream.indirect.scatter.add.f32 [tilespmem:s16], [sflag:$0x4], $0x1, s24, s25, $0xb8;
	[tilespmem:$0x1FB78] =	vst v63  }
0x112: {  	_ =	swait.ge [sflag:s12], $0x50  }
0x113: {  	[sflag:s12] =	ssyncset.done $0x0  }
0x114: {  	[sflag:s12] =	ssyncadd.s32 $0xFFFFFFB0  }
0x115: {  	_ =	swait.ge [sflag:s13], $0x2800  }
0x116: {  	[sflag:s13] =	ssyncset.done $0x0  }
0x117: {  	[sflag:s13] =	ssyncadd.s32 $0xFFFFD800  }
0x118: {  	_ =	swait.ge @!p3 [sflag:s2], $0x2800  }
0x119: {  	s18 =	simm.s32 @!p3 $0xF0;
	[sflag:s2] =	ssyncset.done @!p3 $0x0  }
0x11a: {  	s18 =	simm.s32 @p3 $0xF0;
	[sflag:s2] =	ssyncadd.s32 @!p3 $0xFFFFD800  }
0x11b: {  	s5 =	sadd.s32 s19, s18;
	_ =	swait.ge @!p3 [sflag:s21], $0x50  }
0x11c: {  	s18 =	sshrl.u32 s5, $0x3;
	[sflag:s21] =	ssyncset.done @!p3 $0x0  }
0x11d: {  	s18 =	sadd.s32 s8, s18;
	s2 =	sshll.u32 s5, $0x4;
	[sflag:s21] =	ssyncadd.s32 @!p3 $0xFFFFFFB0  }
0x11e: {  	[tilespmem:s17], [sflag:$0x1] =	stream.linear.gather [hbm4b:s18+s6], $0x50, $0x38;
	[tilespmem:$0x1FB78] =	vst v63  }
0x11f: {  	s2 =	sadd.s32 s0, s2  }
0x120: {  	[tilespmem:s26], [sflag:$0x2] =	stream.linear.gather [hbm4b:s2+s6], $0x2800, $0x38;
	[tilespmem:$0x1FB78] =	vst v63  }
0x121: {  	_ = 	snop  }
0x122: {  	[spmem:s4] =	stream.indirect.scatter.add.f32 [tilespmem:s11], [sflag:$0x3], $0x80, s10, s25, $0xb8;
	[tilespmem:$0x1FB78] =	vst v63  }
0x123: {  	_ = 	snop  }
0x124: {  	[spmem:s22] =	stream.indirect.scatter.add.f32 [tilespmem:s16], [sflag:$0x4], $0x1, s10, s25, $0xb8;
	[tilespmem:$0x1FB78] =	vst v63  }
0x125: {  	_ =	swait.ge [sflag:s12], $0x50  }
0x126: {  	[sflag:s12] =	ssyncset.done $0x0  }
0x127: {  	[sflag:s12] =	ssyncadd.s32 $0xFFFFFFB0  }
0x128: {  	_ =	swait.ge [sflag:s13], $0x2800  }
0x129: {  	[sflag:s13] =	ssyncset.done $0x0  }
0x12a: {  	[sflag:s13] =	ssyncadd.s32 $0xFFFFD800  }
0x12b: {  	_ =	swait.ge [sflag:s28], $0x2800  }
0x12c: {  	[sflag:s28] =	ssyncset.done $0x0  }
0x12d: {  	s7 =	simm.s32 @p3 $0x0;
	[sflag:s28] =	ssyncadd.s32 $0xFFFFD800  }
0x12e: {  	s23 =	sadd.s32 s7, s20;
	_ =	swait.ge [sflag:s29], $0x50  }
0x12f: {  	s30 =	sshrl.u32 s23, $0x3;
	[sflag:s29] =	ssyncset.done $0x0  }
0x130: {  	s18 =	sadd.s32 s8, s30;
	s2 =	sshll.u32 s23, $0x4;
	[sflag:s29] =	ssyncadd.s32 $0xFFFFFFB0  }
0x131: {  	[tilespmem:s24], [sflag:$0x1] =	stream.linear.gather [hbm4b:s18+s6], $0x50, $0x38;
	[tilespmem:$0x1FB78] =	vst v63  }
0x132: {  	s2 =	sadd.s32 s0, s2  }
0x133: {  	[tilespmem:s9], [sflag:$0x2] =	stream.linear.gather [hbm4b:s2+s6], $0x2800, $0x38;
	[tilespmem:$0x1FB78] =	vst v63  }
0x134: {  	_ = 	snop  }
0x135: {  	[spmem:s4] =	stream.indirect.scatter.add.f32 [tilespmem:s15], [sflag:$0x3], $0x80, s14, s25, $0xb8;
	[tilespmem:$0x1FB78] =	vst v63  }
0x136: {  	_ = 	snop  }
0x137: {  	[spmem:s22] =	stream.indirect.scatter.add.f32 [tilespmem:s16], [sflag:$0x4], $0x1, s14, s25, $0xb8;
	[tilespmem:$0x1FB78] =	vst v63  }
0x138: {  	_ =	swait.ge [sflag:s12], $0x50  }
0x139: {  	[sflag:s12] =	ssyncset.done $0x0  }
0x13a: {  	[sflag:s12] =	ssyncadd.s32 $0xFFFFFFB0  }
0x13b: {  	_ =	swait.ge [sflag:s13], $0x2800  }
0x13c: {  	[sflag:s13] =	ssyncset.done $0x0  }
0x13d: {  	[sflag:s13] =	ssyncadd.s32 $0xFFFFD800  }
0x13e: {  	_ =	swait.ge [sflag:s28], $0x2800  }
0x13f: {  	[sflag:s28] =	ssyncset.done $0x0  }
0x140: {  	[sflag:s28] =	ssyncadd.s32 $0xFFFFD800  }
0x141: {  	s31 =	sadd.s32 s7, s3;
	_ =	swait.ge [sflag:s29], $0x50  }
0x142: {  	s7 =	sshrl.u32 s31, $0x3;
	[sflag:s29] =	ssyncset.done $0x0  }
0x143: {  	s7 =	sadd.s32 s8, s7;
	s2 =	sshll.u32 s31, $0x4;
	[sflag:s29] =	ssyncadd.s32 $0xFFFFFFB0  }
0x144: {  	[tilespmem:s10], [sflag:$0x1] =	stream.linear.gather [hbm4b:s7+s6], $0x50, $0x38;
	[tilespmem:$0x1FB78] =	vst v63  }
0x145: {  	s2 =	sadd.s32 s0, s2  }
0x146: {  	[tilespmem:s11], [sflag:$0x2] =	stream.linear.gather [hbm4b:s2+s6], $0x2800, $0x38;
	[tilespmem:$0x1FB78] =	vst v63  }
0x147: {  	s5 =	smov.u32 s0;
	s18 =	simm.s32 $0x140  }
0x148: {  	[spmem:s4] =	stream.indirect.scatter.add.f32 [tilespmem:s26], [sflag:$0x3], $0x80, s17, s25, $0xb8;
	[tilespmem:$0x1FB78] =	vst v63  }
.LBB2_5:
0x149: {  	[spmem:s22] =	stream.indirect.scatter.add.f32 [tilespmem:s16], [sflag:$0x4], $0x1, s17, s25, $0xb8;
	[tilespmem:$0x1FB78] =	vst v63  }
0x14a: {  	_ =	swait.ge [sflag:s12], $0x50  }
0x14b: {  	[sflag:s12] =	ssyncset.done $0x0  }
0x14c: {  	[sflag:s12] =	ssyncadd.s32 $0xFFFFFFB0  }
0x14d: {  	s2 =	smov.u32 s18;
	_ =	swait.ge [sflag:s13], $0x2800  }
0x14e: {  	p4 =	seq.s32 s2, $0x0;
	[sflag:s13] =	ssyncset.done $0x0  }
0x14f: {  	s22 =	simm.s32 @!p4 $0x3;
	[sflag:s13] =	ssyncadd.s32 $0xFFFFD800  }
0x150: {  	s7 =	sadd.s32 @!p4 $0xA0, s2;
	s21 =	sadd.s32 @!p4 $0xF0, s2;
	_ =	swait.ge @!p4 [sflag:s22], $0x2800  }
0x151: {  	s30 =	simm.s32 @!p4 $0x4;
	s2 =	simm.s32 @p4 $0x0;
	[sflag:s22] =	ssyncset.done @!p4 $0x0  }
0x152: {  	s7 =	simm.s32 @p4 $0xA0;
	s21 =	simm.s32 @p4 $0xF0;
	[sflag:s22] =	ssyncadd.s32 @!p4 $0xFFFFD800  }
0x153: {  	s7 =	sadd.s32 s19, s7;
	s21 =	sadd.s32 s19, s21;
	_ =	swait.ge @!p4 [sflag:s30], $0x50  }
0x154: {  	s31 =	sshrl.u32 s7, $0x3;
	s7 =	sshll.u32 s7, $0x4;
	[sflag:s30] =	ssyncset.done @!p4 $0x0  }
0x155: {  	s23 =	sshrl.u32 s21, $0x3;
	s1 =	sadd.s32 s8, s31;
	[sflag:s30] =	ssyncadd.s32 @!p4 $0xFFFFFFB0  }
0x156: {  	[tilespmem:s14], [sflag:$0x1] =	stream.linear.gather [hbm4b:s1+s6], $0x50, $0x38;
	[tilespmem:$0x1FB78] =	vst v63  }
0x157: {  	s0 =	sshll.u32 s21, $0x4;
	s7 =	sadd.s32 s5, s7;
	s31 =	sadd.s32 s2, s20  }
0x158: {  	[tilespmem:s15], [sflag:$0x2] =	stream.linear.gather [hbm4b:s7+s6], $0x2800, $0x38;
	[tilespmem:$0x1FB78] =	vst v63  }
0x159: {  	s21 =	sshrl.u32 s31, $0x3;
	s1 =	sadd.s32 s2, s3;
	s2 =	sshll.u32 s31, $0x4  }
0x15a: {  	[spmem:s4] =	stream.indirect.scatter.add.f32 [tilespmem:s9], [sflag:$0x3], $0x80, s24, s25, $0xb8;
	[tilespmem:$0x1FB78] =	vst v63  }
0x15b: {  	s31 =	sshll.u32 s1, $0x4;
	s7 =	sshrl.u32 s1, $0x3;
	s1 =	rddreg [dreg:$0x6]  }
0x15c: {  	[spmem:s1] =	stream.indirect.scatter.add.f32 [tilespmem:s16], [sflag:$0x4], $0x1, s24, s25, $0xb8;
	[tilespmem:$0x1FB78] =	vst v63  }
0x15d: {  	_ =	swait.ge [sflag:s12], $0x50  }
0x15e: {  	[sflag:s12] =	ssyncset.done $0x0  }
0x15f: {  	[sflag:s12] =	ssyncadd.s32 $0xFFFFFFB0  }
0x160: {  	_ =	swait.ge [sflag:s13], $0x2800  }
0x161: {  	[sflag:s13] =	ssyncset.done $0x0  }
0x162: {  	[sflag:s13] =	ssyncadd.s32 $0xFFFFD800  }
0x163: {  	_ =	swait.ge @!p4 [sflag:s22], $0x2800  }
0x164: {  	[sflag:s22] =	ssyncset.done @!p4 $0x0  }
0x165: {  	[sflag:s22] =	ssyncadd.s32 @!p4 $0xFFFFD800  }
0x166: {  	s22 =	rddreg [dreg:$0x6];
	_ =	swait.ge @!p4 [sflag:s30], $0x50  }
0x167: {  	[sflag:s30] =	ssyncset.done @!p4 $0x0  }
0x168: {  	[sflag:s30] =	ssyncadd.s32 @!p4 $0xFFFFFFB0;
	s30 =	sadd.s32 s8, s23  }
0x169: {  	[tilespmem:s17], [sflag:$0x1] =	stream.linear.gather [hbm4b:s30+s6], $0x50, $0x38;
	[tilespmem:$0x1FB78] =	vst v63  }
0x16a: {  	s0 =	sadd.s32 s5, s0  }
0x16b: {  	[tilespmem:s26], [sflag:$0x2] =	stream.linear.gather [hbm4b:s0+s6], $0x2800, $0x38;
	[tilespmem:$0x1FB78] =	vst v63  }
0x16c: {  	_ = 	snop  }
0x16d: {  	[spmem:s4] =	stream.indirect.scatter.add.f32 [tilespmem:s11], [sflag:$0x3], $0x80, s10, s25, $0xb8;
	[tilespmem:$0x1FB78] =	vst v63  }
0x16e: {  	_ = 	snop  }
0x16f: {  	[spmem:s22] =	stream.indirect.scatter.add.f32 [tilespmem:s16], [sflag:$0x4], $0x1, s10, s25, $0xb8;
	[tilespmem:$0x1FB78] =	vst v63  }
0x170: {  	_ =	swait.ge [sflag:s12], $0x50  }
0x171: {  	[sflag:s12] =	ssyncset.done $0x0  }
0x172: {  	[sflag:s12] =	ssyncadd.s32 $0xFFFFFFB0  }
0x173: {  	_ =	swait.ge [sflag:s13], $0x2800  }
0x174: {  	[sflag:s13] =	ssyncset.done $0x0  }
0x175: {  	[sflag:s13] =	ssyncadd.s32 $0xFFFFD800  }
0x176: {  	_ =	swait.ge [sflag:s28], $0x2800  }
0x177: {  	[sflag:s28] =	ssyncset.done $0x0  }
0x178: {  	[sflag:s28] =	ssyncadd.s32 $0xFFFFD800  }
0x179: {  	_ =	swait.ge [sflag:s29], $0x50  }
0x17a: {  	[sflag:s29] =	ssyncset.done $0x0  }
0x17b: {  	s21 =	sadd.s32 s8, s21;
	[sflag:s29] =	ssyncadd.s32 $0xFFFFFFB0  }
0x17c: {  	[tilespmem:s24], [sflag:$0x1] =	stream.linear.gather [hbm4b:s21+s6], $0x50, $0x38;
	[tilespmem:$0x1FB78] =	vst v63  }
0x17d: {  	s23 =	sadd.s32 s5, s2  }
0x17e: {  	[tilespmem:s9], [sflag:$0x2] =	stream.linear.gather [hbm4b:s23+s6], $0x2800, $0x38;
	[tilespmem:$0x1FB78] =	vst v63  }
0x17f: {  	_ = 	snop  }
0x180: {  	[spmem:s4] =	stream.indirect.scatter.add.f32 [tilespmem:s15], [sflag:$0x3], $0x80, s14, s25, $0xb8;
	[tilespmem:$0x1FB78] =	vst v63  }
0x181: {  	_ = 	snop  }
0x182: {  	[spmem:s22] =	stream.indirect.scatter.add.f32 [tilespmem:s16], [sflag:$0x4], $0x1, s14, s25, $0xb8;
	[tilespmem:$0x1FB78] =	vst v63  }
0x183: {  	_ =	swait.ge [sflag:s12], $0x50  }
0x184: {  	[sflag:s12] =	ssyncset.done $0x0  }
0x185: {  	[sflag:s12] =	ssyncadd.s32 $0xFFFFFFB0  }
0x186: {  	_ =	swait.ge [sflag:s13], $0x2800  }
0x187: {  	[sflag:s13] =	ssyncset.done $0x0  }
0x188: {  	[sflag:s13] =	ssyncadd.s32 $0xFFFFD800  }
0x189: {  	_ =	swait.ge [sflag:s28], $0x2800  }
0x18a: {  	[sflag:s28] =	ssyncset.done $0x0  }
0x18b: {  	[sflag:s28] =	ssyncadd.s32 $0xFFFFD800  }
0x18c: {  	_ =	swait.ge [sflag:s29], $0x50  }
0x18d: {  	s18 =	sadd.s32 $0x140, s18;
	[sflag:s29] =	ssyncset.done $0x0  }
0x18e: {  	p3 =	sne.s32 s18, $0x4D80;
	s30 =	sadd.s32 s8, s7;
	[sflag:s29] =	ssyncadd.s32 $0xFFFFFFB0  }
0x18f: {  	[tilespmem:s10], [sflag:$0x1] =	stream.linear.gather [hbm4b:s30+s6], $0x50, $0x38;
	[tilespmem:$0x1FB78] =	vst v63  }
.Ltmp4:
0x190: {  	_ = 	snop;
	(pc) =	sbr.rel @p3 .LBB2_5-.Ltmp4, $4  }
0x191: {  	s31 =	sadd.s32 s5, s31  }
0x192: {  	[tilespmem:s11], [sflag:$0x2] =	stream.linear.gather [hbm4b:s31+s6], $0x2800, $0x38;
	[tilespmem:$0x1FB78] =	vst v63  }
0x193: {  	_ = 	snop  }
0x194: {  	[spmem:s4] =	stream.indirect.scatter.add.f32 [tilespmem:s26], [sflag:$0x3], $0x80, s17, s25, $0xb8;
	[tilespmem:$0x1FB78] =	vst v63  }
0x195: {  	[spmem:s22] =	stream.indirect.scatter.add.f32 [tilespmem:s16], [sflag:$0x4], $0x1, s17, s25, $0xb8;
	[tilespmem:$0x1FB78] =	vst v63  }
0x196: {  	_ =	swait.ge [sflag:s12], $0x50  }
0x197: {  	[sflag:s12] =	ssyncset.done $0x0  }
0x198: {  	[sflag:s12] =	ssyncadd.s32 $0xFFFFFFB0  }
0x199: {  	_ =	swait.ge [sflag:s13], $0x2800  }
0x19a: {  	[sflag:s13] =	ssyncset.done $0x0  }
0x19b: {  	[sflag:s13] =	ssyncadd.s32 $0xFFFFD800  }
0x19c: {  	_ =	swait.ge [sflag:s28], $0x2800  }
0x19d: {  	[sflag:s28] =	ssyncset.done $0x0  }
0x19e: {  	[sflag:s28] =	ssyncadd.s32 $0xFFFFD800  }
0x19f: {  	_ =	swait.ge [sflag:s29], $0x50  }
0x1a0: {  	[sflag:s29] =	ssyncset.done $0x0  }
0x1a1: {  	[sflag:s29] =	ssyncadd.s32 $0xFFFFFFB0  }
0x1a2: {  	[spmem:s4] =	stream.indirect.scatter.add.f32 [tilespmem:s9], [sflag:$0x3], $0x80, s24, s25, $0xb8;
	[tilespmem:$0x1FB78] =	vst v63  }
0x1a3: {  	_ = 	snop  }
0x1a4: {  	[spmem:s22] =	stream.indirect.scatter.add.f32 [tilespmem:s16], [sflag:$0x4], $0x1, s24, s25, $0xb8;
	[tilespmem:$0x1FB78] =	vst v63  }
0x1a5: {  	_ =	swait.ge [sflag:s12], $0x50  }
0x1a6: {  	[sflag:s12] =	ssyncset.done $0x0  }
0x1a7: {  	[sflag:s12] =	ssyncadd.s32 $0xFFFFFFB0  }
0x1a8: {  	_ =	swait.ge [sflag:s13], $0x2800  }
0x1a9: {  	[sflag:s13] =	ssyncset.done $0x0  }
0x1aa: {  	[sflag:s13] =	ssyncadd.s32 $0xFFFFD800  }
0x1ab: {  	_ =	swait.ge [sflag:s28], $0x2800  }
0x1ac: {  	[sflag:s28] =	ssyncset.done $0x0  }
0x1ad: {  	[sflag:s28] =	ssyncadd.s32 $0xFFFFD800  }
0x1ae: {  	_ =	swait.ge [sflag:s29], $0x50  }
0x1af: {  	[sflag:s29] =	ssyncset.done $0x0  }
0x1b0: {  	[sflag:s29] =	ssyncadd.s32 $0xFFFFFFB0  }
0x1b1: {  	[spmem:s4] =	stream.indirect.scatter.add.f32 [tilespmem:s11], [sflag:$0x3], $0x80, s10, s25, $0xb8;
	[tilespmem:$0x1FB78] =	vst v63  }
0x1b2: {  	_ = 	snop  }
0x1b3: {  	[spmem:s22] =	stream.indirect.scatter.add.f32 [tilespmem:s16], [sflag:$0x4], $0x1, s10, s25, $0xb8;
	[tilespmem:$0x1FB78] =	vst v63  }
0x1b4: {  	_ =	swait.ge [sflag:s28], $0x2800  }
0x1b5: {  	[sflag:s28] =	ssyncset.done $0x0  }
0x1b6: {  	[sflag:s28] =	ssyncadd.s32 $0xFFFFD800  }
0x1b7: {  	_ =	swait.ge [sflag:s29], $0x50  }
0x1b8: {  	[sflag:s29] =	ssyncset.done $0x0  }
0x1b9: {  	[sflag:s29] =	ssyncadd.s32 $0xFFFFFFB0  }
0x1ba: {  	_ =	swait.ge [sflag:s28], $0x2800  }
0x1bb: {  	[sflag:s28] =	ssyncset.done $0x0  }
0x1bc: {  	[sflag:s28] =	ssyncadd.s32 $0xFFFFD800  }
0x1bd: {  	_ =	swait.ge [sflag:s29], $0x50  }
0x1be: {  	[sflag:s29] =	ssyncset.done $0x0  }
0x1bf: {  	[sflag:s29] =	ssyncadd.s32 $0xFFFFFFB0  }
0x1c0: {  	[bflag:$0x0] =	sbarrier.arrive $0xFFFF  }
0x1c1: {  	s2 =	sld [smem:$0x7F2];
	_ =	sdelay $0x1  }
0x1c2: {  	s0 =	simm.s32 @p0 $0x1FC5;
	s1 =	rddreg [dreg:$0x1f]  }
0x1c3: {  	[hbm:s1], [sflag:s0] =	dma.local @p0 [spmem:s2], $0x2080  }
0x1c4: {  	s0 =	simm.s32 @p0 $0x5  }
0x1c5: {  	_ =	swait.ge @p0 [sflag:s0], $0x2080  }
0x1c6: {  	s1 =	sld [smem:$0x7F3]  }
0x1c7: {  	s2 =	sld [smem:$0x7F4]  }
0x1c8: {  	[sflag:s0] =	ssyncset.done @p0 $0x0  }
0x1c9: {  	[sflag:s0] =	ssyncadd.s32 @p0 $0xFFFFDF80;
	s0 =	rddreg [dreg:$0x1e]  }
0x1ca: {  	[hbm:s0], [sflag:s2] =	dma.local @!p0 [spmem:s1], $0x2780  }
0x1cb: {  	s0 =	simm.s32 @!p0 $0x5  }
0x1cc: {  	_ =	swait.ge @!p0 [sflag:s0], $0x2780  }
0x1cd: {  	s1 =	simm.s32 @!p2 $0x1C05;
	[sflag:s0] =	ssyncset.done @!p0 $0x0  }
0x1ce: {  	s2 =	rddreg [dreg:$0x13];
	[sflag:s0] =	ssyncadd.s32 @!p0 $0xFFFFD880;
	s0 =	sshrl.u32 @!p2 s22, $0x3  }
0x1cf: {  	[hbm:s2], [sflag:s1] =	dma.local @!p2 [spmem:s0], $0x4F0  }
.Ltmp5:
0x1d0: {  	s0 =	simm.s32 @!p2 $0x5;
	(pc) =	sbr.rel .LBB2_10-.Ltmp5, $4  }
0x1d1: {  	_ =	swait.ge @!p2 [sflag:s0], $0x4F0  }
0x1d2: {  	[sflag:s0] =	ssyncset.done @!p2 $0x0  }
0x1d3: {  	s1 =	sld [smem:$0x7F5];
	[sflag:s0] =	ssyncadd.s32 @!p2 $0xFFFFFB10  }
0x1d4: {  	s31 =	stileid.u32;
	s5 =	rddreg [dreg:$0x2]  }
.LBB2_7:
0x1d5: {  	s2 =	simm.s32 $0x0;
	s0 =	rddreg [dreg:$0x1a]  }
0x1d6: {  	[tilespmem:s9], [sflag:$0x2] =	stream.linear.gather [hbm4b:s0+s2], $0x2800, $0x38;
	[tilespmem:$0x1FB78] =	vst v63  }
0x1d7: {  	s22 =	rddreg [dreg:$0x16]  }
0x1d8: {  	[tilespmem:s10], [sflag:$0x1] =	stream.linear.gather [hbm4b:s22+s2], $0x50, $0x38;
	[tilespmem:$0x1FB78] =	vst v63  }
0x1d9: {  	s23 =	rddreg [dreg:$0x1c]  }
0x1da: {  	[tilespmem:s11], [sflag:$0x2] =	stream.linear.gather [hbm4b:s23+s2], $0x2800, $0x38;
	[tilespmem:$0x1FB78] =	vst v63  }
0x1db: {  	_ =	swait.ge [sflag:s12], $0x50  }
0x1dc: {  	[sflag:s12] =	ssyncset.done $0x0  }
0x1dd: {  	[sflag:s12] =	ssyncadd.s32 $0xFFFFFFB0  }
0x1de: {  	p3 =	por $0x1, $0x1;
	_ =	swait.ge [sflag:s13], $0x2800  }
0x1df: {  	s0 =	simm.s32 @!p3 $0xA0;
	[sflag:s13] =	ssyncset.done $0x0  }
0x1e0: {  	s1 =	simm.s32 @!p3 $0x3;
	s0 =	simm.s32 @p3 $0xA0;
	[sflag:s13] =	ssyncadd.s32 $0xFFFFD800  }
0x1e1: {  	s0 =	sadd.s32 s19, s0;
	_ =	swait.ge @!p3 [sflag:s1], $0x2800  }
0x1e2: {  	s7 =	sshrl.u32 s0, $0x3;
	[sflag:s1] =	ssyncset.done @!p3 $0x0  }
0x1e3: {  	s0 =	sshll.u32 s0, $0x4;
	s7 =	sadd.s32 s8, s7;
	[sflag:s1] =	ssyncadd.s32 @!p3 $0xFFFFD800  }
0x1e4: {  	[tilespmem:s14], [sflag:$0x1] =	stream.linear.gather [hbm4b:s7+s6], $0x50, $0x38;
	[tilespmem:$0x1FB78] =	vst v63  }
0x1e5: {  	s0 =	sadd.s32 s5, s0  }
0x1e6: {  	[tilespmem:s15], [sflag:$0x2] =	stream.linear.gather [hbm4b:s0+s6], $0x2800, $0x38;
	[tilespmem:$0x1FB78] =	vst v63  }
0x1e7: {  	_ = 	snop  }
0x1e8: {  	[spmem:s4] =	stream.indirect.scatter.add.f32 [tilespmem:s9], [sflag:$0x3], $0x80, s24, s25, $0xb8;
	[tilespmem:$0x1FB78] =	vst v63  }
0x1e9: {  	_ =	swait.ge [sflag:s12], $0x50  }
0x1ea: {  	[sflag:s12] =	ssyncset.done $0x0  }
0x1eb: {  	[sflag:s12] =	ssyncadd.s32 $0xFFFFFFB0  }
0x1ec: {  	_ =	swait.ge [sflag:s13], $0x2800  }
0x1ed: {  	s0 =	simm.s32 @!p3 $0xF0;
	[sflag:s13] =	ssyncset.done $0x0  }
0x1ee: {  	s0 =	simm.s32 @p3 $0xF0;
	[sflag:s13] =	ssyncadd.s32 $0xFFFFD800  }
0x1ef: {  	s0 =	sadd.s32 s19, s0;
	_ =	swait.ge @!p3 [sflag:s1], $0x2800  }
0x1f0: {  	s30 =	sshrl.u32 s0, $0x3;
	[sflag:s1] =	ssyncset.done @!p3 $0x0  }
0x1f1: {  	s0 =	sshll.u32 s0, $0x4;
	s18 =	sadd.s32 s8, s30;
	[sflag:s1] =	ssyncadd.s32 @!p3 $0xFFFFD800  }
0x1f2: {  	[tilespmem:s17], [sflag:$0x1] =	stream.linear.gather [hbm4b:s18+s6], $0x50, $0x38;
	[tilespmem:$0x1FB78] =	vst v63  }
0x1f3: {  	s0 =	sadd.s32 s5, s0  }
0x1f4: {  	[tilespmem:s26], [sflag:$0x2] =	stream.linear.gather [hbm4b:s0+s6], $0x2800, $0x38;
	[tilespmem:$0x1FB78] =	vst v63  }
0x1f5: {  	_ = 	snop  }
0x1f6: {  	[spmem:s4] =	stream.indirect.scatter.add.f32 [tilespmem:s11], [sflag:$0x3], $0x80, s10, s25, $0xb8;
	[tilespmem:$0x1FB78] =	vst v63  }
0x1f7: {  	_ =	swait.ge [sflag:s12], $0x50  }
0x1f8: {  	[sflag:s12] =	ssyncset.done $0x0  }
0x1f9: {  	[sflag:s12] =	ssyncadd.s32 $0xFFFFFFB0  }
0x1fa: {  	_ =	swait.ge [sflag:s13], $0x2800  }
0x1fb: {  	[sflag:s13] =	ssyncset.done $0x0  }
0x1fc: {  	s2 =	simm.s32 @p3 $0x0;
	[sflag:s13] =	ssyncadd.s32 $0xFFFFD800  }
0x1fd: {  	s21 =	sadd.s32 s2, s20;
	_ =	swait.ge [sflag:s28], $0x2800  }
0x1fe: {  	s22 =	sshrl.u32 s21, $0x3;
	[sflag:s28] =	ssyncset.done $0x0  }
0x1ff: {  	s1 =	sadd.s32 s8, s22;
	s0 =	sshll.u32 s21, $0x4;
	[sflag:s28] =	ssyncadd.s32 $0xFFFFD800  }
0x200: {  	[tilespmem:s24], [sflag:$0x1] =	stream.linear.gather [hbm4b:s1+s6], $0x50, $0x38;
	[tilespmem:$0x1FB78] =	vst v63  }
0x201: {  	s0 =	sadd.s32 s5, s0  }
0x202: {  	[tilespmem:s9], [sflag:$0x2] =	stream.linear.gather [hbm4b:s0+s6], $0x2800, $0x38;
	[tilespmem:$0x1FB78] =	vst v63  }
0x203: {  	_ = 	snop  }
0x204: {  	[spmem:s4] =	stream.indirect.scatter.add.f32 [tilespmem:s15], [sflag:$0x3], $0x80, s14, s25, $0xb8;
	[tilespmem:$0x1FB78] =	vst v63  }
0x205: {  	_ =	swait.ge [sflag:s12], $0x50  }
0x206: {  	[sflag:s12] =	ssyncset.done $0x0  }
0x207: {  	[sflag:s12] =	ssyncadd.s32 $0xFFFFFFB0  }
0x208: {  	_ =	swait.ge [sflag:s13], $0x2800  }
0x209: {  	[sflag:s13] =	ssyncset.done $0x0  }
0x20a: {  	[sflag:s13] =	ssyncadd.s32 $0xFFFFD800  }
0x20b: {  	s23 =	sadd.s32 s2, s3;
	_ =	swait.ge [sflag:s28], $0x2800  }
0x20c: {  	s30 =	sshrl.u32 s23, $0x3;
	[sflag:s28] =	ssyncset.done $0x0  }
0x20d: {  	s1 =	sadd.s32 s8, s30;
	s0 =	sshll.u32 s23, $0x4;
	[sflag:s28] =	ssyncadd.s32 $0xFFFFD800  }
0x20e: {  	[tilespmem:s10], [sflag:$0x1] =	stream.linear.gather [hbm4b:s1+s6], $0x50, $0x38;
	[tilespmem:$0x1FB78] =	vst v63  }
0x20f: {  	s18 =	simm.s32 $0x140;
	s0 =	sadd.s32 s5, s0  }
0x210: {  	[tilespmem:s11], [sflag:$0x2] =	stream.linear.gather [hbm4b:s0+s6], $0x2800, $0x38;
	[tilespmem:$0x1FB78] =	vst v63  }
.LBB2_8:
0x211: {  	[spmem:s4] =	stream.indirect.scatter.add.f32 [tilespmem:s26], [sflag:$0x3], $0x80, s17, s25, $0xb8;
	[tilespmem:$0x1FB78] =	vst v63  }
0x212: {  	s0 =	smov.u32 s18;
	s18 =	sadd.s32 $0x140, s18;
	_ =	swait.ge [sflag:s12], $0x50  }
0x213: {  	p3 =	sne.s32 s18, $0x4D80;
	[sflag:s12] =	ssyncset.done $0x0  }
0x214: {  	[sflag:s12] =	ssyncadd.s32 $0xFFFFFFB0  }
0x215: {  	p4 =	seq.s32 s0, $0x0;
	_ =	swait.ge [sflag:s13], $0x2800  }
0x216: {  	s1 =	sadd.s32 @!p4 $0xA0, s0;
	s2 =	sadd.s32 @!p4 $0xF0, s0;
	[sflag:s13] =	ssyncset.done $0x0  }
0x217: {  	s21 =	simm.s32 @!p4 $0x3;
	s1 =	simm.s32 @p4 $0xA0;
	[sflag:s13] =	ssyncadd.s32 $0xFFFFD800  }
0x218: {  	s2 =	simm.s32 @p4 $0xF0;
	s1 =	sadd.s32 s19, s1;
	_ =	swait.ge @!p4 [sflag:s21], $0x2800  }
0x219: {  	s7 =	sshrl.u32 s1, $0x3;
	s1 =	sshll.u32 s1, $0x4;
	[sflag:s21] =	ssyncset.done @!p4 $0x0  }
0x21a: {  	s2 =	sadd.s32 s19, s2;
	s7 =	sadd.s32 s8, s7;
	[sflag:s21] =	ssyncadd.s32 @!p4 $0xFFFFD800  }
0x21b: {  	[tilespmem:s14], [sflag:$0x1] =	stream.linear.gather [hbm4b:s7+s6], $0x50, $0x38;
	[tilespmem:$0x1FB78] =	vst v63  }
0x21c: {  	s22 =	sshrl.u32 s2, $0x3;
	s23 =	sshll.u32 s2, $0x4;
	s1 =	sadd.s32 s5, s1  }
0x21d: {  	[tilespmem:s15], [sflag:$0x2] =	stream.linear.gather [hbm4b:s1+s6], $0x2800, $0x38;
	[tilespmem:$0x1FB78] =	vst v63  }
0x21e: {  	s0 =	simm.s32 @p4 $0x0  }
0x21f: {  	[spmem:s4] =	stream.indirect.scatter.add.f32 [tilespmem:s9], [sflag:$0x3], $0x80, s24, s25, $0xb8;
	[tilespmem:$0x1FB78] =	vst v63  }
0x220: {  	s1 =	sadd.s32 s0, s20;
	s0 =	sadd.s32 s0, s3;
	_ =	swait.ge [sflag:s12], $0x50  }
0x221: {  	s30 =	sshrl.u32 s1, $0x3;
	s1 =	sshll.u32 s1, $0x4;
	[sflag:s12] =	ssyncset.done $0x0  }
0x222: {  	s2 =	sshrl.u32 s0, $0x3;
	s7 =	sshll.u32 s0, $0x4;
	[sflag:s12] =	ssyncadd.s32 $0xFFFFFFB0  }
0x223: {  	_ =	swait.ge [sflag:s13], $0x2800  }
0x224: {  	[sflag:s13] =	ssyncset.done $0x0  }
0x225: {  	[sflag:s13] =	ssyncadd.s32 $0xFFFFD800  }
0x226: {  	_ =	swait.ge @!p4 [sflag:s21], $0x2800  }
0x227: {  	[sflag:s21] =	ssyncset.done @!p4 $0x0  }
0x228: {  	s0 =	sadd.s32 s8, s22;
	[sflag:s21] =	ssyncadd.s32 @!p4 $0xFFFFD800  }
0x229: {  	[tilespmem:s17], [sflag:$0x1] =	stream.linear.gather [hbm4b:s0+s6], $0x50, $0x38;
	[tilespmem:$0x1FB78] =	vst v63  }
0x22a: {  	s0 =	sadd.s32 s5, s23  }
0x22b: {  	[tilespmem:s26], [sflag:$0x2] =	stream.linear.gather [hbm4b:s0+s6], $0x2800, $0x38;
	[tilespmem:$0x1FB78] =	vst v63  }
0x22c: {  	_ = 	snop  }
0x22d: {  	[spmem:s4] =	stream.indirect.scatter.add.f32 [tilespmem:s11], [sflag:$0x3], $0x80, s10, s25, $0xb8;
	[tilespmem:$0x1FB78] =	vst v63  }
0x22e: {  	_ =	swait.ge [sflag:s12], $0x50  }
0x22f: {  	[sflag:s12] =	ssyncset.done $0x0  }
0x230: {  	[sflag:s12] =	ssyncadd.s32 $0xFFFFFFB0  }
0x231: {  	_ =	swait.ge [sflag:s13], $0x2800  }
0x232: {  	[sflag:s13] =	ssyncset.done $0x0  }
0x233: {  	[sflag:s13] =	ssyncadd.s32 $0xFFFFD800  }
0x234: {  	_ =	swait.ge [sflag:s28], $0x2800  }
0x235: {  	[sflag:s28] =	ssyncset.done $0x0  }
0x236: {  	s0 =	sadd.s32 s8, s30;
	[sflag:s28] =	ssyncadd.s32 $0xFFFFD800  }
0x237: {  	[tilespmem:s24], [sflag:$0x1] =	stream.linear.gather [hbm4b:s0+s6], $0x50, $0x38;
	[tilespmem:$0x1FB78] =	vst v63  }
0x238: {  	s0 =	sadd.s32 s5, s1  }
0x239: {  	[tilespmem:s9], [sflag:$0x2] =	stream.linear.gather [hbm4b:s0+s6], $0x2800, $0x38;
	[tilespmem:$0x1FB78] =	vst v63  }
0x23a: {  	_ = 	snop  }
0x23b: {  	[spmem:s4] =	stream.indirect.scatter.add.f32 [tilespmem:s15], [sflag:$0x3], $0x80, s14, s25, $0xb8;
	[tilespmem:$0x1FB78] =	vst v63  }
0x23c: {  	_ =	swait.ge [sflag:s12], $0x50  }
0x23d: {  	[sflag:s12] =	ssyncset.done $0x0  }
0x23e: {  	[sflag:s12] =	ssyncadd.s32 $0xFFFFFFB0  }
0x23f: {  	_ =	swait.ge [sflag:s13], $0x2800  }
0x240: {  	[sflag:s13] =	ssyncset.done $0x0  }
0x241: {  	[sflag:s13] =	ssyncadd.s32 $0xFFFFD800  }
0x242: {  	_ =	swait.ge [sflag:s28], $0x2800  }
.Ltmp6:
0x243: {  	[sflag:s28] =	ssyncset.done $0x0;
	(pc) =	sbr.rel @p3 .LBB2_8-.Ltmp6, $4  }
0x244: {  	s0 =	sadd.s32 s8, s2;
	[sflag:s28] =	ssyncadd.s32 $0xFFFFD800  }
0x245: {  	[tilespmem:s10], [sflag:$0x1] =	stream.linear.gather [hbm4b:s0+s6], $0x50, $0x38;
	[tilespmem:$0x1FB78] =	vst v63  }
0x246: {  	s0 =	sadd.s32 s5, s7  }
0x247: {  	[tilespmem:s11], [sflag:$0x2] =	stream.linear.gather [hbm4b:s0+s6], $0x2800, $0x38;
	[tilespmem:$0x1FB78] =	vst v63  }
.Ltmp7:
0x248: {  	_ = 	snop;
	(pc) =	sbr.rel .LBB2_9-.Ltmp7, $1  }
0x249: {  	_ =	sdelay $0x3  }
.LBB2_11:
0x24a: {  	_ =	sfence.sel $0x180000  }
0x24b: {  	[bflag:$0x0] =	sbarrier.arrive $0xFFFF  }
0x24c: {  	_ =	strace $0x90000047  }
0x24d: {  	[bflag:$0x2] =	sbarrier.arrive $0xFFFF  }
0x24e: {  	p0 =	sne.s32 s31, $0x0;
	s0 =	rddreg [dreg:$0x7]  }
0x24f: {  	s0 =	sadd.s32 @!p0 $0x100000, s0  }
0x250: {  	[sflag:s0] =	ssyncadd.tile.s32 @!p0 $0x1;
	_ =	shalt  }
.Lfunc_end2:
_tile_overlayer_lowered:
.L_overlay_start_2:
0x251: {  	(tag) =	ssettag $0x2  }
0x252: {  	s0 =	rddreg [dreg:$0x0];
	s2 =	stileid.u32  }
0x253: {  	s1 =	rddreg [dreg:$0x1];
	p0 =	sne.s32 s2, $0x0  }
0x254: {  	s3 =	rddreg [dreg:$0x2];
	[bflag:$0x3] =	sbarrier.arrive $0xFFFF;
	s2 =	simm.s32 @!p0 $0x1C05  }
0x255: {  	[timem:s3], [sflag:s2] =	dma.local @!p0 [hbm:s0], s1  }
0x256: {  	s0 =	simm.s32 @!p0 $0x5  }
0x257: {  	_ =	swait.ge @!p0 [sflag:s0], s1  }
0x258: {  	s1 =	ssub.s32 @!p0 $0x0, s1;
	[sflag:s0] =	ssyncset.done @!p0 $0x0  }
0x259: {  	[sflag:s0] =	ssyncadd.s32 @!p0 s1  }
0x25a: {  	[bflag:$0x3] =	sbarrier.arrive $0xFFFF  }
0x25b: {  	_ =	shalt  }

</sc_bundles>
